<compile_context>
chip_gen: v7x
topology: tpu7x:2x2x1
jax: 0.10.2.dev20260603
libtpu: 0.0.44.dev20260713+nightly
codegen_flags: <defaults>
</compile_context>

<pallas_src>
import dataclasses
import functools

import jax
import jax.numpy as jnp
from jax import lax
from jax.experimental import pallas as pl
from jax.experimental.pallas import tpu as pltpu
from jax.experimental.pallas import tpu_sc as plsc

N = 100000
D = 128
G = 512
NC = 2
NS = 16
NW = NC * NS
RPW = N // NW
STRIPE = G // NS
L = 16
NVEC = (RPW + L - 1) // L
IDS_PAD = NVEC * L

BLK = 125
NBLK = RPW // BLK
RLE_CHUNK = (NVEC + NBLK - 1) // NBLK


def _seg_pool_sc(node_r, batch_r, batch_f, zeros_d):
    mesh = plsc.VectorSubcoreMesh(core_axis_name="c", subcore_axis_name="s")
    cp = pltpu.CompilerParams()
    if "needs_layout_passes" in pltpu.CompilerParams.__dataclass_fields__:
        cp = dataclasses.replace(cp, needs_layout_passes=False)

    @functools.partial(
        pl.kernel,
        compiler_params=cp,
        out_type=(
            jax.ShapeDtypeStruct((NC, G, D), jnp.float32),
            jax.ShapeDtypeStruct((NW, G), jnp.float32),
        ),
        mesh=mesh,
        scratch_types=[
            pltpu.VMEM((NBLK, BLK), jnp.int32),
            pltpu.VMEM((IDS_PAD,), jnp.int32),
            pltpu.VMEM((BLK, D), jnp.float32),
            pltpu.VMEM((BLK, D), jnp.float32),
            pltpu.VMEM((BLK, D), jnp.float32),
            pltpu.VMEM((BLK, D), jnp.float32),
            pltpu.VMEM((STRIPE, D), jnp.float32),
            pltpu.VMEM((G,), jnp.float32),
            pltpu.VMEM((L,), jnp.int32),
            pltpu.VMEM_SHARED((G, D), jnp.float32),
            pltpu.SemaphoreType.DMA,
            pltpu.SemaphoreType.DMA,
            pltpu.SemaphoreType.DMA,
            pltpu.SemaphoreType.DMA,
            pltpu.SemaphoreType.DMA,
            pltpu.SemaphoreType.DMA,
            pltpu.SemaphoreType.DMA,
            pltpu.SemaphoreType.DMA,
        ],
    )
    def k(node_hbm, batch_hbm, batchf_hbm, zd_hbm, sum_hbm, cnt_hbm,
          ids_v, idsf_v, buf0_v, buf1_v, buf2_v, buf3_v, zed_v, hist_v, cm_v,
          acc_sh, sin0, sin1, sin2, sin3, ssc0, ssc1, ssc2, ssc3):
        c = lax.axis_index("c")
        s = lax.axis_index("s")
        wid = c * NS + s
        bufs = (buf0_v, buf1_v, buf2_v, buf3_v)
        sins = (sin0, sin1, sin2, sin3)
        sscs = (ssc0, ssc1, ssc2, ssc3)

        in_dma = {}
        sc_dma = {}

        def start_in(j):
            in_dma[j] = pltpu.async_copy(node_hbm.at[wid, j], bufs[j % 4],
                                         sins[j % 4])

        def start_sc(j):
            sc_dma[j] = pltpu.async_copy(bufs[j % 4], acc_sh.at[ids_v.at[j]],
                                         sscs[j % 4], add=True)

        start_in(0)
        start_in(1)
        start_in(2)

        pltpu.sync_copy(zd_hbm, zed_v)
        pltpu.sync_copy(zed_v, acc_sh.at[pl.ds(s * STRIPE, STRIPE)])
        zf = jnp.zeros((L,), jnp.float32)

        @pl.loop(0, G // L)
        def _(i):
            hist_v[pl.ds(i * L, L)] = zf

        pltpu.sync_copy(batch_hbm.at[wid], ids_v)
        pltpu.sync_copy(batchf_hbm.at[wid], idsf_v)

        lanes = lax.iota(jnp.int32, L)

        def rle_step(i, prev):
            base = pl.multiple_of(i * L, L)
            a = idsf_v[pl.ds(base, L)]
            gpos = base + lanes
            nxt = plsc.load_gather(idsf_v, [jnp.minimum(gpos + 1, RPW - 1)])
            valid = gpos < RPW
            is_end = ((a != nxt) | (gpos == RPW - 1)) & valid
            e = jnp.where(is_end, gpos, -1)
            cm = plsc.cummax(e)
            cm_v[...] = cm
            shifted = plsc.load_gather(cm_v, [jnp.maximum(lanes - 1, 0)])
            prev_v = jnp.where(lanes == 0, prev, shifted)
            prev_v = jnp.maximum(prev_v, prev)
            runlen = (gpos - prev_v).astype(jnp.float32)
            plsc.addupdate_scatter(hist_v, [a], runlen, mask=is_end)
            return jnp.maximum(prev, jnp.max(e))

        plsc.subcore_barrier()

        prev = jnp.int32(-1)
        for j in range(NBLK):
            in_dma[j].wait()
            start_sc(j)
            lo = j * RLE_CHUNK
            hi = min((j + 1) * RLE_CHUNK, NVEC)
            if lo < NVEC:
                prev = lax.fori_loop(lo, hi, rle_step, prev)
            if j >= 1:
                sc_dma[j - 1].wait()
            if j + 3 < NBLK:
                start_in(j + 3)
        sc_dma[NBLK - 1].wait()
        pltpu.sync_copy(hist_v, cnt_hbm.at[wid])

        plsc.subcore_barrier()

        pltpu.sync_copy(acc_sh.at[pl.ds(s * STRIPE, STRIPE)], zed_v)
        pltpu.sync_copy(zed_v, sum_hbm.at[c, pl.ds(s * STRIPE, STRIPE)])

    return k(node_r, batch_r, batch_f, zeros_d)


def _mlp_tc(parts, cnt, W1, b1, W2, b2, Wout, bout):

    def body(part_ref, cnt_ref, ones_ref, w1_ref, b1_ref, w2_ref,
             b2_ref, wo_ref, bo_ref, out_ref):
        seg = part_ref[0] + part_ref[1]
        cnt_col = lax.dot_general(
            cnt_ref[...], ones_ref[...], (((0,), (0,)), ((), ())),
            preferred_element_type=jnp.float32,
            precision=lax.Precision.HIGHEST)
        h = seg / jnp.maximum(cnt_col, 1.0)
        h = jax.nn.softplus(
            lax.dot_general(h, w1_ref[...], (((1,), (1,)), ((), ())),
                            preferred_element_type=jnp.float32) + b1_ref[...])
        h = jax.nn.softplus(
            lax.dot_general(h, w2_ref[...], (((1,), (1,)), ((), ())),
                            preferred_element_type=jnp.float32) + b2_ref[...])
        hh = h.astype(jnp.bfloat16).astype(jnp.float32)
        ww = wo_ref[...].astype(jnp.bfloat16).astype(jnp.float32)
        out = jnp.sum(hh * ww, axis=1, keepdims=True) + bo_ref[0, 0]
        out_ref[...] = out

    ones_col = jnp.ones((NW, 1), jnp.float32)
    return pl.pallas_call(
        body,
        out_shape=jax.ShapeDtypeStruct((G, 1), jnp.float32),
    )(parts, cnt, ones_col, W1, b1.reshape(1, D),
      W2, b2.reshape(1, D), Wout, bout.reshape(1, 1))


def kernel(node_attr, batch, W1, b1, W2, b2, Wout, bout):
    batch_i = batch.astype(jnp.int32)
    node_r = node_attr.reshape(NW, NBLK, BLK, D)
    batch_r = batch_i.reshape(NW, NBLK, BLK)
    batch_f = jnp.pad(batch_i.reshape(NW, RPW), ((0, 0), (0, IDS_PAD - RPW)))
    zeros_d = jnp.zeros((STRIPE, D), jnp.float32)
    parts, cnt = _seg_pool_sc(node_r, batch_r, batch_f, zeros_d)
    out = _mlp_tc(parts, cnt, W1, b1, W2, b2, Wout, bout)
    return out.reshape(-1)

# --- scband reference (transcript-rebuilt; emitter-appended) ---
"""Pipeline reference for scband-scalar-35502199669498 (READ-ONLY COPY).

The authoritative reference and input builder live on the scoring server;
editing this copy changes nothing except your own understanding.
"""

import jax, jax.numpy as jnp
import numpy as np

N = 100000
D = 128
G = 512

def setup_inputs(seed: int = 0) -> dict:
    key = jax.random.key(seed)
    k1, k2, k3, k4, k5 = jax.random.split(key, 5)
    node_attr = jax.random.normal(k1, (N, D), dtype=jnp.float32)
    batch = jnp.sort(jax.random.randint(k2, (N,), 0, G).astype(jnp.int64))
    W1 = jax.random.normal(k3, (D, D), dtype=jnp.float32) * 0.05
    b1 = jnp.zeros((D,), dtype=jnp.float32)
    W2 = jax.random.normal(k4, (D, D), dtype=jnp.float32) * 0.05
    b2 = jnp.zeros((D,), dtype=jnp.float32)
    Wout = jax.random.normal(k5, (1, D), dtype=jnp.float32) * 0.05
    bout = jnp.zeros((1,), dtype=jnp.float32)
    return {"node_attr": node_attr, "batch": batch, "W1": W1, "b1": b1, "W2": W2, "b2": b2, "Wout": Wout, "bout": bout}

def reference(node_attr, batch, W1, b1, W2, b2, Wout, bout):
    # global_mean_pool: segment mean over nodes per graph
    seg_sum = jax.ops.segment_sum(node_attr, batch, num_segments=G)
    counts = jax.ops.segment_sum(jnp.ones((node_attr.shape[0],), dtype=node_attr.dtype), batch, num_segments=G)
    crys_fea = seg_sum / jnp.maximum(counts, 1.0)[:, None]
    # n_h - 1 = 2 hidden layers with softplus
    crys_fea = jax.nn.softplus(crys_fea @ W1.T + b1)
    crys_fea = jax.nn.softplus(crys_fea @ W2.T + b2)
    out = crys_fea @ Wout.T + bout
    return out.reshape(-1)

if __name__ == "__main__":
    import jax
    _d = setup_inputs()
    print(jax.jit(kernel)(*tuple(_d.values())))

</pallas_src>

<mosaic_0001>
#map = affine_map<(d0, d1) -> (0, 0, 0, 0)>
#map1 = affine_map<(d0, d1) -> (0, 0, 0)>
#map2 = affine_map<(d0, d1) -> (0, 0)>
module attributes {stable_mosaic.version = 14 : i64} {
  func.func @k(%arg0: i32, %arg1: i32, %arg2: memref<32x25x125x128xf32, #tpu.memory_space<hbm>>, %arg3: memref<32x25x125xi32, #tpu.memory_space<hbm>>, %arg4: memref<32x3136xi32, #tpu.memory_space<hbm>>, %arg5: memref<32x128xf32, #tpu.memory_space<hbm>>, %arg6: memref<2x512x128xf32, #tpu.memory_space<hbm>>, %arg7: memref<32x512xf32, #tpu.memory_space<hbm>>, %arg8: memref<25x125xi32, #tpu.memory_space<vmem>>, %arg9: memref<3136xi32, #tpu.memory_space<vmem>>, %arg10: memref<125x128xf32, #tpu.memory_space<vmem>>, %arg11: memref<125x128xf32, #tpu.memory_space<vmem>>, %arg12: memref<125x128xf32, #tpu.memory_space<vmem>>, %arg13: memref<125x128xf32, #tpu.memory_space<vmem>>, %arg14: memref<32x128xf32, #tpu.memory_space<vmem>>, %arg15: memref<512xf32, #tpu.memory_space<vmem>>, %arg16: memref<16xi32, #tpu.memory_space<vmem>>, %arg17: memref<512x128xf32, #tpu.memory_space<vmem_shared>>, %arg18: memref<!tpu.dma_semaphore, #tpu.memory_space<semaphore_mem>>, %arg19: memref<!tpu.dma_semaphore, #tpu.memory_space<semaphore_mem>>, %arg20: memref<!tpu.dma_semaphore, #tpu.memory_space<semaphore_mem>>, %arg21: memref<!tpu.dma_semaphore, #tpu.memory_space<semaphore_mem>>, %arg22: memref<!tpu.dma_semaphore, #tpu.memory_space<semaphore_mem>>, %arg23: memref<!tpu.dma_semaphore, #tpu.memory_space<semaphore_mem>>, %arg24: memref<!tpu.dma_semaphore, #tpu.memory_space<semaphore_mem>>, %arg25: memref<!tpu.dma_semaphore, #tpu.memory_space<semaphore_mem>>) attributes {dimension_semantics = [#tpu.dimension_semantics<core_parallel>, #tpu.dimension_semantics<subcore_parallel>], iteration_bounds = array<i64: 2, 16>, scalar_prefetch = 0 : i64, scratch_operands = 18 : i64, tpu.core_type = #tpu.core_type<sc_vector_subcore>, window_params = [{transform_indices = #map}, {transform_indices = #map1}, {transform_indices = #map2}, {transform_indices = #map2}, {transform_indices = #map1}, {transform_indices = #map2}]} {
    %mul3A = arith.constant 16 : i32
    %mul3A_0 = arith.muli %arg0, %mul3A : i32
    %add3A = arith.addi %mul3A_0, %arg1 : i32
    %dma_start3A = arith.constant 0 : i32
    %dma_start3A_1 = arith.constant 0 : i32
    %dma_start3A_2 = arith.constant 0 : i32
    %dma_start3A_3 = tpu.memref_slice %arg2[%add3A, %dma_start3A, %dma_start3A_1, %dma_start3A_2] : memref<32x25x125x128xf32, #tpu.memory_space<hbm>> -> memref<1x1x125x128xf32, #tpu.memory_space<hbm>>
    %dma_start3A_4 = tpu.memref_squeeze %dma_start3A_3 : memref<1x1x125x128xf32, #tpu.memory_space<hbm>> -> memref<125x128xf32, #tpu.memory_space<hbm>>
    %dma_start3A_5 = arith.constant 0 : i32
    %dma_start3A_6 = arith.constant 0 : i32
    %dma_start3A_7 = tpu.memref_slice %arg2[%add3A, %dma_start3A, %dma_start3A_5, %dma_start3A_6] : memref<32x25x125x128xf32, #tpu.memory_space<hbm>> -> memref<1x1x125x128xf32, #tpu.memory_space<hbm>>
    %dma_start3A_8 = tpu.memref_squeeze %dma_start3A_7 : memref<1x1x125x128xf32, #tpu.memory_space<hbm>> -> memref<125x128xf32, #tpu.memory_space<hbm>>
    tpu.enqueue_dma source(%dma_start3A_8 : memref<125x128xf32, #tpu.memory_space<hbm>>) target(%arg10 : memref<125x128xf32, #tpu.memory_space<vmem>>) target_semaphore(%arg18 : memref<!tpu.dma_semaphore, #tpu.memory_space<semaphore_mem>>)
    %dma_start3A_9 = arith.constant 1 : i32
    %dma_start3A_10 = arith.constant 0 : i32
    %dma_start3A_11 = arith.constant 0 : i32
    %dma_start3A_12 = tpu.memref_slice %arg2[%add3A, %dma_start3A_9, %dma_start3A_10, %dma_start3A_11] : memref<32x25x125x128xf32, #tpu.memory_space<hbm>> -> memref<1x1x125x128xf32, #tpu.memory_space<hbm>>
    %dma_start3A_13 = tpu.memref_squeeze %dma_start3A_12 : memref<1x1x125x128xf32, #tpu.memory_space<hbm>> -> memref<125x128xf32, #tpu.memory_space<hbm>>
    %dma_start3A_14 = arith.constant 0 : i32
    %dma_start3A_15 = arith.constant 0 : i32
    %dma_start3A_16 = tpu.memref_slice %arg2[%add3A, %dma_start3A_9, %dma_start3A_14, %dma_start3A_15] : memref<32x25x125x128xf32, #tpu.memory_space<hbm>> -> memref<1x1x125x128xf32, #tpu.memory_space<hbm>>
    %dma_start3A_17 = tpu.memref_squeeze %dma_start3A_16 : memref<1x1x125x128xf32, #tpu.memory_space<hbm>> -> memref<125x128xf32, #tpu.memory_space<hbm>>
    tpu.enqueue_dma source(%dma_start3A_17 : memref<125x128xf32, #tpu.memory_space<hbm>>) target(%arg11 : memref<125x128xf32, #tpu.memory_space<vmem>>) target_semaphore(%arg19 : memref<!tpu.dma_semaphore, #tpu.memory_space<semaphore_mem>>)
    %dma_start3A_18 = arith.constant 2 : i32
    %dma_start3A_19 = arith.constant 0 : i32
    %dma_start3A_20 = arith.constant 0 : i32
    %dma_start3A_21 = tpu.memref_slice %arg2[%add3A, %dma_start3A_18, %dma_start3A_19, %dma_start3A_20] : memref<32x25x125x128xf32, #tpu.memory_space<hbm>> -> memref<1x1x125x128xf32, #tpu.memory_space<hbm>>
    %dma_start3A_22 = tpu.memref_squeeze %dma_start3A_21 : memref<1x1x125x128xf32, #tpu.memory_space<hbm>> -> memref<125x128xf32, #tpu.memory_space<hbm>>
    %dma_start3A_23 = arith.constant 0 : i32
    %dma_start3A_24 = arith.constant 0 : i32
    %dma_start3A_25 = tpu.memref_slice %arg2[%add3A, %dma_start3A_18, %dma_start3A_23, %dma_start3A_24] : memref<32x25x125x128xf32, #tpu.memory_space<hbm>> -> memref<1x1x125x128xf32, #tpu.memory_space<hbm>>
    %dma_start3A_26 = tpu.memref_squeeze %dma_start3A_25 : memref<1x1x125x128xf32, #tpu.memory_space<hbm>> -> memref<125x128xf32, #tpu.memory_space<hbm>>
    tpu.enqueue_dma source(%dma_start3A_26 : memref<125x128xf32, #tpu.memory_space<hbm>>) target(%arg12 : memref<125x128xf32, #tpu.memory_space<vmem>>) target_semaphore(%arg20 : memref<!tpu.dma_semaphore, #tpu.memory_space<semaphore_mem>>)
    "tpu.region"() ({
      %run_scoped3A = tpu.sem_alloc : memref<!tpu.dma_semaphore, #tpu.memory_space<semaphore_mem>>
      tpu.enqueue_dma source(%arg5 : memref<32x128xf32, #tpu.memory_space<hbm>>) target(%arg14 : memref<32x128xf32, #tpu.memory_space<vmem>>) target_semaphore(%run_scoped3A : memref<!tpu.dma_semaphore, #tpu.memory_space<semaphore_mem>>)
      tpu.wait_dma2 semaphore(%run_scoped3A : memref<!tpu.dma_semaphore, #tpu.memory_space<semaphore_mem>>) src(%arg5 : memref<32x128xf32, #tpu.memory_space<hbm>>) dst(%arg14 : memref<32x128xf32, #tpu.memory_space<vmem>>)
      tpu.yield
    }) : () -> ()
    %mul3A_27 = arith.constant 32 : i32
    %mul3A_28 = arith.muli %arg1, %mul3A_27 : i32
    "tpu.region"() ({
      %run_scoped3A = tpu.sem_alloc : memref<!tpu.dma_semaphore, #tpu.memory_space<semaphore_mem>>
      %dma_start3A_962 = arith.constant 0 : i32
      %dma_start3A_963 = tpu.memref_slice %arg17[%mul3A_28, %dma_start3A_962] : memref<512x128xf32, #tpu.memory_space<vmem_shared>> -> memref<32x128xf32, #tpu.memory_space<vmem_shared>>
      %dma_start3A_964 = arith.constant 0 : i32
      %dma_start3A_965 = tpu.memref_slice %arg17[%mul3A_28, %dma_start3A_964] : memref<512x128xf32, #tpu.memory_space<vmem_shared>> -> memref<32x128xf32, #tpu.memory_space<vmem_shared>>
      tpu.enqueue_dma source(%arg14 : memref<32x128xf32, #tpu.memory_space<vmem>>) target(%dma_start3A_965 : memref<32x128xf32, #tpu.memory_space<vmem_shared>>) target_semaphore(%run_scoped3A : memref<!tpu.dma_semaphore, #tpu.memory_space<semaphore_mem>>)
      %dma_wait3A_966 = arith.constant 0 : i32
      %dma_wait3A_967 = tpu.memref_slice %arg17[%mul3A_28, %dma_wait3A_966] : memref<512x128xf32, #tpu.memory_space<vmem_shared>> -> memref<32x128xf32, #tpu.memory_space<vmem_shared>>
      %dma_wait3A_968 = arith.constant 0 : i32
      %dma_wait3A_969 = tpu.memref_slice %arg17[%mul3A_28, %dma_wait3A_968] : memref<512x128xf32, #tpu.memory_space<vmem_shared>> -> memref<32x128xf32, #tpu.memory_space<vmem_shared>>
      tpu.wait_dma2 semaphore(%run_scoped3A : memref<!tpu.dma_semaphore, #tpu.memory_space<semaphore_mem>>) src(%arg14 : memref<32x128xf32, #tpu.memory_space<vmem>>) dst(%dma_wait3A_969 : memref<32x128xf32, #tpu.memory_space<vmem_shared>>)
      tpu.yield
    }) : () -> ()
    %broadcast_in_dim3A = arith.constant 0.000000e+00 : f32
    %broadcast_in_dim3A_29 = vector.broadcast %broadcast_in_dim3A : f32 to vector<16xf32>
    %scan3A = arith.constant 0 : i32
    %scan3A_30 = arith.constant 32 : i32
    %scan3A_31 = arith.addi %scan3A, %scan3A_30 : i32
    %scan3A_32 = arith.constant 1 : i32
    scf.for %scan3A_962 = %scan3A to %scan3A_31 step %scan3A_32  : i32 {
      %mul3A_963 = arith.constant 1 : i32
      %mul3A_964 = arith.muli %scan3A_962, %mul3A_963 : i32
      %add3A_965 = arith.constant 0 : i32
      %add3A_966 = arith.addi %add3A_965, %mul3A_964 : i32
      %mul3A_967 = arith.constant 16 : i32
      %mul3A_968 = arith.muli %add3A_966, %mul3A_967 : i32
      %swap3A = arith.index_cast %mul3A_968 : i32 to index
      %swap3A_969 = tpu.vector_load %arg15[%swap3A] {strides = array<i32>} : memref<512xf32, #tpu.memory_space<vmem>>, vector<16xf32>,
      tpu.vector_store %arg15[%swap3A], %broadcast_in_dim3A_29 {strides = array<i32>} : memref<512xf32, #tpu.memory_space<vmem>>, vector<16xf32>,
    }
    %scan3A_33 = arith.constant 32 : i32
    "tpu.region"() ({
      %run_scoped3A = tpu.sem_alloc : memref<!tpu.dma_semaphore, #tpu.memory_space<semaphore_mem>>
      %dma_start3A_962 = arith.constant 0 : i32
      %dma_start3A_963 = arith.constant 0 : i32
      %dma_start3A_964 = tpu.memref_slice %arg3[%add3A, %dma_start3A_962, %dma_start3A_963] : memref<32x25x125xi32, #tpu.memory_space<hbm>> -> memref<1x25x125xi32, #tpu.memory_space<hbm>>
      %dma_start3A_965 = tpu.memref_squeeze %dma_start3A_964 : memref<1x25x125xi32, #tpu.memory_space<hbm>> -> memref<25x125xi32, #tpu.memory_space<hbm>>
      %dma_start3A_966 = arith.constant 0 : i32
      %dma_start3A_967 = arith.constant 0 : i32
      %dma_start3A_968 = tpu.memref_slice %arg3[%add3A, %dma_start3A_966, %dma_start3A_967] : memref<32x25x125xi32, #tpu.memory_space<hbm>> -> memref<1x25x125xi32, #tpu.memory_space<hbm>>
      %dma_start3A_969 = tpu.memref_squeeze %dma_start3A_968 : memref<1x25x125xi32, #tpu.memory_space<hbm>> -> memref<25x125xi32, #tpu.memory_space<hbm>>
      tpu.enqueue_dma source(%dma_start3A_969 : memref<25x125xi32, #tpu.memory_space<hbm>>) target(%arg8 : memref<25x125xi32, #tpu.memory_space<vmem>>) target_semaphore(%run_scoped3A : memref<!tpu.dma_semaphore, #tpu.memory_space<semaphore_mem>>)
      %dma_wait3A_970 = arith.constant 0 : i32
      %dma_wait3A_971 = arith.constant 0 : i32
      %dma_wait3A_972 = tpu.memref_slice %arg3[%add3A, %dma_wait3A_970, %dma_wait3A_971] : memref<32x25x125xi32, #tpu.memory_space<hbm>> -> memref<1x25x125xi32, #tpu.memory_space<hbm>>
      %dma_wait3A_973 = tpu.memref_squeeze %dma_wait3A_972 : memref<1x25x125xi32, #tpu.memory_space<hbm>> -> memref<25x125xi32, #tpu.memory_space<hbm>>
      %dma_wait3A_974 = arith.constant 0 : i32
      %dma_wait3A_975 = arith.constant 0 : i32
      %dma_wait3A_976 = tpu.memref_slice %arg3[%add3A, %dma_wait3A_974, %dma_wait3A_975] : memref<32x25x125xi32, #tpu.memory_space<hbm>> -> memref<1x25x125xi32, #tpu.memory_space<hbm>>
      %dma_wait3A_977 = tpu.memref_squeeze %dma_wait3A_976 : memref<1x25x125xi32, #tpu.memory_space<hbm>> -> memref<25x125xi32, #tpu.memory_space<hbm>>
      tpu.wait_dma2 semaphore(%run_scoped3A : memref<!tpu.dma_semaphore, #tpu.memory_space<semaphore_mem>>) src(%dma_wait3A_977 : memref<25x125xi32, #tpu.memory_space<hbm>>) dst(%arg8 : memref<25x125xi32, #tpu.memory_space<vmem>>)
      tpu.yield
    }) : () -> ()
    "tpu.region"() ({
      %run_scoped3A = tpu.sem_alloc : memref<!tpu.dma_semaphore, #tpu.memory_space<semaphore_mem>>
      %dma_start3A_962 = arith.constant 0 : i32
      %dma_start3A_963 = tpu.memref_slice %arg4[%add3A, %dma_start3A_962] : memref<32x3136xi32, #tpu.memory_space<hbm>> -> memref<1x3136xi32, #tpu.memory_space<hbm>>
      %dma_start3A_964 = tpu.memref_squeeze %dma_start3A_963 : memref<1x3136xi32, #tpu.memory_space<hbm>> -> memref<3136xi32, #tpu.memory_space<hbm>>
      %dma_start3A_965 = arith.constant 0 : i32
      %dma_start3A_966 = tpu.memref_slice %arg4[%add3A, %dma_start3A_965] : memref<32x3136xi32, #tpu.memory_space<hbm>> -> memref<1x3136xi32, #tpu.memory_space<hbm>>
      %dma_start3A_967 = tpu.memref_squeeze %dma_start3A_966 : memref<1x3136xi32, #tpu.memory_space<hbm>> -> memref<3136xi32, #tpu.memory_space<hbm>>
      tpu.enqueue_dma source(%dma_start3A_967 : memref<3136xi32, #tpu.memory_space<hbm>>) target(%arg9 : memref<3136xi32, #tpu.memory_space<vmem>>) target_semaphore(%run_scoped3A : memref<!tpu.dma_semaphore, #tpu.memory_space<semaphore_mem>>)
      %dma_wait3A_968 = arith.constant 0 : i32
      %dma_wait3A_969 = tpu.memref_slice %arg4[%add3A, %dma_wait3A_968] : memref<32x3136xi32, #tpu.memory_space<hbm>> -> memref<1x3136xi32, #tpu.memory_space<hbm>>
      %dma_wait3A_970 = tpu.memref_squeeze %dma_wait3A_969 : memref<1x3136xi32, #tpu.memory_space<hbm>> -> memref<3136xi32, #tpu.memory_space<hbm>>
      %dma_wait3A_971 = arith.constant 0 : i32
      %dma_wait3A_972 = tpu.memref_slice %arg4[%add3A, %dma_wait3A_971] : memref<32x3136xi32, #tpu.memory_space<hbm>> -> memref<1x3136xi32, #tpu.memory_space<hbm>>
      %dma_wait3A_973 = tpu.memref_squeeze %dma_wait3A_972 : memref<1x3136xi32, #tpu.memory_space<hbm>> -> memref<3136xi32, #tpu.memory_space<hbm>>
      tpu.wait_dma2 semaphore(%run_scoped3A : memref<!tpu.dma_semaphore, #tpu.memory_space<semaphore_mem>>) src(%dma_wait3A_973 : memref<3136xi32, #tpu.memory_space<hbm>>) dst(%arg9 : memref<3136xi32, #tpu.memory_space<vmem>>)
      tpu.yield
    }) : () -> ()
    %iota3A = tpu.iota {dimensions = array<i32: 0>} : vector<16xi32>
    %barrier3A = arith.constant 0 : index
    tpu.barrier barrier_id(%barrier3A)
    %dma_wait3A = arith.constant 0 : i32
    %dma_wait3A_34 = arith.constant 0 : i32
    %dma_wait3A_35 = arith.constant 0 : i32
    %dma_wait3A_36 = tpu.memref_slice %arg2[%add3A, %dma_wait3A, %dma_wait3A_34, %dma_wait3A_35] : memref<32x25x125x128xf32, #tpu.memory_space<hbm>> -> memref<1x1x125x128xf32, #tpu.memory_space<hbm>>
    %dma_wait3A_37 = tpu.memref_squeeze %dma_wait3A_36 : memref<1x1x125x128xf32, #tpu.memory_space<hbm>> -> memref<125x128xf32, #tpu.memory_space<hbm>>
    %dma_wait3A_38 = arith.constant 0 : i32
    %dma_wait3A_39 = arith.constant 0 : i32
    %dma_wait3A_40 = tpu.memref_slice %arg2[%add3A, %dma_wait3A, %dma_wait3A_38, %dma_wait3A_39] : memref<32x25x125x128xf32, #tpu.memory_space<hbm>> -> memref<1x1x125x128xf32, #tpu.memory_space<hbm>>
    %dma_wait3A_41 = tpu.memref_squeeze %dma_wait3A_40 : memref<1x1x125x128xf32, #tpu.memory_space<hbm>> -> memref<125x128xf32, #tpu.memory_space<hbm>>
    tpu.wait_dma2 semaphore(%arg18 : memref<!tpu.dma_semaphore, #tpu.memory_space<semaphore_mem>>) src(%dma_wait3A_41 : memref<125x128xf32, #tpu.memory_space<hbm>>) dst(%arg10 : memref<125x128xf32, #tpu.memory_space<vmem>>)
    %dma_start3A_42 = arith.constant 0 : i32
    %dma_start3A_43 = arith.constant 0 : i32
    %dma_start3A_44 = tpu.memref_slice %arg8[%dma_start3A_42, %dma_start3A_43] : memref<25x125xi32, #tpu.memory_space<vmem>> -> memref<1x125xi32, #tpu.memory_space<vmem>>
    %dma_start3A_45 = tpu.memref_squeeze %dma_start3A_44 : memref<1x125xi32, #tpu.memory_space<vmem>> -> memref<125xi32, #tpu.memory_space<vmem>>
    %dma_start3A_46 = arith.constant 0 : i32
    %dma_start3A_47 = arith.constant 0 : i32
    %dma_start3A_48 = tpu.memref_slice %arg17[%dma_start3A_46, %dma_start3A_47] : memref<512x128xf32, #tpu.memory_space<vmem_shared>> -> memref<512x128xf32, #tpu.memory_space<vmem_shared>>
    tpu.enqueue_indirect_dma source(%arg10 : memref<125x128xf32, #tpu.memory_space<vmem>>) target(%dma_start3A_48 : memref<512x128xf32, #tpu.memory_space<vmem_shared>>) offsets(%dma_start3A_45 : memref<125xi32, #tpu.memory_space<vmem>>) semaphore(%arg22 : memref<!tpu.dma_semaphore, #tpu.memory_space<semaphore_mem>>) {add = true}
    %scan3A_49 = arith.constant -1 : i32
    %scan3A_50 = arith.constant 0 : i32
    %scan3A_51 = arith.constant 8 : i32
    %scan3A_52 = arith.addi %scan3A_50, %scan3A_51 : i32
    %scan3A_53 = arith.constant 1 : i32
    %scan3A_54 = scf.for %scan3A_962 = %scan3A_50 to %scan3A_52 step %scan3A_53 iter_args(%scan3A_963 = %scan3A_49) -> (i32)  : i32 {
      %mul3A_964 = arith.constant 16 : i32
      %mul3A_965 = arith.muli %scan3A_962, %mul3A_964 : i32
      %multiple_of3A = tpu.assume_multiple %mul3A_965, 16 : i32
      %get3A = arith.index_cast %multiple_of3A : i32 to index
      %get3A_966 = tpu.vector_load %arg9[%get3A] {strides = array<i32>} : memref<3136xi32, #tpu.memory_space<vmem>>, vector<16xi32>,
      %add3A_967 = vector.broadcast %multiple_of3A : i32 to vector<16xi32>
      %add3A_968 = arith.addi %add3A_967, %iota3A : vector<16xi32>
      %add3A_969 = arith.constant 1 : i32
      %add3A_970 = vector.broadcast %add3A_969 : i32 to vector<16xi32>
      %add3A_971 = arith.addi %add3A_968, %add3A_970 : vector<16xi32>
      %min3A = arith.constant 3124 : i32
      %min3A_972 = vector.broadcast %min3A : i32 to vector<16xi32>
      %min3A_973 = arith.minsi %add3A_971, %min3A_972 : vector<16xi32>
      %gather3A = tpu.vector_load_idx %arg9[%min3A_973] : memref<3136xi32, #tpu.memory_space<vmem>>[vector<16xi32>], vector<16xi32>,
      %lt3A = arith.constant 3125 : i32
      %lt3A_974 = vector.broadcast %lt3A : i32 to vector<16xi32>
      %lt3A_975 = arith.cmpi slt, %add3A_968, %lt3A_974 : vector<16xi32>
      %ne3A = arith.cmpi ne, %get3A_966, %gather3A : vector<16xi32>
      %eq3A = arith.constant 3124 : i32
      %eq3A_976 = vector.broadcast %eq3A : i32 to vector<16xi32>
      %eq3A_977 = arith.cmpi eq, %add3A_968, %eq3A_976 : vector<16xi32>
      %or3A = arith.ori %ne3A, %eq3A_977 : vector<16xi1>
      %and3A = arith.andi %or3A, %lt3A_975 : vector<16xi1>
      %jit3A = arith.constant -1 : i32
      %broadcast_in_dim3A_978 = vector.broadcast %jit3A : i32 to vector<16xi32>
      %select_n3A = arith.select %and3A, %add3A_968, %broadcast_in_dim3A_978 : vector<16xi1>, vector<16xi32>
      %broadcast_in_dim3A_979 = arith.constant true
      %broadcast_in_dim3A_980 = vector.broadcast %broadcast_in_dim3A_979 : i1 to vector<16xi1>
      %masked_cummax3A = arith.constant -2147483648 : i32
      %masked_cummax3A_981 = vector.broadcast %masked_cummax3A : i32 to vector<16xi32>
      %masked_cummax3A_982 = arith.xori %select_n3A, %masked_cummax3A_981 : vector<16xi32>
      %masked_cummax3A_983 = tpu.scan <max>, %masked_cummax3A_982 masked %broadcast_in_dim3A_980 : vector<16xi32>, vector<16xi1> -> vector<16xi32>
      %masked_cummax3A_984 = arith.xori %masked_cummax3A_983, %masked_cummax3A_981 : vector<16xi32>
      %swap3A = arith.constant 0 : index
      %swap3A_985 = tpu.vector_load %arg16[%swap3A] {strides = array<i32>} : memref<16xi32, #tpu.memory_space<vmem>>, vector<16xi32>,
      tpu.vector_store %arg16[%swap3A], %masked_cummax3A_984 {strides = array<i32>} : memref<16xi32, #tpu.memory_space<vmem>>, vector<16xi32>,
      %sub3A = arith.constant 1 : i32
      %sub3A_986 = vector.broadcast %sub3A : i32 to vector<16xi32>
      %sub3A_987 = arith.subi %iota3A, %sub3A_986 : vector<16xi32>
      %max3A = arith.constant 0 : i32
      %max3A_988 = vector.broadcast %max3A : i32 to vector<16xi32>
      %max3A_989 = arith.maxsi %sub3A_987, %max3A_988 : vector<16xi32>
      %gather3A_990 = tpu.vector_load_idx %arg16[%max3A_989] : memref<16xi32, #tpu.memory_space<vmem>>[vector<16xi32>], vector<16xi32>,
      %eq3A_991 = arith.constant 0 : i32
      %eq3A_992 = vector.broadcast %eq3A_991 : i32 to vector<16xi32>
      %eq3A_993 = arith.cmpi eq, %iota3A, %eq3A_992 : vector<16xi32>
      %broadcast_in_dim3A_994 = vector.broadcast %scan3A_963 : i32 to vector<16xi32>
      %select_n3A_995 = arith.select %eq3A_993, %broadcast_in_dim3A_994, %gather3A_990 : vector<16xi1>, vector<16xi32>
      %max3A_996 = vector.broadcast %scan3A_963 : i32 to vector<16xi32>
      %max3A_997 = arith.maxsi %select_n3A_995, %max3A_996 : vector<16xi32>
      %sub3A_998 = arith.subi %add3A_968, %max3A_997 : vector<16xi32>
      %convert_element_type3A = arith.sitofp %sub3A_998 : vector<16xi32> to vector<16xf32>
      tpu.vector_store_idx %arg15[%get3A_966], %convert_element_type3A masked %and3A {add = true} : memref<512xf32, #tpu.memory_space<vmem>>[vector<16xi32>], vector<16xf32>, vector<16xi1>
      %reduce_max3A = arith.constant true
      %reduce_max3A_999 = vector.broadcast %reduce_max3A : i1 to vector<16xi1>
      %reduce_max3A_1000 = arith.constant -2147483648 : i32
      %reduce_max3A_1001 = vector.broadcast %reduce_max3A_1000 : i32 to vector<16xi32>
      %reduce_max3A_1002 = arith.xori %select_n3A, %reduce_max3A_1001 : vector<16xi32>
      %reduce_max3A_1003 = tpu.scan <max>, %reduce_max3A_1002 masked %reduce_max3A_999 : vector<16xi32>, vector<16xi1> -> vector<16xi32>
      %reduce_max3A_1004 = arith.xori %reduce_max3A_1003, %reduce_max3A_1001 : vector<16xi32>
      %reduce_max3A_1005 = vector.extract %reduce_max3A_1004[15] : i32 from vector<16xi32>
      %max3A_1006 = arith.maxsi %scan3A_963, %reduce_max3A_1005 : i32
      scf.yield %max3A_1006 : i32
    }
    %scan3A_55 = arith.constant 8 : i32
    %dma_start3A_56 = arith.constant 3 : i32
    %dma_start3A_57 = arith.constant 0 : i32
    %dma_start3A_58 = arith.constant 0 : i32
    %dma_start3A_59 = tpu.memref_slice %arg2[%add3A, %dma_start3A_56, %dma_start3A_57, %dma_start3A_58] : memref<32x25x125x128xf32, #tpu.memory_space<hbm>> -> memref<1x1x125x128xf32, #tpu.memory_space<hbm>>
    %dma_start3A_60 = tpu.memref_squeeze %dma_start3A_59 : memref<1x1x125x128xf32, #tpu.memory_space<hbm>> -> memref<125x128xf32, #tpu.memory_space<hbm>>
    %dma_start3A_61 = arith.constant 0 : i32
    %dma_start3A_62 = arith.constant 0 : i32
    %dma_start3A_63 = tpu.memref_slice %arg2[%add3A, %dma_start3A_56, %dma_start3A_61, %dma_start3A_62] : memref<32x25x125x128xf32, #tpu.memory_space<hbm>> -> memref<1x1x125x128xf32, #tpu.memory_space<hbm>>
    %dma_start3A_64 = tpu.memref_squeeze %dma_start3A_63 : memref<1x1x125x128xf32, #tpu.memory_space<hbm>> -> memref<125x128xf32, #tpu.memory_space<hbm>>
    tpu.enqueue_dma source(%dma_start3A_64 : memref<125x128xf32, #tpu.memory_space<hbm>>) target(%arg13 : memref<125x128xf32, #tpu.memory_space<vmem>>) target_semaphore(%arg21 : memref<!tpu.dma_semaphore, #tpu.memory_space<semaphore_mem>>)
    %dma_wait3A_65 = arith.constant 1 : i32
    %dma_wait3A_66 = arith.constant 0 : i32
    %dma_wait3A_67 = arith.constant 0 : i32
    %dma_wait3A_68 = tpu.memref_slice %arg2[%add3A, %dma_wait3A_65, %dma_wait3A_66, %dma_wait3A_67] : memref<32x25x125x128xf32, #tpu.memory_space<hbm>> -> memref<1x1x125x128xf32, #tpu.memory_space<hbm>>
    %dma_wait3A_69 = tpu.memref_squeeze %dma_wait3A_68 : memref<1x1x125x128xf32, #tpu.memory_space<hbm>> -> memref<125x128xf32, #tpu.memory_space<hbm>>
    %dma_wait3A_70 = arith.constant 0 : i32
    %dma_wait3A_71 = arith.constant 0 : i32
    %dma_wait3A_72 = tpu.memref_slice %arg2[%add3A, %dma_wait3A_65, %dma_wait3A_70, %dma_wait3A_71] : memref<32x25x125x128xf32, #tpu.memory_space<hbm>> -> memref<1x1x125x128xf32, #tpu.memory_space<hbm>>
    %dma_wait3A_73 = tpu.memref_squeeze %dma_wait3A_72 : memref<1x1x125x128xf32, #tpu.memory_space<hbm>> -> memref<125x128xf32, #tpu.memory_space<hbm>>
    tpu.wait_dma2 semaphore(%arg19 : memref<!tpu.dma_semaphore, #tpu.memory_space<semaphore_mem>>) src(%dma_wait3A_73 : memref<125x128xf32, #tpu.memory_space<hbm>>) dst(%arg11 : memref<125x128xf32, #tpu.memory_space<vmem>>)
    %dma_start3A_74 = arith.constant 1 : i32
    %dma_start3A_75 = arith.constant 0 : i32
    %dma_start3A_76 = tpu.memref_slice %arg8[%dma_start3A_74, %dma_start3A_75] : memref<25x125xi32, #tpu.memory_space<vmem>> -> memref<1x125xi32, #tpu.memory_space<vmem>>
    %dma_start3A_77 = tpu.memref_squeeze %dma_start3A_76 : memref<1x125xi32, #tpu.memory_space<vmem>> -> memref<125xi32, #tpu.memory_space<vmem>>
    %dma_start3A_78 = arith.constant 0 : i32
    %dma_start3A_79 = arith.constant 0 : i32
    %dma_start3A_80 = tpu.memref_slice %arg17[%dma_start3A_78, %dma_start3A_79] : memref<512x128xf32, #tpu.memory_space<vmem_shared>> -> memref<512x128xf32, #tpu.memory_space<vmem_shared>>
    tpu.enqueue_indirect_dma source(%arg11 : memref<125x128xf32, #tpu.memory_space<vmem>>) target(%dma_start3A_80 : memref<512x128xf32, #tpu.memory_space<vmem_shared>>) offsets(%dma_start3A_77 : memref<125xi32, #tpu.memory_space<vmem>>) semaphore(%arg23 : memref<!tpu.dma_semaphore, #tpu.memory_space<semaphore_mem>>) {add = true}
    %scan3A_81 = arith.constant 8 : i32
    %scan3A_82 = arith.constant 8 : i32
    %scan3A_83 = arith.addi %scan3A_81, %scan3A_82 : i32
    %scan3A_84 = arith.constant 1 : i32
    %scan3A_85 = scf.for %scan3A_962 = %scan3A_81 to %scan3A_83 step %scan3A_84 iter_args(%scan3A_963 = %scan3A_54) -> (i32)  : i32 {
      %mul3A_964 = arith.constant 16 : i32
      %mul3A_965 = arith.muli %scan3A_962, %mul3A_964 : i32
      %multiple_of3A = tpu.assume_multiple %mul3A_965, 16 : i32
      %get3A = arith.index_cast %multiple_of3A : i32 to index
      %get3A_966 = tpu.vector_load %arg9[%get3A] {strides = array<i32>} : memref<3136xi32, #tpu.memory_space<vmem>>, vector<16xi32>,
      %add3A_967 = vector.broadcast %multiple_of3A : i32 to vector<16xi32>
      %add3A_968 = arith.addi %add3A_967, %iota3A : vector<16xi32>
      %add3A_969 = arith.constant 1 : i32
      %add3A_970 = vector.broadcast %add3A_969 : i32 to vector<16xi32>
      %add3A_971 = arith.addi %add3A_968, %add3A_970 : vector<16xi32>
      %min3A = arith.constant 3124 : i32
      %min3A_972 = vector.broadcast %min3A : i32 to vector<16xi32>
      %min3A_973 = arith.minsi %add3A_971, %min3A_972 : vector<16xi32>
      %gather3A = tpu.vector_load_idx %arg9[%min3A_973] : memref<3136xi32, #tpu.memory_space<vmem>>[vector<16xi32>], vector<16xi32>,
      %lt3A = arith.constant 3125 : i32
      %lt3A_974 = vector.broadcast %lt3A : i32 to vector<16xi32>
      %lt3A_975 = arith.cmpi slt, %add3A_968, %lt3A_974 : vector<16xi32>
      %ne3A = arith.cmpi ne, %get3A_966, %gather3A : vector<16xi32>
      %eq3A = arith.constant 3124 : i32
      %eq3A_976 = vector.broadcast %eq3A : i32 to vector<16xi32>
      %eq3A_977 = arith.cmpi eq, %add3A_968, %eq3A_976 : vector<16xi32>
      %or3A = arith.ori %ne3A, %eq3A_977 : vector<16xi1>
      %and3A = arith.andi %or3A, %lt3A_975 : vector<16xi1>
      %jit3A = arith.constant -1 : i32
      %broadcast_in_dim3A_978 = vector.broadcast %jit3A : i32 to vector<16xi32>
      %select_n3A = arith.select %and3A, %add3A_968, %broadcast_in_dim3A_978 : vector<16xi1>, vector<16xi32>
      %broadcast_in_dim3A_979 = arith.constant true
      %broadcast_in_dim3A_980 = vector.broadcast %broadcast_in_dim3A_979 : i1 to vector<16xi1>
      %masked_cummax3A = arith.constant -2147483648 : i32
      %masked_cummax3A_981 = vector.broadcast %masked_cummax3A : i32 to vector<16xi32>
      %masked_cummax3A_982 = arith.xori %select_n3A, %masked_cummax3A_981 : vector<16xi32>
      %masked_cummax3A_983 = tpu.scan <max>, %masked_cummax3A_982 masked %broadcast_in_dim3A_980 : vector<16xi32>, vector<16xi1> -> vector<16xi32>
      %masked_cummax3A_984 = arith.xori %masked_cummax3A_983, %masked_cummax3A_981 : vector<16xi32>
      %swap3A = arith.constant 0 : index
      %swap3A_985 = tpu.vector_load %arg16[%swap3A] {strides = array<i32>} : memref<16xi32, #tpu.memory_space<vmem>>, vector<16xi32>,
      tpu.vector_store %arg16[%swap3A], %masked_cummax3A_984 {strides = array<i32>} : memref<16xi32, #tpu.memory_space<vmem>>, vector<16xi32>,
      %sub3A = arith.constant 1 : i32
      %sub3A_986 = vector.broadcast %sub3A : i32 to vector<16xi32>
      %sub3A_987 = arith.subi %iota3A, %sub3A_986 : vector<16xi32>
      %max3A = arith.constant 0 : i32
      %max3A_988 = vector.broadcast %max3A : i32 to vector<16xi32>
      %max3A_989 = arith.maxsi %sub3A_987, %max3A_988 : vector<16xi32>
      %gather3A_990 = tpu.vector_load_idx %arg16[%max3A_989] : memref<16xi32, #tpu.memory_space<vmem>>[vector<16xi32>], vector<16xi32>,
      %eq3A_991 = arith.constant 0 : i32
      %eq3A_992 = vector.broadcast %eq3A_991 : i32 to vector<16xi32>
      %eq3A_993 = arith.cmpi eq, %iota3A, %eq3A_992 : vector<16xi32>
      %broadcast_in_dim3A_994 = vector.broadcast %scan3A_963 : i32 to vector<16xi32>
      %select_n3A_995 = arith.select %eq3A_993, %broadcast_in_dim3A_994, %gather3A_990 : vector<16xi1>, vector<16xi32>
      %max3A_996 = vector.broadcast %scan3A_963 : i32 to vector<16xi32>
      %max3A_997 = arith.maxsi %select_n3A_995, %max3A_996 : vector<16xi32>
      %sub3A_998 = arith.subi %add3A_968, %max3A_997 : vector<16xi32>
      %convert_element_type3A = arith.sitofp %sub3A_998 : vector<16xi32> to vector<16xf32>
      tpu.vector_store_idx %arg15[%get3A_966], %convert_element_type3A masked %and3A {add = true} : memref<512xf32, #tpu.memory_space<vmem>>[vector<16xi32>], vector<16xf32>, vector<16xi1>
      %reduce_max3A = arith.constant true
      %reduce_max3A_999 = vector.broadcast %reduce_max3A : i1 to vector<16xi1>
      %reduce_max3A_1000 = arith.constant -2147483648 : i32
      %reduce_max3A_1001 = vector.broadcast %reduce_max3A_1000 : i32 to vector<16xi32>
      %reduce_max3A_1002 = arith.xori %select_n3A, %reduce_max3A_1001 : vector<16xi32>
      %reduce_max3A_1003 = tpu.scan <max>, %reduce_max3A_1002 masked %reduce_max3A_999 : vector<16xi32>, vector<16xi1> -> vector<16xi32>
      %reduce_max3A_1004 = arith.xori %reduce_max3A_1003, %reduce_max3A_1001 : vector<16xi32>
      %reduce_max3A_1005 = vector.extract %reduce_max3A_1004[15] : i32 from vector<16xi32>
      %max3A_1006 = arith.maxsi %scan3A_963, %reduce_max3A_1005 : i32
      scf.yield %max3A_1006 : i32
    }
    %scan3A_86 = arith.constant 8 : i32
    %dma_wait3A_87 = arith.constant 0 : i32
    %dma_wait3A_88 = arith.constant 0 : i32
    %dma_wait3A_89 = tpu.memref_slice %arg8[%dma_wait3A_87, %dma_wait3A_88] : memref<25x125xi32, #tpu.memory_space<vmem>> -> memref<1x125xi32, #tpu.memory_space<vmem>>
    %dma_wait3A_90 = tpu.memref_squeeze %dma_wait3A_89 : memref<1x125xi32, #tpu.memory_space<vmem>> -> memref<125xi32, #tpu.memory_space<vmem>>
    %dma_wait3A_91 = arith.constant 0 : i32
    %dma_wait3A_92 = arith.constant 0 : i32
    %dma_wait3A_93 = tpu.memref_slice %arg17[%dma_wait3A_91, %dma_wait3A_92] : memref<512x128xf32, #tpu.memory_space<vmem_shared>> -> memref<512x128xf32, #tpu.memory_space<vmem_shared>>
    tpu.wait_indirect_dma semaphore(%arg22 : memref<!tpu.dma_semaphore, #tpu.memory_space<semaphore_mem>>) src(%arg10 : memref<125x128xf32, #tpu.memory_space<vmem>>) dst(%dma_wait3A_93 : memref<512x128xf32, #tpu.memory_space<vmem_shared>>)
    %dma_start3A_94 = arith.constant 4 : i32
    %dma_start3A_95 = arith.constant 0 : i32
    %dma_start3A_96 = arith.constant 0 : i32
    %dma_start3A_97 = tpu.memref_slice %arg2[%add3A, %dma_start3A_94, %dma_start3A_95, %dma_start3A_96] : memref<32x25x125x128xf32, #tpu.memory_space<hbm>> -> memref<1x1x125x128xf32, #tpu.memory_space<hbm>>
    %dma_start3A_98 = tpu.memref_squeeze %dma_start3A_97 : memref<1x1x125x128xf32, #tpu.memory_space<hbm>> -> memref<125x128xf32, #tpu.memory_space<hbm>>
    %dma_start3A_99 = arith.constant 0 : i32
    %dma_start3A_100 = arith.constant 0 : i32
    %dma_start3A_101 = tpu.memref_slice %arg2[%add3A, %dma_start3A_94, %dma_start3A_99, %dma_start3A_100] : memref<32x25x125x128xf32, #tpu.memory_space<hbm>> -> memref<1x1x125x128xf32, #tpu.memory_space<hbm>>
    %dma_start3A_102 = tpu.memref_squeeze %dma_start3A_101 : memref<1x1x125x128xf32, #tpu.memory_space<hbm>> -> memref<125x128xf32, #tpu.memory_space<hbm>>
    tpu.enqueue_dma source(%dma_start3A_102 : memref<125x128xf32, #tpu.memory_space<hbm>>) target(%arg10 : memref<125x128xf32, #tpu.memory_space<vmem>>) target_semaphore(%arg18 : memref<!tpu.dma_semaphore, #tpu.memory_space<semaphore_mem>>)
    %dma_wait3A_103 = arith.constant 2 : i32
    %dma_wait3A_104 = arith.constant 0 : i32
    %dma_wait3A_105 = arith.constant 0 : i32
    %dma_wait3A_106 = tpu.memref_slice %arg2[%add3A, %dma_wait3A_103, %dma_wait3A_104, %dma_wait3A_105] : memref<32x25x125x128xf32, #tpu.memory_space<hbm>> -> memref<1x1x125x128xf32, #tpu.memory_space<hbm>>
    %dma_wait3A_107 = tpu.memref_squeeze %dma_wait3A_106 : memref<1x1x125x128xf32, #tpu.memory_space<hbm>> -> memref<125x128xf32, #tpu.memory_space<hbm>>
    %dma_wait3A_108 = arith.constant 0 : i32
    %dma_wait3A_109 = arith.constant 0 : i32
    %dma_wait3A_110 = tpu.memref_slice %arg2[%add3A, %dma_wait3A_103, %dma_wait3A_108, %dma_wait3A_109] : memref<32x25x125x128xf32, #tpu.memory_space<hbm>> -> memref<1x1x125x128xf32, #tpu.memory_space<hbm>>
    %dma_wait3A_111 = tpu.memref_squeeze %dma_wait3A_110 : memref<1x1x125x128xf32, #tpu.memory_space<hbm>> -> memref<125x128xf32, #tpu.memory_space<hbm>>
    tpu.wait_dma2 semaphore(%arg20 : memref<!tpu.dma_semaphore, #tpu.memory_space<semaphore_mem>>) src(%dma_wait3A_111 : memref<125x128xf32, #tpu.memory_space<hbm>>) dst(%arg12 : memref<125x128xf32, #tpu.memory_space<vmem>>)
    %dma_start3A_112 = arith.constant 2 : i32
    %dma_start3A_113 = arith.constant 0 : i32
    %dma_start3A_114 = tpu.memref_slice %arg8[%dma_start3A_112, %dma_start3A_113] : memref<25x125xi32, #tpu.memory_space<vmem>> -> memref<1x125xi32, #tpu.memory_space<vmem>>
    %dma_start3A_115 = tpu.memref_squeeze %dma_start3A_114 : memref<1x125xi32, #tpu.memory_space<vmem>> -> memref<125xi32, #tpu.memory_space<vmem>>
    %dma_start3A_116 = arith.constant 0 : i32
    %dma_start3A_117 = arith.constant 0 : i32
    %dma_start3A_118 = tpu.memref_slice %arg17[%dma_start3A_116, %dma_start3A_117] : memref<512x128xf32, #tpu.memory_space<vmem_shared>> -> memref<512x128xf32, #tpu.memory_space<vmem_shared>>
    tpu.enqueue_indirect_dma source(%arg12 : memref<125x128xf32, #tpu.memory_space<vmem>>) target(%dma_start3A_118 : memref<512x128xf32, #tpu.memory_space<vmem_shared>>) offsets(%dma_start3A_115 : memref<125xi32, #tpu.memory_space<vmem>>) semaphore(%arg24 : memref<!tpu.dma_semaphore, #tpu.memory_space<semaphore_mem>>) {add = true}
    %scan3A_119 = arith.constant 16 : i32
    %scan3A_120 = arith.constant 8 : i32
    %scan3A_121 = arith.addi %scan3A_119, %scan3A_120 : i32
    %scan3A_122 = arith.constant 1 : i32
    %scan3A_123 = scf.for %scan3A_962 = %scan3A_119 to %scan3A_121 step %scan3A_122 iter_args(%scan3A_963 = %scan3A_85) -> (i32)  : i32 {
      %mul3A_964 = arith.constant 16 : i32
      %mul3A_965 = arith.muli %scan3A_962, %mul3A_964 : i32
      %multiple_of3A = tpu.assume_multiple %mul3A_965, 16 : i32
      %get3A = arith.index_cast %multiple_of3A : i32 to index
      %get3A_966 = tpu.vector_load %arg9[%get3A] {strides = array<i32>} : memref<3136xi32, #tpu.memory_space<vmem>>, vector<16xi32>,
      %add3A_967 = vector.broadcast %multiple_of3A : i32 to vector<16xi32>
      %add3A_968 = arith.addi %add3A_967, %iota3A : vector<16xi32>
      %add3A_969 = arith.constant 1 : i32
      %add3A_970 = vector.broadcast %add3A_969 : i32 to vector<16xi32>
      %add3A_971 = arith.addi %add3A_968, %add3A_970 : vector<16xi32>
      %min3A = arith.constant 3124 : i32
      %min3A_972 = vector.broadcast %min3A : i32 to vector<16xi32>
      %min3A_973 = arith.minsi %add3A_971, %min3A_972 : vector<16xi32>
      %gather3A = tpu.vector_load_idx %arg9[%min3A_973] : memref<3136xi32, #tpu.memory_space<vmem>>[vector<16xi32>], vector<16xi32>,
      %lt3A = arith.constant 3125 : i32
      %lt3A_974 = vector.broadcast %lt3A : i32 to vector<16xi32>
      %lt3A_975 = arith.cmpi slt, %add3A_968, %lt3A_974 : vector<16xi32>
      %ne3A = arith.cmpi ne, %get3A_966, %gather3A : vector<16xi32>
      %eq3A = arith.constant 3124 : i32
      %eq3A_976 = vector.broadcast %eq3A : i32 to vector<16xi32>
      %eq3A_977 = arith.cmpi eq, %add3A_968, %eq3A_976 : vector<16xi32>
      %or3A = arith.ori %ne3A, %eq3A_977 : vector<16xi1>
      %and3A = arith.andi %or3A, %lt3A_975 : vector<16xi1>
      %jit3A = arith.constant -1 : i32
      %broadcast_in_dim3A_978 = vector.broadcast %jit3A : i32 to vector<16xi32>
      %select_n3A = arith.select %and3A, %add3A_968, %broadcast_in_dim3A_978 : vector<16xi1>, vector<16xi32>
      %broadcast_in_dim3A_979 = arith.constant true
      %broadcast_in_dim3A_980 = vector.broadcast %broadcast_in_dim3A_979 : i1 to vector<16xi1>
      %masked_cummax3A = arith.constant -2147483648 : i32
      %masked_cummax3A_981 = vector.broadcast %masked_cummax3A : i32 to vector<16xi32>
      %masked_cummax3A_982 = arith.xori %select_n3A, %masked_cummax3A_981 : vector<16xi32>
      %masked_cummax3A_983 = tpu.scan <max>, %masked_cummax3A_982 masked %broadcast_in_dim3A_980 : vector<16xi32>, vector<16xi1> -> vector<16xi32>
      %masked_cummax3A_984 = arith.xori %masked_cummax3A_983, %masked_cummax3A_981 : vector<16xi32>
      %swap3A = arith.constant 0 : index
      %swap3A_985 = tpu.vector_load %arg16[%swap3A] {strides = array<i32>} : memref<16xi32, #tpu.memory_space<vmem>>, vector<16xi32>,
      tpu.vector_store %arg16[%swap3A], %masked_cummax3A_984 {strides = array<i32>} : memref<16xi32, #tpu.memory_space<vmem>>, vector<16xi32>,
      %sub3A = arith.constant 1 : i32
      %sub3A_986 = vector.broadcast %sub3A : i32 to vector<16xi32>
      %sub3A_987 = arith.subi %iota3A, %sub3A_986 : vector<16xi32>
      %max3A = arith.constant 0 : i32
      %max3A_988 = vector.broadcast %max3A : i32 to vector<16xi32>
      %max3A_989 = arith.maxsi %sub3A_987, %max3A_988 : vector<16xi32>
      %gather3A_990 = tpu.vector_load_idx %arg16[%max3A_989] : memref<16xi32, #tpu.memory_space<vmem>>[vector<16xi32>], vector<16xi32>,
      %eq3A_991 = arith.constant 0 : i32
      %eq3A_992 = vector.broadcast %eq3A_991 : i32 to vector<16xi32>
      %eq3A_993 = arith.cmpi eq, %iota3A, %eq3A_992 : vector<16xi32>
      %broadcast_in_dim3A_994 = vector.broadcast %scan3A_963 : i32 to vector<16xi32>
      %select_n3A_995 = arith.select %eq3A_993, %broadcast_in_dim3A_994, %gather3A_990 : vector<16xi1>, vector<16xi32>
      %max3A_996 = vector.broadcast %scan3A_963 : i32 to vector<16xi32>
      %max3A_997 = arith.maxsi %select_n3A_995, %max3A_996 : vector<16xi32>
      %sub3A_998 = arith.subi %add3A_968, %max3A_997 : vector<16xi32>
      %convert_element_type3A = arith.sitofp %sub3A_998 : vector<16xi32> to vector<16xf32>
      tpu.vector_store_idx %arg15[%get3A_966], %convert_element_type3A masked %and3A {add = true} : memref<512xf32, #tpu.memory_space<vmem>>[vector<16xi32>], vector<16xf32>, vector<16xi1>
      %reduce_max3A = arith.constant true
      %reduce_max3A_999 = vector.broadcast %reduce_max3A : i1 to vector<16xi1>
      %reduce_max3A_1000 = arith.constant -2147483648 : i32
      %reduce_max3A_1001 = vector.broadcast %reduce_max3A_1000 : i32 to vector<16xi32>
      %reduce_max3A_1002 = arith.xori %select_n3A, %reduce_max3A_1001 : vector<16xi32>
      %reduce_max3A_1003 = tpu.scan <max>, %reduce_max3A_1002 masked %reduce_max3A_999 : vector<16xi32>, vector<16xi1> -> vector<16xi32>
      %reduce_max3A_1004 = arith.xori %reduce_max3A_1003, %reduce_max3A_1001 : vector<16xi32>
      %reduce_max3A_1005 = vector.extract %reduce_max3A_1004[15] : i32 from vector<16xi32>
      %max3A_1006 = arith.maxsi %scan3A_963, %reduce_max3A_1005 : i32
      scf.yield %max3A_1006 : i32
    }
    %scan3A_124 = arith.constant 8 : i32
    %dma_wait3A_125 = arith.constant 1 : i32
    %dma_wait3A_126 = arith.constant 0 : i32
    %dma_wait3A_127 = tpu.memref_slice %arg8[%dma_wait3A_125, %dma_wait3A_126] : memref<25x125xi32, #tpu.memory_space<vmem>> -> memref<1x125xi32, #tpu.memory_space<vmem>>
    %dma_wait3A_128 = tpu.memref_squeeze %dma_wait3A_127 : memref<1x125xi32, #tpu.memory_space<vmem>> -> memref<125xi32, #tpu.memory_space<vmem>>
    %dma_wait3A_129 = arith.constant 0 : i32
    %dma_wait3A_130 = arith.constant 0 : i32
    %dma_wait3A_131 = tpu.memref_slice %arg17[%dma_wait3A_129, %dma_wait3A_130] : memref<512x128xf32, #tpu.memory_space<vmem_shared>> -> memref<512x128xf32, #tpu.memory_space<vmem_shared>>
    tpu.wait_indirect_dma semaphore(%arg23 : memref<!tpu.dma_semaphore, #tpu.memory_space<semaphore_mem>>) src(%arg11 : memref<125x128xf32, #tpu.memory_space<vmem>>) dst(%dma_wait3A_131 : memref<512x128xf32, #tpu.memory_space<vmem_shared>>)
    %dma_start3A_132 = arith.constant 5 : i32
    %dma_start3A_133 = arith.constant 0 : i32
    %dma_start3A_134 = arith.constant 0 : i32
    %dma_start3A_135 = tpu.memref_slice %arg2[%add3A, %dma_start3A_132, %dma_start3A_133, %dma_start3A_134] : memref<32x25x125x128xf32, #tpu.memory_space<hbm>> -> memref<1x1x125x128xf32, #tpu.memory_space<hbm>>
    %dma_start3A_136 = tpu.memref_squeeze %dma_start3A_135 : memref<1x1x125x128xf32, #tpu.memory_space<hbm>> -> memref<125x128xf32, #tpu.memory_space<hbm>>
    %dma_start3A_137 = arith.constant 0 : i32
    %dma_start3A_138 = arith.constant 0 : i32
    %dma_start3A_139 = tpu.memref_slice %arg2[%add3A, %dma_start3A_132, %dma_start3A_137, %dma_start3A_138] : memref<32x25x125x128xf32, #tpu.memory_space<hbm>> -> memref<1x1x125x128xf32, #tpu.memory_space<hbm>>
    %dma_start3A_140 = tpu.memref_squeeze %dma_start3A_139 : memref<1x1x125x128xf32, #tpu.memory_space<hbm>> -> memref<125x128xf32, #tpu.memory_space<hbm>>
    tpu.enqueue_dma source(%dma_start3A_140 : memref<125x128xf32, #tpu.memory_space<hbm>>) target(%arg11 : memref<125x128xf32, #tpu.memory_space<vmem>>) target_semaphore(%arg19 : memref<!tpu.dma_semaphore, #tpu.memory_space<semaphore_mem>>)
    %dma_wait3A_141 = arith.constant 3 : i32
    %dma_wait3A_142 = arith.constant 0 : i32
    %dma_wait3A_143 = arith.constant 0 : i32
    %dma_wait3A_144 = tpu.memref_slice %arg2[%add3A, %dma_wait3A_141, %dma_wait3A_142, %dma_wait3A_143] : memref<32x25x125x128xf32, #tpu.memory_space<hbm>> -> memref<1x1x125x128xf32, #tpu.memory_space<hbm>>
    %dma_wait3A_145 = tpu.memref_squeeze %dma_wait3A_144 : memref<1x1x125x128xf32, #tpu.memory_space<hbm>> -> memref<125x128xf32, #tpu.memory_space<hbm>>
    %dma_wait3A_146 = arith.constant 0 : i32
    %dma_wait3A_147 = arith.constant 0 : i32
    %dma_wait3A_148 = tpu.memref_slice %arg2[%add3A, %dma_wait3A_141, %dma_wait3A_146, %dma_wait3A_147] : memref<32x25x125x128xf32, #tpu.memory_space<hbm>> -> memref<1x1x125x128xf32, #tpu.memory_space<hbm>>
    %dma_wait3A_149 = tpu.memref_squeeze %dma_wait3A_148 : memref<1x1x125x128xf32, #tpu.memory_space<hbm>> -> memref<125x128xf32, #tpu.memory_space<hbm>>
    tpu.wait_dma2 semaphore(%arg21 : memref<!tpu.dma_semaphore, #tpu.memory_space<semaphore_mem>>) src(%dma_wait3A_149 : memref<125x128xf32, #tpu.memory_space<hbm>>) dst(%arg13 : memref<125x128xf32, #tpu.memory_space<vmem>>)
    %dma_start3A_150 = arith.constant 3 : i32
    %dma_start3A_151 = arith.constant 0 : i32
    %dma_start3A_152 = tpu.memref_slice %arg8[%dma_start3A_150, %dma_start3A_151] : memref<25x125xi32, #tpu.memory_space<vmem>> -> memref<1x125xi32, #tpu.memory_space<vmem>>
    %dma_start3A_153 = tpu.memref_squeeze %dma_start3A_152 : memref<1x125xi32, #tpu.memory_space<vmem>> -> memref<125xi32, #tpu.memory_space<vmem>>
    %dma_start3A_154 = arith.constant 0 : i32
    %dma_start3A_155 = arith.constant 0 : i32
    %dma_start3A_156 = tpu.memref_slice %arg17[%dma_start3A_154, %dma_start3A_155] : memref<512x128xf32, #tpu.memory_space<vmem_shared>> -> memref<512x128xf32, #tpu.memory_space<vmem_shared>>
    tpu.enqueue_indirect_dma source(%arg13 : memref<125x128xf32, #tpu.memory_space<vmem>>) target(%dma_start3A_156 : memref<512x128xf32, #tpu.memory_space<vmem_shared>>) offsets(%dma_start3A_153 : memref<125xi32, #tpu.memory_space<vmem>>) semaphore(%arg25 : memref<!tpu.dma_semaphore, #tpu.memory_space<semaphore_mem>>) {add = true}
    %scan3A_157 = arith.constant 24 : i32
    %scan3A_158 = arith.constant 8 : i32
    %scan3A_159 = arith.addi %scan3A_157, %scan3A_158 : i32
    %scan3A_160 = arith.constant 1 : i32
    %scan3A_161 = scf.for %scan3A_962 = %scan3A_157 to %scan3A_159 step %scan3A_160 iter_args(%scan3A_963 = %scan3A_123) -> (i32)  : i32 {
      %mul3A_964 = arith.constant 16 : i32
      %mul3A_965 = arith.muli %scan3A_962, %mul3A_964 : i32
      %multiple_of3A = tpu.assume_multiple %mul3A_965, 16 : i32
      %get3A = arith.index_cast %multiple_of3A : i32 to index
      %get3A_966 = tpu.vector_load %arg9[%get3A] {strides = array<i32>} : memref<3136xi32, #tpu.memory_space<vmem>>, vector<16xi32>,
      %add3A_967 = vector.broadcast %multiple_of3A : i32 to vector<16xi32>
      %add3A_968 = arith.addi %add3A_967, %iota3A : vector<16xi32>
      %add3A_969 = arith.constant 1 : i32
      %add3A_970 = vector.broadcast %add3A_969 : i32 to vector<16xi32>
      %add3A_971 = arith.addi %add3A_968, %add3A_970 : vector<16xi32>
      %min3A = arith.constant 3124 : i32
      %min3A_972 = vector.broadcast %min3A : i32 to vector<16xi32>
      %min3A_973 = arith.minsi %add3A_971, %min3A_972 : vector<16xi32>
      %gather3A = tpu.vector_load_idx %arg9[%min3A_973] : memref<3136xi32, #tpu.memory_space<vmem>>[vector<16xi32>], vector<16xi32>,
      %lt3A = arith.constant 3125 : i32
      %lt3A_974 = vector.broadcast %lt3A : i32 to vector<16xi32>
      %lt3A_975 = arith.cmpi slt, %add3A_968, %lt3A_974 : vector<16xi32>
      %ne3A = arith.cmpi ne, %get3A_966, %gather3A : vector<16xi32>
      %eq3A = arith.constant 3124 : i32
      %eq3A_976 = vector.broadcast %eq3A : i32 to vector<16xi32>
      %eq3A_977 = arith.cmpi eq, %add3A_968, %eq3A_976 : vector<16xi32>
      %or3A = arith.ori %ne3A, %eq3A_977 : vector<16xi1>
      %and3A = arith.andi %or3A, %lt3A_975 : vector<16xi1>
      %jit3A = arith.constant -1 : i32
      %broadcast_in_dim3A_978 = vector.broadcast %jit3A : i32 to vector<16xi32>
      %select_n3A = arith.select %and3A, %add3A_968, %broadcast_in_dim3A_978 : vector<16xi1>, vector<16xi32>
      %broadcast_in_dim3A_979 = arith.constant true
      %broadcast_in_dim3A_980 = vector.broadcast %broadcast_in_dim3A_979 : i1 to vector<16xi1>
      %masked_cummax3A = arith.constant -2147483648 : i32
      %masked_cummax3A_981 = vector.broadcast %masked_cummax3A : i32 to vector<16xi32>
      %masked_cummax3A_982 = arith.xori %select_n3A, %masked_cummax3A_981 : vector<16xi32>
      %masked_cummax3A_983 = tpu.scan <max>, %masked_cummax3A_982 masked %broadcast_in_dim3A_980 : vector<16xi32>, vector<16xi1> -> vector<16xi32>
      %masked_cummax3A_984 = arith.xori %masked_cummax3A_983, %masked_cummax3A_981 : vector<16xi32>
      %swap3A = arith.constant 0 : index
      %swap3A_985 = tpu.vector_load %arg16[%swap3A] {strides = array<i32>} : memref<16xi32, #tpu.memory_space<vmem>>, vector<16xi32>,
      tpu.vector_store %arg16[%swap3A], %masked_cummax3A_984 {strides = array<i32>} : memref<16xi32, #tpu.memory_space<vmem>>, vector<16xi32>,
      %sub3A = arith.constant 1 : i32
      %sub3A_986 = vector.broadcast %sub3A : i32 to vector<16xi32>
      %sub3A_987 = arith.subi %iota3A, %sub3A_986 : vector<16xi32>
      %max3A = arith.constant 0 : i32
      %max3A_988 = vector.broadcast %max3A : i32 to vector<16xi32>
      %max3A_989 = arith.maxsi %sub3A_987, %max3A_988 : vector<16xi32>
      %gather3A_990 = tpu.vector_load_idx %arg16[%max3A_989] : memref<16xi32, #tpu.memory_space<vmem>>[vector<16xi32>], vector<16xi32>,
      %eq3A_991 = arith.constant 0 : i32
      %eq3A_992 = vector.broadcast %eq3A_991 : i32 to vector<16xi32>
      %eq3A_993 = arith.cmpi eq, %iota3A, %eq3A_992 : vector<16xi32>
      %broadcast_in_dim3A_994 = vector.broadcast %scan3A_963 : i32 to vector<16xi32>
      %select_n3A_995 = arith.select %eq3A_993, %broadcast_in_dim3A_994, %gather3A_990 : vector<16xi1>, vector<16xi32>
      %max3A_996 = vector.broadcast %scan3A_963 : i32 to vector<16xi32>
      %max3A_997 = arith.maxsi %select_n3A_995, %max3A_996 : vector<16xi32>
      %sub3A_998 = arith.subi %add3A_968, %max3A_997 : vector<16xi32>
      %convert_element_type3A = arith.sitofp %sub3A_998 : vector<16xi32> to vector<16xf32>
      tpu.vector_store_idx %arg15[%get3A_966], %convert_element_type3A masked %and3A {add = true} : memref<512xf32, #tpu.memory_space<vmem>>[vector<16xi32>], vector<16xf32>, vector<16xi1>
      %reduce_max3A = arith.constant true
      %reduce_max3A_999 = vector.broadcast %reduce_max3A : i1 to vector<16xi1>
      %reduce_max3A_1000 = arith.constant -2147483648 : i32
      %reduce_max3A_1001 = vector.broadcast %reduce_max3A_1000 : i32 to vector<16xi32>
      %reduce_max3A_1002 = arith.xori %select_n3A, %reduce_max3A_1001 : vector<16xi32>
      %reduce_max3A_1003 = tpu.scan <max>, %reduce_max3A_1002 masked %reduce_max3A_999 : vector<16xi32>, vector<16xi1> -> vector<16xi32>
      %reduce_max3A_1004 = arith.xori %reduce_max3A_1003, %reduce_max3A_1001 : vector<16xi32>
      %reduce_max3A_1005 = vector.extract %reduce_max3A_1004[15] : i32 from vector<16xi32>
      %max3A_1006 = arith.maxsi %scan3A_963, %reduce_max3A_1005 : i32
      scf.yield %max3A_1006 : i32
    }
    %scan3A_162 = arith.constant 8 : i32
    %dma_wait3A_163 = arith.constant 2 : i32
    %dma_wait3A_164 = arith.constant 0 : i32
    %dma_wait3A_165 = tpu.memref_slice %arg8[%dma_wait3A_163, %dma_wait3A_164] : memref<25x125xi32, #tpu.memory_space<vmem>> -> memref<1x125xi32, #tpu.memory_space<vmem>>
    %dma_wait3A_166 = tpu.memref_squeeze %dma_wait3A_165 : memref<1x125xi32, #tpu.memory_space<vmem>> -> memref<125xi32, #tpu.memory_space<vmem>>
    %dma_wait3A_167 = arith.constant 0 : i32
    %dma_wait3A_168 = arith.constant 0 : i32
    %dma_wait3A_169 = tpu.memref_slice %arg17[%dma_wait3A_167, %dma_wait3A_168] : memref<512x128xf32, #tpu.memory_space<vmem_shared>> -> memref<512x128xf32, #tpu.memory_space<vmem_shared>>
    tpu.wait_indirect_dma semaphore(%arg24 : memref<!tpu.dma_semaphore, #tpu.memory_space<semaphore_mem>>) src(%arg12 : memref<125x128xf32, #tpu.memory_space<vmem>>) dst(%dma_wait3A_169 : memref<512x128xf32, #tpu.memory_space<vmem_shared>>)
    %dma_start3A_170 = arith.constant 6 : i32
    %dma_start3A_171 = arith.constant 0 : i32
    %dma_start3A_172 = arith.constant 0 : i32
    %dma_start3A_173 = tpu.memref_slice %arg2[%add3A, %dma_start3A_170, %dma_start3A_171, %dma_start3A_172] : memref<32x25x125x128xf32, #tpu.memory_space<hbm>> -> memref<1x1x125x128xf32, #tpu.memory_space<hbm>>
    %dma_start3A_174 = tpu.memref_squeeze %dma_start3A_173 : memref<1x1x125x128xf32, #tpu.memory_space<hbm>> -> memref<125x128xf32, #tpu.memory_space<hbm>>
    %dma_start3A_175 = arith.constant 0 : i32
    %dma_start3A_176 = arith.constant 0 : i32
    %dma_start3A_177 = tpu.memref_slice %arg2[%add3A, %dma_start3A_170, %dma_start3A_175, %dma_start3A_176] : memref<32x25x125x128xf32, #tpu.memory_space<hbm>> -> memref<1x1x125x128xf32, #tpu.memory_space<hbm>>
    %dma_start3A_178 = tpu.memref_squeeze %dma_start3A_177 : memref<1x1x125x128xf32, #tpu.memory_space<hbm>> -> memref<125x128xf32, #tpu.memory_space<hbm>>
    tpu.enqueue_dma source(%dma_start3A_178 : memref<125x128xf32, #tpu.memory_space<hbm>>) target(%arg12 : memref<125x128xf32, #tpu.memory_space<vmem>>) target_semaphore(%arg20 : memref<!tpu.dma_semaphore, #tpu.memory_space<semaphore_mem>>)
    %dma_wait3A_179 = arith.constant 4 : i32
    %dma_wait3A_180 = arith.constant 0 : i32
    %dma_wait3A_181 = arith.constant 0 : i32
    %dma_wait3A_182 = tpu.memref_slice %arg2[%add3A, %dma_wait3A_179, %dma_wait3A_180, %dma_wait3A_181] : memref<32x25x125x128xf32, #tpu.memory_space<hbm>> -> memref<1x1x125x128xf32, #tpu.memory_space<hbm>>
    %dma_wait3A_183 = tpu.memref_squeeze %dma_wait3A_182 : memref<1x1x125x128xf32, #tpu.memory_space<hbm>> -> memref<125x128xf32, #tpu.memory_space<hbm>>
    %dma_wait3A_184 = arith.constant 0 : i32
    %dma_wait3A_185 = arith.constant 0 : i32
    %dma_wait3A_186 = tpu.memref_slice %arg2[%add3A, %dma_wait3A_179, %dma_wait3A_184, %dma_wait3A_185] : memref<32x25x125x128xf32, #tpu.memory_space<hbm>> -> memref<1x1x125x128xf32, #tpu.memory_space<hbm>>
    %dma_wait3A_187 = tpu.memref_squeeze %dma_wait3A_186 : memref<1x1x125x128xf32, #tpu.memory_space<hbm>> -> memref<125x128xf32, #tpu.memory_space<hbm>>
    tpu.wait_dma2 semaphore(%arg18 : memref<!tpu.dma_semaphore, #tpu.memory_space<semaphore_mem>>) src(%dma_wait3A_187 : memref<125x128xf32, #tpu.memory_space<hbm>>) dst(%arg10 : memref<125x128xf32, #tpu.memory_space<vmem>>)
    %dma_start3A_188 = arith.constant 4 : i32
    %dma_start3A_189 = arith.constant 0 : i32
    %dma_start3A_190 = tpu.memref_slice %arg8[%dma_start3A_188, %dma_start3A_189] : memref<25x125xi32, #tpu.memory_space<vmem>> -> memref<1x125xi32, #tpu.memory_space<vmem>>
    %dma_start3A_191 = tpu.memref_squeeze %dma_start3A_190 : memref<1x125xi32, #tpu.memory_space<vmem>> -> memref<125xi32, #tpu.memory_space<vmem>>
    %dma_start3A_192 = arith.constant 0 : i32
    %dma_start3A_193 = arith.constant 0 : i32
    %dma_start3A_194 = tpu.memref_slice %arg17[%dma_start3A_192, %dma_start3A_193] : memref<512x128xf32, #tpu.memory_space<vmem_shared>> -> memref<512x128xf32, #tpu.memory_space<vmem_shared>>
    tpu.enqueue_indirect_dma source(%arg10 : memref<125x128xf32, #tpu.memory_space<vmem>>) target(%dma_start3A_194 : memref<512x128xf32, #tpu.memory_space<vmem_shared>>) offsets(%dma_start3A_191 : memref<125xi32, #tpu.memory_space<vmem>>) semaphore(%arg22 : memref<!tpu.dma_semaphore, #tpu.memory_space<semaphore_mem>>) {add = true}
    %scan3A_195 = arith.constant 32 : i32
    %scan3A_196 = arith.constant 8 : i32
    %scan3A_197 = arith.addi %scan3A_195, %scan3A_196 : i32
    %scan3A_198 = arith.constant 1 : i32
    %scan3A_199 = scf.for %scan3A_962 = %scan3A_195 to %scan3A_197 step %scan3A_198 iter_args(%scan3A_963 = %scan3A_161) -> (i32)  : i32 {
      %mul3A_964 = arith.constant 16 : i32
      %mul3A_965 = arith.muli %scan3A_962, %mul3A_964 : i32
      %multiple_of3A = tpu.assume_multiple %mul3A_965, 16 : i32
      %get3A = arith.index_cast %multiple_of3A : i32 to index
      %get3A_966 = tpu.vector_load %arg9[%get3A] {strides = array<i32>} : memref<3136xi32, #tpu.memory_space<vmem>>, vector<16xi32>,
      %add3A_967 = vector.broadcast %multiple_of3A : i32 to vector<16xi32>
      %add3A_968 = arith.addi %add3A_967, %iota3A : vector<16xi32>
      %add3A_969 = arith.constant 1 : i32
      %add3A_970 = vector.broadcast %add3A_969 : i32 to vector<16xi32>
      %add3A_971 = arith.addi %add3A_968, %add3A_970 : vector<16xi32>
      %min3A = arith.constant 3124 : i32
      %min3A_972 = vector.broadcast %min3A : i32 to vector<16xi32>
      %min3A_973 = arith.minsi %add3A_971, %min3A_972 : vector<16xi32>
      %gather3A = tpu.vector_load_idx %arg9[%min3A_973] : memref<3136xi32, #tpu.memory_space<vmem>>[vector<16xi32>], vector<16xi32>,
      %lt3A = arith.constant 3125 : i32
      %lt3A_974 = vector.broadcast %lt3A : i32 to vector<16xi32>
      %lt3A_975 = arith.cmpi slt, %add3A_968, %lt3A_974 : vector<16xi32>
      %ne3A = arith.cmpi ne, %get3A_966, %gather3A : vector<16xi32>
      %eq3A = arith.constant 3124 : i32
      %eq3A_976 = vector.broadcast %eq3A : i32 to vector<16xi32>
      %eq3A_977 = arith.cmpi eq, %add3A_968, %eq3A_976 : vector<16xi32>
      %or3A = arith.ori %ne3A, %eq3A_977 : vector<16xi1>
      %and3A = arith.andi %or3A, %lt3A_975 : vector<16xi1>
      %jit3A = arith.constant -1 : i32
      %broadcast_in_dim3A_978 = vector.broadcast %jit3A : i32 to vector<16xi32>
      %select_n3A = arith.select %and3A, %add3A_968, %broadcast_in_dim3A_978 : vector<16xi1>, vector<16xi32>
      %broadcast_in_dim3A_979 = arith.constant true
      %broadcast_in_dim3A_980 = vector.broadcast %broadcast_in_dim3A_979 : i1 to vector<16xi1>
      %masked_cummax3A = arith.constant -2147483648 : i32
      %masked_cummax3A_981 = vector.broadcast %masked_cummax3A : i32 to vector<16xi32>
      %masked_cummax3A_982 = arith.xori %select_n3A, %masked_cummax3A_981 : vector<16xi32>
      %masked_cummax3A_983 = tpu.scan <max>, %masked_cummax3A_982 masked %broadcast_in_dim3A_980 : vector<16xi32>, vector<16xi1> -> vector<16xi32>
      %masked_cummax3A_984 = arith.xori %masked_cummax3A_983, %masked_cummax3A_981 : vector<16xi32>
      %swap3A = arith.constant 0 : index
      %swap3A_985 = tpu.vector_load %arg16[%swap3A] {strides = array<i32>} : memref<16xi32, #tpu.memory_space<vmem>>, vector<16xi32>,
      tpu.vector_store %arg16[%swap3A], %masked_cummax3A_984 {strides = array<i32>} : memref<16xi32, #tpu.memory_space<vmem>>, vector<16xi32>,
      %sub3A = arith.constant 1 : i32
      %sub3A_986 = vector.broadcast %sub3A : i32 to vector<16xi32>
      %sub3A_987 = arith.subi %iota3A, %sub3A_986 : vector<16xi32>
      %max3A = arith.constant 0 : i32
      %max3A_988 = vector.broadcast %max3A : i32 to vector<16xi32>
      %max3A_989 = arith.maxsi %sub3A_987, %max3A_988 : vector<16xi32>
      %gather3A_990 = tpu.vector_load_idx %arg16[%max3A_989] : memref<16xi32, #tpu.memory_space<vmem>>[vector<16xi32>], vector<16xi32>,
      %eq3A_991 = arith.constant 0 : i32
      %eq3A_992 = vector.broadcast %eq3A_991 : i32 to vector<16xi32>
      %eq3A_993 = arith.cmpi eq, %iota3A, %eq3A_992 : vector<16xi32>
      %broadcast_in_dim3A_994 = vector.broadcast %scan3A_963 : i32 to vector<16xi32>
      %select_n3A_995 = arith.select %eq3A_993, %broadcast_in_dim3A_994, %gather3A_990 : vector<16xi1>, vector<16xi32>
      %max3A_996 = vector.broadcast %scan3A_963 : i32 to vector<16xi32>
      %max3A_997 = arith.maxsi %select_n3A_995, %max3A_996 : vector<16xi32>
      %sub3A_998 = arith.subi %add3A_968, %max3A_997 : vector<16xi32>
      %convert_element_type3A = arith.sitofp %sub3A_998 : vector<16xi32> to vector<16xf32>
      tpu.vector_store_idx %arg15[%get3A_966], %convert_element_type3A masked %and3A {add = true} : memref<512xf32, #tpu.memory_space<vmem>>[vector<16xi32>], vector<16xf32>, vector<16xi1>
      %reduce_max3A = arith.constant true
      %reduce_max3A_999 = vector.broadcast %reduce_max3A : i1 to vector<16xi1>
      %reduce_max3A_1000 = arith.constant -2147483648 : i32
      %reduce_max3A_1001 = vector.broadcast %reduce_max3A_1000 : i32 to vector<16xi32>
      %reduce_max3A_1002 = arith.xori %select_n3A, %reduce_max3A_1001 : vector<16xi32>
      %reduce_max3A_1003 = tpu.scan <max>, %reduce_max3A_1002 masked %reduce_max3A_999 : vector<16xi32>, vector<16xi1> -> vector<16xi32>
      %reduce_max3A_1004 = arith.xori %reduce_max3A_1003, %reduce_max3A_1001 : vector<16xi32>
      %reduce_max3A_1005 = vector.extract %reduce_max3A_1004[15] : i32 from vector<16xi32>
      %max3A_1006 = arith.maxsi %scan3A_963, %reduce_max3A_1005 : i32
      scf.yield %max3A_1006 : i32
    }
    %scan3A_200 = arith.constant 8 : i32
    %dma_wait3A_201 = arith.constant 3 : i32
    %dma_wait3A_202 = arith.constant 0 : i32
    %dma_wait3A_203 = tpu.memref_slice %arg8[%dma_wait3A_201, %dma_wait3A_202] : memref<25x125xi32, #tpu.memory_space<vmem>> -> memref<1x125xi32, #tpu.memory_space<vmem>>
    %dma_wait3A_204 = tpu.memref_squeeze %dma_wait3A_203 : memref<1x125xi32, #tpu.memory_space<vmem>> -> memref<125xi32, #tpu.memory_space<vmem>>
    %dma_wait3A_205 = arith.constant 0 : i32
    %dma_wait3A_206 = arith.constant 0 : i32
    %dma_wait3A_207 = tpu.memref_slice %arg17[%dma_wait3A_205, %dma_wait3A_206] : memref<512x128xf32, #tpu.memory_space<vmem_shared>> -> memref<512x128xf32, #tpu.memory_space<vmem_shared>>
    tpu.wait_indirect_dma semaphore(%arg25 : memref<!tpu.dma_semaphore, #tpu.memory_space<semaphore_mem>>) src(%arg13 : memref<125x128xf32, #tpu.memory_space<vmem>>) dst(%dma_wait3A_207 : memref<512x128xf32, #tpu.memory_space<vmem_shared>>)
    %dma_start3A_208 = arith.constant 7 : i32
    %dma_start3A_209 = arith.constant 0 : i32
    %dma_start3A_210 = arith.constant 0 : i32
    %dma_start3A_211 = tpu.memref_slice %arg2[%add3A, %dma_start3A_208, %dma_start3A_209, %dma_start3A_210] : memref<32x25x125x128xf32, #tpu.memory_space<hbm>> -> memref<1x1x125x128xf32, #tpu.memory_space<hbm>>
    %dma_start3A_212 = tpu.memref_squeeze %dma_start3A_211 : memref<1x1x125x128xf32, #tpu.memory_space<hbm>> -> memref<125x128xf32, #tpu.memory_space<hbm>>
    %dma_start3A_213 = arith.constant 0 : i32
    %dma_start3A_214 = arith.constant 0 : i32
    %dma_start3A_215 = tpu.memref_slice %arg2[%add3A, %dma_start3A_208, %dma_start3A_213, %dma_start3A_214] : memref<32x25x125x128xf32, #tpu.memory_space<hbm>> -> memref<1x1x125x128xf32, #tpu.memory_space<hbm>>
    %dma_start3A_216 = tpu.memref_squeeze %dma_start3A_215 : memref<1x1x125x128xf32, #tpu.memory_space<hbm>> -> memref<125x128xf32, #tpu.memory_space<hbm>>
    tpu.enqueue_dma source(%dma_start3A_216 : memref<125x128xf32, #tpu.memory_space<hbm>>) target(%arg13 : memref<125x128xf32, #tpu.memory_space<vmem>>) target_semaphore(%arg21 : memref<!tpu.dma_semaphore, #tpu.memory_space<semaphore_mem>>)
    %dma_wait3A_217 = arith.constant 5 : i32
    %dma_wait3A_218 = arith.constant 0 : i32
    %dma_wait3A_219 = arith.constant 0 : i32
    %dma_wait3A_220 = tpu.memref_slice %arg2[%add3A, %dma_wait3A_217, %dma_wait3A_218, %dma_wait3A_219] : memref<32x25x125x128xf32, #tpu.memory_space<hbm>> -> memref<1x1x125x128xf32, #tpu.memory_space<hbm>>
    %dma_wait3A_221 = tpu.memref_squeeze %dma_wait3A_220 : memref<1x1x125x128xf32, #tpu.memory_space<hbm>> -> memref<125x128xf32, #tpu.memory_space<hbm>>
    %dma_wait3A_222 = arith.constant 0 : i32
    %dma_wait3A_223 = arith.constant 0 : i32
    %dma_wait3A_224 = tpu.memref_slice %arg2[%add3A, %dma_wait3A_217, %dma_wait3A_222, %dma_wait3A_223] : memref<32x25x125x128xf32, #tpu.memory_space<hbm>> -> memref<1x1x125x128xf32, #tpu.memory_space<hbm>>
    %dma_wait3A_225 = tpu.memref_squeeze %dma_wait3A_224 : memref<1x1x125x128xf32, #tpu.memory_space<hbm>> -> memref<125x128xf32, #tpu.memory_space<hbm>>
    tpu.wait_dma2 semaphore(%arg19 : memref<!tpu.dma_semaphore, #tpu.memory_space<semaphore_mem>>) src(%dma_wait3A_225 : memref<125x128xf32, #tpu.memory_space<hbm>>) dst(%arg11 : memref<125x128xf32, #tpu.memory_space<vmem>>)
    %dma_start3A_226 = arith.constant 5 : i32
    %dma_start3A_227 = arith.constant 0 : i32
    %dma_start3A_228 = tpu.memref_slice %arg8[%dma_start3A_226, %dma_start3A_227] : memref<25x125xi32, #tpu.memory_space<vmem>> -> memref<1x125xi32, #tpu.memory_space<vmem>>
    %dma_start3A_229 = tpu.memref_squeeze %dma_start3A_228 : memref<1x125xi32, #tpu.memory_space<vmem>> -> memref<125xi32, #tpu.memory_space<vmem>>
    %dma_start3A_230 = arith.constant 0 : i32
    %dma_start3A_231 = arith.constant 0 : i32
    %dma_start3A_232 = tpu.memref_slice %arg17[%dma_start3A_230, %dma_start3A_231] : memref<512x128xf32, #tpu.memory_space<vmem_shared>> -> memref<512x128xf32, #tpu.memory_space<vmem_shared>>
    tpu.enqueue_indirect_dma source(%arg11 : memref<125x128xf32, #tpu.memory_space<vmem>>) target(%dma_start3A_232 : memref<512x128xf32, #tpu.memory_space<vmem_shared>>) offsets(%dma_start3A_229 : memref<125xi32, #tpu.memory_space<vmem>>) semaphore(%arg23 : memref<!tpu.dma_semaphore, #tpu.memory_space<semaphore_mem>>) {add = true}
    %scan3A_233 = arith.constant 40 : i32
    %scan3A_234 = arith.constant 8 : i32
    %scan3A_235 = arith.addi %scan3A_233, %scan3A_234 : i32
    %scan3A_236 = arith.constant 1 : i32
    %scan3A_237 = scf.for %scan3A_962 = %scan3A_233 to %scan3A_235 step %scan3A_236 iter_args(%scan3A_963 = %scan3A_199) -> (i32)  : i32 {
      %mul3A_964 = arith.constant 16 : i32
      %mul3A_965 = arith.muli %scan3A_962, %mul3A_964 : i32
      %multiple_of3A = tpu.assume_multiple %mul3A_965, 16 : i32
      %get3A = arith.index_cast %multiple_of3A : i32 to index
      %get3A_966 = tpu.vector_load %arg9[%get3A] {strides = array<i32>} : memref<3136xi32, #tpu.memory_space<vmem>>, vector<16xi32>,
      %add3A_967 = vector.broadcast %multiple_of3A : i32 to vector<16xi32>
      %add3A_968 = arith.addi %add3A_967, %iota3A : vector<16xi32>
      %add3A_969 = arith.constant 1 : i32
      %add3A_970 = vector.broadcast %add3A_969 : i32 to vector<16xi32>
      %add3A_971 = arith.addi %add3A_968, %add3A_970 : vector<16xi32>
      %min3A = arith.constant 3124 : i32
      %min3A_972 = vector.broadcast %min3A : i32 to vector<16xi32>
      %min3A_973 = arith.minsi %add3A_971, %min3A_972 : vector<16xi32>
      %gather3A = tpu.vector_load_idx %arg9[%min3A_973] : memref<3136xi32, #tpu.memory_space<vmem>>[vector<16xi32>], vector<16xi32>,
      %lt3A = arith.constant 3125 : i32
      %lt3A_974 = vector.broadcast %lt3A : i32 to vector<16xi32>
      %lt3A_975 = arith.cmpi slt, %add3A_968, %lt3A_974 : vector<16xi32>
      %ne3A = arith.cmpi ne, %get3A_966, %gather3A : vector<16xi32>
      %eq3A = arith.constant 3124 : i32
      %eq3A_976 = vector.broadcast %eq3A : i32 to vector<16xi32>
      %eq3A_977 = arith.cmpi eq, %add3A_968, %eq3A_976 : vector<16xi32>
      %or3A = arith.ori %ne3A, %eq3A_977 : vector<16xi1>
      %and3A = arith.andi %or3A, %lt3A_975 : vector<16xi1>
      %jit3A = arith.constant -1 : i32
      %broadcast_in_dim3A_978 = vector.broadcast %jit3A : i32 to vector<16xi32>
      %select_n3A = arith.select %and3A, %add3A_968, %broadcast_in_dim3A_978 : vector<16xi1>, vector<16xi32>
      %broadcast_in_dim3A_979 = arith.constant true
      %broadcast_in_dim3A_980 = vector.broadcast %broadcast_in_dim3A_979 : i1 to vector<16xi1>
      %masked_cummax3A = arith.constant -2147483648 : i32
      %masked_cummax3A_981 = vector.broadcast %masked_cummax3A : i32 to vector<16xi32>
      %masked_cummax3A_982 = arith.xori %select_n3A, %masked_cummax3A_981 : vector<16xi32>
      %masked_cummax3A_983 = tpu.scan <max>, %masked_cummax3A_982 masked %broadcast_in_dim3A_980 : vector<16xi32>, vector<16xi1> -> vector<16xi32>
      %masked_cummax3A_984 = arith.xori %masked_cummax3A_983, %masked_cummax3A_981 : vector<16xi32>
      %swap3A = arith.constant 0 : index
      %swap3A_985 = tpu.vector_load %arg16[%swap3A] {strides = array<i32>} : memref<16xi32, #tpu.memory_space<vmem>>, vector<16xi32>,
      tpu.vector_store %arg16[%swap3A], %masked_cummax3A_984 {strides = array<i32>} : memref<16xi32, #tpu.memory_space<vmem>>, vector<16xi32>,
      %sub3A = arith.constant 1 : i32
      %sub3A_986 = vector.broadcast %sub3A : i32 to vector<16xi32>
      %sub3A_987 = arith.subi %iota3A, %sub3A_986 : vector<16xi32>
      %max3A = arith.constant 0 : i32
      %max3A_988 = vector.broadcast %max3A : i32 to vector<16xi32>
      %max3A_989 = arith.maxsi %sub3A_987, %max3A_988 : vector<16xi32>
      %gather3A_990 = tpu.vector_load_idx %arg16[%max3A_989] : memref<16xi32, #tpu.memory_space<vmem>>[vector<16xi32>], vector<16xi32>,
      %eq3A_991 = arith.constant 0 : i32
      %eq3A_992 = vector.broadcast %eq3A_991 : i32 to vector<16xi32>
      %eq3A_993 = arith.cmpi eq, %iota3A, %eq3A_992 : vector<16xi32>
      %broadcast_in_dim3A_994 = vector.broadcast %scan3A_963 : i32 to vector<16xi32>
      %select_n3A_995 = arith.select %eq3A_993, %broadcast_in_dim3A_994, %gather3A_990 : vector<16xi1>, vector<16xi32>
      %max3A_996 = vector.broadcast %scan3A_963 : i32 to vector<16xi32>
      %max3A_997 = arith.maxsi %select_n3A_995, %max3A_996 : vector<16xi32>
      %sub3A_998 = arith.subi %add3A_968, %max3A_997 : vector<16xi32>
      %convert_element_type3A = arith.sitofp %sub3A_998 : vector<16xi32> to vector<16xf32>
      tpu.vector_store_idx %arg15[%get3A_966], %convert_element_type3A masked %and3A {add = true} : memref<512xf32, #tpu.memory_space<vmem>>[vector<16xi32>], vector<16xf32>, vector<16xi1>
      %reduce_max3A = arith.constant true
      %reduce_max3A_999 = vector.broadcast %reduce_max3A : i1 to vector<16xi1>
      %reduce_max3A_1000 = arith.constant -2147483648 : i32
      %reduce_max3A_1001 = vector.broadcast %reduce_max3A_1000 : i32 to vector<16xi32>
      %reduce_max3A_1002 = arith.xori %select_n3A, %reduce_max3A_1001 : vector<16xi32>
      %reduce_max3A_1003 = tpu.scan <max>, %reduce_max3A_1002 masked %reduce_max3A_999 : vector<16xi32>, vector<16xi1> -> vector<16xi32>
      %reduce_max3A_1004 = arith.xori %reduce_max3A_1003, %reduce_max3A_1001 : vector<16xi32>
      %reduce_max3A_1005 = vector.extract %reduce_max3A_1004[15] : i32 from vector<16xi32>
      %max3A_1006 = arith.maxsi %scan3A_963, %reduce_max3A_1005 : i32
      scf.yield %max3A_1006 : i32
    }
    %scan3A_238 = arith.constant 8 : i32
    %dma_wait3A_239 = arith.constant 4 : i32
    %dma_wait3A_240 = arith.constant 0 : i32
    %dma_wait3A_241 = tpu.memref_slice %arg8[%dma_wait3A_239, %dma_wait3A_240] : memref<25x125xi32, #tpu.memory_space<vmem>> -> memref<1x125xi32, #tpu.memory_space<vmem>>
    %dma_wait3A_242 = tpu.memref_squeeze %dma_wait3A_241 : memref<1x125xi32, #tpu.memory_space<vmem>> -> memref<125xi32, #tpu.memory_space<vmem>>
    %dma_wait3A_243 = arith.constant 0 : i32
    %dma_wait3A_244 = arith.constant 0 : i32
    %dma_wait3A_245 = tpu.memref_slice %arg17[%dma_wait3A_243, %dma_wait3A_244] : memref<512x128xf32, #tpu.memory_space<vmem_shared>> -> memref<512x128xf32, #tpu.memory_space<vmem_shared>>
    tpu.wait_indirect_dma semaphore(%arg22 : memref<!tpu.dma_semaphore, #tpu.memory_space<semaphore_mem>>) src(%arg10 : memref<125x128xf32, #tpu.memory_space<vmem>>) dst(%dma_wait3A_245 : memref<512x128xf32, #tpu.memory_space<vmem_shared>>)
    %dma_start3A_246 = arith.constant 8 : i32
    %dma_start3A_247 = arith.constant 0 : i32
    %dma_start3A_248 = arith.constant 0 : i32
    %dma_start3A_249 = tpu.memref_slice %arg2[%add3A, %dma_start3A_246, %dma_start3A_247, %dma_start3A_248] : memref<32x25x125x128xf32, #tpu.memory_space<hbm>> -> memref<1x1x125x128xf32, #tpu.memory_space<hbm>>
    %dma_start3A_250 = tpu.memref_squeeze %dma_start3A_249 : memref<1x1x125x128xf32, #tpu.memory_space<hbm>> -> memref<125x128xf32, #tpu.memory_space<hbm>>
    %dma_start3A_251 = arith.constant 0 : i32
    %dma_start3A_252 = arith.constant 0 : i32
    %dma_start3A_253 = tpu.memref_slice %arg2[%add3A, %dma_start3A_246, %dma_start3A_251, %dma_start3A_252] : memref<32x25x125x128xf32, #tpu.memory_space<hbm>> -> memref<1x1x125x128xf32, #tpu.memory_space<hbm>>
    %dma_start3A_254 = tpu.memref_squeeze %dma_start3A_253 : memref<1x1x125x128xf32, #tpu.memory_space<hbm>> -> memref<125x128xf32, #tpu.memory_space<hbm>>
    tpu.enqueue_dma source(%dma_start3A_254 : memref<125x128xf32, #tpu.memory_space<hbm>>) target(%arg10 : memref<125x128xf32, #tpu.memory_space<vmem>>) target_semaphore(%arg18 : memref<!tpu.dma_semaphore, #tpu.memory_space<semaphore_mem>>)
    %dma_wait3A_255 = arith.constant 6 : i32
    %dma_wait3A_256 = arith.constant 0 : i32
    %dma_wait3A_257 = arith.constant 0 : i32
    %dma_wait3A_258 = tpu.memref_slice %arg2[%add3A, %dma_wait3A_255, %dma_wait3A_256, %dma_wait3A_257] : memref<32x25x125x128xf32, #tpu.memory_space<hbm>> -> memref<1x1x125x128xf32, #tpu.memory_space<hbm>>
    %dma_wait3A_259 = tpu.memref_squeeze %dma_wait3A_258 : memref<1x1x125x128xf32, #tpu.memory_space<hbm>> -> memref<125x128xf32, #tpu.memory_space<hbm>>
    %dma_wait3A_260 = arith.constant 0 : i32
    %dma_wait3A_261 = arith.constant 0 : i32
    %dma_wait3A_262 = tpu.memref_slice %arg2[%add3A, %dma_wait3A_255, %dma_wait3A_260, %dma_wait3A_261] : memref<32x25x125x128xf32, #tpu.memory_space<hbm>> -> memref<1x1x125x128xf32, #tpu.memory_space<hbm>>
    %dma_wait3A_263 = tpu.memref_squeeze %dma_wait3A_262 : memref<1x1x125x128xf32, #tpu.memory_space<hbm>> -> memref<125x128xf32, #tpu.memory_space<hbm>>
    tpu.wait_dma2 semaphore(%arg20 : memref<!tpu.dma_semaphore, #tpu.memory_space<semaphore_mem>>) src(%dma_wait3A_263 : memref<125x128xf32, #tpu.memory_space<hbm>>) dst(%arg12 : memref<125x128xf32, #tpu.memory_space<vmem>>)
    %dma_start3A_264 = arith.constant 6 : i32
    %dma_start3A_265 = arith.constant 0 : i32
    %dma_start3A_266 = tpu.memref_slice %arg8[%dma_start3A_264, %dma_start3A_265] : memref<25x125xi32, #tpu.memory_space<vmem>> -> memref<1x125xi32, #tpu.memory_space<vmem>>
    %dma_start3A_267 = tpu.memref_squeeze %dma_start3A_266 : memref<1x125xi32, #tpu.memory_space<vmem>> -> memref<125xi32, #tpu.memory_space<vmem>>
    %dma_start3A_268 = arith.constant 0 : i32
    %dma_start3A_269 = arith.constant 0 : i32
    %dma_start3A_270 = tpu.memref_slice %arg17[%dma_start3A_268, %dma_start3A_269] : memref<512x128xf32, #tpu.memory_space<vmem_shared>> -> memref<512x128xf32, #tpu.memory_space<vmem_shared>>
    tpu.enqueue_indirect_dma source(%arg12 : memref<125x128xf32, #tpu.memory_space<vmem>>) target(%dma_start3A_270 : memref<512x128xf32, #tpu.memory_space<vmem_shared>>) offsets(%dma_start3A_267 : memref<125xi32, #tpu.memory_space<vmem>>) semaphore(%arg24 : memref<!tpu.dma_semaphore, #tpu.memory_space<semaphore_mem>>) {add = true}
    %scan3A_271 = arith.constant 48 : i32
    %scan3A_272 = arith.constant 8 : i32
    %scan3A_273 = arith.addi %scan3A_271, %scan3A_272 : i32
    %scan3A_274 = arith.constant 1 : i32
    %scan3A_275 = scf.for %scan3A_962 = %scan3A_271 to %scan3A_273 step %scan3A_274 iter_args(%scan3A_963 = %scan3A_237) -> (i32)  : i32 {
      %mul3A_964 = arith.constant 16 : i32
      %mul3A_965 = arith.muli %scan3A_962, %mul3A_964 : i32
      %multiple_of3A = tpu.assume_multiple %mul3A_965, 16 : i32
      %get3A = arith.index_cast %multiple_of3A : i32 to index
      %get3A_966 = tpu.vector_load %arg9[%get3A] {strides = array<i32>} : memref<3136xi32, #tpu.memory_space<vmem>>, vector<16xi32>,
      %add3A_967 = vector.broadcast %multiple_of3A : i32 to vector<16xi32>
      %add3A_968 = arith.addi %add3A_967, %iota3A : vector<16xi32>
      %add3A_969 = arith.constant 1 : i32
      %add3A_970 = vector.broadcast %add3A_969 : i32 to vector<16xi32>
      %add3A_971 = arith.addi %add3A_968, %add3A_970 : vector<16xi32>
      %min3A = arith.constant 3124 : i32
      %min3A_972 = vector.broadcast %min3A : i32 to vector<16xi32>
      %min3A_973 = arith.minsi %add3A_971, %min3A_972 : vector<16xi32>
      %gather3A = tpu.vector_load_idx %arg9[%min3A_973] : memref<3136xi32, #tpu.memory_space<vmem>>[vector<16xi32>], vector<16xi32>,
      %lt3A = arith.constant 3125 : i32
      %lt3A_974 = vector.broadcast %lt3A : i32 to vector<16xi32>
      %lt3A_975 = arith.cmpi slt, %add3A_968, %lt3A_974 : vector<16xi32>
      %ne3A = arith.cmpi ne, %get3A_966, %gather3A : vector<16xi32>
      %eq3A = arith.constant 3124 : i32
      %eq3A_976 = vector.broadcast %eq3A : i32 to vector<16xi32>
      %eq3A_977 = arith.cmpi eq, %add3A_968, %eq3A_976 : vector<16xi32>
      %or3A = arith.ori %ne3A, %eq3A_977 : vector<16xi1>
      %and3A = arith.andi %or3A, %lt3A_975 : vector<16xi1>
      %jit3A = arith.constant -1 : i32
      %broadcast_in_dim3A_978 = vector.broadcast %jit3A : i32 to vector<16xi32>
      %select_n3A = arith.select %and3A, %add3A_968, %broadcast_in_dim3A_978 : vector<16xi1>, vector<16xi32>
      %broadcast_in_dim3A_979 = arith.constant true
      %broadcast_in_dim3A_980 = vector.broadcast %broadcast_in_dim3A_979 : i1 to vector<16xi1>
      %masked_cummax3A = arith.constant -2147483648 : i32
      %masked_cummax3A_981 = vector.broadcast %masked_cummax3A : i32 to vector<16xi32>
      %masked_cummax3A_982 = arith.xori %select_n3A, %masked_cummax3A_981 : vector<16xi32>
      %masked_cummax3A_983 = tpu.scan <max>, %masked_cummax3A_982 masked %broadcast_in_dim3A_980 : vector<16xi32>, vector<16xi1> -> vector<16xi32>
      %masked_cummax3A_984 = arith.xori %masked_cummax3A_983, %masked_cummax3A_981 : vector<16xi32>
      %swap3A = arith.constant 0 : index
      %swap3A_985 = tpu.vector_load %arg16[%swap3A] {strides = array<i32>} : memref<16xi32, #tpu.memory_space<vmem>>, vector<16xi32>,
      tpu.vector_store %arg16[%swap3A], %masked_cummax3A_984 {strides = array<i32>} : memref<16xi32, #tpu.memory_space<vmem>>, vector<16xi32>,
      %sub3A = arith.constant 1 : i32
      %sub3A_986 = vector.broadcast %sub3A : i32 to vector<16xi32>
      %sub3A_987 = arith.subi %iota3A, %sub3A_986 : vector<16xi32>
      %max3A = arith.constant 0 : i32
      %max3A_988 = vector.broadcast %max3A : i32 to vector<16xi32>
      %max3A_989 = arith.maxsi %sub3A_987, %max3A_988 : vector<16xi32>
      %gather3A_990 = tpu.vector_load_idx %arg16[%max3A_989] : memref<16xi32, #tpu.memory_space<vmem>>[vector<16xi32>], vector<16xi32>,
      %eq3A_991 = arith.constant 0 : i32
      %eq3A_992 = vector.broadcast %eq3A_991 : i32 to vector<16xi32>
      %eq3A_993 = arith.cmpi eq, %iota3A, %eq3A_992 : vector<16xi32>
      %broadcast_in_dim3A_994 = vector.broadcast %scan3A_963 : i32 to vector<16xi32>
      %select_n3A_995 = arith.select %eq3A_993, %broadcast_in_dim3A_994, %gather3A_990 : vector<16xi1>, vector<16xi32>
      %max3A_996 = vector.broadcast %scan3A_963 : i32 to vector<16xi32>
      %max3A_997 = arith.maxsi %select_n3A_995, %max3A_996 : vector<16xi32>
      %sub3A_998 = arith.subi %add3A_968, %max3A_997 : vector<16xi32>
      %convert_element_type3A = arith.sitofp %sub3A_998 : vector<16xi32> to vector<16xf32>
      tpu.vector_store_idx %arg15[%get3A_966], %convert_element_type3A masked %and3A {add = true} : memref<512xf32, #tpu.memory_space<vmem>>[vector<16xi32>], vector<16xf32>, vector<16xi1>
      %reduce_max3A = arith.constant true
      %reduce_max3A_999 = vector.broadcast %reduce_max3A : i1 to vector<16xi1>
      %reduce_max3A_1000 = arith.constant -2147483648 : i32
      %reduce_max3A_1001 = vector.broadcast %reduce_max3A_1000 : i32 to vector<16xi32>
      %reduce_max3A_1002 = arith.xori %select_n3A, %reduce_max3A_1001 : vector<16xi32>
      %reduce_max3A_1003 = tpu.scan <max>, %reduce_max3A_1002 masked %reduce_max3A_999 : vector<16xi32>, vector<16xi1> -> vector<16xi32>
      %reduce_max3A_1004 = arith.xori %reduce_max3A_1003, %reduce_max3A_1001 : vector<16xi32>
      %reduce_max3A_1005 = vector.extract %reduce_max3A_1004[15] : i32 from vector<16xi32>
      %max3A_1006 = arith.maxsi %scan3A_963, %reduce_max3A_1005 : i32
      scf.yield %max3A_1006 : i32
    }
    %scan3A_276 = arith.constant 8 : i32
    %dma_wait3A_277 = arith.constant 5 : i32
    %dma_wait3A_278 = arith.constant 0 : i32
    %dma_wait3A_279 = tpu.memref_slice %arg8[%dma_wait3A_277, %dma_wait3A_278] : memref<25x125xi32, #tpu.memory_space<vmem>> -> memref<1x125xi32, #tpu.memory_space<vmem>>
    %dma_wait3A_280 = tpu.memref_squeeze %dma_wait3A_279 : memref<1x125xi32, #tpu.memory_space<vmem>> -> memref<125xi32, #tpu.memory_space<vmem>>
    %dma_wait3A_281 = arith.constant 0 : i32
    %dma_wait3A_282 = arith.constant 0 : i32
    %dma_wait3A_283 = tpu.memref_slice %arg17[%dma_wait3A_281, %dma_wait3A_282] : memref<512x128xf32, #tpu.memory_space<vmem_shared>> -> memref<512x128xf32, #tpu.memory_space<vmem_shared>>
    tpu.wait_indirect_dma semaphore(%arg23 : memref<!tpu.dma_semaphore, #tpu.memory_space<semaphore_mem>>) src(%arg11 : memref<125x128xf32, #tpu.memory_space<vmem>>) dst(%dma_wait3A_283 : memref<512x128xf32, #tpu.memory_space<vmem_shared>>)
    %dma_start3A_284 = arith.constant 9 : i32
    %dma_start3A_285 = arith.constant 0 : i32
    %dma_start3A_286 = arith.constant 0 : i32
    %dma_start3A_287 = tpu.memref_slice %arg2[%add3A, %dma_start3A_284, %dma_start3A_285, %dma_start3A_286] : memref<32x25x125x128xf32, #tpu.memory_space<hbm>> -> memref<1x1x125x128xf32, #tpu.memory_space<hbm>>
    %dma_start3A_288 = tpu.memref_squeeze %dma_start3A_287 : memref<1x1x125x128xf32, #tpu.memory_space<hbm>> -> memref<125x128xf32, #tpu.memory_space<hbm>>
    %dma_start3A_289 = arith.constant 0 : i32
    %dma_start3A_290 = arith.constant 0 : i32
    %dma_start3A_291 = tpu.memref_slice %arg2[%add3A, %dma_start3A_284, %dma_start3A_289, %dma_start3A_290] : memref<32x25x125x128xf32, #tpu.memory_space<hbm>> -> memref<1x1x125x128xf32, #tpu.memory_space<hbm>>
    %dma_start3A_292 = tpu.memref_squeeze %dma_start3A_291 : memref<1x1x125x128xf32, #tpu.memory_space<hbm>> -> memref<125x128xf32, #tpu.memory_space<hbm>>
    tpu.enqueue_dma source(%dma_start3A_292 : memref<125x128xf32, #tpu.memory_space<hbm>>) target(%arg11 : memref<125x128xf32, #tpu.memory_space<vmem>>) target_semaphore(%arg19 : memref<!tpu.dma_semaphore, #tpu.memory_space<semaphore_mem>>)
    %dma_wait3A_293 = arith.constant 7 : i32
    %dma_wait3A_294 = arith.constant 0 : i32
    %dma_wait3A_295 = arith.constant 0 : i32
    %dma_wait3A_296 = tpu.memref_slice %arg2[%add3A, %dma_wait3A_293, %dma_wait3A_294, %dma_wait3A_295] : memref<32x25x125x128xf32, #tpu.memory_space<hbm>> -> memref<1x1x125x128xf32, #tpu.memory_space<hbm>>
    %dma_wait3A_297 = tpu.memref_squeeze %dma_wait3A_296 : memref<1x1x125x128xf32, #tpu.memory_space<hbm>> -> memref<125x128xf32, #tpu.memory_space<hbm>>
    %dma_wait3A_298 = arith.constant 0 : i32
    %dma_wait3A_299 = arith.constant 0 : i32
    %dma_wait3A_300 = tpu.memref_slice %arg2[%add3A, %dma_wait3A_293, %dma_wait3A_298, %dma_wait3A_299] : memref<32x25x125x128xf32, #tpu.memory_space<hbm>> -> memref<1x1x125x128xf32, #tpu.memory_space<hbm>>
    %dma_wait3A_301 = tpu.memref_squeeze %dma_wait3A_300 : memref<1x1x125x128xf32, #tpu.memory_space<hbm>> -> memref<125x128xf32, #tpu.memory_space<hbm>>
    tpu.wait_dma2 semaphore(%arg21 : memref<!tpu.dma_semaphore, #tpu.memory_space<semaphore_mem>>) src(%dma_wait3A_301 : memref<125x128xf32, #tpu.memory_space<hbm>>) dst(%arg13 : memref<125x128xf32, #tpu.memory_space<vmem>>)
    %dma_start3A_302 = arith.constant 7 : i32
    %dma_start3A_303 = arith.constant 0 : i32
    %dma_start3A_304 = tpu.memref_slice %arg8[%dma_start3A_302, %dma_start3A_303] : memref<25x125xi32, #tpu.memory_space<vmem>> -> memref<1x125xi32, #tpu.memory_space<vmem>>
    %dma_start3A_305 = tpu.memref_squeeze %dma_start3A_304 : memref<1x125xi32, #tpu.memory_space<vmem>> -> memref<125xi32, #tpu.memory_space<vmem>>
    %dma_start3A_306 = arith.constant 0 : i32
    %dma_start3A_307 = arith.constant 0 : i32
    %dma_start3A_308 = tpu.memref_slice %arg17[%dma_start3A_306, %dma_start3A_307] : memref<512x128xf32, #tpu.memory_space<vmem_shared>> -> memref<512x128xf32, #tpu.memory_space<vmem_shared>>
    tpu.enqueue_indirect_dma source(%arg13 : memref<125x128xf32, #tpu.memory_space<vmem>>) target(%dma_start3A_308 : memref<512x128xf32, #tpu.memory_space<vmem_shared>>) offsets(%dma_start3A_305 : memref<125xi32, #tpu.memory_space<vmem>>) semaphore(%arg25 : memref<!tpu.dma_semaphore, #tpu.memory_space<semaphore_mem>>) {add = true}
    %scan3A_309 = arith.constant 56 : i32
    %scan3A_310 = arith.constant 8 : i32
    %scan3A_311 = arith.addi %scan3A_309, %scan3A_310 : i32
    %scan3A_312 = arith.constant 1 : i32
    %scan3A_313 = scf.for %scan3A_962 = %scan3A_309 to %scan3A_311 step %scan3A_312 iter_args(%scan3A_963 = %scan3A_275) -> (i32)  : i32 {
      %mul3A_964 = arith.constant 16 : i32
      %mul3A_965 = arith.muli %scan3A_962, %mul3A_964 : i32
      %multiple_of3A = tpu.assume_multiple %mul3A_965, 16 : i32
      %get3A = arith.index_cast %multiple_of3A : i32 to index
      %get3A_966 = tpu.vector_load %arg9[%get3A] {strides = array<i32>} : memref<3136xi32, #tpu.memory_space<vmem>>, vector<16xi32>,
      %add3A_967 = vector.broadcast %multiple_of3A : i32 to vector<16xi32>
      %add3A_968 = arith.addi %add3A_967, %iota3A : vector<16xi32>
      %add3A_969 = arith.constant 1 : i32
      %add3A_970 = vector.broadcast %add3A_969 : i32 to vector<16xi32>
      %add3A_971 = arith.addi %add3A_968, %add3A_970 : vector<16xi32>
      %min3A = arith.constant 3124 : i32
      %min3A_972 = vector.broadcast %min3A : i32 to vector<16xi32>
      %min3A_973 = arith.minsi %add3A_971, %min3A_972 : vector<16xi32>
      %gather3A = tpu.vector_load_idx %arg9[%min3A_973] : memref<3136xi32, #tpu.memory_space<vmem>>[vector<16xi32>], vector<16xi32>,
      %lt3A = arith.constant 3125 : i32
      %lt3A_974 = vector.broadcast %lt3A : i32 to vector<16xi32>
      %lt3A_975 = arith.cmpi slt, %add3A_968, %lt3A_974 : vector<16xi32>
      %ne3A = arith.cmpi ne, %get3A_966, %gather3A : vector<16xi32>
      %eq3A = arith.constant 3124 : i32
      %eq3A_976 = vector.broadcast %eq3A : i32 to vector<16xi32>
      %eq3A_977 = arith.cmpi eq, %add3A_968, %eq3A_976 : vector<16xi32>
      %or3A = arith.ori %ne3A, %eq3A_977 : vector<16xi1>
      %and3A = arith.andi %or3A, %lt3A_975 : vector<16xi1>
      %jit3A = arith.constant -1 : i32
      %broadcast_in_dim3A_978 = vector.broadcast %jit3A : i32 to vector<16xi32>
      %select_n3A = arith.select %and3A, %add3A_968, %broadcast_in_dim3A_978 : vector<16xi1>, vector<16xi32>
      %broadcast_in_dim3A_979 = arith.constant true
      %broadcast_in_dim3A_980 = vector.broadcast %broadcast_in_dim3A_979 : i1 to vector<16xi1>
      %masked_cummax3A = arith.constant -2147483648 : i32
      %masked_cummax3A_981 = vector.broadcast %masked_cummax3A : i32 to vector<16xi32>
      %masked_cummax3A_982 = arith.xori %select_n3A, %masked_cummax3A_981 : vector<16xi32>
      %masked_cummax3A_983 = tpu.scan <max>, %masked_cummax3A_982 masked %broadcast_in_dim3A_980 : vector<16xi32>, vector<16xi1> -> vector<16xi32>
      %masked_cummax3A_984 = arith.xori %masked_cummax3A_983, %masked_cummax3A_981 : vector<16xi32>
      %swap3A = arith.constant 0 : index
      %swap3A_985 = tpu.vector_load %arg16[%swap3A] {strides = array<i32>} : memref<16xi32, #tpu.memory_space<vmem>>, vector<16xi32>,
      tpu.vector_store %arg16[%swap3A], %masked_cummax3A_984 {strides = array<i32>} : memref<16xi32, #tpu.memory_space<vmem>>, vector<16xi32>,
      %sub3A = arith.constant 1 : i32
      %sub3A_986 = vector.broadcast %sub3A : i32 to vector<16xi32>
      %sub3A_987 = arith.subi %iota3A, %sub3A_986 : vector<16xi32>
      %max3A = arith.constant 0 : i32
      %max3A_988 = vector.broadcast %max3A : i32 to vector<16xi32>
      %max3A_989 = arith.maxsi %sub3A_987, %max3A_988 : vector<16xi32>
      %gather3A_990 = tpu.vector_load_idx %arg16[%max3A_989] : memref<16xi32, #tpu.memory_space<vmem>>[vector<16xi32>], vector<16xi32>,
      %eq3A_991 = arith.constant 0 : i32
      %eq3A_992 = vector.broadcast %eq3A_991 : i32 to vector<16xi32>
      %eq3A_993 = arith.cmpi eq, %iota3A, %eq3A_992 : vector<16xi32>
      %broadcast_in_dim3A_994 = vector.broadcast %scan3A_963 : i32 to vector<16xi32>
      %select_n3A_995 = arith.select %eq3A_993, %broadcast_in_dim3A_994, %gather3A_990 : vector<16xi1>, vector<16xi32>
      %max3A_996 = vector.broadcast %scan3A_963 : i32 to vector<16xi32>
      %max3A_997 = arith.maxsi %select_n3A_995, %max3A_996 : vector<16xi32>
      %sub3A_998 = arith.subi %add3A_968, %max3A_997 : vector<16xi32>
      %convert_element_type3A = arith.sitofp %sub3A_998 : vector<16xi32> to vector<16xf32>
      tpu.vector_store_idx %arg15[%get3A_966], %convert_element_type3A masked %and3A {add = true} : memref<512xf32, #tpu.memory_space<vmem>>[vector<16xi32>], vector<16xf32>, vector<16xi1>
      %reduce_max3A = arith.constant true
      %reduce_max3A_999 = vector.broadcast %reduce_max3A : i1 to vector<16xi1>
      %reduce_max3A_1000 = arith.constant -2147483648 : i32
      %reduce_max3A_1001 = vector.broadcast %reduce_max3A_1000 : i32 to vector<16xi32>
      %reduce_max3A_1002 = arith.xori %select_n3A, %reduce_max3A_1001 : vector<16xi32>
      %reduce_max3A_1003 = tpu.scan <max>, %reduce_max3A_1002 masked %reduce_max3A_999 : vector<16xi32>, vector<16xi1> -> vector<16xi32>
      %reduce_max3A_1004 = arith.xori %reduce_max3A_1003, %reduce_max3A_1001 : vector<16xi32>
      %reduce_max3A_1005 = vector.extract %reduce_max3A_1004[15] : i32 from vector<16xi32>
      %max3A_1006 = arith.maxsi %scan3A_963, %reduce_max3A_1005 : i32
      scf.yield %max3A_1006 : i32
    }
    %scan3A_314 = arith.constant 8 : i32
    %dma_wait3A_315 = arith.constant 6 : i32
    %dma_wait3A_316 = arith.constant 0 : i32
    %dma_wait3A_317 = tpu.memref_slice %arg8[%dma_wait3A_315, %dma_wait3A_316] : memref<25x125xi32, #tpu.memory_space<vmem>> -> memref<1x125xi32, #tpu.memory_space<vmem>>
    %dma_wait3A_318 = tpu.memref_squeeze %dma_wait3A_317 : memref<1x125xi32, #tpu.memory_space<vmem>> -> memref<125xi32, #tpu.memory_space<vmem>>
    %dma_wait3A_319 = arith.constant 0 : i32
    %dma_wait3A_320 = arith.constant 0 : i32
    %dma_wait3A_321 = tpu.memref_slice %arg17[%dma_wait3A_319, %dma_wait3A_320] : memref<512x128xf32, #tpu.memory_space<vmem_shared>> -> memref<512x128xf32, #tpu.memory_space<vmem_shared>>
    tpu.wait_indirect_dma semaphore(%arg24 : memref<!tpu.dma_semaphore, #tpu.memory_space<semaphore_mem>>) src(%arg12 : memref<125x128xf32, #tpu.memory_space<vmem>>) dst(%dma_wait3A_321 : memref<512x128xf32, #tpu.memory_space<vmem_shared>>)
    %dma_start3A_322 = arith.constant 10 : i32
    %dma_start3A_323 = arith.constant 0 : i32
    %dma_start3A_324 = arith.constant 0 : i32
    %dma_start3A_325 = tpu.memref_slice %arg2[%add3A, %dma_start3A_322, %dma_start3A_323, %dma_start3A_324] : memref<32x25x125x128xf32, #tpu.memory_space<hbm>> -> memref<1x1x125x128xf32, #tpu.memory_space<hbm>>
    %dma_start3A_326 = tpu.memref_squeeze %dma_start3A_325 : memref<1x1x125x128xf32, #tpu.memory_space<hbm>> -> memref<125x128xf32, #tpu.memory_space<hbm>>
    %dma_start3A_327 = arith.constant 0 : i32
    %dma_start3A_328 = arith.constant 0 : i32
    %dma_start3A_329 = tpu.memref_slice %arg2[%add3A, %dma_start3A_322, %dma_start3A_327, %dma_start3A_328] : memref<32x25x125x128xf32, #tpu.memory_space<hbm>> -> memref<1x1x125x128xf32, #tpu.memory_space<hbm>>
    %dma_start3A_330 = tpu.memref_squeeze %dma_start3A_329 : memref<1x1x125x128xf32, #tpu.memory_space<hbm>> -> memref<125x128xf32, #tpu.memory_space<hbm>>
    tpu.enqueue_dma source(%dma_start3A_330 : memref<125x128xf32, #tpu.memory_space<hbm>>) target(%arg12 : memref<125x128xf32, #tpu.memory_space<vmem>>) target_semaphore(%arg20 : memref<!tpu.dma_semaphore, #tpu.memory_space<semaphore_mem>>)
    %dma_wait3A_331 = arith.constant 8 : i32
    %dma_wait3A_332 = arith.constant 0 : i32
    %dma_wait3A_333 = arith.constant 0 : i32
    %dma_wait3A_334 = tpu.memref_slice %arg2[%add3A, %dma_wait3A_331, %dma_wait3A_332, %dma_wait3A_333] : memref<32x25x125x128xf32, #tpu.memory_space<hbm>> -> memref<1x1x125x128xf32, #tpu.memory_space<hbm>>
    %dma_wait3A_335 = tpu.memref_squeeze %dma_wait3A_334 : memref<1x1x125x128xf32, #tpu.memory_space<hbm>> -> memref<125x128xf32, #tpu.memory_space<hbm>>
    %dma_wait3A_336 = arith.constant 0 : i32
    %dma_wait3A_337 = arith.constant 0 : i32
    %dma_wait3A_338 = tpu.memref_slice %arg2[%add3A, %dma_wait3A_331, %dma_wait3A_336, %dma_wait3A_337] : memref<32x25x125x128xf32, #tpu.memory_space<hbm>> -> memref<1x1x125x128xf32, #tpu.memory_space<hbm>>
    %dma_wait3A_339 = tpu.memref_squeeze %dma_wait3A_338 : memref<1x1x125x128xf32, #tpu.memory_space<hbm>> -> memref<125x128xf32, #tpu.memory_space<hbm>>
    tpu.wait_dma2 semaphore(%arg18 : memref<!tpu.dma_semaphore, #tpu.memory_space<semaphore_mem>>) src(%dma_wait3A_339 : memref<125x128xf32, #tpu.memory_space<hbm>>) dst(%arg10 : memref<125x128xf32, #tpu.memory_space<vmem>>)
    %dma_start3A_340 = arith.constant 8 : i32
    %dma_start3A_341 = arith.constant 0 : i32
    %dma_start3A_342 = tpu.memref_slice %arg8[%dma_start3A_340, %dma_start3A_341] : memref<25x125xi32, #tpu.memory_space<vmem>> -> memref<1x125xi32, #tpu.memory_space<vmem>>
    %dma_start3A_343 = tpu.memref_squeeze %dma_start3A_342 : memref<1x125xi32, #tpu.memory_space<vmem>> -> memref<125xi32, #tpu.memory_space<vmem>>
    %dma_start3A_344 = arith.constant 0 : i32
    %dma_start3A_345 = arith.constant 0 : i32
    %dma_start3A_346 = tpu.memref_slice %arg17[%dma_start3A_344, %dma_start3A_345] : memref<512x128xf32, #tpu.memory_space<vmem_shared>> -> memref<512x128xf32, #tpu.memory_space<vmem_shared>>
    tpu.enqueue_indirect_dma source(%arg10 : memref<125x128xf32, #tpu.memory_space<vmem>>) target(%dma_start3A_346 : memref<512x128xf32, #tpu.memory_space<vmem_shared>>) offsets(%dma_start3A_343 : memref<125xi32, #tpu.memory_space<vmem>>) semaphore(%arg22 : memref<!tpu.dma_semaphore, #tpu.memory_space<semaphore_mem>>) {add = true}
    %scan3A_347 = arith.constant 64 : i32
    %scan3A_348 = arith.constant 8 : i32
    %scan3A_349 = arith.addi %scan3A_347, %scan3A_348 : i32
    %scan3A_350 = arith.constant 1 : i32
    %scan3A_351 = scf.for %scan3A_962 = %scan3A_347 to %scan3A_349 step %scan3A_350 iter_args(%scan3A_963 = %scan3A_313) -> (i32)  : i32 {
      %mul3A_964 = arith.constant 16 : i32
      %mul3A_965 = arith.muli %scan3A_962, %mul3A_964 : i32
      %multiple_of3A = tpu.assume_multiple %mul3A_965, 16 : i32
      %get3A = arith.index_cast %multiple_of3A : i32 to index
      %get3A_966 = tpu.vector_load %arg9[%get3A] {strides = array<i32>} : memref<3136xi32, #tpu.memory_space<vmem>>, vector<16xi32>,
      %add3A_967 = vector.broadcast %multiple_of3A : i32 to vector<16xi32>
      %add3A_968 = arith.addi %add3A_967, %iota3A : vector<16xi32>
      %add3A_969 = arith.constant 1 : i32
      %add3A_970 = vector.broadcast %add3A_969 : i32 to vector<16xi32>
      %add3A_971 = arith.addi %add3A_968, %add3A_970 : vector<16xi32>
      %min3A = arith.constant 3124 : i32
      %min3A_972 = vector.broadcast %min3A : i32 to vector<16xi32>
      %min3A_973 = arith.minsi %add3A_971, %min3A_972 : vector<16xi32>
      %gather3A = tpu.vector_load_idx %arg9[%min3A_973] : memref<3136xi32, #tpu.memory_space<vmem>>[vector<16xi32>], vector<16xi32>,
      %lt3A = arith.constant 3125 : i32
      %lt3A_974 = vector.broadcast %lt3A : i32 to vector<16xi32>
      %lt3A_975 = arith.cmpi slt, %add3A_968, %lt3A_974 : vector<16xi32>
      %ne3A = arith.cmpi ne, %get3A_966, %gather3A : vector<16xi32>
      %eq3A = arith.constant 3124 : i32
      %eq3A_976 = vector.broadcast %eq3A : i32 to vector<16xi32>
      %eq3A_977 = arith.cmpi eq, %add3A_968, %eq3A_976 : vector<16xi32>
      %or3A = arith.ori %ne3A, %eq3A_977 : vector<16xi1>
      %and3A = arith.andi %or3A, %lt3A_975 : vector<16xi1>
      %jit3A = arith.constant -1 : i32
      %broadcast_in_dim3A_978 = vector.broadcast %jit3A : i32 to vector<16xi32>
      %select_n3A = arith.select %and3A, %add3A_968, %broadcast_in_dim3A_978 : vector<16xi1>, vector<16xi32>
      %broadcast_in_dim3A_979 = arith.constant true
      %broadcast_in_dim3A_980 = vector.broadcast %broadcast_in_dim3A_979 : i1 to vector<16xi1>
      %masked_cummax3A = arith.constant -2147483648 : i32
      %masked_cummax3A_981 = vector.broadcast %masked_cummax3A : i32 to vector<16xi32>
      %masked_cummax3A_982 = arith.xori %select_n3A, %masked_cummax3A_981 : vector<16xi32>
      %masked_cummax3A_983 = tpu.scan <max>, %masked_cummax3A_982 masked %broadcast_in_dim3A_980 : vector<16xi32>, vector<16xi1> -> vector<16xi32>
      %masked_cummax3A_984 = arith.xori %masked_cummax3A_983, %masked_cummax3A_981 : vector<16xi32>
      %swap3A = arith.constant 0 : index
      %swap3A_985 = tpu.vector_load %arg16[%swap3A] {strides = array<i32>} : memref<16xi32, #tpu.memory_space<vmem>>, vector<16xi32>,
      tpu.vector_store %arg16[%swap3A], %masked_cummax3A_984 {strides = array<i32>} : memref<16xi32, #tpu.memory_space<vmem>>, vector<16xi32>,
      %sub3A = arith.constant 1 : i32
      %sub3A_986 = vector.broadcast %sub3A : i32 to vector<16xi32>
      %sub3A_987 = arith.subi %iota3A, %sub3A_986 : vector<16xi32>
      %max3A = arith.constant 0 : i32
      %max3A_988 = vector.broadcast %max3A : i32 to vector<16xi32>
      %max3A_989 = arith.maxsi %sub3A_987, %max3A_988 : vector<16xi32>
      %gather3A_990 = tpu.vector_load_idx %arg16[%max3A_989] : memref<16xi32, #tpu.memory_space<vmem>>[vector<16xi32>], vector<16xi32>,
      %eq3A_991 = arith.constant 0 : i32
      %eq3A_992 = vector.broadcast %eq3A_991 : i32 to vector<16xi32>
      %eq3A_993 = arith.cmpi eq, %iota3A, %eq3A_992 : vector<16xi32>
      %broadcast_in_dim3A_994 = vector.broadcast %scan3A_963 : i32 to vector<16xi32>
      %select_n3A_995 = arith.select %eq3A_993, %broadcast_in_dim3A_994, %gather3A_990 : vector<16xi1>, vector<16xi32>
      %max3A_996 = vector.broadcast %scan3A_963 : i32 to vector<16xi32>
      %max3A_997 = arith.maxsi %select_n3A_995, %max3A_996 : vector<16xi32>
      %sub3A_998 = arith.subi %add3A_968, %max3A_997 : vector<16xi32>
      %convert_element_type3A = arith.sitofp %sub3A_998 : vector<16xi32> to vector<16xf32>
      tpu.vector_store_idx %arg15[%get3A_966], %convert_element_type3A masked %and3A {add = true} : memref<512xf32, #tpu.memory_space<vmem>>[vector<16xi32>], vector<16xf32>, vector<16xi1>
      %reduce_max3A = arith.constant true
      %reduce_max3A_999 = vector.broadcast %reduce_max3A : i1 to vector<16xi1>
      %reduce_max3A_1000 = arith.constant -2147483648 : i32
      %reduce_max3A_1001 = vector.broadcast %reduce_max3A_1000 : i32 to vector<16xi32>
      %reduce_max3A_1002 = arith.xori %select_n3A, %reduce_max3A_1001 : vector<16xi32>
      %reduce_max3A_1003 = tpu.scan <max>, %reduce_max3A_1002 masked %reduce_max3A_999 : vector<16xi32>, vector<16xi1> -> vector<16xi32>
      %reduce_max3A_1004 = arith.xori %reduce_max3A_1003, %reduce_max3A_1001 : vector<16xi32>
      %reduce_max3A_1005 = vector.extract %reduce_max3A_1004[15] : i32 from vector<16xi32>
      %max3A_1006 = arith.maxsi %scan3A_963, %reduce_max3A_1005 : i32
      scf.yield %max3A_1006 : i32
    }
    %scan3A_352 = arith.constant 8 : i32
    %dma_wait3A_353 = arith.constant 7 : i32
    %dma_wait3A_354 = arith.constant 0 : i32
    %dma_wait3A_355 = tpu.memref_slice %arg8[%dma_wait3A_353, %dma_wait3A_354] : memref<25x125xi32, #tpu.memory_space<vmem>> -> memref<1x125xi32, #tpu.memory_space<vmem>>
    %dma_wait3A_356 = tpu.memref_squeeze %dma_wait3A_355 : memref<1x125xi32, #tpu.memory_space<vmem>> -> memref<125xi32, #tpu.memory_space<vmem>>
    %dma_wait3A_357 = arith.constant 0 : i32
    %dma_wait3A_358 = arith.constant 0 : i32
    %dma_wait3A_359 = tpu.memref_slice %arg17[%dma_wait3A_357, %dma_wait3A_358] : memref<512x128xf32, #tpu.memory_space<vmem_shared>> -> memref<512x128xf32, #tpu.memory_space<vmem_shared>>
    tpu.wait_indirect_dma semaphore(%arg25 : memref<!tpu.dma_semaphore, #tpu.memory_space<semaphore_mem>>) src(%arg13 : memref<125x128xf32, #tpu.memory_space<vmem>>) dst(%dma_wait3A_359 : memref<512x128xf32, #tpu.memory_space<vmem_shared>>)
    %dma_start3A_360 = arith.constant 11 : i32
    %dma_start3A_361 = arith.constant 0 : i32
    %dma_start3A_362 = arith.constant 0 : i32
    %dma_start3A_363 = tpu.memref_slice %arg2[%add3A, %dma_start3A_360, %dma_start3A_361, %dma_start3A_362] : memref<32x25x125x128xf32, #tpu.memory_space<hbm>> -> memref<1x1x125x128xf32, #tpu.memory_space<hbm>>
    %dma_start3A_364 = tpu.memref_squeeze %dma_start3A_363 : memref<1x1x125x128xf32, #tpu.memory_space<hbm>> -> memref<125x128xf32, #tpu.memory_space<hbm>>
    %dma_start3A_365 = arith.constant 0 : i32
    %dma_start3A_366 = arith.constant 0 : i32
    %dma_start3A_367 = tpu.memref_slice %arg2[%add3A, %dma_start3A_360, %dma_start3A_365, %dma_start3A_366] : memref<32x25x125x128xf32, #tpu.memory_space<hbm>> -> memref<1x1x125x128xf32, #tpu.memory_space<hbm>>
    %dma_start3A_368 = tpu.memref_squeeze %dma_start3A_367 : memref<1x1x125x128xf32, #tpu.memory_space<hbm>> -> memref<125x128xf32, #tpu.memory_space<hbm>>
    tpu.enqueue_dma source(%dma_start3A_368 : memref<125x128xf32, #tpu.memory_space<hbm>>) target(%arg13 : memref<125x128xf32, #tpu.memory_space<vmem>>) target_semaphore(%arg21 : memref<!tpu.dma_semaphore, #tpu.memory_space<semaphore_mem>>)
    %dma_wait3A_369 = arith.constant 9 : i32
    %dma_wait3A_370 = arith.constant 0 : i32
    %dma_wait3A_371 = arith.constant 0 : i32
    %dma_wait3A_372 = tpu.memref_slice %arg2[%add3A, %dma_wait3A_369, %dma_wait3A_370, %dma_wait3A_371] : memref<32x25x125x128xf32, #tpu.memory_space<hbm>> -> memref<1x1x125x128xf32, #tpu.memory_space<hbm>>
    %dma_wait3A_373 = tpu.memref_squeeze %dma_wait3A_372 : memref<1x1x125x128xf32, #tpu.memory_space<hbm>> -> memref<125x128xf32, #tpu.memory_space<hbm>>
    %dma_wait3A_374 = arith.constant 0 : i32
    %dma_wait3A_375 = arith.constant 0 : i32
    %dma_wait3A_376 = tpu.memref_slice %arg2[%add3A, %dma_wait3A_369, %dma_wait3A_374, %dma_wait3A_375] : memref<32x25x125x128xf32, #tpu.memory_space<hbm>> -> memref<1x1x125x128xf32, #tpu.memory_space<hbm>>
    %dma_wait3A_377 = tpu.memref_squeeze %dma_wait3A_376 : memref<1x1x125x128xf32, #tpu.memory_space<hbm>> -> memref<125x128xf32, #tpu.memory_space<hbm>>
    tpu.wait_dma2 semaphore(%arg19 : memref<!tpu.dma_semaphore, #tpu.memory_space<semaphore_mem>>) src(%dma_wait3A_377 : memref<125x128xf32, #tpu.memory_space<hbm>>) dst(%arg11 : memref<125x128xf32, #tpu.memory_space<vmem>>)
    %dma_start3A_378 = arith.constant 9 : i32
    %dma_start3A_379 = arith.constant 0 : i32
    %dma_start3A_380 = tpu.memref_slice %arg8[%dma_start3A_378, %dma_start3A_379] : memref<25x125xi32, #tpu.memory_space<vmem>> -> memref<1x125xi32, #tpu.memory_space<vmem>>
    %dma_start3A_381 = tpu.memref_squeeze %dma_start3A_380 : memref<1x125xi32, #tpu.memory_space<vmem>> -> memref<125xi32, #tpu.memory_space<vmem>>
    %dma_start3A_382 = arith.constant 0 : i32
    %dma_start3A_383 = arith.constant 0 : i32
    %dma_start3A_384 = tpu.memref_slice %arg17[%dma_start3A_382, %dma_start3A_383] : memref<512x128xf32, #tpu.memory_space<vmem_shared>> -> memref<512x128xf32, #tpu.memory_space<vmem_shared>>
    tpu.enqueue_indirect_dma source(%arg11 : memref<125x128xf32, #tpu.memory_space<vmem>>) target(%dma_start3A_384 : memref<512x128xf32, #tpu.memory_space<vmem_shared>>) offsets(%dma_start3A_381 : memref<125xi32, #tpu.memory_space<vmem>>) semaphore(%arg23 : memref<!tpu.dma_semaphore, #tpu.memory_space<semaphore_mem>>) {add = true}
    %scan3A_385 = arith.constant 72 : i32
    %scan3A_386 = arith.constant 8 : i32
    %scan3A_387 = arith.addi %scan3A_385, %scan3A_386 : i32
    %scan3A_388 = arith.constant 1 : i32
    %scan3A_389 = scf.for %scan3A_962 = %scan3A_385 to %scan3A_387 step %scan3A_388 iter_args(%scan3A_963 = %scan3A_351) -> (i32)  : i32 {
      %mul3A_964 = arith.constant 16 : i32
      %mul3A_965 = arith.muli %scan3A_962, %mul3A_964 : i32
      %multiple_of3A = tpu.assume_multiple %mul3A_965, 16 : i32
      %get3A = arith.index_cast %multiple_of3A : i32 to index
      %get3A_966 = tpu.vector_load %arg9[%get3A] {strides = array<i32>} : memref<3136xi32, #tpu.memory_space<vmem>>, vector<16xi32>,
      %add3A_967 = vector.broadcast %multiple_of3A : i32 to vector<16xi32>
      %add3A_968 = arith.addi %add3A_967, %iota3A : vector<16xi32>
      %add3A_969 = arith.constant 1 : i32
      %add3A_970 = vector.broadcast %add3A_969 : i32 to vector<16xi32>
      %add3A_971 = arith.addi %add3A_968, %add3A_970 : vector<16xi32>
      %min3A = arith.constant 3124 : i32
      %min3A_972 = vector.broadcast %min3A : i32 to vector<16xi32>
      %min3A_973 = arith.minsi %add3A_971, %min3A_972 : vector<16xi32>
      %gather3A = tpu.vector_load_idx %arg9[%min3A_973] : memref<3136xi32, #tpu.memory_space<vmem>>[vector<16xi32>], vector<16xi32>,
      %lt3A = arith.constant 3125 : i32
      %lt3A_974 = vector.broadcast %lt3A : i32 to vector<16xi32>
      %lt3A_975 = arith.cmpi slt, %add3A_968, %lt3A_974 : vector<16xi32>
      %ne3A = arith.cmpi ne, %get3A_966, %gather3A : vector<16xi32>
      %eq3A = arith.constant 3124 : i32
      %eq3A_976 = vector.broadcast %eq3A : i32 to vector<16xi32>
      %eq3A_977 = arith.cmpi eq, %add3A_968, %eq3A_976 : vector<16xi32>
      %or3A = arith.ori %ne3A, %eq3A_977 : vector<16xi1>
      %and3A = arith.andi %or3A, %lt3A_975 : vector<16xi1>
      %jit3A = arith.constant -1 : i32
      %broadcast_in_dim3A_978 = vector.broadcast %jit3A : i32 to vector<16xi32>
      %select_n3A = arith.select %and3A, %add3A_968, %broadcast_in_dim3A_978 : vector<16xi1>, vector<16xi32>
      %broadcast_in_dim3A_979 = arith.constant true
      %broadcast_in_dim3A_980 = vector.broadcast %broadcast_in_dim3A_979 : i1 to vector<16xi1>
      %masked_cummax3A = arith.constant -2147483648 : i32
      %masked_cummax3A_981 = vector.broadcast %masked_cummax3A : i32 to vector<16xi32>
      %masked_cummax3A_982 = arith.xori %select_n3A, %masked_cummax3A_981 : vector<16xi32>
      %masked_cummax3A_983 = tpu.scan <max>, %masked_cummax3A_982 masked %broadcast_in_dim3A_980 : vector<16xi32>, vector<16xi1> -> vector<16xi32>
      %masked_cummax3A_984 = arith.xori %masked_cummax3A_983, %masked_cummax3A_981 : vector<16xi32>
      %swap3A = arith.constant 0 : index
      %swap3A_985 = tpu.vector_load %arg16[%swap3A] {strides = array<i32>} : memref<16xi32, #tpu.memory_space<vmem>>, vector<16xi32>,
      tpu.vector_store %arg16[%swap3A], %masked_cummax3A_984 {strides = array<i32>} : memref<16xi32, #tpu.memory_space<vmem>>, vector<16xi32>,
      %sub3A = arith.constant 1 : i32
      %sub3A_986 = vector.broadcast %sub3A : i32 to vector<16xi32>
      %sub3A_987 = arith.subi %iota3A, %sub3A_986 : vector<16xi32>
      %max3A = arith.constant 0 : i32
      %max3A_988 = vector.broadcast %max3A : i32 to vector<16xi32>
      %max3A_989 = arith.maxsi %sub3A_987, %max3A_988 : vector<16xi32>
      %gather3A_990 = tpu.vector_load_idx %arg16[%max3A_989] : memref<16xi32, #tpu.memory_space<vmem>>[vector<16xi32>], vector<16xi32>,
      %eq3A_991 = arith.constant 0 : i32
      %eq3A_992 = vector.broadcast %eq3A_991 : i32 to vector<16xi32>
      %eq3A_993 = arith.cmpi eq, %iota3A, %eq3A_992 : vector<16xi32>
      %broadcast_in_dim3A_994 = vector.broadcast %scan3A_963 : i32 to vector<16xi32>
      %select_n3A_995 = arith.select %eq3A_993, %broadcast_in_dim3A_994, %gather3A_990 : vector<16xi1>, vector<16xi32>
      %max3A_996 = vector.broadcast %scan3A_963 : i32 to vector<16xi32>
      %max3A_997 = arith.maxsi %select_n3A_995, %max3A_996 : vector<16xi32>
      %sub3A_998 = arith.subi %add3A_968, %max3A_997 : vector<16xi32>
      %convert_element_type3A = arith.sitofp %sub3A_998 : vector<16xi32> to vector<16xf32>
      tpu.vector_store_idx %arg15[%get3A_966], %convert_element_type3A masked %and3A {add = true} : memref<512xf32, #tpu.memory_space<vmem>>[vector<16xi32>], vector<16xf32>, vector<16xi1>
      %reduce_max3A = arith.constant true
      %reduce_max3A_999 = vector.broadcast %reduce_max3A : i1 to vector<16xi1>
      %reduce_max3A_1000 = arith.constant -2147483648 : i32
      %reduce_max3A_1001 = vector.broadcast %reduce_max3A_1000 : i32 to vector<16xi32>
      %reduce_max3A_1002 = arith.xori %select_n3A, %reduce_max3A_1001 : vector<16xi32>
      %reduce_max3A_1003 = tpu.scan <max>, %reduce_max3A_1002 masked %reduce_max3A_999 : vector<16xi32>, vector<16xi1> -> vector<16xi32>
      %reduce_max3A_1004 = arith.xori %reduce_max3A_1003, %reduce_max3A_1001 : vector<16xi32>
      %reduce_max3A_1005 = vector.extract %reduce_max3A_1004[15] : i32 from vector<16xi32>
      %max3A_1006 = arith.maxsi %scan3A_963, %reduce_max3A_1005 : i32
      scf.yield %max3A_1006 : i32
    }
    %scan3A_390 = arith.constant 8 : i32
    %dma_wait3A_391 = arith.constant 8 : i32
    %dma_wait3A_392 = arith.constant 0 : i32
    %dma_wait3A_393 = tpu.memref_slice %arg8[%dma_wait3A_391, %dma_wait3A_392] : memref<25x125xi32, #tpu.memory_space<vmem>> -> memref<1x125xi32, #tpu.memory_space<vmem>>
    %dma_wait3A_394 = tpu.memref_squeeze %dma_wait3A_393 : memref<1x125xi32, #tpu.memory_space<vmem>> -> memref<125xi32, #tpu.memory_space<vmem>>
    %dma_wait3A_395 = arith.constant 0 : i32
    %dma_wait3A_396 = arith.constant 0 : i32
    %dma_wait3A_397 = tpu.memref_slice %arg17[%dma_wait3A_395, %dma_wait3A_396] : memref<512x128xf32, #tpu.memory_space<vmem_shared>> -> memref<512x128xf32, #tpu.memory_space<vmem_shared>>
    tpu.wait_indirect_dma semaphore(%arg22 : memref<!tpu.dma_semaphore, #tpu.memory_space<semaphore_mem>>) src(%arg10 : memref<125x128xf32, #tpu.memory_space<vmem>>) dst(%dma_wait3A_397 : memref<512x128xf32, #tpu.memory_space<vmem_shared>>)
    %dma_start3A_398 = arith.constant 12 : i32
    %dma_start3A_399 = arith.constant 0 : i32
    %dma_start3A_400 = arith.constant 0 : i32
    %dma_start3A_401 = tpu.memref_slice %arg2[%add3A, %dma_start3A_398, %dma_start3A_399, %dma_start3A_400] : memref<32x25x125x128xf32, #tpu.memory_space<hbm>> -> memref<1x1x125x128xf32, #tpu.memory_space<hbm>>
    %dma_start3A_402 = tpu.memref_squeeze %dma_start3A_401 : memref<1x1x125x128xf32, #tpu.memory_space<hbm>> -> memref<125x128xf32, #tpu.memory_space<hbm>>
    %dma_start3A_403 = arith.constant 0 : i32
    %dma_start3A_404 = arith.constant 0 : i32
    %dma_start3A_405 = tpu.memref_slice %arg2[%add3A, %dma_start3A_398, %dma_start3A_403, %dma_start3A_404] : memref<32x25x125x128xf32, #tpu.memory_space<hbm>> -> memref<1x1x125x128xf32, #tpu.memory_space<hbm>>
    %dma_start3A_406 = tpu.memref_squeeze %dma_start3A_405 : memref<1x1x125x128xf32, #tpu.memory_space<hbm>> -> memref<125x128xf32, #tpu.memory_space<hbm>>
    tpu.enqueue_dma source(%dma_start3A_406 : memref<125x128xf32, #tpu.memory_space<hbm>>) target(%arg10 : memref<125x128xf32, #tpu.memory_space<vmem>>) target_semaphore(%arg18 : memref<!tpu.dma_semaphore, #tpu.memory_space<semaphore_mem>>)
    %dma_wait3A_407 = arith.constant 10 : i32
    %dma_wait3A_408 = arith.constant 0 : i32
    %dma_wait3A_409 = arith.constant 0 : i32
    %dma_wait3A_410 = tpu.memref_slice %arg2[%add3A, %dma_wait3A_407, %dma_wait3A_408, %dma_wait3A_409] : memref<32x25x125x128xf32, #tpu.memory_space<hbm>> -> memref<1x1x125x128xf32, #tpu.memory_space<hbm>>
    %dma_wait3A_411 = tpu.memref_squeeze %dma_wait3A_410 : memref<1x1x125x128xf32, #tpu.memory_space<hbm>> -> memref<125x128xf32, #tpu.memory_space<hbm>>
    %dma_wait3A_412 = arith.constant 0 : i32
    %dma_wait3A_413 = arith.constant 0 : i32
    %dma_wait3A_414 = tpu.memref_slice %arg2[%add3A, %dma_wait3A_407, %dma_wait3A_412, %dma_wait3A_413] : memref<32x25x125x128xf32, #tpu.memory_space<hbm>> -> memref<1x1x125x128xf32, #tpu.memory_space<hbm>>
    %dma_wait3A_415 = tpu.memref_squeeze %dma_wait3A_414 : memref<1x1x125x128xf32, #tpu.memory_space<hbm>> -> memref<125x128xf32, #tpu.memory_space<hbm>>
    tpu.wait_dma2 semaphore(%arg20 : memref<!tpu.dma_semaphore, #tpu.memory_space<semaphore_mem>>) src(%dma_wait3A_415 : memref<125x128xf32, #tpu.memory_space<hbm>>) dst(%arg12 : memref<125x128xf32, #tpu.memory_space<vmem>>)
    %dma_start3A_416 = arith.constant 10 : i32
    %dma_start3A_417 = arith.constant 0 : i32
    %dma_start3A_418 = tpu.memref_slice %arg8[%dma_start3A_416, %dma_start3A_417] : memref<25x125xi32, #tpu.memory_space<vmem>> -> memref<1x125xi32, #tpu.memory_space<vmem>>
    %dma_start3A_419 = tpu.memref_squeeze %dma_start3A_418 : memref<1x125xi32, #tpu.memory_space<vmem>> -> memref<125xi32, #tpu.memory_space<vmem>>
    %dma_start3A_420 = arith.constant 0 : i32
    %dma_start3A_421 = arith.constant 0 : i32
    %dma_start3A_422 = tpu.memref_slice %arg17[%dma_start3A_420, %dma_start3A_421] : memref<512x128xf32, #tpu.memory_space<vmem_shared>> -> memref<512x128xf32, #tpu.memory_space<vmem_shared>>
    tpu.enqueue_indirect_dma source(%arg12 : memref<125x128xf32, #tpu.memory_space<vmem>>) target(%dma_start3A_422 : memref<512x128xf32, #tpu.memory_space<vmem_shared>>) offsets(%dma_start3A_419 : memref<125xi32, #tpu.memory_space<vmem>>) semaphore(%arg24 : memref<!tpu.dma_semaphore, #tpu.memory_space<semaphore_mem>>) {add = true}
    %scan3A_423 = arith.constant 80 : i32
    %scan3A_424 = arith.constant 8 : i32
    %scan3A_425 = arith.addi %scan3A_423, %scan3A_424 : i32
    %scan3A_426 = arith.constant 1 : i32
    %scan3A_427 = scf.for %scan3A_962 = %scan3A_423 to %scan3A_425 step %scan3A_426 iter_args(%scan3A_963 = %scan3A_389) -> (i32)  : i32 {
      %mul3A_964 = arith.constant 16 : i32
      %mul3A_965 = arith.muli %scan3A_962, %mul3A_964 : i32
      %multiple_of3A = tpu.assume_multiple %mul3A_965, 16 : i32
      %get3A = arith.index_cast %multiple_of3A : i32 to index
      %get3A_966 = tpu.vector_load %arg9[%get3A] {strides = array<i32>} : memref<3136xi32, #tpu.memory_space<vmem>>, vector<16xi32>,
      %add3A_967 = vector.broadcast %multiple_of3A : i32 to vector<16xi32>
      %add3A_968 = arith.addi %add3A_967, %iota3A : vector<16xi32>
      %add3A_969 = arith.constant 1 : i32
      %add3A_970 = vector.broadcast %add3A_969 : i32 to vector<16xi32>
      %add3A_971 = arith.addi %add3A_968, %add3A_970 : vector<16xi32>
      %min3A = arith.constant 3124 : i32
      %min3A_972 = vector.broadcast %min3A : i32 to vector<16xi32>
      %min3A_973 = arith.minsi %add3A_971, %min3A_972 : vector<16xi32>
      %gather3A = tpu.vector_load_idx %arg9[%min3A_973] : memref<3136xi32, #tpu.memory_space<vmem>>[vector<16xi32>], vector<16xi32>,
      %lt3A = arith.constant 3125 : i32
      %lt3A_974 = vector.broadcast %lt3A : i32 to vector<16xi32>
      %lt3A_975 = arith.cmpi slt, %add3A_968, %lt3A_974 : vector<16xi32>
      %ne3A = arith.cmpi ne, %get3A_966, %gather3A : vector<16xi32>
      %eq3A = arith.constant 3124 : i32
      %eq3A_976 = vector.broadcast %eq3A : i32 to vector<16xi32>
      %eq3A_977 = arith.cmpi eq, %add3A_968, %eq3A_976 : vector<16xi32>
      %or3A = arith.ori %ne3A, %eq3A_977 : vector<16xi1>
      %and3A = arith.andi %or3A, %lt3A_975 : vector<16xi1>
      %jit3A = arith.constant -1 : i32
      %broadcast_in_dim3A_978 = vector.broadcast %jit3A : i32 to vector<16xi32>
      %select_n3A = arith.select %and3A, %add3A_968, %broadcast_in_dim3A_978 : vector<16xi1>, vector<16xi32>
      %broadcast_in_dim3A_979 = arith.constant true
      %broadcast_in_dim3A_980 = vector.broadcast %broadcast_in_dim3A_979 : i1 to vector<16xi1>
      %masked_cummax3A = arith.constant -2147483648 : i32
      %masked_cummax3A_981 = vector.broadcast %masked_cummax3A : i32 to vector<16xi32>
      %masked_cummax3A_982 = arith.xori %select_n3A, %masked_cummax3A_981 : vector<16xi32>
      %masked_cummax3A_983 = tpu.scan <max>, %masked_cummax3A_982 masked %broadcast_in_dim3A_980 : vector<16xi32>, vector<16xi1> -> vector<16xi32>
      %masked_cummax3A_984 = arith.xori %masked_cummax3A_983, %masked_cummax3A_981 : vector<16xi32>
      %swap3A = arith.constant 0 : index
      %swap3A_985 = tpu.vector_load %arg16[%swap3A] {strides = array<i32>} : memref<16xi32, #tpu.memory_space<vmem>>, vector<16xi32>,
      tpu.vector_store %arg16[%swap3A], %masked_cummax3A_984 {strides = array<i32>} : memref<16xi32, #tpu.memory_space<vmem>>, vector<16xi32>,
      %sub3A = arith.constant 1 : i32
      %sub3A_986 = vector.broadcast %sub3A : i32 to vector<16xi32>
      %sub3A_987 = arith.subi %iota3A, %sub3A_986 : vector<16xi32>
      %max3A = arith.constant 0 : i32
      %max3A_988 = vector.broadcast %max3A : i32 to vector<16xi32>
      %max3A_989 = arith.maxsi %sub3A_987, %max3A_988 : vector<16xi32>
      %gather3A_990 = tpu.vector_load_idx %arg16[%max3A_989] : memref<16xi32, #tpu.memory_space<vmem>>[vector<16xi32>], vector<16xi32>,
      %eq3A_991 = arith.constant 0 : i32
      %eq3A_992 = vector.broadcast %eq3A_991 : i32 to vector<16xi32>
      %eq3A_993 = arith.cmpi eq, %iota3A, %eq3A_992 : vector<16xi32>
      %broadcast_in_dim3A_994 = vector.broadcast %scan3A_963 : i32 to vector<16xi32>
      %select_n3A_995 = arith.select %eq3A_993, %broadcast_in_dim3A_994, %gather3A_990 : vector<16xi1>, vector<16xi32>
      %max3A_996 = vector.broadcast %scan3A_963 : i32 to vector<16xi32>
      %max3A_997 = arith.maxsi %select_n3A_995, %max3A_996 : vector<16xi32>
      %sub3A_998 = arith.subi %add3A_968, %max3A_997 : vector<16xi32>
      %convert_element_type3A = arith.sitofp %sub3A_998 : vector<16xi32> to vector<16xf32>
      tpu.vector_store_idx %arg15[%get3A_966], %convert_element_type3A masked %and3A {add = true} : memref<512xf32, #tpu.memory_space<vmem>>[vector<16xi32>], vector<16xf32>, vector<16xi1>
      %reduce_max3A = arith.constant true
      %reduce_max3A_999 = vector.broadcast %reduce_max3A : i1 to vector<16xi1>
      %reduce_max3A_1000 = arith.constant -2147483648 : i32
      %reduce_max3A_1001 = vector.broadcast %reduce_max3A_1000 : i32 to vector<16xi32>
      %reduce_max3A_1002 = arith.xori %select_n3A, %reduce_max3A_1001 : vector<16xi32>
      %reduce_max3A_1003 = tpu.scan <max>, %reduce_max3A_1002 masked %reduce_max3A_999 : vector<16xi32>, vector<16xi1> -> vector<16xi32>
      %reduce_max3A_1004 = arith.xori %reduce_max3A_1003, %reduce_max3A_1001 : vector<16xi32>
      %reduce_max3A_1005 = vector.extract %reduce_max3A_1004[15] : i32 from vector<16xi32>
      %max3A_1006 = arith.maxsi %scan3A_963, %reduce_max3A_1005 : i32
      scf.yield %max3A_1006 : i32
    }
    %scan3A_428 = arith.constant 8 : i32
    %dma_wait3A_429 = arith.constant 9 : i32
    %dma_wait3A_430 = arith.constant 0 : i32
    %dma_wait3A_431 = tpu.memref_slice %arg8[%dma_wait3A_429, %dma_wait3A_430] : memref<25x125xi32, #tpu.memory_space<vmem>> -> memref<1x125xi32, #tpu.memory_space<vmem>>
    %dma_wait3A_432 = tpu.memref_squeeze %dma_wait3A_431 : memref<1x125xi32, #tpu.memory_space<vmem>> -> memref<125xi32, #tpu.memory_space<vmem>>
    %dma_wait3A_433 = arith.constant 0 : i32
    %dma_wait3A_434 = arith.constant 0 : i32
    %dma_wait3A_435 = tpu.memref_slice %arg17[%dma_wait3A_433, %dma_wait3A_434] : memref<512x128xf32, #tpu.memory_space<vmem_shared>> -> memref<512x128xf32, #tpu.memory_space<vmem_shared>>
    tpu.wait_indirect_dma semaphore(%arg23 : memref<!tpu.dma_semaphore, #tpu.memory_space<semaphore_mem>>) src(%arg11 : memref<125x128xf32, #tpu.memory_space<vmem>>) dst(%dma_wait3A_435 : memref<512x128xf32, #tpu.memory_space<vmem_shared>>)
    %dma_start3A_436 = arith.constant 13 : i32
    %dma_start3A_437 = arith.constant 0 : i32
    %dma_start3A_438 = arith.constant 0 : i32
    %dma_start3A_439 = tpu.memref_slice %arg2[%add3A, %dma_start3A_436, %dma_start3A_437, %dma_start3A_438] : memref<32x25x125x128xf32, #tpu.memory_space<hbm>> -> memref<1x1x125x128xf32, #tpu.memory_space<hbm>>
    %dma_start3A_440 = tpu.memref_squeeze %dma_start3A_439 : memref<1x1x125x128xf32, #tpu.memory_space<hbm>> -> memref<125x128xf32, #tpu.memory_space<hbm>>
    %dma_start3A_441 = arith.constant 0 : i32
    %dma_start3A_442 = arith.constant 0 : i32
    %dma_start3A_443 = tpu.memref_slice %arg2[%add3A, %dma_start3A_436, %dma_start3A_441, %dma_start3A_442] : memref<32x25x125x128xf32, #tpu.memory_space<hbm>> -> memref<1x1x125x128xf32, #tpu.memory_space<hbm>>
    %dma_start3A_444 = tpu.memref_squeeze %dma_start3A_443 : memref<1x1x125x128xf32, #tpu.memory_space<hbm>> -> memref<125x128xf32, #tpu.memory_space<hbm>>
    tpu.enqueue_dma source(%dma_start3A_444 : memref<125x128xf32, #tpu.memory_space<hbm>>) target(%arg11 : memref<125x128xf32, #tpu.memory_space<vmem>>) target_semaphore(%arg19 : memref<!tpu.dma_semaphore, #tpu.memory_space<semaphore_mem>>)
    %dma_wait3A_445 = arith.constant 11 : i32
    %dma_wait3A_446 = arith.constant 0 : i32
    %dma_wait3A_447 = arith.constant 0 : i32
    %dma_wait3A_448 = tpu.memref_slice %arg2[%add3A, %dma_wait3A_445, %dma_wait3A_446, %dma_wait3A_447] : memref<32x25x125x128xf32, #tpu.memory_space<hbm>> -> memref<1x1x125x128xf32, #tpu.memory_space<hbm>>
    %dma_wait3A_449 = tpu.memref_squeeze %dma_wait3A_448 : memref<1x1x125x128xf32, #tpu.memory_space<hbm>> -> memref<125x128xf32, #tpu.memory_space<hbm>>
    %dma_wait3A_450 = arith.constant 0 : i32
    %dma_wait3A_451 = arith.constant 0 : i32
    %dma_wait3A_452 = tpu.memref_slice %arg2[%add3A, %dma_wait3A_445, %dma_wait3A_450, %dma_wait3A_451] : memref<32x25x125x128xf32, #tpu.memory_space<hbm>> -> memref<1x1x125x128xf32, #tpu.memory_space<hbm>>
    %dma_wait3A_453 = tpu.memref_squeeze %dma_wait3A_452 : memref<1x1x125x128xf32, #tpu.memory_space<hbm>> -> memref<125x128xf32, #tpu.memory_space<hbm>>
    tpu.wait_dma2 semaphore(%arg21 : memref<!tpu.dma_semaphore, #tpu.memory_space<semaphore_mem>>) src(%dma_wait3A_453 : memref<125x128xf32, #tpu.memory_space<hbm>>) dst(%arg13 : memref<125x128xf32, #tpu.memory_space<vmem>>)
    %dma_start3A_454 = arith.constant 11 : i32
    %dma_start3A_455 = arith.constant 0 : i32
    %dma_start3A_456 = tpu.memref_slice %arg8[%dma_start3A_454, %dma_start3A_455] : memref<25x125xi32, #tpu.memory_space<vmem>> -> memref<1x125xi32, #tpu.memory_space<vmem>>
    %dma_start3A_457 = tpu.memref_squeeze %dma_start3A_456 : memref<1x125xi32, #tpu.memory_space<vmem>> -> memref<125xi32, #tpu.memory_space<vmem>>
    %dma_start3A_458 = arith.constant 0 : i32
    %dma_start3A_459 = arith.constant 0 : i32
    %dma_start3A_460 = tpu.memref_slice %arg17[%dma_start3A_458, %dma_start3A_459] : memref<512x128xf32, #tpu.memory_space<vmem_shared>> -> memref<512x128xf32, #tpu.memory_space<vmem_shared>>
    tpu.enqueue_indirect_dma source(%arg13 : memref<125x128xf32, #tpu.memory_space<vmem>>) target(%dma_start3A_460 : memref<512x128xf32, #tpu.memory_space<vmem_shared>>) offsets(%dma_start3A_457 : memref<125xi32, #tpu.memory_space<vmem>>) semaphore(%arg25 : memref<!tpu.dma_semaphore, #tpu.memory_space<semaphore_mem>>) {add = true}
    %scan3A_461 = arith.constant 88 : i32
    %scan3A_462 = arith.constant 8 : i32
    %scan3A_463 = arith.addi %scan3A_461, %scan3A_462 : i32
    %scan3A_464 = arith.constant 1 : i32
    %scan3A_465 = scf.for %scan3A_962 = %scan3A_461 to %scan3A_463 step %scan3A_464 iter_args(%scan3A_963 = %scan3A_427) -> (i32)  : i32 {
      %mul3A_964 = arith.constant 16 : i32
      %mul3A_965 = arith.muli %scan3A_962, %mul3A_964 : i32
      %multiple_of3A = tpu.assume_multiple %mul3A_965, 16 : i32
      %get3A = arith.index_cast %multiple_of3A : i32 to index
      %get3A_966 = tpu.vector_load %arg9[%get3A] {strides = array<i32>} : memref<3136xi32, #tpu.memory_space<vmem>>, vector<16xi32>,
      %add3A_967 = vector.broadcast %multiple_of3A : i32 to vector<16xi32>
      %add3A_968 = arith.addi %add3A_967, %iota3A : vector<16xi32>
      %add3A_969 = arith.constant 1 : i32
      %add3A_970 = vector.broadcast %add3A_969 : i32 to vector<16xi32>
      %add3A_971 = arith.addi %add3A_968, %add3A_970 : vector<16xi32>
      %min3A = arith.constant 3124 : i32
      %min3A_972 = vector.broadcast %min3A : i32 to vector<16xi32>
      %min3A_973 = arith.minsi %add3A_971, %min3A_972 : vector<16xi32>
      %gather3A = tpu.vector_load_idx %arg9[%min3A_973] : memref<3136xi32, #tpu.memory_space<vmem>>[vector<16xi32>], vector<16xi32>,
      %lt3A = arith.constant 3125 : i32
      %lt3A_974 = vector.broadcast %lt3A : i32 to vector<16xi32>
      %lt3A_975 = arith.cmpi slt, %add3A_968, %lt3A_974 : vector<16xi32>
      %ne3A = arith.cmpi ne, %get3A_966, %gather3A : vector<16xi32>
      %eq3A = arith.constant 3124 : i32
      %eq3A_976 = vector.broadcast %eq3A : i32 to vector<16xi32>
      %eq3A_977 = arith.cmpi eq, %add3A_968, %eq3A_976 : vector<16xi32>
      %or3A = arith.ori %ne3A, %eq3A_977 : vector<16xi1>
      %and3A = arith.andi %or3A, %lt3A_975 : vector<16xi1>
      %jit3A = arith.constant -1 : i32
      %broadcast_in_dim3A_978 = vector.broadcast %jit3A : i32 to vector<16xi32>
      %select_n3A = arith.select %and3A, %add3A_968, %broadcast_in_dim3A_978 : vector<16xi1>, vector<16xi32>
      %broadcast_in_dim3A_979 = arith.constant true
      %broadcast_in_dim3A_980 = vector.broadcast %broadcast_in_dim3A_979 : i1 to vector<16xi1>
      %masked_cummax3A = arith.constant -2147483648 : i32
      %masked_cummax3A_981 = vector.broadcast %masked_cummax3A : i32 to vector<16xi32>
      %masked_cummax3A_982 = arith.xori %select_n3A, %masked_cummax3A_981 : vector<16xi32>
      %masked_cummax3A_983 = tpu.scan <max>, %masked_cummax3A_982 masked %broadcast_in_dim3A_980 : vector<16xi32>, vector<16xi1> -> vector<16xi32>
      %masked_cummax3A_984 = arith.xori %masked_cummax3A_983, %masked_cummax3A_981 : vector<16xi32>
      %swap3A = arith.constant 0 : index
      %swap3A_985 = tpu.vector_load %arg16[%swap3A] {strides = array<i32>} : memref<16xi32, #tpu.memory_space<vmem>>, vector<16xi32>,
      tpu.vector_store %arg16[%swap3A], %masked_cummax3A_984 {strides = array<i32>} : memref<16xi32, #tpu.memory_space<vmem>>, vector<16xi32>,
      %sub3A = arith.constant 1 : i32
      %sub3A_986 = vector.broadcast %sub3A : i32 to vector<16xi32>
      %sub3A_987 = arith.subi %iota3A, %sub3A_986 : vector<16xi32>
      %max3A = arith.constant 0 : i32
      %max3A_988 = vector.broadcast %max3A : i32 to vector<16xi32>
      %max3A_989 = arith.maxsi %sub3A_987, %max3A_988 : vector<16xi32>
      %gather3A_990 = tpu.vector_load_idx %arg16[%max3A_989] : memref<16xi32, #tpu.memory_space<vmem>>[vector<16xi32>], vector<16xi32>,
      %eq3A_991 = arith.constant 0 : i32
      %eq3A_992 = vector.broadcast %eq3A_991 : i32 to vector<16xi32>
      %eq3A_993 = arith.cmpi eq, %iota3A, %eq3A_992 : vector<16xi32>
      %broadcast_in_dim3A_994 = vector.broadcast %scan3A_963 : i32 to vector<16xi32>
      %select_n3A_995 = arith.select %eq3A_993, %broadcast_in_dim3A_994, %gather3A_990 : vector<16xi1>, vector<16xi32>
      %max3A_996 = vector.broadcast %scan3A_963 : i32 to vector<16xi32>
      %max3A_997 = arith.maxsi %select_n3A_995, %max3A_996 : vector<16xi32>
      %sub3A_998 = arith.subi %add3A_968, %max3A_997 : vector<16xi32>
      %convert_element_type3A = arith.sitofp %sub3A_998 : vector<16xi32> to vector<16xf32>
      tpu.vector_store_idx %arg15[%get3A_966], %convert_element_type3A masked %and3A {add = true} : memref<512xf32, #tpu.memory_space<vmem>>[vector<16xi32>], vector<16xf32>, vector<16xi1>
      %reduce_max3A = arith.constant true
      %reduce_max3A_999 = vector.broadcast %reduce_max3A : i1 to vector<16xi1>
      %reduce_max3A_1000 = arith.constant -2147483648 : i32
      %reduce_max3A_1001 = vector.broadcast %reduce_max3A_1000 : i32 to vector<16xi32>
      %reduce_max3A_1002 = arith.xori %select_n3A, %reduce_max3A_1001 : vector<16xi32>
      %reduce_max3A_1003 = tpu.scan <max>, %reduce_max3A_1002 masked %reduce_max3A_999 : vector<16xi32>, vector<16xi1> -> vector<16xi32>
      %reduce_max3A_1004 = arith.xori %reduce_max3A_1003, %reduce_max3A_1001 : vector<16xi32>
      %reduce_max3A_1005 = vector.extract %reduce_max3A_1004[15] : i32 from vector<16xi32>
      %max3A_1006 = arith.maxsi %scan3A_963, %reduce_max3A_1005 : i32
      scf.yield %max3A_1006 : i32
    }
    %scan3A_466 = arith.constant 8 : i32
    %dma_wait3A_467 = arith.constant 10 : i32
    %dma_wait3A_468 = arith.constant 0 : i32
    %dma_wait3A_469 = tpu.memref_slice %arg8[%dma_wait3A_467, %dma_wait3A_468] : memref<25x125xi32, #tpu.memory_space<vmem>> -> memref<1x125xi32, #tpu.memory_space<vmem>>
    %dma_wait3A_470 = tpu.memref_squeeze %dma_wait3A_469 : memref<1x125xi32, #tpu.memory_space<vmem>> -> memref<125xi32, #tpu.memory_space<vmem>>
    %dma_wait3A_471 = arith.constant 0 : i32
    %dma_wait3A_472 = arith.constant 0 : i32
    %dma_wait3A_473 = tpu.memref_slice %arg17[%dma_wait3A_471, %dma_wait3A_472] : memref<512x128xf32, #tpu.memory_space<vmem_shared>> -> memref<512x128xf32, #tpu.memory_space<vmem_shared>>
    tpu.wait_indirect_dma semaphore(%arg24 : memref<!tpu.dma_semaphore, #tpu.memory_space<semaphore_mem>>) src(%arg12 : memref<125x128xf32, #tpu.memory_space<vmem>>) dst(%dma_wait3A_473 : memref<512x128xf32, #tpu.memory_space<vmem_shared>>)
    %dma_start3A_474 = arith.constant 14 : i32
    %dma_start3A_475 = arith.constant 0 : i32
    %dma_start3A_476 = arith.constant 0 : i32
    %dma_start3A_477 = tpu.memref_slice %arg2[%add3A, %dma_start3A_474, %dma_start3A_475, %dma_start3A_476] : memref<32x25x125x128xf32, #tpu.memory_space<hbm>> -> memref<1x1x125x128xf32, #tpu.memory_space<hbm>>
    %dma_start3A_478 = tpu.memref_squeeze %dma_start3A_477 : memref<1x1x125x128xf32, #tpu.memory_space<hbm>> -> memref<125x128xf32, #tpu.memory_space<hbm>>
    %dma_start3A_479 = arith.constant 0 : i32
    %dma_start3A_480 = arith.constant 0 : i32
    %dma_start3A_481 = tpu.memref_slice %arg2[%add3A, %dma_start3A_474, %dma_start3A_479, %dma_start3A_480] : memref<32x25x125x128xf32, #tpu.memory_space<hbm>> -> memref<1x1x125x128xf32, #tpu.memory_space<hbm>>
    %dma_start3A_482 = tpu.memref_squeeze %dma_start3A_481 : memref<1x1x125x128xf32, #tpu.memory_space<hbm>> -> memref<125x128xf32, #tpu.memory_space<hbm>>
    tpu.enqueue_dma source(%dma_start3A_482 : memref<125x128xf32, #tpu.memory_space<hbm>>) target(%arg12 : memref<125x128xf32, #tpu.memory_space<vmem>>) target_semaphore(%arg20 : memref<!tpu.dma_semaphore, #tpu.memory_space<semaphore_mem>>)
    %dma_wait3A_483 = arith.constant 12 : i32
    %dma_wait3A_484 = arith.constant 0 : i32
    %dma_wait3A_485 = arith.constant 0 : i32
    %dma_wait3A_486 = tpu.memref_slice %arg2[%add3A, %dma_wait3A_483, %dma_wait3A_484, %dma_wait3A_485] : memref<32x25x125x128xf32, #tpu.memory_space<hbm>> -> memref<1x1x125x128xf32, #tpu.memory_space<hbm>>
    %dma_wait3A_487 = tpu.memref_squeeze %dma_wait3A_486 : memref<1x1x125x128xf32, #tpu.memory_space<hbm>> -> memref<125x128xf32, #tpu.memory_space<hbm>>
    %dma_wait3A_488 = arith.constant 0 : i32
    %dma_wait3A_489 = arith.constant 0 : i32
    %dma_wait3A_490 = tpu.memref_slice %arg2[%add3A, %dma_wait3A_483, %dma_wait3A_488, %dma_wait3A_489] : memref<32x25x125x128xf32, #tpu.memory_space<hbm>> -> memref<1x1x125x128xf32, #tpu.memory_space<hbm>>
    %dma_wait3A_491 = tpu.memref_squeeze %dma_wait3A_490 : memref<1x1x125x128xf32, #tpu.memory_space<hbm>> -> memref<125x128xf32, #tpu.memory_space<hbm>>
    tpu.wait_dma2 semaphore(%arg18 : memref<!tpu.dma_semaphore, #tpu.memory_space<semaphore_mem>>) src(%dma_wait3A_491 : memref<125x128xf32, #tpu.memory_space<hbm>>) dst(%arg10 : memref<125x128xf32, #tpu.memory_space<vmem>>)
    %dma_start3A_492 = arith.constant 12 : i32
    %dma_start3A_493 = arith.constant 0 : i32
    %dma_start3A_494 = tpu.memref_slice %arg8[%dma_start3A_492, %dma_start3A_493] : memref<25x125xi32, #tpu.memory_space<vmem>> -> memref<1x125xi32, #tpu.memory_space<vmem>>
    %dma_start3A_495 = tpu.memref_squeeze %dma_start3A_494 : memref<1x125xi32, #tpu.memory_space<vmem>> -> memref<125xi32, #tpu.memory_space<vmem>>
    %dma_start3A_496 = arith.constant 0 : i32
    %dma_start3A_497 = arith.constant 0 : i32
    %dma_start3A_498 = tpu.memref_slice %arg17[%dma_start3A_496, %dma_start3A_497] : memref<512x128xf32, #tpu.memory_space<vmem_shared>> -> memref<512x128xf32, #tpu.memory_space<vmem_shared>>
    tpu.enqueue_indirect_dma source(%arg10 : memref<125x128xf32, #tpu.memory_space<vmem>>) target(%dma_start3A_498 : memref<512x128xf32, #tpu.memory_space<vmem_shared>>) offsets(%dma_start3A_495 : memref<125xi32, #tpu.memory_space<vmem>>) semaphore(%arg22 : memref<!tpu.dma_semaphore, #tpu.memory_space<semaphore_mem>>) {add = true}
    %scan3A_499 = arith.constant 96 : i32
    %scan3A_500 = arith.constant 8 : i32
    %scan3A_501 = arith.addi %scan3A_499, %scan3A_500 : i32
    %scan3A_502 = arith.constant 1 : i32
    %scan3A_503 = scf.for %scan3A_962 = %scan3A_499 to %scan3A_501 step %scan3A_502 iter_args(%scan3A_963 = %scan3A_465) -> (i32)  : i32 {
      %mul3A_964 = arith.constant 16 : i32
      %mul3A_965 = arith.muli %scan3A_962, %mul3A_964 : i32
      %multiple_of3A = tpu.assume_multiple %mul3A_965, 16 : i32
      %get3A = arith.index_cast %multiple_of3A : i32 to index
      %get3A_966 = tpu.vector_load %arg9[%get3A] {strides = array<i32>} : memref<3136xi32, #tpu.memory_space<vmem>>, vector<16xi32>,
      %add3A_967 = vector.broadcast %multiple_of3A : i32 to vector<16xi32>
      %add3A_968 = arith.addi %add3A_967, %iota3A : vector<16xi32>
      %add3A_969 = arith.constant 1 : i32
      %add3A_970 = vector.broadcast %add3A_969 : i32 to vector<16xi32>
      %add3A_971 = arith.addi %add3A_968, %add3A_970 : vector<16xi32>
      %min3A = arith.constant 3124 : i32
      %min3A_972 = vector.broadcast %min3A : i32 to vector<16xi32>
      %min3A_973 = arith.minsi %add3A_971, %min3A_972 : vector<16xi32>
      %gather3A = tpu.vector_load_idx %arg9[%min3A_973] : memref<3136xi32, #tpu.memory_space<vmem>>[vector<16xi32>], vector<16xi32>,
      %lt3A = arith.constant 3125 : i32
      %lt3A_974 = vector.broadcast %lt3A : i32 to vector<16xi32>
      %lt3A_975 = arith.cmpi slt, %add3A_968, %lt3A_974 : vector<16xi32>
      %ne3A = arith.cmpi ne, %get3A_966, %gather3A : vector<16xi32>
      %eq3A = arith.constant 3124 : i32
      %eq3A_976 = vector.broadcast %eq3A : i32 to vector<16xi32>
      %eq3A_977 = arith.cmpi eq, %add3A_968, %eq3A_976 : vector<16xi32>
      %or3A = arith.ori %ne3A, %eq3A_977 : vector<16xi1>
      %and3A = arith.andi %or3A, %lt3A_975 : vector<16xi1>
      %jit3A = arith.constant -1 : i32
      %broadcast_in_dim3A_978 = vector.broadcast %jit3A : i32 to vector<16xi32>
      %select_n3A = arith.select %and3A, %add3A_968, %broadcast_in_dim3A_978 : vector<16xi1>, vector<16xi32>
      %broadcast_in_dim3A_979 = arith.constant true
      %broadcast_in_dim3A_980 = vector.broadcast %broadcast_in_dim3A_979 : i1 to vector<16xi1>
      %masked_cummax3A = arith.constant -2147483648 : i32
      %masked_cummax3A_981 = vector.broadcast %masked_cummax3A : i32 to vector<16xi32>
      %masked_cummax3A_982 = arith.xori %select_n3A, %masked_cummax3A_981 : vector<16xi32>
      %masked_cummax3A_983 = tpu.scan <max>, %masked_cummax3A_982 masked %broadcast_in_dim3A_980 : vector<16xi32>, vector<16xi1> -> vector<16xi32>
      %masked_cummax3A_984 = arith.xori %masked_cummax3A_983, %masked_cummax3A_981 : vector<16xi32>
      %swap3A = arith.constant 0 : index
      %swap3A_985 = tpu.vector_load %arg16[%swap3A] {strides = array<i32>} : memref<16xi32, #tpu.memory_space<vmem>>, vector<16xi32>,
      tpu.vector_store %arg16[%swap3A], %masked_cummax3A_984 {strides = array<i32>} : memref<16xi32, #tpu.memory_space<vmem>>, vector<16xi32>,
      %sub3A = arith.constant 1 : i32
      %sub3A_986 = vector.broadcast %sub3A : i32 to vector<16xi32>
      %sub3A_987 = arith.subi %iota3A, %sub3A_986 : vector<16xi32>
      %max3A = arith.constant 0 : i32
      %max3A_988 = vector.broadcast %max3A : i32 to vector<16xi32>
      %max3A_989 = arith.maxsi %sub3A_987, %max3A_988 : vector<16xi32>
      %gather3A_990 = tpu.vector_load_idx %arg16[%max3A_989] : memref<16xi32, #tpu.memory_space<vmem>>[vector<16xi32>], vector<16xi32>,
      %eq3A_991 = arith.constant 0 : i32
      %eq3A_992 = vector.broadcast %eq3A_991 : i32 to vector<16xi32>
      %eq3A_993 = arith.cmpi eq, %iota3A, %eq3A_992 : vector<16xi32>
      %broadcast_in_dim3A_994 = vector.broadcast %scan3A_963 : i32 to vector<16xi32>
      %select_n3A_995 = arith.select %eq3A_993, %broadcast_in_dim3A_994, %gather3A_990 : vector<16xi1>, vector<16xi32>
      %max3A_996 = vector.broadcast %scan3A_963 : i32 to vector<16xi32>
      %max3A_997 = arith.maxsi %select_n3A_995, %max3A_996 : vector<16xi32>
      %sub3A_998 = arith.subi %add3A_968, %max3A_997 : vector<16xi32>
      %convert_element_type3A = arith.sitofp %sub3A_998 : vector<16xi32> to vector<16xf32>
      tpu.vector_store_idx %arg15[%get3A_966], %convert_element_type3A masked %and3A {add = true} : memref<512xf32, #tpu.memory_space<vmem>>[vector<16xi32>], vector<16xf32>, vector<16xi1>
      %reduce_max3A = arith.constant true
      %reduce_max3A_999 = vector.broadcast %reduce_max3A : i1 to vector<16xi1>
      %reduce_max3A_1000 = arith.constant -2147483648 : i32
      %reduce_max3A_1001 = vector.broadcast %reduce_max3A_1000 : i32 to vector<16xi32>
      %reduce_max3A_1002 = arith.xori %select_n3A, %reduce_max3A_1001 : vector<16xi32>
      %reduce_max3A_1003 = tpu.scan <max>, %reduce_max3A_1002 masked %reduce_max3A_999 : vector<16xi32>, vector<16xi1> -> vector<16xi32>
      %reduce_max3A_1004 = arith.xori %reduce_max3A_1003, %reduce_max3A_1001 : vector<16xi32>
      %reduce_max3A_1005 = vector.extract %reduce_max3A_1004[15] : i32 from vector<16xi32>
      %max3A_1006 = arith.maxsi %scan3A_963, %reduce_max3A_1005 : i32
      scf.yield %max3A_1006 : i32
    }
    %scan3A_504 = arith.constant 8 : i32
    %dma_wait3A_505 = arith.constant 11 : i32
    %dma_wait3A_506 = arith.constant 0 : i32
    %dma_wait3A_507 = tpu.memref_slice %arg8[%dma_wait3A_505, %dma_wait3A_506] : memref<25x125xi32, #tpu.memory_space<vmem>> -> memref<1x125xi32, #tpu.memory_space<vmem>>
    %dma_wait3A_508 = tpu.memref_squeeze %dma_wait3A_507 : memref<1x125xi32, #tpu.memory_space<vmem>> -> memref<125xi32, #tpu.memory_space<vmem>>
    %dma_wait3A_509 = arith.constant 0 : i32
    %dma_wait3A_510 = arith.constant 0 : i32
    %dma_wait3A_511 = tpu.memref_slice %arg17[%dma_wait3A_509, %dma_wait3A_510] : memref<512x128xf32, #tpu.memory_space<vmem_shared>> -> memref<512x128xf32, #tpu.memory_space<vmem_shared>>
    tpu.wait_indirect_dma semaphore(%arg25 : memref<!tpu.dma_semaphore, #tpu.memory_space<semaphore_mem>>) src(%arg13 : memref<125x128xf32, #tpu.memory_space<vmem>>) dst(%dma_wait3A_511 : memref<512x128xf32, #tpu.memory_space<vmem_shared>>)
    %dma_start3A_512 = arith.constant 15 : i32
    %dma_start3A_513 = arith.constant 0 : i32
    %dma_start3A_514 = arith.constant 0 : i32
    %dma_start3A_515 = tpu.memref_slice %arg2[%add3A, %dma_start3A_512, %dma_start3A_513, %dma_start3A_514] : memref<32x25x125x128xf32, #tpu.memory_space<hbm>> -> memref<1x1x125x128xf32, #tpu.memory_space<hbm>>
    %dma_start3A_516 = tpu.memref_squeeze %dma_start3A_515 : memref<1x1x125x128xf32, #tpu.memory_space<hbm>> -> memref<125x128xf32, #tpu.memory_space<hbm>>
    %dma_start3A_517 = arith.constant 0 : i32
    %dma_start3A_518 = arith.constant 0 : i32
    %dma_start3A_519 = tpu.memref_slice %arg2[%add3A, %dma_start3A_512, %dma_start3A_517, %dma_start3A_518] : memref<32x25x125x128xf32, #tpu.memory_space<hbm>> -> memref<1x1x125x128xf32, #tpu.memory_space<hbm>>
    %dma_start3A_520 = tpu.memref_squeeze %dma_start3A_519 : memref<1x1x125x128xf32, #tpu.memory_space<hbm>> -> memref<125x128xf32, #tpu.memory_space<hbm>>
    tpu.enqueue_dma source(%dma_start3A_520 : memref<125x128xf32, #tpu.memory_space<hbm>>) target(%arg13 : memref<125x128xf32, #tpu.memory_space<vmem>>) target_semaphore(%arg21 : memref<!tpu.dma_semaphore, #tpu.memory_space<semaphore_mem>>)
    %dma_wait3A_521 = arith.constant 13 : i32
    %dma_wait3A_522 = arith.constant 0 : i32
    %dma_wait3A_523 = arith.constant 0 : i32
    %dma_wait3A_524 = tpu.memref_slice %arg2[%add3A, %dma_wait3A_521, %dma_wait3A_522, %dma_wait3A_523] : memref<32x25x125x128xf32, #tpu.memory_space<hbm>> -> memref<1x1x125x128xf32, #tpu.memory_space<hbm>>
    %dma_wait3A_525 = tpu.memref_squeeze %dma_wait3A_524 : memref<1x1x125x128xf32, #tpu.memory_space<hbm>> -> memref<125x128xf32, #tpu.memory_space<hbm>>
    %dma_wait3A_526 = arith.constant 0 : i32
    %dma_wait3A_527 = arith.constant 0 : i32
    %dma_wait3A_528 = tpu.memref_slice %arg2[%add3A, %dma_wait3A_521, %dma_wait3A_526, %dma_wait3A_527] : memref<32x25x125x128xf32, #tpu.memory_space<hbm>> -> memref<1x1x125x128xf32, #tpu.memory_space<hbm>>
    %dma_wait3A_529 = tpu.memref_squeeze %dma_wait3A_528 : memref<1x1x125x128xf32, #tpu.memory_space<hbm>> -> memref<125x128xf32, #tpu.memory_space<hbm>>
    tpu.wait_dma2 semaphore(%arg19 : memref<!tpu.dma_semaphore, #tpu.memory_space<semaphore_mem>>) src(%dma_wait3A_529 : memref<125x128xf32, #tpu.memory_space<hbm>>) dst(%arg11 : memref<125x128xf32, #tpu.memory_space<vmem>>)
    %dma_start3A_530 = arith.constant 13 : i32
    %dma_start3A_531 = arith.constant 0 : i32
    %dma_start3A_532 = tpu.memref_slice %arg8[%dma_start3A_530, %dma_start3A_531] : memref<25x125xi32, #tpu.memory_space<vmem>> -> memref<1x125xi32, #tpu.memory_space<vmem>>
    %dma_start3A_533 = tpu.memref_squeeze %dma_start3A_532 : memref<1x125xi32, #tpu.memory_space<vmem>> -> memref<125xi32, #tpu.memory_space<vmem>>
    %dma_start3A_534 = arith.constant 0 : i32
    %dma_start3A_535 = arith.constant 0 : i32
    %dma_start3A_536 = tpu.memref_slice %arg17[%dma_start3A_534, %dma_start3A_535] : memref<512x128xf32, #tpu.memory_space<vmem_shared>> -> memref<512x128xf32, #tpu.memory_space<vmem_shared>>
    tpu.enqueue_indirect_dma source(%arg11 : memref<125x128xf32, #tpu.memory_space<vmem>>) target(%dma_start3A_536 : memref<512x128xf32, #tpu.memory_space<vmem_shared>>) offsets(%dma_start3A_533 : memref<125xi32, #tpu.memory_space<vmem>>) semaphore(%arg23 : memref<!tpu.dma_semaphore, #tpu.memory_space<semaphore_mem>>) {add = true}
    %scan3A_537 = arith.constant 104 : i32
    %scan3A_538 = arith.constant 8 : i32
    %scan3A_539 = arith.addi %scan3A_537, %scan3A_538 : i32
    %scan3A_540 = arith.constant 1 : i32
    %scan3A_541 = scf.for %scan3A_962 = %scan3A_537 to %scan3A_539 step %scan3A_540 iter_args(%scan3A_963 = %scan3A_503) -> (i32)  : i32 {
      %mul3A_964 = arith.constant 16 : i32
      %mul3A_965 = arith.muli %scan3A_962, %mul3A_964 : i32
      %multiple_of3A = tpu.assume_multiple %mul3A_965, 16 : i32
      %get3A = arith.index_cast %multiple_of3A : i32 to index
      %get3A_966 = tpu.vector_load %arg9[%get3A] {strides = array<i32>} : memref<3136xi32, #tpu.memory_space<vmem>>, vector<16xi32>,
      %add3A_967 = vector.broadcast %multiple_of3A : i32 to vector<16xi32>
      %add3A_968 = arith.addi %add3A_967, %iota3A : vector<16xi32>
      %add3A_969 = arith.constant 1 : i32
      %add3A_970 = vector.broadcast %add3A_969 : i32 to vector<16xi32>
      %add3A_971 = arith.addi %add3A_968, %add3A_970 : vector<16xi32>
      %min3A = arith.constant 3124 : i32
      %min3A_972 = vector.broadcast %min3A : i32 to vector<16xi32>
      %min3A_973 = arith.minsi %add3A_971, %min3A_972 : vector<16xi32>
      %gather3A = tpu.vector_load_idx %arg9[%min3A_973] : memref<3136xi32, #tpu.memory_space<vmem>>[vector<16xi32>], vector<16xi32>,
      %lt3A = arith.constant 3125 : i32
      %lt3A_974 = vector.broadcast %lt3A : i32 to vector<16xi32>
      %lt3A_975 = arith.cmpi slt, %add3A_968, %lt3A_974 : vector<16xi32>
      %ne3A = arith.cmpi ne, %get3A_966, %gather3A : vector<16xi32>
      %eq3A = arith.constant 3124 : i32
      %eq3A_976 = vector.broadcast %eq3A : i32 to vector<16xi32>
      %eq3A_977 = arith.cmpi eq, %add3A_968, %eq3A_976 : vector<16xi32>
      %or3A = arith.ori %ne3A, %eq3A_977 : vector<16xi1>
      %and3A = arith.andi %or3A, %lt3A_975 : vector<16xi1>
      %jit3A = arith.constant -1 : i32
      %broadcast_in_dim3A_978 = vector.broadcast %jit3A : i32 to vector<16xi32>
      %select_n3A = arith.select %and3A, %add3A_968, %broadcast_in_dim3A_978 : vector<16xi1>, vector<16xi32>
      %broadcast_in_dim3A_979 = arith.constant true
      %broadcast_in_dim3A_980 = vector.broadcast %broadcast_in_dim3A_979 : i1 to vector<16xi1>
      %masked_cummax3A = arith.constant -2147483648 : i32
      %masked_cummax3A_981 = vector.broadcast %masked_cummax3A : i32 to vector<16xi32>
      %masked_cummax3A_982 = arith.xori %select_n3A, %masked_cummax3A_981 : vector<16xi32>
      %masked_cummax3A_983 = tpu.scan <max>, %masked_cummax3A_982 masked %broadcast_in_dim3A_980 : vector<16xi32>, vector<16xi1> -> vector<16xi32>
      %masked_cummax3A_984 = arith.xori %masked_cummax3A_983, %masked_cummax3A_981 : vector<16xi32>
      %swap3A = arith.constant 0 : index
      %swap3A_985 = tpu.vector_load %arg16[%swap3A] {strides = array<i32>} : memref<16xi32, #tpu.memory_space<vmem>>, vector<16xi32>,
      tpu.vector_store %arg16[%swap3A], %masked_cummax3A_984 {strides = array<i32>} : memref<16xi32, #tpu.memory_space<vmem>>, vector<16xi32>,
      %sub3A = arith.constant 1 : i32
      %sub3A_986 = vector.broadcast %sub3A : i32 to vector<16xi32>
      %sub3A_987 = arith.subi %iota3A, %sub3A_986 : vector<16xi32>
      %max3A = arith.constant 0 : i32
      %max3A_988 = vector.broadcast %max3A : i32 to vector<16xi32>
      %max3A_989 = arith.maxsi %sub3A_987, %max3A_988 : vector<16xi32>
      %gather3A_990 = tpu.vector_load_idx %arg16[%max3A_989] : memref<16xi32, #tpu.memory_space<vmem>>[vector<16xi32>], vector<16xi32>,
      %eq3A_991 = arith.constant 0 : i32
      %eq3A_992 = vector.broadcast %eq3A_991 : i32 to vector<16xi32>
      %eq3A_993 = arith.cmpi eq, %iota3A, %eq3A_992 : vector<16xi32>
      %broadcast_in_dim3A_994 = vector.broadcast %scan3A_963 : i32 to vector<16xi32>
      %select_n3A_995 = arith.select %eq3A_993, %broadcast_in_dim3A_994, %gather3A_990 : vector<16xi1>, vector<16xi32>
      %max3A_996 = vector.broadcast %scan3A_963 : i32 to vector<16xi32>
      %max3A_997 = arith.maxsi %select_n3A_995, %max3A_996 : vector<16xi32>
      %sub3A_998 = arith.subi %add3A_968, %max3A_997 : vector<16xi32>
      %convert_element_type3A = arith.sitofp %sub3A_998 : vector<16xi32> to vector<16xf32>
      tpu.vector_store_idx %arg15[%get3A_966], %convert_element_type3A masked %and3A {add = true} : memref<512xf32, #tpu.memory_space<vmem>>[vector<16xi32>], vector<16xf32>, vector<16xi1>
      %reduce_max3A = arith.constant true
      %reduce_max3A_999 = vector.broadcast %reduce_max3A : i1 to vector<16xi1>
      %reduce_max3A_1000 = arith.constant -2147483648 : i32
      %reduce_max3A_1001 = vector.broadcast %reduce_max3A_1000 : i32 to vector<16xi32>
      %reduce_max3A_1002 = arith.xori %select_n3A, %reduce_max3A_1001 : vector<16xi32>
      %reduce_max3A_1003 = tpu.scan <max>, %reduce_max3A_1002 masked %reduce_max3A_999 : vector<16xi32>, vector<16xi1> -> vector<16xi32>
      %reduce_max3A_1004 = arith.xori %reduce_max3A_1003, %reduce_max3A_1001 : vector<16xi32>
      %reduce_max3A_1005 = vector.extract %reduce_max3A_1004[15] : i32 from vector<16xi32>
      %max3A_1006 = arith.maxsi %scan3A_963, %reduce_max3A_1005 : i32
      scf.yield %max3A_1006 : i32
    }
    %scan3A_542 = arith.constant 8 : i32
    %dma_wait3A_543 = arith.constant 12 : i32
    %dma_wait3A_544 = arith.constant 0 : i32
    %dma_wait3A_545 = tpu.memref_slice %arg8[%dma_wait3A_543, %dma_wait3A_544] : memref<25x125xi32, #tpu.memory_space<vmem>> -> memref<1x125xi32, #tpu.memory_space<vmem>>
    %dma_wait3A_546 = tpu.memref_squeeze %dma_wait3A_545 : memref<1x125xi32, #tpu.memory_space<vmem>> -> memref<125xi32, #tpu.memory_space<vmem>>
    %dma_wait3A_547 = arith.constant 0 : i32
    %dma_wait3A_548 = arith.constant 0 : i32
    %dma_wait3A_549 = tpu.memref_slice %arg17[%dma_wait3A_547, %dma_wait3A_548] : memref<512x128xf32, #tpu.memory_space<vmem_shared>> -> memref<512x128xf32, #tpu.memory_space<vmem_shared>>
    tpu.wait_indirect_dma semaphore(%arg22 : memref<!tpu.dma_semaphore, #tpu.memory_space<semaphore_mem>>) src(%arg10 : memref<125x128xf32, #tpu.memory_space<vmem>>) dst(%dma_wait3A_549 : memref<512x128xf32, #tpu.memory_space<vmem_shared>>)
    %dma_start3A_550 = arith.constant 16 : i32
    %dma_start3A_551 = arith.constant 0 : i32
    %dma_start3A_552 = arith.constant 0 : i32
    %dma_start3A_553 = tpu.memref_slice %arg2[%add3A, %dma_start3A_550, %dma_start3A_551, %dma_start3A_552] : memref<32x25x125x128xf32, #tpu.memory_space<hbm>> -> memref<1x1x125x128xf32, #tpu.memory_space<hbm>>
    %dma_start3A_554 = tpu.memref_squeeze %dma_start3A_553 : memref<1x1x125x128xf32, #tpu.memory_space<hbm>> -> memref<125x128xf32, #tpu.memory_space<hbm>>
    %dma_start3A_555 = arith.constant 0 : i32
    %dma_start3A_556 = arith.constant 0 : i32
    %dma_start3A_557 = tpu.memref_slice %arg2[%add3A, %dma_start3A_550, %dma_start3A_555, %dma_start3A_556] : memref<32x25x125x128xf32, #tpu.memory_space<hbm>> -> memref<1x1x125x128xf32, #tpu.memory_space<hbm>>
    %dma_start3A_558 = tpu.memref_squeeze %dma_start3A_557 : memref<1x1x125x128xf32, #tpu.memory_space<hbm>> -> memref<125x128xf32, #tpu.memory_space<hbm>>
    tpu.enqueue_dma source(%dma_start3A_558 : memref<125x128xf32, #tpu.memory_space<hbm>>) target(%arg10 : memref<125x128xf32, #tpu.memory_space<vmem>>) target_semaphore(%arg18 : memref<!tpu.dma_semaphore, #tpu.memory_space<semaphore_mem>>)
    %dma_wait3A_559 = arith.constant 14 : i32
    %dma_wait3A_560 = arith.constant 0 : i32
    %dma_wait3A_561 = arith.constant 0 : i32
    %dma_wait3A_562 = tpu.memref_slice %arg2[%add3A, %dma_wait3A_559, %dma_wait3A_560, %dma_wait3A_561] : memref<32x25x125x128xf32, #tpu.memory_space<hbm>> -> memref<1x1x125x128xf32, #tpu.memory_space<hbm>>
    %dma_wait3A_563 = tpu.memref_squeeze %dma_wait3A_562 : memref<1x1x125x128xf32, #tpu.memory_space<hbm>> -> memref<125x128xf32, #tpu.memory_space<hbm>>
    %dma_wait3A_564 = arith.constant 0 : i32
    %dma_wait3A_565 = arith.constant 0 : i32
    %dma_wait3A_566 = tpu.memref_slice %arg2[%add3A, %dma_wait3A_559, %dma_wait3A_564, %dma_wait3A_565] : memref<32x25x125x128xf32, #tpu.memory_space<hbm>> -> memref<1x1x125x128xf32, #tpu.memory_space<hbm>>
    %dma_wait3A_567 = tpu.memref_squeeze %dma_wait3A_566 : memref<1x1x125x128xf32, #tpu.memory_space<hbm>> -> memref<125x128xf32, #tpu.memory_space<hbm>>
    tpu.wait_dma2 semaphore(%arg20 : memref<!tpu.dma_semaphore, #tpu.memory_space<semaphore_mem>>) src(%dma_wait3A_567 : memref<125x128xf32, #tpu.memory_space<hbm>>) dst(%arg12 : memref<125x128xf32, #tpu.memory_space<vmem>>)
    %dma_start3A_568 = arith.constant 14 : i32
    %dma_start3A_569 = arith.constant 0 : i32
    %dma_start3A_570 = tpu.memref_slice %arg8[%dma_start3A_568, %dma_start3A_569] : memref<25x125xi32, #tpu.memory_space<vmem>> -> memref<1x125xi32, #tpu.memory_space<vmem>>
    %dma_start3A_571 = tpu.memref_squeeze %dma_start3A_570 : memref<1x125xi32, #tpu.memory_space<vmem>> -> memref<125xi32, #tpu.memory_space<vmem>>
    %dma_start3A_572 = arith.constant 0 : i32
    %dma_start3A_573 = arith.constant 0 : i32
    %dma_start3A_574 = tpu.memref_slice %arg17[%dma_start3A_572, %dma_start3A_573] : memref<512x128xf32, #tpu.memory_space<vmem_shared>> -> memref<512x128xf32, #tpu.memory_space<vmem_shared>>
    tpu.enqueue_indirect_dma source(%arg12 : memref<125x128xf32, #tpu.memory_space<vmem>>) target(%dma_start3A_574 : memref<512x128xf32, #tpu.memory_space<vmem_shared>>) offsets(%dma_start3A_571 : memref<125xi32, #tpu.memory_space<vmem>>) semaphore(%arg24 : memref<!tpu.dma_semaphore, #tpu.memory_space<semaphore_mem>>) {add = true}
    %scan3A_575 = arith.constant 112 : i32
    %scan3A_576 = arith.constant 8 : i32
    %scan3A_577 = arith.addi %scan3A_575, %scan3A_576 : i32
    %scan3A_578 = arith.constant 1 : i32
    %scan3A_579 = scf.for %scan3A_962 = %scan3A_575 to %scan3A_577 step %scan3A_578 iter_args(%scan3A_963 = %scan3A_541) -> (i32)  : i32 {
      %mul3A_964 = arith.constant 16 : i32
      %mul3A_965 = arith.muli %scan3A_962, %mul3A_964 : i32
      %multiple_of3A = tpu.assume_multiple %mul3A_965, 16 : i32
      %get3A = arith.index_cast %multiple_of3A : i32 to index
      %get3A_966 = tpu.vector_load %arg9[%get3A] {strides = array<i32>} : memref<3136xi32, #tpu.memory_space<vmem>>, vector<16xi32>,
      %add3A_967 = vector.broadcast %multiple_of3A : i32 to vector<16xi32>
      %add3A_968 = arith.addi %add3A_967, %iota3A : vector<16xi32>
      %add3A_969 = arith.constant 1 : i32
      %add3A_970 = vector.broadcast %add3A_969 : i32 to vector<16xi32>
      %add3A_971 = arith.addi %add3A_968, %add3A_970 : vector<16xi32>
      %min3A = arith.constant 3124 : i32
      %min3A_972 = vector.broadcast %min3A : i32 to vector<16xi32>
      %min3A_973 = arith.minsi %add3A_971, %min3A_972 : vector<16xi32>
      %gather3A = tpu.vector_load_idx %arg9[%min3A_973] : memref<3136xi32, #tpu.memory_space<vmem>>[vector<16xi32>], vector<16xi32>,
      %lt3A = arith.constant 3125 : i32
      %lt3A_974 = vector.broadcast %lt3A : i32 to vector<16xi32>
      %lt3A_975 = arith.cmpi slt, %add3A_968, %lt3A_974 : vector<16xi32>
      %ne3A = arith.cmpi ne, %get3A_966, %gather3A : vector<16xi32>
      %eq3A = arith.constant 3124 : i32
      %eq3A_976 = vector.broadcast %eq3A : i32 to vector<16xi32>
      %eq3A_977 = arith.cmpi eq, %add3A_968, %eq3A_976 : vector<16xi32>
      %or3A = arith.ori %ne3A, %eq3A_977 : vector<16xi1>
      %and3A = arith.andi %or3A, %lt3A_975 : vector<16xi1>
      %jit3A = arith.constant -1 : i32
      %broadcast_in_dim3A_978 = vector.broadcast %jit3A : i32 to vector<16xi32>
      %select_n3A = arith.select %and3A, %add3A_968, %broadcast_in_dim3A_978 : vector<16xi1>, vector<16xi32>
      %broadcast_in_dim3A_979 = arith.constant true
      %broadcast_in_dim3A_980 = vector.broadcast %broadcast_in_dim3A_979 : i1 to vector<16xi1>
      %masked_cummax3A = arith.constant -2147483648 : i32
      %masked_cummax3A_981 = vector.broadcast %masked_cummax3A : i32 to vector<16xi32>
      %masked_cummax3A_982 = arith.xori %select_n3A, %masked_cummax3A_981 : vector<16xi32>
      %masked_cummax3A_983 = tpu.scan <max>, %masked_cummax3A_982 masked %broadcast_in_dim3A_980 : vector<16xi32>, vector<16xi1> -> vector<16xi32>
      %masked_cummax3A_984 = arith.xori %masked_cummax3A_983, %masked_cummax3A_981 : vector<16xi32>
      %swap3A = arith.constant 0 : index
      %swap3A_985 = tpu.vector_load %arg16[%swap3A] {strides = array<i32>} : memref<16xi32, #tpu.memory_space<vmem>>, vector<16xi32>,
      tpu.vector_store %arg16[%swap3A], %masked_cummax3A_984 {strides = array<i32>} : memref<16xi32, #tpu.memory_space<vmem>>, vector<16xi32>,
      %sub3A = arith.constant 1 : i32
      %sub3A_986 = vector.broadcast %sub3A : i32 to vector<16xi32>
      %sub3A_987 = arith.subi %iota3A, %sub3A_986 : vector<16xi32>
      %max3A = arith.constant 0 : i32
      %max3A_988 = vector.broadcast %max3A : i32 to vector<16xi32>
      %max3A_989 = arith.maxsi %sub3A_987, %max3A_988 : vector<16xi32>
      %gather3A_990 = tpu.vector_load_idx %arg16[%max3A_989] : memref<16xi32, #tpu.memory_space<vmem>>[vector<16xi32>], vector<16xi32>,
      %eq3A_991 = arith.constant 0 : i32
      %eq3A_992 = vector.broadcast %eq3A_991 : i32 to vector<16xi32>
      %eq3A_993 = arith.cmpi eq, %iota3A, %eq3A_992 : vector<16xi32>
      %broadcast_in_dim3A_994 = vector.broadcast %scan3A_963 : i32 to vector<16xi32>
      %select_n3A_995 = arith.select %eq3A_993, %broadcast_in_dim3A_994, %gather3A_990 : vector<16xi1>, vector<16xi32>
      %max3A_996 = vector.broadcast %scan3A_963 : i32 to vector<16xi32>
      %max3A_997 = arith.maxsi %select_n3A_995, %max3A_996 : vector<16xi32>
      %sub3A_998 = arith.subi %add3A_968, %max3A_997 : vector<16xi32>
      %convert_element_type3A = arith.sitofp %sub3A_998 : vector<16xi32> to vector<16xf32>
      tpu.vector_store_idx %arg15[%get3A_966], %convert_element_type3A masked %and3A {add = true} : memref<512xf32, #tpu.memory_space<vmem>>[vector<16xi32>], vector<16xf32>, vector<16xi1>
      %reduce_max3A = arith.constant true
      %reduce_max3A_999 = vector.broadcast %reduce_max3A : i1 to vector<16xi1>
      %reduce_max3A_1000 = arith.constant -2147483648 : i32
      %reduce_max3A_1001 = vector.broadcast %reduce_max3A_1000 : i32 to vector<16xi32>
      %reduce_max3A_1002 = arith.xori %select_n3A, %reduce_max3A_1001 : vector<16xi32>
      %reduce_max3A_1003 = tpu.scan <max>, %reduce_max3A_1002 masked %reduce_max3A_999 : vector<16xi32>, vector<16xi1> -> vector<16xi32>
      %reduce_max3A_1004 = arith.xori %reduce_max3A_1003, %reduce_max3A_1001 : vector<16xi32>
      %reduce_max3A_1005 = vector.extract %reduce_max3A_1004[15] : i32 from vector<16xi32>
      %max3A_1006 = arith.maxsi %scan3A_963, %reduce_max3A_1005 : i32
      scf.yield %max3A_1006 : i32
    }
    %scan3A_580 = arith.constant 8 : i32
    %dma_wait3A_581 = arith.constant 13 : i32
    %dma_wait3A_582 = arith.constant 0 : i32
    %dma_wait3A_583 = tpu.memref_slice %arg8[%dma_wait3A_581, %dma_wait3A_582] : memref<25x125xi32, #tpu.memory_space<vmem>> -> memref<1x125xi32, #tpu.memory_space<vmem>>
    %dma_wait3A_584 = tpu.memref_squeeze %dma_wait3A_583 : memref<1x125xi32, #tpu.memory_space<vmem>> -> memref<125xi32, #tpu.memory_space<vmem>>
    %dma_wait3A_585 = arith.constant 0 : i32
    %dma_wait3A_586 = arith.constant 0 : i32
    %dma_wait3A_587 = tpu.memref_slice %arg17[%dma_wait3A_585, %dma_wait3A_586] : memref<512x128xf32, #tpu.memory_space<vmem_shared>> -> memref<512x128xf32, #tpu.memory_space<vmem_shared>>
    tpu.wait_indirect_dma semaphore(%arg23 : memref<!tpu.dma_semaphore, #tpu.memory_space<semaphore_mem>>) src(%arg11 : memref<125x128xf32, #tpu.memory_space<vmem>>) dst(%dma_wait3A_587 : memref<512x128xf32, #tpu.memory_space<vmem_shared>>)
    %dma_start3A_588 = arith.constant 17 : i32
    %dma_start3A_589 = arith.constant 0 : i32
    %dma_start3A_590 = arith.constant 0 : i32
    %dma_start3A_591 = tpu.memref_slice %arg2[%add3A, %dma_start3A_588, %dma_start3A_589, %dma_start3A_590] : memref<32x25x125x128xf32, #tpu.memory_space<hbm>> -> memref<1x1x125x128xf32, #tpu.memory_space<hbm>>
    %dma_start3A_592 = tpu.memref_squeeze %dma_start3A_591 : memref<1x1x125x128xf32, #tpu.memory_space<hbm>> -> memref<125x128xf32, #tpu.memory_space<hbm>>
    %dma_start3A_593 = arith.constant 0 : i32
    %dma_start3A_594 = arith.constant 0 : i32
    %dma_start3A_595 = tpu.memref_slice %arg2[%add3A, %dma_start3A_588, %dma_start3A_593, %dma_start3A_594] : memref<32x25x125x128xf32, #tpu.memory_space<hbm>> -> memref<1x1x125x128xf32, #tpu.memory_space<hbm>>
    %dma_start3A_596 = tpu.memref_squeeze %dma_start3A_595 : memref<1x1x125x128xf32, #tpu.memory_space<hbm>> -> memref<125x128xf32, #tpu.memory_space<hbm>>
    tpu.enqueue_dma source(%dma_start3A_596 : memref<125x128xf32, #tpu.memory_space<hbm>>) target(%arg11 : memref<125x128xf32, #tpu.memory_space<vmem>>) target_semaphore(%arg19 : memref<!tpu.dma_semaphore, #tpu.memory_space<semaphore_mem>>)
    %dma_wait3A_597 = arith.constant 15 : i32
    %dma_wait3A_598 = arith.constant 0 : i32
    %dma_wait3A_599 = arith.constant 0 : i32
    %dma_wait3A_600 = tpu.memref_slice %arg2[%add3A, %dma_wait3A_597, %dma_wait3A_598, %dma_wait3A_599] : memref<32x25x125x128xf32, #tpu.memory_space<hbm>> -> memref<1x1x125x128xf32, #tpu.memory_space<hbm>>
    %dma_wait3A_601 = tpu.memref_squeeze %dma_wait3A_600 : memref<1x1x125x128xf32, #tpu.memory_space<hbm>> -> memref<125x128xf32, #tpu.memory_space<hbm>>
    %dma_wait3A_602 = arith.constant 0 : i32
    %dma_wait3A_603 = arith.constant 0 : i32
    %dma_wait3A_604 = tpu.memref_slice %arg2[%add3A, %dma_wait3A_597, %dma_wait3A_602, %dma_wait3A_603] : memref<32x25x125x128xf32, #tpu.memory_space<hbm>> -> memref<1x1x125x128xf32, #tpu.memory_space<hbm>>
    %dma_wait3A_605 = tpu.memref_squeeze %dma_wait3A_604 : memref<1x1x125x128xf32, #tpu.memory_space<hbm>> -> memref<125x128xf32, #tpu.memory_space<hbm>>
    tpu.wait_dma2 semaphore(%arg21 : memref<!tpu.dma_semaphore, #tpu.memory_space<semaphore_mem>>) src(%dma_wait3A_605 : memref<125x128xf32, #tpu.memory_space<hbm>>) dst(%arg13 : memref<125x128xf32, #tpu.memory_space<vmem>>)
    %dma_start3A_606 = arith.constant 15 : i32
    %dma_start3A_607 = arith.constant 0 : i32
    %dma_start3A_608 = tpu.memref_slice %arg8[%dma_start3A_606, %dma_start3A_607] : memref<25x125xi32, #tpu.memory_space<vmem>> -> memref<1x125xi32, #tpu.memory_space<vmem>>
    %dma_start3A_609 = tpu.memref_squeeze %dma_start3A_608 : memref<1x125xi32, #tpu.memory_space<vmem>> -> memref<125xi32, #tpu.memory_space<vmem>>
    %dma_start3A_610 = arith.constant 0 : i32
    %dma_start3A_611 = arith.constant 0 : i32
    %dma_start3A_612 = tpu.memref_slice %arg17[%dma_start3A_610, %dma_start3A_611] : memref<512x128xf32, #tpu.memory_space<vmem_shared>> -> memref<512x128xf32, #tpu.memory_space<vmem_shared>>
    tpu.enqueue_indirect_dma source(%arg13 : memref<125x128xf32, #tpu.memory_space<vmem>>) target(%dma_start3A_612 : memref<512x128xf32, #tpu.memory_space<vmem_shared>>) offsets(%dma_start3A_609 : memref<125xi32, #tpu.memory_space<vmem>>) semaphore(%arg25 : memref<!tpu.dma_semaphore, #tpu.memory_space<semaphore_mem>>) {add = true}
    %scan3A_613 = arith.constant 120 : i32
    %scan3A_614 = arith.constant 8 : i32
    %scan3A_615 = arith.addi %scan3A_613, %scan3A_614 : i32
    %scan3A_616 = arith.constant 1 : i32
    %scan3A_617 = scf.for %scan3A_962 = %scan3A_613 to %scan3A_615 step %scan3A_616 iter_args(%scan3A_963 = %scan3A_579) -> (i32)  : i32 {
      %mul3A_964 = arith.constant 16 : i32
      %mul3A_965 = arith.muli %scan3A_962, %mul3A_964 : i32
      %multiple_of3A = tpu.assume_multiple %mul3A_965, 16 : i32
      %get3A = arith.index_cast %multiple_of3A : i32 to index
      %get3A_966 = tpu.vector_load %arg9[%get3A] {strides = array<i32>} : memref<3136xi32, #tpu.memory_space<vmem>>, vector<16xi32>,
      %add3A_967 = vector.broadcast %multiple_of3A : i32 to vector<16xi32>
      %add3A_968 = arith.addi %add3A_967, %iota3A : vector<16xi32>
      %add3A_969 = arith.constant 1 : i32
      %add3A_970 = vector.broadcast %add3A_969 : i32 to vector<16xi32>
      %add3A_971 = arith.addi %add3A_968, %add3A_970 : vector<16xi32>
      %min3A = arith.constant 3124 : i32
      %min3A_972 = vector.broadcast %min3A : i32 to vector<16xi32>
      %min3A_973 = arith.minsi %add3A_971, %min3A_972 : vector<16xi32>
      %gather3A = tpu.vector_load_idx %arg9[%min3A_973] : memref<3136xi32, #tpu.memory_space<vmem>>[vector<16xi32>], vector<16xi32>,
      %lt3A = arith.constant 3125 : i32
      %lt3A_974 = vector.broadcast %lt3A : i32 to vector<16xi32>
      %lt3A_975 = arith.cmpi slt, %add3A_968, %lt3A_974 : vector<16xi32>
      %ne3A = arith.cmpi ne, %get3A_966, %gather3A : vector<16xi32>
      %eq3A = arith.constant 3124 : i32
      %eq3A_976 = vector.broadcast %eq3A : i32 to vector<16xi32>
      %eq3A_977 = arith.cmpi eq, %add3A_968, %eq3A_976 : vector<16xi32>
      %or3A = arith.ori %ne3A, %eq3A_977 : vector<16xi1>
      %and3A = arith.andi %or3A, %lt3A_975 : vector<16xi1>
      %jit3A = arith.constant -1 : i32
      %broadcast_in_dim3A_978 = vector.broadcast %jit3A : i32 to vector<16xi32>
      %select_n3A = arith.select %and3A, %add3A_968, %broadcast_in_dim3A_978 : vector<16xi1>, vector<16xi32>
      %broadcast_in_dim3A_979 = arith.constant true
      %broadcast_in_dim3A_980 = vector.broadcast %broadcast_in_dim3A_979 : i1 to vector<16xi1>
      %masked_cummax3A = arith.constant -2147483648 : i32
      %masked_cummax3A_981 = vector.broadcast %masked_cummax3A : i32 to vector<16xi32>
      %masked_cummax3A_982 = arith.xori %select_n3A, %masked_cummax3A_981 : vector<16xi32>
      %masked_cummax3A_983 = tpu.scan <max>, %masked_cummax3A_982 masked %broadcast_in_dim3A_980 : vector<16xi32>, vector<16xi1> -> vector<16xi32>
      %masked_cummax3A_984 = arith.xori %masked_cummax3A_983, %masked_cummax3A_981 : vector<16xi32>
      %swap3A = arith.constant 0 : index
      %swap3A_985 = tpu.vector_load %arg16[%swap3A] {strides = array<i32>} : memref<16xi32, #tpu.memory_space<vmem>>, vector<16xi32>,
      tpu.vector_store %arg16[%swap3A], %masked_cummax3A_984 {strides = array<i32>} : memref<16xi32, #tpu.memory_space<vmem>>, vector<16xi32>,
      %sub3A = arith.constant 1 : i32
      %sub3A_986 = vector.broadcast %sub3A : i32 to vector<16xi32>
      %sub3A_987 = arith.subi %iota3A, %sub3A_986 : vector<16xi32>
      %max3A = arith.constant 0 : i32
      %max3A_988 = vector.broadcast %max3A : i32 to vector<16xi32>
      %max3A_989 = arith.maxsi %sub3A_987, %max3A_988 : vector<16xi32>
      %gather3A_990 = tpu.vector_load_idx %arg16[%max3A_989] : memref<16xi32, #tpu.memory_space<vmem>>[vector<16xi32>], vector<16xi32>,
      %eq3A_991 = arith.constant 0 : i32
      %eq3A_992 = vector.broadcast %eq3A_991 : i32 to vector<16xi32>
      %eq3A_993 = arith.cmpi eq, %iota3A, %eq3A_992 : vector<16xi32>
      %broadcast_in_dim3A_994 = vector.broadcast %scan3A_963 : i32 to vector<16xi32>
      %select_n3A_995 = arith.select %eq3A_993, %broadcast_in_dim3A_994, %gather3A_990 : vector<16xi1>, vector<16xi32>
      %max3A_996 = vector.broadcast %scan3A_963 : i32 to vector<16xi32>
      %max3A_997 = arith.maxsi %select_n3A_995, %max3A_996 : vector<16xi32>
      %sub3A_998 = arith.subi %add3A_968, %max3A_997 : vector<16xi32>
      %convert_element_type3A = arith.sitofp %sub3A_998 : vector<16xi32> to vector<16xf32>
      tpu.vector_store_idx %arg15[%get3A_966], %convert_element_type3A masked %and3A {add = true} : memref<512xf32, #tpu.memory_space<vmem>>[vector<16xi32>], vector<16xf32>, vector<16xi1>
      %reduce_max3A = arith.constant true
      %reduce_max3A_999 = vector.broadcast %reduce_max3A : i1 to vector<16xi1>
      %reduce_max3A_1000 = arith.constant -2147483648 : i32
      %reduce_max3A_1001 = vector.broadcast %reduce_max3A_1000 : i32 to vector<16xi32>
      %reduce_max3A_1002 = arith.xori %select_n3A, %reduce_max3A_1001 : vector<16xi32>
      %reduce_max3A_1003 = tpu.scan <max>, %reduce_max3A_1002 masked %reduce_max3A_999 : vector<16xi32>, vector<16xi1> -> vector<16xi32>
      %reduce_max3A_1004 = arith.xori %reduce_max3A_1003, %reduce_max3A_1001 : vector<16xi32>
      %reduce_max3A_1005 = vector.extract %reduce_max3A_1004[15] : i32 from vector<16xi32>
      %max3A_1006 = arith.maxsi %scan3A_963, %reduce_max3A_1005 : i32
      scf.yield %max3A_1006 : i32
    }
    %scan3A_618 = arith.constant 8 : i32
    %dma_wait3A_619 = arith.constant 14 : i32
    %dma_wait3A_620 = arith.constant 0 : i32
    %dma_wait3A_621 = tpu.memref_slice %arg8[%dma_wait3A_619, %dma_wait3A_620] : memref<25x125xi32, #tpu.memory_space<vmem>> -> memref<1x125xi32, #tpu.memory_space<vmem>>
    %dma_wait3A_622 = tpu.memref_squeeze %dma_wait3A_621 : memref<1x125xi32, #tpu.memory_space<vmem>> -> memref<125xi32, #tpu.memory_space<vmem>>
    %dma_wait3A_623 = arith.constant 0 : i32
    %dma_wait3A_624 = arith.constant 0 : i32
    %dma_wait3A_625 = tpu.memref_slice %arg17[%dma_wait3A_623, %dma_wait3A_624] : memref<512x128xf32, #tpu.memory_space<vmem_shared>> -> memref<512x128xf32, #tpu.memory_space<vmem_shared>>
    tpu.wait_indirect_dma semaphore(%arg24 : memref<!tpu.dma_semaphore, #tpu.memory_space<semaphore_mem>>) src(%arg12 : memref<125x128xf32, #tpu.memory_space<vmem>>) dst(%dma_wait3A_625 : memref<512x128xf32, #tpu.memory_space<vmem_shared>>)
    %dma_start3A_626 = arith.constant 18 : i32
    %dma_start3A_627 = arith.constant 0 : i32
    %dma_start3A_628 = arith.constant 0 : i32
    %dma_start3A_629 = tpu.memref_slice %arg2[%add3A, %dma_start3A_626, %dma_start3A_627, %dma_start3A_628] : memref<32x25x125x128xf32, #tpu.memory_space<hbm>> -> memref<1x1x125x128xf32, #tpu.memory_space<hbm>>
    %dma_start3A_630 = tpu.memref_squeeze %dma_start3A_629 : memref<1x1x125x128xf32, #tpu.memory_space<hbm>> -> memref<125x128xf32, #tpu.memory_space<hbm>>
    %dma_start3A_631 = arith.constant 0 : i32
    %dma_start3A_632 = arith.constant 0 : i32
    %dma_start3A_633 = tpu.memref_slice %arg2[%add3A, %dma_start3A_626, %dma_start3A_631, %dma_start3A_632] : memref<32x25x125x128xf32, #tpu.memory_space<hbm>> -> memref<1x1x125x128xf32, #tpu.memory_space<hbm>>
    %dma_start3A_634 = tpu.memref_squeeze %dma_start3A_633 : memref<1x1x125x128xf32, #tpu.memory_space<hbm>> -> memref<125x128xf32, #tpu.memory_space<hbm>>
    tpu.enqueue_dma source(%dma_start3A_634 : memref<125x128xf32, #tpu.memory_space<hbm>>) target(%arg12 : memref<125x128xf32, #tpu.memory_space<vmem>>) target_semaphore(%arg20 : memref<!tpu.dma_semaphore, #tpu.memory_space<semaphore_mem>>)
    %dma_wait3A_635 = arith.constant 16 : i32
    %dma_wait3A_636 = arith.constant 0 : i32
    %dma_wait3A_637 = arith.constant 0 : i32
    %dma_wait3A_638 = tpu.memref_slice %arg2[%add3A, %dma_wait3A_635, %dma_wait3A_636, %dma_wait3A_637] : memref<32x25x125x128xf32, #tpu.memory_space<hbm>> -> memref<1x1x125x128xf32, #tpu.memory_space<hbm>>
    %dma_wait3A_639 = tpu.memref_squeeze %dma_wait3A_638 : memref<1x1x125x128xf32, #tpu.memory_space<hbm>> -> memref<125x128xf32, #tpu.memory_space<hbm>>
    %dma_wait3A_640 = arith.constant 0 : i32
    %dma_wait3A_641 = arith.constant 0 : i32
    %dma_wait3A_642 = tpu.memref_slice %arg2[%add3A, %dma_wait3A_635, %dma_wait3A_640, %dma_wait3A_641] : memref<32x25x125x128xf32, #tpu.memory_space<hbm>> -> memref<1x1x125x128xf32, #tpu.memory_space<hbm>>
    %dma_wait3A_643 = tpu.memref_squeeze %dma_wait3A_642 : memref<1x1x125x128xf32, #tpu.memory_space<hbm>> -> memref<125x128xf32, #tpu.memory_space<hbm>>
    tpu.wait_dma2 semaphore(%arg18 : memref<!tpu.dma_semaphore, #tpu.memory_space<semaphore_mem>>) src(%dma_wait3A_643 : memref<125x128xf32, #tpu.memory_space<hbm>>) dst(%arg10 : memref<125x128xf32, #tpu.memory_space<vmem>>)
    %dma_start3A_644 = arith.constant 16 : i32
    %dma_start3A_645 = arith.constant 0 : i32
    %dma_start3A_646 = tpu.memref_slice %arg8[%dma_start3A_644, %dma_start3A_645] : memref<25x125xi32, #tpu.memory_space<vmem>> -> memref<1x125xi32, #tpu.memory_space<vmem>>
    %dma_start3A_647 = tpu.memref_squeeze %dma_start3A_646 : memref<1x125xi32, #tpu.memory_space<vmem>> -> memref<125xi32, #tpu.memory_space<vmem>>
    %dma_start3A_648 = arith.constant 0 : i32
    %dma_start3A_649 = arith.constant 0 : i32
    %dma_start3A_650 = tpu.memref_slice %arg17[%dma_start3A_648, %dma_start3A_649] : memref<512x128xf32, #tpu.memory_space<vmem_shared>> -> memref<512x128xf32, #tpu.memory_space<vmem_shared>>
    tpu.enqueue_indirect_dma source(%arg10 : memref<125x128xf32, #tpu.memory_space<vmem>>) target(%dma_start3A_650 : memref<512x128xf32, #tpu.memory_space<vmem_shared>>) offsets(%dma_start3A_647 : memref<125xi32, #tpu.memory_space<vmem>>) semaphore(%arg22 : memref<!tpu.dma_semaphore, #tpu.memory_space<semaphore_mem>>) {add = true}
    %scan3A_651 = arith.constant 128 : i32
    %scan3A_652 = arith.constant 8 : i32
    %scan3A_653 = arith.addi %scan3A_651, %scan3A_652 : i32
    %scan3A_654 = arith.constant 1 : i32
    %scan3A_655 = scf.for %scan3A_962 = %scan3A_651 to %scan3A_653 step %scan3A_654 iter_args(%scan3A_963 = %scan3A_617) -> (i32)  : i32 {
      %mul3A_964 = arith.constant 16 : i32
      %mul3A_965 = arith.muli %scan3A_962, %mul3A_964 : i32
      %multiple_of3A = tpu.assume_multiple %mul3A_965, 16 : i32
      %get3A = arith.index_cast %multiple_of3A : i32 to index
      %get3A_966 = tpu.vector_load %arg9[%get3A] {strides = array<i32>} : memref<3136xi32, #tpu.memory_space<vmem>>, vector<16xi32>,
      %add3A_967 = vector.broadcast %multiple_of3A : i32 to vector<16xi32>
      %add3A_968 = arith.addi %add3A_967, %iota3A : vector<16xi32>
      %add3A_969 = arith.constant 1 : i32
      %add3A_970 = vector.broadcast %add3A_969 : i32 to vector<16xi32>
      %add3A_971 = arith.addi %add3A_968, %add3A_970 : vector<16xi32>
      %min3A = arith.constant 3124 : i32
      %min3A_972 = vector.broadcast %min3A : i32 to vector<16xi32>
      %min3A_973 = arith.minsi %add3A_971, %min3A_972 : vector<16xi32>
      %gather3A = tpu.vector_load_idx %arg9[%min3A_973] : memref<3136xi32, #tpu.memory_space<vmem>>[vector<16xi32>], vector<16xi32>,
      %lt3A = arith.constant 3125 : i32
      %lt3A_974 = vector.broadcast %lt3A : i32 to vector<16xi32>
      %lt3A_975 = arith.cmpi slt, %add3A_968, %lt3A_974 : vector<16xi32>
      %ne3A = arith.cmpi ne, %get3A_966, %gather3A : vector<16xi32>
      %eq3A = arith.constant 3124 : i32
      %eq3A_976 = vector.broadcast %eq3A : i32 to vector<16xi32>
      %eq3A_977 = arith.cmpi eq, %add3A_968, %eq3A_976 : vector<16xi32>
      %or3A = arith.ori %ne3A, %eq3A_977 : vector<16xi1>
      %and3A = arith.andi %or3A, %lt3A_975 : vector<16xi1>
      %jit3A = arith.constant -1 : i32
      %broadcast_in_dim3A_978 = vector.broadcast %jit3A : i32 to vector<16xi32>
      %select_n3A = arith.select %and3A, %add3A_968, %broadcast_in_dim3A_978 : vector<16xi1>, vector<16xi32>
      %broadcast_in_dim3A_979 = arith.constant true
      %broadcast_in_dim3A_980 = vector.broadcast %broadcast_in_dim3A_979 : i1 to vector<16xi1>
      %masked_cummax3A = arith.constant -2147483648 : i32
      %masked_cummax3A_981 = vector.broadcast %masked_cummax3A : i32 to vector<16xi32>
      %masked_cummax3A_982 = arith.xori %select_n3A, %masked_cummax3A_981 : vector<16xi32>
      %masked_cummax3A_983 = tpu.scan <max>, %masked_cummax3A_982 masked %broadcast_in_dim3A_980 : vector<16xi32>, vector<16xi1> -> vector<16xi32>
      %masked_cummax3A_984 = arith.xori %masked_cummax3A_983, %masked_cummax3A_981 : vector<16xi32>
      %swap3A = arith.constant 0 : index
      %swap3A_985 = tpu.vector_load %arg16[%swap3A] {strides = array<i32>} : memref<16xi32, #tpu.memory_space<vmem>>, vector<16xi32>,
      tpu.vector_store %arg16[%swap3A], %masked_cummax3A_984 {strides = array<i32>} : memref<16xi32, #tpu.memory_space<vmem>>, vector<16xi32>,
      %sub3A = arith.constant 1 : i32
      %sub3A_986 = vector.broadcast %sub3A : i32 to vector<16xi32>
      %sub3A_987 = arith.subi %iota3A, %sub3A_986 : vector<16xi32>
      %max3A = arith.constant 0 : i32
      %max3A_988 = vector.broadcast %max3A : i32 to vector<16xi32>
      %max3A_989 = arith.maxsi %sub3A_987, %max3A_988 : vector<16xi32>
      %gather3A_990 = tpu.vector_load_idx %arg16[%max3A_989] : memref<16xi32, #tpu.memory_space<vmem>>[vector<16xi32>], vector<16xi32>,
      %eq3A_991 = arith.constant 0 : i32
      %eq3A_992 = vector.broadcast %eq3A_991 : i32 to vector<16xi32>
      %eq3A_993 = arith.cmpi eq, %iota3A, %eq3A_992 : vector<16xi32>
      %broadcast_in_dim3A_994 = vector.broadcast %scan3A_963 : i32 to vector<16xi32>
      %select_n3A_995 = arith.select %eq3A_993, %broadcast_in_dim3A_994, %gather3A_990 : vector<16xi1>, vector<16xi32>
      %max3A_996 = vector.broadcast %scan3A_963 : i32 to vector<16xi32>
      %max3A_997 = arith.maxsi %select_n3A_995, %max3A_996 : vector<16xi32>
      %sub3A_998 = arith.subi %add3A_968, %max3A_997 : vector<16xi32>
      %convert_element_type3A = arith.sitofp %sub3A_998 : vector<16xi32> to vector<16xf32>
      tpu.vector_store_idx %arg15[%get3A_966], %convert_element_type3A masked %and3A {add = true} : memref<512xf32, #tpu.memory_space<vmem>>[vector<16xi32>], vector<16xf32>, vector<16xi1>
      %reduce_max3A = arith.constant true
      %reduce_max3A_999 = vector.broadcast %reduce_max3A : i1 to vector<16xi1>
      %reduce_max3A_1000 = arith.constant -2147483648 : i32
      %reduce_max3A_1001 = vector.broadcast %reduce_max3A_1000 : i32 to vector<16xi32>
      %reduce_max3A_1002 = arith.xori %select_n3A, %reduce_max3A_1001 : vector<16xi32>
      %reduce_max3A_1003 = tpu.scan <max>, %reduce_max3A_1002 masked %reduce_max3A_999 : vector<16xi32>, vector<16xi1> -> vector<16xi32>
      %reduce_max3A_1004 = arith.xori %reduce_max3A_1003, %reduce_max3A_1001 : vector<16xi32>
      %reduce_max3A_1005 = vector.extract %reduce_max3A_1004[15] : i32 from vector<16xi32>
      %max3A_1006 = arith.maxsi %scan3A_963, %reduce_max3A_1005 : i32
      scf.yield %max3A_1006 : i32
    }
    %scan3A_656 = arith.constant 8 : i32
    %dma_wait3A_657 = arith.constant 15 : i32
    %dma_wait3A_658 = arith.constant 0 : i32
    %dma_wait3A_659 = tpu.memref_slice %arg8[%dma_wait3A_657, %dma_wait3A_658] : memref<25x125xi32, #tpu.memory_space<vmem>> -> memref<1x125xi32, #tpu.memory_space<vmem>>
    %dma_wait3A_660 = tpu.memref_squeeze %dma_wait3A_659 : memref<1x125xi32, #tpu.memory_space<vmem>> -> memref<125xi32, #tpu.memory_space<vmem>>
    %dma_wait3A_661 = arith.constant 0 : i32
    %dma_wait3A_662 = arith.constant 0 : i32
    %dma_wait3A_663 = tpu.memref_slice %arg17[%dma_wait3A_661, %dma_wait3A_662] : memref<512x128xf32, #tpu.memory_space<vmem_shared>> -> memref<512x128xf32, #tpu.memory_space<vmem_shared>>
    tpu.wait_indirect_dma semaphore(%arg25 : memref<!tpu.dma_semaphore, #tpu.memory_space<semaphore_mem>>) src(%arg13 : memref<125x128xf32, #tpu.memory_space<vmem>>) dst(%dma_wait3A_663 : memref<512x128xf32, #tpu.memory_space<vmem_shared>>)
    %dma_start3A_664 = arith.constant 19 : i32
    %dma_start3A_665 = arith.constant 0 : i32
    %dma_start3A_666 = arith.constant 0 : i32
    %dma_start3A_667 = tpu.memref_slice %arg2[%add3A, %dma_start3A_664, %dma_start3A_665, %dma_start3A_666] : memref<32x25x125x128xf32, #tpu.memory_space<hbm>> -> memref<1x1x125x128xf32, #tpu.memory_space<hbm>>
    %dma_start3A_668 = tpu.memref_squeeze %dma_start3A_667 : memref<1x1x125x128xf32, #tpu.memory_space<hbm>> -> memref<125x128xf32, #tpu.memory_space<hbm>>
    %dma_start3A_669 = arith.constant 0 : i32
    %dma_start3A_670 = arith.constant 0 : i32
    %dma_start3A_671 = tpu.memref_slice %arg2[%add3A, %dma_start3A_664, %dma_start3A_669, %dma_start3A_670] : memref<32x25x125x128xf32, #tpu.memory_space<hbm>> -> memref<1x1x125x128xf32, #tpu.memory_space<hbm>>
    %dma_start3A_672 = tpu.memref_squeeze %dma_start3A_671 : memref<1x1x125x128xf32, #tpu.memory_space<hbm>> -> memref<125x128xf32, #tpu.memory_space<hbm>>
    tpu.enqueue_dma source(%dma_start3A_672 : memref<125x128xf32, #tpu.memory_space<hbm>>) target(%arg13 : memref<125x128xf32, #tpu.memory_space<vmem>>) target_semaphore(%arg21 : memref<!tpu.dma_semaphore, #tpu.memory_space<semaphore_mem>>)
    %dma_wait3A_673 = arith.constant 17 : i32
    %dma_wait3A_674 = arith.constant 0 : i32
    %dma_wait3A_675 = arith.constant 0 : i32
    %dma_wait3A_676 = tpu.memref_slice %arg2[%add3A, %dma_wait3A_673, %dma_wait3A_674, %dma_wait3A_675] : memref<32x25x125x128xf32, #tpu.memory_space<hbm>> -> memref<1x1x125x128xf32, #tpu.memory_space<hbm>>
    %dma_wait3A_677 = tpu.memref_squeeze %dma_wait3A_676 : memref<1x1x125x128xf32, #tpu.memory_space<hbm>> -> memref<125x128xf32, #tpu.memory_space<hbm>>
    %dma_wait3A_678 = arith.constant 0 : i32
    %dma_wait3A_679 = arith.constant 0 : i32
    %dma_wait3A_680 = tpu.memref_slice %arg2[%add3A, %dma_wait3A_673, %dma_wait3A_678, %dma_wait3A_679] : memref<32x25x125x128xf32, #tpu.memory_space<hbm>> -> memref<1x1x125x128xf32, #tpu.memory_space<hbm>>
    %dma_wait3A_681 = tpu.memref_squeeze %dma_wait3A_680 : memref<1x1x125x128xf32, #tpu.memory_space<hbm>> -> memref<125x128xf32, #tpu.memory_space<hbm>>
    tpu.wait_dma2 semaphore(%arg19 : memref<!tpu.dma_semaphore, #tpu.memory_space<semaphore_mem>>) src(%dma_wait3A_681 : memref<125x128xf32, #tpu.memory_space<hbm>>) dst(%arg11 : memref<125x128xf32, #tpu.memory_space<vmem>>)
    %dma_start3A_682 = arith.constant 17 : i32
    %dma_start3A_683 = arith.constant 0 : i32
    %dma_start3A_684 = tpu.memref_slice %arg8[%dma_start3A_682, %dma_start3A_683] : memref<25x125xi32, #tpu.memory_space<vmem>> -> memref<1x125xi32, #tpu.memory_space<vmem>>
    %dma_start3A_685 = tpu.memref_squeeze %dma_start3A_684 : memref<1x125xi32, #tpu.memory_space<vmem>> -> memref<125xi32, #tpu.memory_space<vmem>>
    %dma_start3A_686 = arith.constant 0 : i32
    %dma_start3A_687 = arith.constant 0 : i32
    %dma_start3A_688 = tpu.memref_slice %arg17[%dma_start3A_686, %dma_start3A_687] : memref<512x128xf32, #tpu.memory_space<vmem_shared>> -> memref<512x128xf32, #tpu.memory_space<vmem_shared>>
    tpu.enqueue_indirect_dma source(%arg11 : memref<125x128xf32, #tpu.memory_space<vmem>>) target(%dma_start3A_688 : memref<512x128xf32, #tpu.memory_space<vmem_shared>>) offsets(%dma_start3A_685 : memref<125xi32, #tpu.memory_space<vmem>>) semaphore(%arg23 : memref<!tpu.dma_semaphore, #tpu.memory_space<semaphore_mem>>) {add = true}
    %scan3A_689 = arith.constant 136 : i32
    %scan3A_690 = arith.constant 8 : i32
    %scan3A_691 = arith.addi %scan3A_689, %scan3A_690 : i32
    %scan3A_692 = arith.constant 1 : i32
    %scan3A_693 = scf.for %scan3A_962 = %scan3A_689 to %scan3A_691 step %scan3A_692 iter_args(%scan3A_963 = %scan3A_655) -> (i32)  : i32 {
      %mul3A_964 = arith.constant 16 : i32
      %mul3A_965 = arith.muli %scan3A_962, %mul3A_964 : i32
      %multiple_of3A = tpu.assume_multiple %mul3A_965, 16 : i32
      %get3A = arith.index_cast %multiple_of3A : i32 to index
      %get3A_966 = tpu.vector_load %arg9[%get3A] {strides = array<i32>} : memref<3136xi32, #tpu.memory_space<vmem>>, vector<16xi32>,
      %add3A_967 = vector.broadcast %multiple_of3A : i32 to vector<16xi32>
      %add3A_968 = arith.addi %add3A_967, %iota3A : vector<16xi32>
      %add3A_969 = arith.constant 1 : i32
      %add3A_970 = vector.broadcast %add3A_969 : i32 to vector<16xi32>
      %add3A_971 = arith.addi %add3A_968, %add3A_970 : vector<16xi32>
      %min3A = arith.constant 3124 : i32
      %min3A_972 = vector.broadcast %min3A : i32 to vector<16xi32>
      %min3A_973 = arith.minsi %add3A_971, %min3A_972 : vector<16xi32>
      %gather3A = tpu.vector_load_idx %arg9[%min3A_973] : memref<3136xi32, #tpu.memory_space<vmem>>[vector<16xi32>], vector<16xi32>,
      %lt3A = arith.constant 3125 : i32
      %lt3A_974 = vector.broadcast %lt3A : i32 to vector<16xi32>
      %lt3A_975 = arith.cmpi slt, %add3A_968, %lt3A_974 : vector<16xi32>
      %ne3A = arith.cmpi ne, %get3A_966, %gather3A : vector<16xi32>
      %eq3A = arith.constant 3124 : i32
      %eq3A_976 = vector.broadcast %eq3A : i32 to vector<16xi32>
      %eq3A_977 = arith.cmpi eq, %add3A_968, %eq3A_976 : vector<16xi32>
      %or3A = arith.ori %ne3A, %eq3A_977 : vector<16xi1>
      %and3A = arith.andi %or3A, %lt3A_975 : vector<16xi1>
      %jit3A = arith.constant -1 : i32
      %broadcast_in_dim3A_978 = vector.broadcast %jit3A : i32 to vector<16xi32>
      %select_n3A = arith.select %and3A, %add3A_968, %broadcast_in_dim3A_978 : vector<16xi1>, vector<16xi32>
      %broadcast_in_dim3A_979 = arith.constant true
      %broadcast_in_dim3A_980 = vector.broadcast %broadcast_in_dim3A_979 : i1 to vector<16xi1>
      %masked_cummax3A = arith.constant -2147483648 : i32
      %masked_cummax3A_981 = vector.broadcast %masked_cummax3A : i32 to vector<16xi32>
      %masked_cummax3A_982 = arith.xori %select_n3A, %masked_cummax3A_981 : vector<16xi32>
      %masked_cummax3A_983 = tpu.scan <max>, %masked_cummax3A_982 masked %broadcast_in_dim3A_980 : vector<16xi32>, vector<16xi1> -> vector<16xi32>
      %masked_cummax3A_984 = arith.xori %masked_cummax3A_983, %masked_cummax3A_981 : vector<16xi32>
      %swap3A = arith.constant 0 : index
      %swap3A_985 = tpu.vector_load %arg16[%swap3A] {strides = array<i32>} : memref<16xi32, #tpu.memory_space<vmem>>, vector<16xi32>,
      tpu.vector_store %arg16[%swap3A], %masked_cummax3A_984 {strides = array<i32>} : memref<16xi32, #tpu.memory_space<vmem>>, vector<16xi32>,
      %sub3A = arith.constant 1 : i32
      %sub3A_986 = vector.broadcast %sub3A : i32 to vector<16xi32>
      %sub3A_987 = arith.subi %iota3A, %sub3A_986 : vector<16xi32>
      %max3A = arith.constant 0 : i32
      %max3A_988 = vector.broadcast %max3A : i32 to vector<16xi32>
      %max3A_989 = arith.maxsi %sub3A_987, %max3A_988 : vector<16xi32>
      %gather3A_990 = tpu.vector_load_idx %arg16[%max3A_989] : memref<16xi32, #tpu.memory_space<vmem>>[vector<16xi32>], vector<16xi32>,
      %eq3A_991 = arith.constant 0 : i32
      %eq3A_992 = vector.broadcast %eq3A_991 : i32 to vector<16xi32>
      %eq3A_993 = arith.cmpi eq, %iota3A, %eq3A_992 : vector<16xi32>
      %broadcast_in_dim3A_994 = vector.broadcast %scan3A_963 : i32 to vector<16xi32>
      %select_n3A_995 = arith.select %eq3A_993, %broadcast_in_dim3A_994, %gather3A_990 : vector<16xi1>, vector<16xi32>
      %max3A_996 = vector.broadcast %scan3A_963 : i32 to vector<16xi32>
      %max3A_997 = arith.maxsi %select_n3A_995, %max3A_996 : vector<16xi32>
      %sub3A_998 = arith.subi %add3A_968, %max3A_997 : vector<16xi32>
      %convert_element_type3A = arith.sitofp %sub3A_998 : vector<16xi32> to vector<16xf32>
      tpu.vector_store_idx %arg15[%get3A_966], %convert_element_type3A masked %and3A {add = true} : memref<512xf32, #tpu.memory_space<vmem>>[vector<16xi32>], vector<16xf32>, vector<16xi1>
      %reduce_max3A = arith.constant true
      %reduce_max3A_999 = vector.broadcast %reduce_max3A : i1 to vector<16xi1>
      %reduce_max3A_1000 = arith.constant -2147483648 : i32
      %reduce_max3A_1001 = vector.broadcast %reduce_max3A_1000 : i32 to vector<16xi32>
      %reduce_max3A_1002 = arith.xori %select_n3A, %reduce_max3A_1001 : vector<16xi32>
      %reduce_max3A_1003 = tpu.scan <max>, %reduce_max3A_1002 masked %reduce_max3A_999 : vector<16xi32>, vector<16xi1> -> vector<16xi32>
      %reduce_max3A_1004 = arith.xori %reduce_max3A_1003, %reduce_max3A_1001 : vector<16xi32>
      %reduce_max3A_1005 = vector.extract %reduce_max3A_1004[15] : i32 from vector<16xi32>
      %max3A_1006 = arith.maxsi %scan3A_963, %reduce_max3A_1005 : i32
      scf.yield %max3A_1006 : i32
    }
    %scan3A_694 = arith.constant 8 : i32
    %dma_wait3A_695 = arith.constant 16 : i32
    %dma_wait3A_696 = arith.constant 0 : i32
    %dma_wait3A_697 = tpu.memref_slice %arg8[%dma_wait3A_695, %dma_wait3A_696] : memref<25x125xi32, #tpu.memory_space<vmem>> -> memref<1x125xi32, #tpu.memory_space<vmem>>
    %dma_wait3A_698 = tpu.memref_squeeze %dma_wait3A_697 : memref<1x125xi32, #tpu.memory_space<vmem>> -> memref<125xi32, #tpu.memory_space<vmem>>
    %dma_wait3A_699 = arith.constant 0 : i32
    %dma_wait3A_700 = arith.constant 0 : i32
    %dma_wait3A_701 = tpu.memref_slice %arg17[%dma_wait3A_699, %dma_wait3A_700] : memref<512x128xf32, #tpu.memory_space<vmem_shared>> -> memref<512x128xf32, #tpu.memory_space<vmem_shared>>
    tpu.wait_indirect_dma semaphore(%arg22 : memref<!tpu.dma_semaphore, #tpu.memory_space<semaphore_mem>>) src(%arg10 : memref<125x128xf32, #tpu.memory_space<vmem>>) dst(%dma_wait3A_701 : memref<512x128xf32, #tpu.memory_space<vmem_shared>>)
    %dma_start3A_702 = arith.constant 20 : i32
    %dma_start3A_703 = arith.constant 0 : i32
    %dma_start3A_704 = arith.constant 0 : i32
    %dma_start3A_705 = tpu.memref_slice %arg2[%add3A, %dma_start3A_702, %dma_start3A_703, %dma_start3A_704] : memref<32x25x125x128xf32, #tpu.memory_space<hbm>> -> memref<1x1x125x128xf32, #tpu.memory_space<hbm>>
    %dma_start3A_706 = tpu.memref_squeeze %dma_start3A_705 : memref<1x1x125x128xf32, #tpu.memory_space<hbm>> -> memref<125x128xf32, #tpu.memory_space<hbm>>
    %dma_start3A_707 = arith.constant 0 : i32
    %dma_start3A_708 = arith.constant 0 : i32
    %dma_start3A_709 = tpu.memref_slice %arg2[%add3A, %dma_start3A_702, %dma_start3A_707, %dma_start3A_708] : memref<32x25x125x128xf32, #tpu.memory_space<hbm>> -> memref<1x1x125x128xf32, #tpu.memory_space<hbm>>
    %dma_start3A_710 = tpu.memref_squeeze %dma_start3A_709 : memref<1x1x125x128xf32, #tpu.memory_space<hbm>> -> memref<125x128xf32, #tpu.memory_space<hbm>>
    tpu.enqueue_dma source(%dma_start3A_710 : memref<125x128xf32, #tpu.memory_space<hbm>>) target(%arg10 : memref<125x128xf32, #tpu.memory_space<vmem>>) target_semaphore(%arg18 : memref<!tpu.dma_semaphore, #tpu.memory_space<semaphore_mem>>)
    %dma_wait3A_711 = arith.constant 18 : i32
    %dma_wait3A_712 = arith.constant 0 : i32
    %dma_wait3A_713 = arith.constant 0 : i32
    %dma_wait3A_714 = tpu.memref_slice %arg2[%add3A, %dma_wait3A_711, %dma_wait3A_712, %dma_wait3A_713] : memref<32x25x125x128xf32, #tpu.memory_space<hbm>> -> memref<1x1x125x128xf32, #tpu.memory_space<hbm>>
    %dma_wait3A_715 = tpu.memref_squeeze %dma_wait3A_714 : memref<1x1x125x128xf32, #tpu.memory_space<hbm>> -> memref<125x128xf32, #tpu.memory_space<hbm>>
    %dma_wait3A_716 = arith.constant 0 : i32
    %dma_wait3A_717 = arith.constant 0 : i32
    %dma_wait3A_718 = tpu.memref_slice %arg2[%add3A, %dma_wait3A_711, %dma_wait3A_716, %dma_wait3A_717] : memref<32x25x125x128xf32, #tpu.memory_space<hbm>> -> memref<1x1x125x128xf32, #tpu.memory_space<hbm>>
    %dma_wait3A_719 = tpu.memref_squeeze %dma_wait3A_718 : memref<1x1x125x128xf32, #tpu.memory_space<hbm>> -> memref<125x128xf32, #tpu.memory_space<hbm>>
    tpu.wait_dma2 semaphore(%arg20 : memref<!tpu.dma_semaphore, #tpu.memory_space<semaphore_mem>>) src(%dma_wait3A_719 : memref<125x128xf32, #tpu.memory_space<hbm>>) dst(%arg12 : memref<125x128xf32, #tpu.memory_space<vmem>>)
    %dma_start3A_720 = arith.constant 18 : i32
    %dma_start3A_721 = arith.constant 0 : i32
    %dma_start3A_722 = tpu.memref_slice %arg8[%dma_start3A_720, %dma_start3A_721] : memref<25x125xi32, #tpu.memory_space<vmem>> -> memref<1x125xi32, #tpu.memory_space<vmem>>
    %dma_start3A_723 = tpu.memref_squeeze %dma_start3A_722 : memref<1x125xi32, #tpu.memory_space<vmem>> -> memref<125xi32, #tpu.memory_space<vmem>>
    %dma_start3A_724 = arith.constant 0 : i32
    %dma_start3A_725 = arith.constant 0 : i32
    %dma_start3A_726 = tpu.memref_slice %arg17[%dma_start3A_724, %dma_start3A_725] : memref<512x128xf32, #tpu.memory_space<vmem_shared>> -> memref<512x128xf32, #tpu.memory_space<vmem_shared>>
    tpu.enqueue_indirect_dma source(%arg12 : memref<125x128xf32, #tpu.memory_space<vmem>>) target(%dma_start3A_726 : memref<512x128xf32, #tpu.memory_space<vmem_shared>>) offsets(%dma_start3A_723 : memref<125xi32, #tpu.memory_space<vmem>>) semaphore(%arg24 : memref<!tpu.dma_semaphore, #tpu.memory_space<semaphore_mem>>) {add = true}
    %scan3A_727 = arith.constant 144 : i32
    %scan3A_728 = arith.constant 8 : i32
    %scan3A_729 = arith.addi %scan3A_727, %scan3A_728 : i32
    %scan3A_730 = arith.constant 1 : i32
    %scan3A_731 = scf.for %scan3A_962 = %scan3A_727 to %scan3A_729 step %scan3A_730 iter_args(%scan3A_963 = %scan3A_693) -> (i32)  : i32 {
      %mul3A_964 = arith.constant 16 : i32
      %mul3A_965 = arith.muli %scan3A_962, %mul3A_964 : i32
      %multiple_of3A = tpu.assume_multiple %mul3A_965, 16 : i32
      %get3A = arith.index_cast %multiple_of3A : i32 to index
      %get3A_966 = tpu.vector_load %arg9[%get3A] {strides = array<i32>} : memref<3136xi32, #tpu.memory_space<vmem>>, vector<16xi32>,
      %add3A_967 = vector.broadcast %multiple_of3A : i32 to vector<16xi32>
      %add3A_968 = arith.addi %add3A_967, %iota3A : vector<16xi32>
      %add3A_969 = arith.constant 1 : i32
      %add3A_970 = vector.broadcast %add3A_969 : i32 to vector<16xi32>
      %add3A_971 = arith.addi %add3A_968, %add3A_970 : vector<16xi32>
      %min3A = arith.constant 3124 : i32
      %min3A_972 = vector.broadcast %min3A : i32 to vector<16xi32>
      %min3A_973 = arith.minsi %add3A_971, %min3A_972 : vector<16xi32>
      %gather3A = tpu.vector_load_idx %arg9[%min3A_973] : memref<3136xi32, #tpu.memory_space<vmem>>[vector<16xi32>], vector<16xi32>,
      %lt3A = arith.constant 3125 : i32
      %lt3A_974 = vector.broadcast %lt3A : i32 to vector<16xi32>
      %lt3A_975 = arith.cmpi slt, %add3A_968, %lt3A_974 : vector<16xi32>
      %ne3A = arith.cmpi ne, %get3A_966, %gather3A : vector<16xi32>
      %eq3A = arith.constant 3124 : i32
      %eq3A_976 = vector.broadcast %eq3A : i32 to vector<16xi32>
      %eq3A_977 = arith.cmpi eq, %add3A_968, %eq3A_976 : vector<16xi32>
      %or3A = arith.ori %ne3A, %eq3A_977 : vector<16xi1>
      %and3A = arith.andi %or3A, %lt3A_975 : vector<16xi1>
      %jit3A = arith.constant -1 : i32
      %broadcast_in_dim3A_978 = vector.broadcast %jit3A : i32 to vector<16xi32>
      %select_n3A = arith.select %and3A, %add3A_968, %broadcast_in_dim3A_978 : vector<16xi1>, vector<16xi32>
      %broadcast_in_dim3A_979 = arith.constant true
      %broadcast_in_dim3A_980 = vector.broadcast %broadcast_in_dim3A_979 : i1 to vector<16xi1>
      %masked_cummax3A = arith.constant -2147483648 : i32
      %masked_cummax3A_981 = vector.broadcast %masked_cummax3A : i32 to vector<16xi32>
      %masked_cummax3A_982 = arith.xori %select_n3A, %masked_cummax3A_981 : vector<16xi32>
      %masked_cummax3A_983 = tpu.scan <max>, %masked_cummax3A_982 masked %broadcast_in_dim3A_980 : vector<16xi32>, vector<16xi1> -> vector<16xi32>
      %masked_cummax3A_984 = arith.xori %masked_cummax3A_983, %masked_cummax3A_981 : vector<16xi32>
      %swap3A = arith.constant 0 : index
      %swap3A_985 = tpu.vector_load %arg16[%swap3A] {strides = array<i32>} : memref<16xi32, #tpu.memory_space<vmem>>, vector<16xi32>,
      tpu.vector_store %arg16[%swap3A], %masked_cummax3A_984 {strides = array<i32>} : memref<16xi32, #tpu.memory_space<vmem>>, vector<16xi32>,
      %sub3A = arith.constant 1 : i32
      %sub3A_986 = vector.broadcast %sub3A : i32 to vector<16xi32>
      %sub3A_987 = arith.subi %iota3A, %sub3A_986 : vector<16xi32>
      %max3A = arith.constant 0 : i32
      %max3A_988 = vector.broadcast %max3A : i32 to vector<16xi32>
      %max3A_989 = arith.maxsi %sub3A_987, %max3A_988 : vector<16xi32>
      %gather3A_990 = tpu.vector_load_idx %arg16[%max3A_989] : memref<16xi32, #tpu.memory_space<vmem>>[vector<16xi32>], vector<16xi32>,
      %eq3A_991 = arith.constant 0 : i32
      %eq3A_992 = vector.broadcast %eq3A_991 : i32 to vector<16xi32>
      %eq3A_993 = arith.cmpi eq, %iota3A, %eq3A_992 : vector<16xi32>
      %broadcast_in_dim3A_994 = vector.broadcast %scan3A_963 : i32 to vector<16xi32>
      %select_n3A_995 = arith.select %eq3A_993, %broadcast_in_dim3A_994, %gather3A_990 : vector<16xi1>, vector<16xi32>
      %max3A_996 = vector.broadcast %scan3A_963 : i32 to vector<16xi32>
      %max3A_997 = arith.maxsi %select_n3A_995, %max3A_996 : vector<16xi32>
      %sub3A_998 = arith.subi %add3A_968, %max3A_997 : vector<16xi32>
      %convert_element_type3A = arith.sitofp %sub3A_998 : vector<16xi32> to vector<16xf32>
      tpu.vector_store_idx %arg15[%get3A_966], %convert_element_type3A masked %and3A {add = true} : memref<512xf32, #tpu.memory_space<vmem>>[vector<16xi32>], vector<16xf32>, vector<16xi1>
      %reduce_max3A = arith.constant true
      %reduce_max3A_999 = vector.broadcast %reduce_max3A : i1 to vector<16xi1>
      %reduce_max3A_1000 = arith.constant -2147483648 : i32
      %reduce_max3A_1001 = vector.broadcast %reduce_max3A_1000 : i32 to vector<16xi32>
      %reduce_max3A_1002 = arith.xori %select_n3A, %reduce_max3A_1001 : vector<16xi32>
      %reduce_max3A_1003 = tpu.scan <max>, %reduce_max3A_1002 masked %reduce_max3A_999 : vector<16xi32>, vector<16xi1> -> vector<16xi32>
      %reduce_max3A_1004 = arith.xori %reduce_max3A_1003, %reduce_max3A_1001 : vector<16xi32>
      %reduce_max3A_1005 = vector.extract %reduce_max3A_1004[15] : i32 from vector<16xi32>
      %max3A_1006 = arith.maxsi %scan3A_963, %reduce_max3A_1005 : i32
      scf.yield %max3A_1006 : i32
    }
    %scan3A_732 = arith.constant 8 : i32
    %dma_wait3A_733 = arith.constant 17 : i32
    %dma_wait3A_734 = arith.constant 0 : i32
    %dma_wait3A_735 = tpu.memref_slice %arg8[%dma_wait3A_733, %dma_wait3A_734] : memref<25x125xi32, #tpu.memory_space<vmem>> -> memref<1x125xi32, #tpu.memory_space<vmem>>
    %dma_wait3A_736 = tpu.memref_squeeze %dma_wait3A_735 : memref<1x125xi32, #tpu.memory_space<vmem>> -> memref<125xi32, #tpu.memory_space<vmem>>
    %dma_wait3A_737 = arith.constant 0 : i32
    %dma_wait3A_738 = arith.constant 0 : i32
    %dma_wait3A_739 = tpu.memref_slice %arg17[%dma_wait3A_737, %dma_wait3A_738] : memref<512x128xf32, #tpu.memory_space<vmem_shared>> -> memref<512x128xf32, #tpu.memory_space<vmem_shared>>
    tpu.wait_indirect_dma semaphore(%arg23 : memref<!tpu.dma_semaphore, #tpu.memory_space<semaphore_mem>>) src(%arg11 : memref<125x128xf32, #tpu.memory_space<vmem>>) dst(%dma_wait3A_739 : memref<512x128xf32, #tpu.memory_space<vmem_shared>>)
    %dma_start3A_740 = arith.constant 21 : i32
    %dma_start3A_741 = arith.constant 0 : i32
    %dma_start3A_742 = arith.constant 0 : i32
    %dma_start3A_743 = tpu.memref_slice %arg2[%add3A, %dma_start3A_740, %dma_start3A_741, %dma_start3A_742] : memref<32x25x125x128xf32, #tpu.memory_space<hbm>> -> memref<1x1x125x128xf32, #tpu.memory_space<hbm>>
    %dma_start3A_744 = tpu.memref_squeeze %dma_start3A_743 : memref<1x1x125x128xf32, #tpu.memory_space<hbm>> -> memref<125x128xf32, #tpu.memory_space<hbm>>
    %dma_start3A_745 = arith.constant 0 : i32
    %dma_start3A_746 = arith.constant 0 : i32
    %dma_start3A_747 = tpu.memref_slice %arg2[%add3A, %dma_start3A_740, %dma_start3A_745, %dma_start3A_746] : memref<32x25x125x128xf32, #tpu.memory_space<hbm>> -> memref<1x1x125x128xf32, #tpu.memory_space<hbm>>
    %dma_start3A_748 = tpu.memref_squeeze %dma_start3A_747 : memref<1x1x125x128xf32, #tpu.memory_space<hbm>> -> memref<125x128xf32, #tpu.memory_space<hbm>>
    tpu.enqueue_dma source(%dma_start3A_748 : memref<125x128xf32, #tpu.memory_space<hbm>>) target(%arg11 : memref<125x128xf32, #tpu.memory_space<vmem>>) target_semaphore(%arg19 : memref<!tpu.dma_semaphore, #tpu.memory_space<semaphore_mem>>)
    %dma_wait3A_749 = arith.constant 19 : i32
    %dma_wait3A_750 = arith.constant 0 : i32
    %dma_wait3A_751 = arith.constant 0 : i32
    %dma_wait3A_752 = tpu.memref_slice %arg2[%add3A, %dma_wait3A_749, %dma_wait3A_750, %dma_wait3A_751] : memref<32x25x125x128xf32, #tpu.memory_space<hbm>> -> memref<1x1x125x128xf32, #tpu.memory_space<hbm>>
    %dma_wait3A_753 = tpu.memref_squeeze %dma_wait3A_752 : memref<1x1x125x128xf32, #tpu.memory_space<hbm>> -> memref<125x128xf32, #tpu.memory_space<hbm>>
    %dma_wait3A_754 = arith.constant 0 : i32
    %dma_wait3A_755 = arith.constant 0 : i32
    %dma_wait3A_756 = tpu.memref_slice %arg2[%add3A, %dma_wait3A_749, %dma_wait3A_754, %dma_wait3A_755] : memref<32x25x125x128xf32, #tpu.memory_space<hbm>> -> memref<1x1x125x128xf32, #tpu.memory_space<hbm>>
    %dma_wait3A_757 = tpu.memref_squeeze %dma_wait3A_756 : memref<1x1x125x128xf32, #tpu.memory_space<hbm>> -> memref<125x128xf32, #tpu.memory_space<hbm>>
    tpu.wait_dma2 semaphore(%arg21 : memref<!tpu.dma_semaphore, #tpu.memory_space<semaphore_mem>>) src(%dma_wait3A_757 : memref<125x128xf32, #tpu.memory_space<hbm>>) dst(%arg13 : memref<125x128xf32, #tpu.memory_space<vmem>>)
    %dma_start3A_758 = arith.constant 19 : i32
    %dma_start3A_759 = arith.constant 0 : i32
    %dma_start3A_760 = tpu.memref_slice %arg8[%dma_start3A_758, %dma_start3A_759] : memref<25x125xi32, #tpu.memory_space<vmem>> -> memref<1x125xi32, #tpu.memory_space<vmem>>
    %dma_start3A_761 = tpu.memref_squeeze %dma_start3A_760 : memref<1x125xi32, #tpu.memory_space<vmem>> -> memref<125xi32, #tpu.memory_space<vmem>>
    %dma_start3A_762 = arith.constant 0 : i32
    %dma_start3A_763 = arith.constant 0 : i32
    %dma_start3A_764 = tpu.memref_slice %arg17[%dma_start3A_762, %dma_start3A_763] : memref<512x128xf32, #tpu.memory_space<vmem_shared>> -> memref<512x128xf32, #tpu.memory_space<vmem_shared>>
    tpu.enqueue_indirect_dma source(%arg13 : memref<125x128xf32, #tpu.memory_space<vmem>>) target(%dma_start3A_764 : memref<512x128xf32, #tpu.memory_space<vmem_shared>>) offsets(%dma_start3A_761 : memref<125xi32, #tpu.memory_space<vmem>>) semaphore(%arg25 : memref<!tpu.dma_semaphore, #tpu.memory_space<semaphore_mem>>) {add = true}
    %scan3A_765 = arith.constant 152 : i32
    %scan3A_766 = arith.constant 8 : i32
    %scan3A_767 = arith.addi %scan3A_765, %scan3A_766 : i32
    %scan3A_768 = arith.constant 1 : i32
    %scan3A_769 = scf.for %scan3A_962 = %scan3A_765 to %scan3A_767 step %scan3A_768 iter_args(%scan3A_963 = %scan3A_731) -> (i32)  : i32 {
      %mul3A_964 = arith.constant 16 : i32
      %mul3A_965 = arith.muli %scan3A_962, %mul3A_964 : i32
      %multiple_of3A = tpu.assume_multiple %mul3A_965, 16 : i32
      %get3A = arith.index_cast %multiple_of3A : i32 to index
      %get3A_966 = tpu.vector_load %arg9[%get3A] {strides = array<i32>} : memref<3136xi32, #tpu.memory_space<vmem>>, vector<16xi32>,
      %add3A_967 = vector.broadcast %multiple_of3A : i32 to vector<16xi32>
      %add3A_968 = arith.addi %add3A_967, %iota3A : vector<16xi32>
      %add3A_969 = arith.constant 1 : i32
      %add3A_970 = vector.broadcast %add3A_969 : i32 to vector<16xi32>
      %add3A_971 = arith.addi %add3A_968, %add3A_970 : vector<16xi32>
      %min3A = arith.constant 3124 : i32
      %min3A_972 = vector.broadcast %min3A : i32 to vector<16xi32>
      %min3A_973 = arith.minsi %add3A_971, %min3A_972 : vector<16xi32>
      %gather3A = tpu.vector_load_idx %arg9[%min3A_973] : memref<3136xi32, #tpu.memory_space<vmem>>[vector<16xi32>], vector<16xi32>,
      %lt3A = arith.constant 3125 : i32
      %lt3A_974 = vector.broadcast %lt3A : i32 to vector<16xi32>
      %lt3A_975 = arith.cmpi slt, %add3A_968, %lt3A_974 : vector<16xi32>
      %ne3A = arith.cmpi ne, %get3A_966, %gather3A : vector<16xi32>
      %eq3A = arith.constant 3124 : i32
      %eq3A_976 = vector.broadcast %eq3A : i32 to vector<16xi32>
      %eq3A_977 = arith.cmpi eq, %add3A_968, %eq3A_976 : vector<16xi32>
      %or3A = arith.ori %ne3A, %eq3A_977 : vector<16xi1>
      %and3A = arith.andi %or3A, %lt3A_975 : vector<16xi1>
      %jit3A = arith.constant -1 : i32
      %broadcast_in_dim3A_978 = vector.broadcast %jit3A : i32 to vector<16xi32>
      %select_n3A = arith.select %and3A, %add3A_968, %broadcast_in_dim3A_978 : vector<16xi1>, vector<16xi32>
      %broadcast_in_dim3A_979 = arith.constant true
      %broadcast_in_dim3A_980 = vector.broadcast %broadcast_in_dim3A_979 : i1 to vector<16xi1>
      %masked_cummax3A = arith.constant -2147483648 : i32
      %masked_cummax3A_981 = vector.broadcast %masked_cummax3A : i32 to vector<16xi32>
      %masked_cummax3A_982 = arith.xori %select_n3A, %masked_cummax3A_981 : vector<16xi32>
      %masked_cummax3A_983 = tpu.scan <max>, %masked_cummax3A_982 masked %broadcast_in_dim3A_980 : vector<16xi32>, vector<16xi1> -> vector<16xi32>
      %masked_cummax3A_984 = arith.xori %masked_cummax3A_983, %masked_cummax3A_981 : vector<16xi32>
      %swap3A = arith.constant 0 : index
      %swap3A_985 = tpu.vector_load %arg16[%swap3A] {strides = array<i32>} : memref<16xi32, #tpu.memory_space<vmem>>, vector<16xi32>,
      tpu.vector_store %arg16[%swap3A], %masked_cummax3A_984 {strides = array<i32>} : memref<16xi32, #tpu.memory_space<vmem>>, vector<16xi32>,
      %sub3A = arith.constant 1 : i32
      %sub3A_986 = vector.broadcast %sub3A : i32 to vector<16xi32>
      %sub3A_987 = arith.subi %iota3A, %sub3A_986 : vector<16xi32>
      %max3A = arith.constant 0 : i32
      %max3A_988 = vector.broadcast %max3A : i32 to vector<16xi32>
      %max3A_989 = arith.maxsi %sub3A_987, %max3A_988 : vector<16xi32>
      %gather3A_990 = tpu.vector_load_idx %arg16[%max3A_989] : memref<16xi32, #tpu.memory_space<vmem>>[vector<16xi32>], vector<16xi32>,
      %eq3A_991 = arith.constant 0 : i32
      %eq3A_992 = vector.broadcast %eq3A_991 : i32 to vector<16xi32>
      %eq3A_993 = arith.cmpi eq, %iota3A, %eq3A_992 : vector<16xi32>
      %broadcast_in_dim3A_994 = vector.broadcast %scan3A_963 : i32 to vector<16xi32>
      %select_n3A_995 = arith.select %eq3A_993, %broadcast_in_dim3A_994, %gather3A_990 : vector<16xi1>, vector<16xi32>
      %max3A_996 = vector.broadcast %scan3A_963 : i32 to vector<16xi32>
      %max3A_997 = arith.maxsi %select_n3A_995, %max3A_996 : vector<16xi32>
      %sub3A_998 = arith.subi %add3A_968, %max3A_997 : vector<16xi32>
      %convert_element_type3A = arith.sitofp %sub3A_998 : vector<16xi32> to vector<16xf32>
      tpu.vector_store_idx %arg15[%get3A_966], %convert_element_type3A masked %and3A {add = true} : memref<512xf32, #tpu.memory_space<vmem>>[vector<16xi32>], vector<16xf32>, vector<16xi1>
      %reduce_max3A = arith.constant true
      %reduce_max3A_999 = vector.broadcast %reduce_max3A : i1 to vector<16xi1>
      %reduce_max3A_1000 = arith.constant -2147483648 : i32
      %reduce_max3A_1001 = vector.broadcast %reduce_max3A_1000 : i32 to vector<16xi32>
      %reduce_max3A_1002 = arith.xori %select_n3A, %reduce_max3A_1001 : vector<16xi32>
      %reduce_max3A_1003 = tpu.scan <max>, %reduce_max3A_1002 masked %reduce_max3A_999 : vector<16xi32>, vector<16xi1> -> vector<16xi32>
      %reduce_max3A_1004 = arith.xori %reduce_max3A_1003, %reduce_max3A_1001 : vector<16xi32>
      %reduce_max3A_1005 = vector.extract %reduce_max3A_1004[15] : i32 from vector<16xi32>
      %max3A_1006 = arith.maxsi %scan3A_963, %reduce_max3A_1005 : i32
      scf.yield %max3A_1006 : i32
    }
    %scan3A_770 = arith.constant 8 : i32
    %dma_wait3A_771 = arith.constant 18 : i32
    %dma_wait3A_772 = arith.constant 0 : i32
    %dma_wait3A_773 = tpu.memref_slice %arg8[%dma_wait3A_771, %dma_wait3A_772] : memref<25x125xi32, #tpu.memory_space<vmem>> -> memref<1x125xi32, #tpu.memory_space<vmem>>
    %dma_wait3A_774 = tpu.memref_squeeze %dma_wait3A_773 : memref<1x125xi32, #tpu.memory_space<vmem>> -> memref<125xi32, #tpu.memory_space<vmem>>
    %dma_wait3A_775 = arith.constant 0 : i32
    %dma_wait3A_776 = arith.constant 0 : i32
    %dma_wait3A_777 = tpu.memref_slice %arg17[%dma_wait3A_775, %dma_wait3A_776] : memref<512x128xf32, #tpu.memory_space<vmem_shared>> -> memref<512x128xf32, #tpu.memory_space<vmem_shared>>
    tpu.wait_indirect_dma semaphore(%arg24 : memref<!tpu.dma_semaphore, #tpu.memory_space<semaphore_mem>>) src(%arg12 : memref<125x128xf32, #tpu.memory_space<vmem>>) dst(%dma_wait3A_777 : memref<512x128xf32, #tpu.memory_space<vmem_shared>>)
    %dma_start3A_778 = arith.constant 22 : i32
    %dma_start3A_779 = arith.constant 0 : i32
    %dma_start3A_780 = arith.constant 0 : i32
    %dma_start3A_781 = tpu.memref_slice %arg2[%add3A, %dma_start3A_778, %dma_start3A_779, %dma_start3A_780] : memref<32x25x125x128xf32, #tpu.memory_space<hbm>> -> memref<1x1x125x128xf32, #tpu.memory_space<hbm>>
    %dma_start3A_782 = tpu.memref_squeeze %dma_start3A_781 : memref<1x1x125x128xf32, #tpu.memory_space<hbm>> -> memref<125x128xf32, #tpu.memory_space<hbm>>
    %dma_start3A_783 = arith.constant 0 : i32
    %dma_start3A_784 = arith.constant 0 : i32
    %dma_start3A_785 = tpu.memref_slice %arg2[%add3A, %dma_start3A_778, %dma_start3A_783, %dma_start3A_784] : memref<32x25x125x128xf32, #tpu.memory_space<hbm>> -> memref<1x1x125x128xf32, #tpu.memory_space<hbm>>
    %dma_start3A_786 = tpu.memref_squeeze %dma_start3A_785 : memref<1x1x125x128xf32, #tpu.memory_space<hbm>> -> memref<125x128xf32, #tpu.memory_space<hbm>>
    tpu.enqueue_dma source(%dma_start3A_786 : memref<125x128xf32, #tpu.memory_space<hbm>>) target(%arg12 : memref<125x128xf32, #tpu.memory_space<vmem>>) target_semaphore(%arg20 : memref<!tpu.dma_semaphore, #tpu.memory_space<semaphore_mem>>)
    %dma_wait3A_787 = arith.constant 20 : i32
    %dma_wait3A_788 = arith.constant 0 : i32
    %dma_wait3A_789 = arith.constant 0 : i32
    %dma_wait3A_790 = tpu.memref_slice %arg2[%add3A, %dma_wait3A_787, %dma_wait3A_788, %dma_wait3A_789] : memref<32x25x125x128xf32, #tpu.memory_space<hbm>> -> memref<1x1x125x128xf32, #tpu.memory_space<hbm>>
    %dma_wait3A_791 = tpu.memref_squeeze %dma_wait3A_790 : memref<1x1x125x128xf32, #tpu.memory_space<hbm>> -> memref<125x128xf32, #tpu.memory_space<hbm>>
    %dma_wait3A_792 = arith.constant 0 : i32
    %dma_wait3A_793 = arith.constant 0 : i32
    %dma_wait3A_794 = tpu.memref_slice %arg2[%add3A, %dma_wait3A_787, %dma_wait3A_792, %dma_wait3A_793] : memref<32x25x125x128xf32, #tpu.memory_space<hbm>> -> memref<1x1x125x128xf32, #tpu.memory_space<hbm>>
    %dma_wait3A_795 = tpu.memref_squeeze %dma_wait3A_794 : memref<1x1x125x128xf32, #tpu.memory_space<hbm>> -> memref<125x128xf32, #tpu.memory_space<hbm>>
    tpu.wait_dma2 semaphore(%arg18 : memref<!tpu.dma_semaphore, #tpu.memory_space<semaphore_mem>>) src(%dma_wait3A_795 : memref<125x128xf32, #tpu.memory_space<hbm>>) dst(%arg10 : memref<125x128xf32, #tpu.memory_space<vmem>>)
    %dma_start3A_796 = arith.constant 20 : i32
    %dma_start3A_797 = arith.constant 0 : i32
    %dma_start3A_798 = tpu.memref_slice %arg8[%dma_start3A_796, %dma_start3A_797] : memref<25x125xi32, #tpu.memory_space<vmem>> -> memref<1x125xi32, #tpu.memory_space<vmem>>
    %dma_start3A_799 = tpu.memref_squeeze %dma_start3A_798 : memref<1x125xi32, #tpu.memory_space<vmem>> -> memref<125xi32, #tpu.memory_space<vmem>>
    %dma_start3A_800 = arith.constant 0 : i32
    %dma_start3A_801 = arith.constant 0 : i32
    %dma_start3A_802 = tpu.memref_slice %arg17[%dma_start3A_800, %dma_start3A_801] : memref<512x128xf32, #tpu.memory_space<vmem_shared>> -> memref<512x128xf32, #tpu.memory_space<vmem_shared>>
    tpu.enqueue_indirect_dma source(%arg10 : memref<125x128xf32, #tpu.memory_space<vmem>>) target(%dma_start3A_802 : memref<512x128xf32, #tpu.memory_space<vmem_shared>>) offsets(%dma_start3A_799 : memref<125xi32, #tpu.memory_space<vmem>>) semaphore(%arg22 : memref<!tpu.dma_semaphore, #tpu.memory_space<semaphore_mem>>) {add = true}
    %scan3A_803 = arith.constant 160 : i32
    %scan3A_804 = arith.constant 8 : i32
    %scan3A_805 = arith.addi %scan3A_803, %scan3A_804 : i32
    %scan3A_806 = arith.constant 1 : i32
    %scan3A_807 = scf.for %scan3A_962 = %scan3A_803 to %scan3A_805 step %scan3A_806 iter_args(%scan3A_963 = %scan3A_769) -> (i32)  : i32 {
      %mul3A_964 = arith.constant 16 : i32
      %mul3A_965 = arith.muli %scan3A_962, %mul3A_964 : i32
      %multiple_of3A = tpu.assume_multiple %mul3A_965, 16 : i32
      %get3A = arith.index_cast %multiple_of3A : i32 to index
      %get3A_966 = tpu.vector_load %arg9[%get3A] {strides = array<i32>} : memref<3136xi32, #tpu.memory_space<vmem>>, vector<16xi32>,
      %add3A_967 = vector.broadcast %multiple_of3A : i32 to vector<16xi32>
      %add3A_968 = arith.addi %add3A_967, %iota3A : vector<16xi32>
      %add3A_969 = arith.constant 1 : i32
      %add3A_970 = vector.broadcast %add3A_969 : i32 to vector<16xi32>
      %add3A_971 = arith.addi %add3A_968, %add3A_970 : vector<16xi32>
      %min3A = arith.constant 3124 : i32
      %min3A_972 = vector.broadcast %min3A : i32 to vector<16xi32>
      %min3A_973 = arith.minsi %add3A_971, %min3A_972 : vector<16xi32>
      %gather3A = tpu.vector_load_idx %arg9[%min3A_973] : memref<3136xi32, #tpu.memory_space<vmem>>[vector<16xi32>], vector<16xi32>,
      %lt3A = arith.constant 3125 : i32
      %lt3A_974 = vector.broadcast %lt3A : i32 to vector<16xi32>
      %lt3A_975 = arith.cmpi slt, %add3A_968, %lt3A_974 : vector<16xi32>
      %ne3A = arith.cmpi ne, %get3A_966, %gather3A : vector<16xi32>
      %eq3A = arith.constant 3124 : i32
      %eq3A_976 = vector.broadcast %eq3A : i32 to vector<16xi32>
      %eq3A_977 = arith.cmpi eq, %add3A_968, %eq3A_976 : vector<16xi32>
      %or3A = arith.ori %ne3A, %eq3A_977 : vector<16xi1>
      %and3A = arith.andi %or3A, %lt3A_975 : vector<16xi1>
      %jit3A = arith.constant -1 : i32
      %broadcast_in_dim3A_978 = vector.broadcast %jit3A : i32 to vector<16xi32>
      %select_n3A = arith.select %and3A, %add3A_968, %broadcast_in_dim3A_978 : vector<16xi1>, vector<16xi32>
      %broadcast_in_dim3A_979 = arith.constant true
      %broadcast_in_dim3A_980 = vector.broadcast %broadcast_in_dim3A_979 : i1 to vector<16xi1>
      %masked_cummax3A = arith.constant -2147483648 : i32
      %masked_cummax3A_981 = vector.broadcast %masked_cummax3A : i32 to vector<16xi32>
      %masked_cummax3A_982 = arith.xori %select_n3A, %masked_cummax3A_981 : vector<16xi32>
      %masked_cummax3A_983 = tpu.scan <max>, %masked_cummax3A_982 masked %broadcast_in_dim3A_980 : vector<16xi32>, vector<16xi1> -> vector<16xi32>
      %masked_cummax3A_984 = arith.xori %masked_cummax3A_983, %masked_cummax3A_981 : vector<16xi32>
      %swap3A = arith.constant 0 : index
      %swap3A_985 = tpu.vector_load %arg16[%swap3A] {strides = array<i32>} : memref<16xi32, #tpu.memory_space<vmem>>, vector<16xi32>,
      tpu.vector_store %arg16[%swap3A], %masked_cummax3A_984 {strides = array<i32>} : memref<16xi32, #tpu.memory_space<vmem>>, vector<16xi32>,
      %sub3A = arith.constant 1 : i32
      %sub3A_986 = vector.broadcast %sub3A : i32 to vector<16xi32>
      %sub3A_987 = arith.subi %iota3A, %sub3A_986 : vector<16xi32>
      %max3A = arith.constant 0 : i32
      %max3A_988 = vector.broadcast %max3A : i32 to vector<16xi32>
      %max3A_989 = arith.maxsi %sub3A_987, %max3A_988 : vector<16xi32>
      %gather3A_990 = tpu.vector_load_idx %arg16[%max3A_989] : memref<16xi32, #tpu.memory_space<vmem>>[vector<16xi32>], vector<16xi32>,
      %eq3A_991 = arith.constant 0 : i32
      %eq3A_992 = vector.broadcast %eq3A_991 : i32 to vector<16xi32>
      %eq3A_993 = arith.cmpi eq, %iota3A, %eq3A_992 : vector<16xi32>
      %broadcast_in_dim3A_994 = vector.broadcast %scan3A_963 : i32 to vector<16xi32>
      %select_n3A_995 = arith.select %eq3A_993, %broadcast_in_dim3A_994, %gather3A_990 : vector<16xi1>, vector<16xi32>
      %max3A_996 = vector.broadcast %scan3A_963 : i32 to vector<16xi32>
      %max3A_997 = arith.maxsi %select_n3A_995, %max3A_996 : vector<16xi32>
      %sub3A_998 = arith.subi %add3A_968, %max3A_997 : vector<16xi32>
      %convert_element_type3A = arith.sitofp %sub3A_998 : vector<16xi32> to vector<16xf32>
      tpu.vector_store_idx %arg15[%get3A_966], %convert_element_type3A masked %and3A {add = true} : memref<512xf32, #tpu.memory_space<vmem>>[vector<16xi32>], vector<16xf32>, vector<16xi1>
      %reduce_max3A = arith.constant true
      %reduce_max3A_999 = vector.broadcast %reduce_max3A : i1 to vector<16xi1>
      %reduce_max3A_1000 = arith.constant -2147483648 : i32
      %reduce_max3A_1001 = vector.broadcast %reduce_max3A_1000 : i32 to vector<16xi32>
      %reduce_max3A_1002 = arith.xori %select_n3A, %reduce_max3A_1001 : vector<16xi32>
      %reduce_max3A_1003 = tpu.scan <max>, %reduce_max3A_1002 masked %reduce_max3A_999 : vector<16xi32>, vector<16xi1> -> vector<16xi32>
      %reduce_max3A_1004 = arith.xori %reduce_max3A_1003, %reduce_max3A_1001 : vector<16xi32>
      %reduce_max3A_1005 = vector.extract %reduce_max3A_1004[15] : i32 from vector<16xi32>
      %max3A_1006 = arith.maxsi %scan3A_963, %reduce_max3A_1005 : i32
      scf.yield %max3A_1006 : i32
    }
    %scan3A_808 = arith.constant 8 : i32
    %dma_wait3A_809 = arith.constant 19 : i32
    %dma_wait3A_810 = arith.constant 0 : i32
    %dma_wait3A_811 = tpu.memref_slice %arg8[%dma_wait3A_809, %dma_wait3A_810] : memref<25x125xi32, #tpu.memory_space<vmem>> -> memref<1x125xi32, #tpu.memory_space<vmem>>
    %dma_wait3A_812 = tpu.memref_squeeze %dma_wait3A_811 : memref<1x125xi32, #tpu.memory_space<vmem>> -> memref<125xi32, #tpu.memory_space<vmem>>
    %dma_wait3A_813 = arith.constant 0 : i32
    %dma_wait3A_814 = arith.constant 0 : i32
    %dma_wait3A_815 = tpu.memref_slice %arg17[%dma_wait3A_813, %dma_wait3A_814] : memref<512x128xf32, #tpu.memory_space<vmem_shared>> -> memref<512x128xf32, #tpu.memory_space<vmem_shared>>
    tpu.wait_indirect_dma semaphore(%arg25 : memref<!tpu.dma_semaphore, #tpu.memory_space<semaphore_mem>>) src(%arg13 : memref<125x128xf32, #tpu.memory_space<vmem>>) dst(%dma_wait3A_815 : memref<512x128xf32, #tpu.memory_space<vmem_shared>>)
    %dma_start3A_816 = arith.constant 23 : i32
    %dma_start3A_817 = arith.constant 0 : i32
    %dma_start3A_818 = arith.constant 0 : i32
    %dma_start3A_819 = tpu.memref_slice %arg2[%add3A, %dma_start3A_816, %dma_start3A_817, %dma_start3A_818] : memref<32x25x125x128xf32, #tpu.memory_space<hbm>> -> memref<1x1x125x128xf32, #tpu.memory_space<hbm>>
    %dma_start3A_820 = tpu.memref_squeeze %dma_start3A_819 : memref<1x1x125x128xf32, #tpu.memory_space<hbm>> -> memref<125x128xf32, #tpu.memory_space<hbm>>
    %dma_start3A_821 = arith.constant 0 : i32
    %dma_start3A_822 = arith.constant 0 : i32
    %dma_start3A_823 = tpu.memref_slice %arg2[%add3A, %dma_start3A_816, %dma_start3A_821, %dma_start3A_822] : memref<32x25x125x128xf32, #tpu.memory_space<hbm>> -> memref<1x1x125x128xf32, #tpu.memory_space<hbm>>
    %dma_start3A_824 = tpu.memref_squeeze %dma_start3A_823 : memref<1x1x125x128xf32, #tpu.memory_space<hbm>> -> memref<125x128xf32, #tpu.memory_space<hbm>>
    tpu.enqueue_dma source(%dma_start3A_824 : memref<125x128xf32, #tpu.memory_space<hbm>>) target(%arg13 : memref<125x128xf32, #tpu.memory_space<vmem>>) target_semaphore(%arg21 : memref<!tpu.dma_semaphore, #tpu.memory_space<semaphore_mem>>)
    %dma_wait3A_825 = arith.constant 21 : i32
    %dma_wait3A_826 = arith.constant 0 : i32
    %dma_wait3A_827 = arith.constant 0 : i32
    %dma_wait3A_828 = tpu.memref_slice %arg2[%add3A, %dma_wait3A_825, %dma_wait3A_826, %dma_wait3A_827] : memref<32x25x125x128xf32, #tpu.memory_space<hbm>> -> memref<1x1x125x128xf32, #tpu.memory_space<hbm>>
    %dma_wait3A_829 = tpu.memref_squeeze %dma_wait3A_828 : memref<1x1x125x128xf32, #tpu.memory_space<hbm>> -> memref<125x128xf32, #tpu.memory_space<hbm>>
    %dma_wait3A_830 = arith.constant 0 : i32
    %dma_wait3A_831 = arith.constant 0 : i32
    %dma_wait3A_832 = tpu.memref_slice %arg2[%add3A, %dma_wait3A_825, %dma_wait3A_830, %dma_wait3A_831] : memref<32x25x125x128xf32, #tpu.memory_space<hbm>> -> memref<1x1x125x128xf32, #tpu.memory_space<hbm>>
    %dma_wait3A_833 = tpu.memref_squeeze %dma_wait3A_832 : memref<1x1x125x128xf32, #tpu.memory_space<hbm>> -> memref<125x128xf32, #tpu.memory_space<hbm>>
    tpu.wait_dma2 semaphore(%arg19 : memref<!tpu.dma_semaphore, #tpu.memory_space<semaphore_mem>>) src(%dma_wait3A_833 : memref<125x128xf32, #tpu.memory_space<hbm>>) dst(%arg11 : memref<125x128xf32, #tpu.memory_space<vmem>>)
    %dma_start3A_834 = arith.constant 21 : i32
    %dma_start3A_835 = arith.constant 0 : i32
    %dma_start3A_836 = tpu.memref_slice %arg8[%dma_start3A_834, %dma_start3A_835] : memref<25x125xi32, #tpu.memory_space<vmem>> -> memref<1x125xi32, #tpu.memory_space<vmem>>
    %dma_start3A_837 = tpu.memref_squeeze %dma_start3A_836 : memref<1x125xi32, #tpu.memory_space<vmem>> -> memref<125xi32, #tpu.memory_space<vmem>>
    %dma_start3A_838 = arith.constant 0 : i32
    %dma_start3A_839 = arith.constant 0 : i32
    %dma_start3A_840 = tpu.memref_slice %arg17[%dma_start3A_838, %dma_start3A_839] : memref<512x128xf32, #tpu.memory_space<vmem_shared>> -> memref<512x128xf32, #tpu.memory_space<vmem_shared>>
    tpu.enqueue_indirect_dma source(%arg11 : memref<125x128xf32, #tpu.memory_space<vmem>>) target(%dma_start3A_840 : memref<512x128xf32, #tpu.memory_space<vmem_shared>>) offsets(%dma_start3A_837 : memref<125xi32, #tpu.memory_space<vmem>>) semaphore(%arg23 : memref<!tpu.dma_semaphore, #tpu.memory_space<semaphore_mem>>) {add = true}
    %scan3A_841 = arith.constant 168 : i32
    %scan3A_842 = arith.constant 8 : i32
    %scan3A_843 = arith.addi %scan3A_841, %scan3A_842 : i32
    %scan3A_844 = arith.constant 1 : i32
    %scan3A_845 = scf.for %scan3A_962 = %scan3A_841 to %scan3A_843 step %scan3A_844 iter_args(%scan3A_963 = %scan3A_807) -> (i32)  : i32 {
      %mul3A_964 = arith.constant 16 : i32
      %mul3A_965 = arith.muli %scan3A_962, %mul3A_964 : i32
      %multiple_of3A = tpu.assume_multiple %mul3A_965, 16 : i32
      %get3A = arith.index_cast %multiple_of3A : i32 to index
      %get3A_966 = tpu.vector_load %arg9[%get3A] {strides = array<i32>} : memref<3136xi32, #tpu.memory_space<vmem>>, vector<16xi32>,
      %add3A_967 = vector.broadcast %multiple_of3A : i32 to vector<16xi32>
      %add3A_968 = arith.addi %add3A_967, %iota3A : vector<16xi32>
      %add3A_969 = arith.constant 1 : i32
      %add3A_970 = vector.broadcast %add3A_969 : i32 to vector<16xi32>
      %add3A_971 = arith.addi %add3A_968, %add3A_970 : vector<16xi32>
      %min3A = arith.constant 3124 : i32
      %min3A_972 = vector.broadcast %min3A : i32 to vector<16xi32>
      %min3A_973 = arith.minsi %add3A_971, %min3A_972 : vector<16xi32>
      %gather3A = tpu.vector_load_idx %arg9[%min3A_973] : memref<3136xi32, #tpu.memory_space<vmem>>[vector<16xi32>], vector<16xi32>,
      %lt3A = arith.constant 3125 : i32
      %lt3A_974 = vector.broadcast %lt3A : i32 to vector<16xi32>
      %lt3A_975 = arith.cmpi slt, %add3A_968, %lt3A_974 : vector<16xi32>
      %ne3A = arith.cmpi ne, %get3A_966, %gather3A : vector<16xi32>
      %eq3A = arith.constant 3124 : i32
      %eq3A_976 = vector.broadcast %eq3A : i32 to vector<16xi32>
      %eq3A_977 = arith.cmpi eq, %add3A_968, %eq3A_976 : vector<16xi32>
      %or3A = arith.ori %ne3A, %eq3A_977 : vector<16xi1>
      %and3A = arith.andi %or3A, %lt3A_975 : vector<16xi1>
      %jit3A = arith.constant -1 : i32
      %broadcast_in_dim3A_978 = vector.broadcast %jit3A : i32 to vector<16xi32>
      %select_n3A = arith.select %and3A, %add3A_968, %broadcast_in_dim3A_978 : vector<16xi1>, vector<16xi32>
      %broadcast_in_dim3A_979 = arith.constant true
      %broadcast_in_dim3A_980 = vector.broadcast %broadcast_in_dim3A_979 : i1 to vector<16xi1>
      %masked_cummax3A = arith.constant -2147483648 : i32
      %masked_cummax3A_981 = vector.broadcast %masked_cummax3A : i32 to vector<16xi32>
      %masked_cummax3A_982 = arith.xori %select_n3A, %masked_cummax3A_981 : vector<16xi32>
      %masked_cummax3A_983 = tpu.scan <max>, %masked_cummax3A_982 masked %broadcast_in_dim3A_980 : vector<16xi32>, vector<16xi1> -> vector<16xi32>
      %masked_cummax3A_984 = arith.xori %masked_cummax3A_983, %masked_cummax3A_981 : vector<16xi32>
      %swap3A = arith.constant 0 : index
      %swap3A_985 = tpu.vector_load %arg16[%swap3A] {strides = array<i32>} : memref<16xi32, #tpu.memory_space<vmem>>, vector<16xi32>,
      tpu.vector_store %arg16[%swap3A], %masked_cummax3A_984 {strides = array<i32>} : memref<16xi32, #tpu.memory_space<vmem>>, vector<16xi32>,
      %sub3A = arith.constant 1 : i32
      %sub3A_986 = vector.broadcast %sub3A : i32 to vector<16xi32>
      %sub3A_987 = arith.subi %iota3A, %sub3A_986 : vector<16xi32>
      %max3A = arith.constant 0 : i32
      %max3A_988 = vector.broadcast %max3A : i32 to vector<16xi32>
      %max3A_989 = arith.maxsi %sub3A_987, %max3A_988 : vector<16xi32>
      %gather3A_990 = tpu.vector_load_idx %arg16[%max3A_989] : memref<16xi32, #tpu.memory_space<vmem>>[vector<16xi32>], vector<16xi32>,
      %eq3A_991 = arith.constant 0 : i32
      %eq3A_992 = vector.broadcast %eq3A_991 : i32 to vector<16xi32>
      %eq3A_993 = arith.cmpi eq, %iota3A, %eq3A_992 : vector<16xi32>
      %broadcast_in_dim3A_994 = vector.broadcast %scan3A_963 : i32 to vector<16xi32>
      %select_n3A_995 = arith.select %eq3A_993, %broadcast_in_dim3A_994, %gather3A_990 : vector<16xi1>, vector<16xi32>
      %max3A_996 = vector.broadcast %scan3A_963 : i32 to vector<16xi32>
      %max3A_997 = arith.maxsi %select_n3A_995, %max3A_996 : vector<16xi32>
      %sub3A_998 = arith.subi %add3A_968, %max3A_997 : vector<16xi32>
      %convert_element_type3A = arith.sitofp %sub3A_998 : vector<16xi32> to vector<16xf32>
      tpu.vector_store_idx %arg15[%get3A_966], %convert_element_type3A masked %and3A {add = true} : memref<512xf32, #tpu.memory_space<vmem>>[vector<16xi32>], vector<16xf32>, vector<16xi1>
      %reduce_max3A = arith.constant true
      %reduce_max3A_999 = vector.broadcast %reduce_max3A : i1 to vector<16xi1>
      %reduce_max3A_1000 = arith.constant -2147483648 : i32
      %reduce_max3A_1001 = vector.broadcast %reduce_max3A_1000 : i32 to vector<16xi32>
      %reduce_max3A_1002 = arith.xori %select_n3A, %reduce_max3A_1001 : vector<16xi32>
      %reduce_max3A_1003 = tpu.scan <max>, %reduce_max3A_1002 masked %reduce_max3A_999 : vector<16xi32>, vector<16xi1> -> vector<16xi32>
      %reduce_max3A_1004 = arith.xori %reduce_max3A_1003, %reduce_max3A_1001 : vector<16xi32>
      %reduce_max3A_1005 = vector.extract %reduce_max3A_1004[15] : i32 from vector<16xi32>
      %max3A_1006 = arith.maxsi %scan3A_963, %reduce_max3A_1005 : i32
      scf.yield %max3A_1006 : i32
    }
    %scan3A_846 = arith.constant 8 : i32
    %dma_wait3A_847 = arith.constant 20 : i32
    %dma_wait3A_848 = arith.constant 0 : i32
    %dma_wait3A_849 = tpu.memref_slice %arg8[%dma_wait3A_847, %dma_wait3A_848] : memref<25x125xi32, #tpu.memory_space<vmem>> -> memref<1x125xi32, #tpu.memory_space<vmem>>
    %dma_wait3A_850 = tpu.memref_squeeze %dma_wait3A_849 : memref<1x125xi32, #tpu.memory_space<vmem>> -> memref<125xi32, #tpu.memory_space<vmem>>
    %dma_wait3A_851 = arith.constant 0 : i32
    %dma_wait3A_852 = arith.constant 0 : i32
    %dma_wait3A_853 = tpu.memref_slice %arg17[%dma_wait3A_851, %dma_wait3A_852] : memref<512x128xf32, #tpu.memory_space<vmem_shared>> -> memref<512x128xf32, #tpu.memory_space<vmem_shared>>
    tpu.wait_indirect_dma semaphore(%arg22 : memref<!tpu.dma_semaphore, #tpu.memory_space<semaphore_mem>>) src(%arg10 : memref<125x128xf32, #tpu.memory_space<vmem>>) dst(%dma_wait3A_853 : memref<512x128xf32, #tpu.memory_space<vmem_shared>>)
    %dma_start3A_854 = arith.constant 24 : i32
    %dma_start3A_855 = arith.constant 0 : i32
    %dma_start3A_856 = arith.constant 0 : i32
    %dma_start3A_857 = tpu.memref_slice %arg2[%add3A, %dma_start3A_854, %dma_start3A_855, %dma_start3A_856] : memref<32x25x125x128xf32, #tpu.memory_space<hbm>> -> memref<1x1x125x128xf32, #tpu.memory_space<hbm>>
    %dma_start3A_858 = tpu.memref_squeeze %dma_start3A_857 : memref<1x1x125x128xf32, #tpu.memory_space<hbm>> -> memref<125x128xf32, #tpu.memory_space<hbm>>
    %dma_start3A_859 = arith.constant 0 : i32
    %dma_start3A_860 = arith.constant 0 : i32
    %dma_start3A_861 = tpu.memref_slice %arg2[%add3A, %dma_start3A_854, %dma_start3A_859, %dma_start3A_860] : memref<32x25x125x128xf32, #tpu.memory_space<hbm>> -> memref<1x1x125x128xf32, #tpu.memory_space<hbm>>
    %dma_start3A_862 = tpu.memref_squeeze %dma_start3A_861 : memref<1x1x125x128xf32, #tpu.memory_space<hbm>> -> memref<125x128xf32, #tpu.memory_space<hbm>>
    tpu.enqueue_dma source(%dma_start3A_862 : memref<125x128xf32, #tpu.memory_space<hbm>>) target(%arg10 : memref<125x128xf32, #tpu.memory_space<vmem>>) target_semaphore(%arg18 : memref<!tpu.dma_semaphore, #tpu.memory_space<semaphore_mem>>)
    %dma_wait3A_863 = arith.constant 22 : i32
    %dma_wait3A_864 = arith.constant 0 : i32
    %dma_wait3A_865 = arith.constant 0 : i32
    %dma_wait3A_866 = tpu.memref_slice %arg2[%add3A, %dma_wait3A_863, %dma_wait3A_864, %dma_wait3A_865] : memref<32x25x125x128xf32, #tpu.memory_space<hbm>> -> memref<1x1x125x128xf32, #tpu.memory_space<hbm>>
    %dma_wait3A_867 = tpu.memref_squeeze %dma_wait3A_866 : memref<1x1x125x128xf32, #tpu.memory_space<hbm>> -> memref<125x128xf32, #tpu.memory_space<hbm>>
    %dma_wait3A_868 = arith.constant 0 : i32
    %dma_wait3A_869 = arith.constant 0 : i32
    %dma_wait3A_870 = tpu.memref_slice %arg2[%add3A, %dma_wait3A_863, %dma_wait3A_868, %dma_wait3A_869] : memref<32x25x125x128xf32, #tpu.memory_space<hbm>> -> memref<1x1x125x128xf32, #tpu.memory_space<hbm>>
    %dma_wait3A_871 = tpu.memref_squeeze %dma_wait3A_870 : memref<1x1x125x128xf32, #tpu.memory_space<hbm>> -> memref<125x128xf32, #tpu.memory_space<hbm>>
    tpu.wait_dma2 semaphore(%arg20 : memref<!tpu.dma_semaphore, #tpu.memory_space<semaphore_mem>>) src(%dma_wait3A_871 : memref<125x128xf32, #tpu.memory_space<hbm>>) dst(%arg12 : memref<125x128xf32, #tpu.memory_space<vmem>>)
    %dma_start3A_872 = arith.constant 22 : i32
    %dma_start3A_873 = arith.constant 0 : i32
    %dma_start3A_874 = tpu.memref_slice %arg8[%dma_start3A_872, %dma_start3A_873] : memref<25x125xi32, #tpu.memory_space<vmem>> -> memref<1x125xi32, #tpu.memory_space<vmem>>
    %dma_start3A_875 = tpu.memref_squeeze %dma_start3A_874 : memref<1x125xi32, #tpu.memory_space<vmem>> -> memref<125xi32, #tpu.memory_space<vmem>>
    %dma_start3A_876 = arith.constant 0 : i32
    %dma_start3A_877 = arith.constant 0 : i32
    %dma_start3A_878 = tpu.memref_slice %arg17[%dma_start3A_876, %dma_start3A_877] : memref<512x128xf32, #tpu.memory_space<vmem_shared>> -> memref<512x128xf32, #tpu.memory_space<vmem_shared>>
    tpu.enqueue_indirect_dma source(%arg12 : memref<125x128xf32, #tpu.memory_space<vmem>>) target(%dma_start3A_878 : memref<512x128xf32, #tpu.memory_space<vmem_shared>>) offsets(%dma_start3A_875 : memref<125xi32, #tpu.memory_space<vmem>>) semaphore(%arg24 : memref<!tpu.dma_semaphore, #tpu.memory_space<semaphore_mem>>) {add = true}
    %scan3A_879 = arith.constant 176 : i32
    %scan3A_880 = arith.constant 8 : i32
    %scan3A_881 = arith.addi %scan3A_879, %scan3A_880 : i32
    %scan3A_882 = arith.constant 1 : i32
    %scan3A_883 = scf.for %scan3A_962 = %scan3A_879 to %scan3A_881 step %scan3A_882 iter_args(%scan3A_963 = %scan3A_845) -> (i32)  : i32 {
      %mul3A_964 = arith.constant 16 : i32
      %mul3A_965 = arith.muli %scan3A_962, %mul3A_964 : i32
      %multiple_of3A = tpu.assume_multiple %mul3A_965, 16 : i32
      %get3A = arith.index_cast %multiple_of3A : i32 to index
      %get3A_966 = tpu.vector_load %arg9[%get3A] {strides = array<i32>} : memref<3136xi32, #tpu.memory_space<vmem>>, vector<16xi32>,
      %add3A_967 = vector.broadcast %multiple_of3A : i32 to vector<16xi32>
      %add3A_968 = arith.addi %add3A_967, %iota3A : vector<16xi32>
      %add3A_969 = arith.constant 1 : i32
      %add3A_970 = vector.broadcast %add3A_969 : i32 to vector<16xi32>
      %add3A_971 = arith.addi %add3A_968, %add3A_970 : vector<16xi32>
      %min3A = arith.constant 3124 : i32
      %min3A_972 = vector.broadcast %min3A : i32 to vector<16xi32>
      %min3A_973 = arith.minsi %add3A_971, %min3A_972 : vector<16xi32>
      %gather3A = tpu.vector_load_idx %arg9[%min3A_973] : memref<3136xi32, #tpu.memory_space<vmem>>[vector<16xi32>], vector<16xi32>,
      %lt3A = arith.constant 3125 : i32
      %lt3A_974 = vector.broadcast %lt3A : i32 to vector<16xi32>
      %lt3A_975 = arith.cmpi slt, %add3A_968, %lt3A_974 : vector<16xi32>
      %ne3A = arith.cmpi ne, %get3A_966, %gather3A : vector<16xi32>
      %eq3A = arith.constant 3124 : i32
      %eq3A_976 = vector.broadcast %eq3A : i32 to vector<16xi32>
      %eq3A_977 = arith.cmpi eq, %add3A_968, %eq3A_976 : vector<16xi32>
      %or3A = arith.ori %ne3A, %eq3A_977 : vector<16xi1>
      %and3A = arith.andi %or3A, %lt3A_975 : vector<16xi1>
      %jit3A = arith.constant -1 : i32
      %broadcast_in_dim3A_978 = vector.broadcast %jit3A : i32 to vector<16xi32>
      %select_n3A = arith.select %and3A, %add3A_968, %broadcast_in_dim3A_978 : vector<16xi1>, vector<16xi32>
      %broadcast_in_dim3A_979 = arith.constant true
      %broadcast_in_dim3A_980 = vector.broadcast %broadcast_in_dim3A_979 : i1 to vector<16xi1>
      %masked_cummax3A = arith.constant -2147483648 : i32
      %masked_cummax3A_981 = vector.broadcast %masked_cummax3A : i32 to vector<16xi32>
      %masked_cummax3A_982 = arith.xori %select_n3A, %masked_cummax3A_981 : vector<16xi32>
      %masked_cummax3A_983 = tpu.scan <max>, %masked_cummax3A_982 masked %broadcast_in_dim3A_980 : vector<16xi32>, vector<16xi1> -> vector<16xi32>
      %masked_cummax3A_984 = arith.xori %masked_cummax3A_983, %masked_cummax3A_981 : vector<16xi32>
      %swap3A = arith.constant 0 : index
      %swap3A_985 = tpu.vector_load %arg16[%swap3A] {strides = array<i32>} : memref<16xi32, #tpu.memory_space<vmem>>, vector<16xi32>,
      tpu.vector_store %arg16[%swap3A], %masked_cummax3A_984 {strides = array<i32>} : memref<16xi32, #tpu.memory_space<vmem>>, vector<16xi32>,
      %sub3A = arith.constant 1 : i32
      %sub3A_986 = vector.broadcast %sub3A : i32 to vector<16xi32>
      %sub3A_987 = arith.subi %iota3A, %sub3A_986 : vector<16xi32>
      %max3A = arith.constant 0 : i32
      %max3A_988 = vector.broadcast %max3A : i32 to vector<16xi32>
      %max3A_989 = arith.maxsi %sub3A_987, %max3A_988 : vector<16xi32>
      %gather3A_990 = tpu.vector_load_idx %arg16[%max3A_989] : memref<16xi32, #tpu.memory_space<vmem>>[vector<16xi32>], vector<16xi32>,
      %eq3A_991 = arith.constant 0 : i32
      %eq3A_992 = vector.broadcast %eq3A_991 : i32 to vector<16xi32>
      %eq3A_993 = arith.cmpi eq, %iota3A, %eq3A_992 : vector<16xi32>
      %broadcast_in_dim3A_994 = vector.broadcast %scan3A_963 : i32 to vector<16xi32>
      %select_n3A_995 = arith.select %eq3A_993, %broadcast_in_dim3A_994, %gather3A_990 : vector<16xi1>, vector<16xi32>
      %max3A_996 = vector.broadcast %scan3A_963 : i32 to vector<16xi32>
      %max3A_997 = arith.maxsi %select_n3A_995, %max3A_996 : vector<16xi32>
      %sub3A_998 = arith.subi %add3A_968, %max3A_997 : vector<16xi32>
      %convert_element_type3A = arith.sitofp %sub3A_998 : vector<16xi32> to vector<16xf32>
      tpu.vector_store_idx %arg15[%get3A_966], %convert_element_type3A masked %and3A {add = true} : memref<512xf32, #tpu.memory_space<vmem>>[vector<16xi32>], vector<16xf32>, vector<16xi1>
      %reduce_max3A = arith.constant true
      %reduce_max3A_999 = vector.broadcast %reduce_max3A : i1 to vector<16xi1>
      %reduce_max3A_1000 = arith.constant -2147483648 : i32
      %reduce_max3A_1001 = vector.broadcast %reduce_max3A_1000 : i32 to vector<16xi32>
      %reduce_max3A_1002 = arith.xori %select_n3A, %reduce_max3A_1001 : vector<16xi32>
      %reduce_max3A_1003 = tpu.scan <max>, %reduce_max3A_1002 masked %reduce_max3A_999 : vector<16xi32>, vector<16xi1> -> vector<16xi32>
      %reduce_max3A_1004 = arith.xori %reduce_max3A_1003, %reduce_max3A_1001 : vector<16xi32>
      %reduce_max3A_1005 = vector.extract %reduce_max3A_1004[15] : i32 from vector<16xi32>
      %max3A_1006 = arith.maxsi %scan3A_963, %reduce_max3A_1005 : i32
      scf.yield %max3A_1006 : i32
    }
    %scan3A_884 = arith.constant 8 : i32
    %dma_wait3A_885 = arith.constant 21 : i32
    %dma_wait3A_886 = arith.constant 0 : i32
    %dma_wait3A_887 = tpu.memref_slice %arg8[%dma_wait3A_885, %dma_wait3A_886] : memref<25x125xi32, #tpu.memory_space<vmem>> -> memref<1x125xi32, #tpu.memory_space<vmem>>
    %dma_wait3A_888 = tpu.memref_squeeze %dma_wait3A_887 : memref<1x125xi32, #tpu.memory_space<vmem>> -> memref<125xi32, #tpu.memory_space<vmem>>
    %dma_wait3A_889 = arith.constant 0 : i32
    %dma_wait3A_890 = arith.constant 0 : i32
    %dma_wait3A_891 = tpu.memref_slice %arg17[%dma_wait3A_889, %dma_wait3A_890] : memref<512x128xf32, #tpu.memory_space<vmem_shared>> -> memref<512x128xf32, #tpu.memory_space<vmem_shared>>
    tpu.wait_indirect_dma semaphore(%arg23 : memref<!tpu.dma_semaphore, #tpu.memory_space<semaphore_mem>>) src(%arg11 : memref<125x128xf32, #tpu.memory_space<vmem>>) dst(%dma_wait3A_891 : memref<512x128xf32, #tpu.memory_space<vmem_shared>>)
    %dma_wait3A_892 = arith.constant 23 : i32
    %dma_wait3A_893 = arith.constant 0 : i32
    %dma_wait3A_894 = arith.constant 0 : i32
    %dma_wait3A_895 = tpu.memref_slice %arg2[%add3A, %dma_wait3A_892, %dma_wait3A_893, %dma_wait3A_894] : memref<32x25x125x128xf32, #tpu.memory_space<hbm>> -> memref<1x1x125x128xf32, #tpu.memory_space<hbm>>
    %dma_wait3A_896 = tpu.memref_squeeze %dma_wait3A_895 : memref<1x1x125x128xf32, #tpu.memory_space<hbm>> -> memref<125x128xf32, #tpu.memory_space<hbm>>
    %dma_wait3A_897 = arith.constant 0 : i32
    %dma_wait3A_898 = arith.constant 0 : i32
    %dma_wait3A_899 = tpu.memref_slice %arg2[%add3A, %dma_wait3A_892, %dma_wait3A_897, %dma_wait3A_898] : memref<32x25x125x128xf32, #tpu.memory_space<hbm>> -> memref<1x1x125x128xf32, #tpu.memory_space<hbm>>
    %dma_wait3A_900 = tpu.memref_squeeze %dma_wait3A_899 : memref<1x1x125x128xf32, #tpu.memory_space<hbm>> -> memref<125x128xf32, #tpu.memory_space<hbm>>
    tpu.wait_dma2 semaphore(%arg21 : memref<!tpu.dma_semaphore, #tpu.memory_space<semaphore_mem>>) src(%dma_wait3A_900 : memref<125x128xf32, #tpu.memory_space<hbm>>) dst(%arg13 : memref<125x128xf32, #tpu.memory_space<vmem>>)
    %dma_start3A_901 = arith.constant 23 : i32
    %dma_start3A_902 = arith.constant 0 : i32
    %dma_start3A_903 = tpu.memref_slice %arg8[%dma_start3A_901, %dma_start3A_902] : memref<25x125xi32, #tpu.memory_space<vmem>> -> memref<1x125xi32, #tpu.memory_space<vmem>>
    %dma_start3A_904 = tpu.memref_squeeze %dma_start3A_903 : memref<1x125xi32, #tpu.memory_space<vmem>> -> memref<125xi32, #tpu.memory_space<vmem>>
    %dma_start3A_905 = arith.constant 0 : i32
    %dma_start3A_906 = arith.constant 0 : i32
    %dma_start3A_907 = tpu.memref_slice %arg17[%dma_start3A_905, %dma_start3A_906] : memref<512x128xf32, #tpu.memory_space<vmem_shared>> -> memref<512x128xf32, #tpu.memory_space<vmem_shared>>
    tpu.enqueue_indirect_dma source(%arg13 : memref<125x128xf32, #tpu.memory_space<vmem>>) target(%dma_start3A_907 : memref<512x128xf32, #tpu.memory_space<vmem_shared>>) offsets(%dma_start3A_904 : memref<125xi32, #tpu.memory_space<vmem>>) semaphore(%arg25 : memref<!tpu.dma_semaphore, #tpu.memory_space<semaphore_mem>>) {add = true}
    %scan3A_908 = arith.constant 184 : i32
    %scan3A_909 = arith.constant 8 : i32
    %scan3A_910 = arith.addi %scan3A_908, %scan3A_909 : i32
    %scan3A_911 = arith.constant 1 : i32
    %scan3A_912 = scf.for %scan3A_962 = %scan3A_908 to %scan3A_910 step %scan3A_911 iter_args(%scan3A_963 = %scan3A_883) -> (i32)  : i32 {
      %mul3A_964 = arith.constant 16 : i32
      %mul3A_965 = arith.muli %scan3A_962, %mul3A_964 : i32
      %multiple_of3A = tpu.assume_multiple %mul3A_965, 16 : i32
      %get3A = arith.index_cast %multiple_of3A : i32 to index
      %get3A_966 = tpu.vector_load %arg9[%get3A] {strides = array<i32>} : memref<3136xi32, #tpu.memory_space<vmem>>, vector<16xi32>,
      %add3A_967 = vector.broadcast %multiple_of3A : i32 to vector<16xi32>
      %add3A_968 = arith.addi %add3A_967, %iota3A : vector<16xi32>
      %add3A_969 = arith.constant 1 : i32
      %add3A_970 = vector.broadcast %add3A_969 : i32 to vector<16xi32>
      %add3A_971 = arith.addi %add3A_968, %add3A_970 : vector<16xi32>
      %min3A = arith.constant 3124 : i32
      %min3A_972 = vector.broadcast %min3A : i32 to vector<16xi32>
      %min3A_973 = arith.minsi %add3A_971, %min3A_972 : vector<16xi32>
      %gather3A = tpu.vector_load_idx %arg9[%min3A_973] : memref<3136xi32, #tpu.memory_space<vmem>>[vector<16xi32>], vector<16xi32>,
      %lt3A = arith.constant 3125 : i32
      %lt3A_974 = vector.broadcast %lt3A : i32 to vector<16xi32>
      %lt3A_975 = arith.cmpi slt, %add3A_968, %lt3A_974 : vector<16xi32>
      %ne3A = arith.cmpi ne, %get3A_966, %gather3A : vector<16xi32>
      %eq3A = arith.constant 3124 : i32
      %eq3A_976 = vector.broadcast %eq3A : i32 to vector<16xi32>
      %eq3A_977 = arith.cmpi eq, %add3A_968, %eq3A_976 : vector<16xi32>
      %or3A = arith.ori %ne3A, %eq3A_977 : vector<16xi1>
      %and3A = arith.andi %or3A, %lt3A_975 : vector<16xi1>
      %jit3A = arith.constant -1 : i32
      %broadcast_in_dim3A_978 = vector.broadcast %jit3A : i32 to vector<16xi32>
      %select_n3A = arith.select %and3A, %add3A_968, %broadcast_in_dim3A_978 : vector<16xi1>, vector<16xi32>
      %broadcast_in_dim3A_979 = arith.constant true
      %broadcast_in_dim3A_980 = vector.broadcast %broadcast_in_dim3A_979 : i1 to vector<16xi1>
      %masked_cummax3A = arith.constant -2147483648 : i32
      %masked_cummax3A_981 = vector.broadcast %masked_cummax3A : i32 to vector<16xi32>
      %masked_cummax3A_982 = arith.xori %select_n3A, %masked_cummax3A_981 : vector<16xi32>
      %masked_cummax3A_983 = tpu.scan <max>, %masked_cummax3A_982 masked %broadcast_in_dim3A_980 : vector<16xi32>, vector<16xi1> -> vector<16xi32>
      %masked_cummax3A_984 = arith.xori %masked_cummax3A_983, %masked_cummax3A_981 : vector<16xi32>
      %swap3A = arith.constant 0 : index
      %swap3A_985 = tpu.vector_load %arg16[%swap3A] {strides = array<i32>} : memref<16xi32, #tpu.memory_space<vmem>>, vector<16xi32>,
      tpu.vector_store %arg16[%swap3A], %masked_cummax3A_984 {strides = array<i32>} : memref<16xi32, #tpu.memory_space<vmem>>, vector<16xi32>,
      %sub3A = arith.constant 1 : i32
      %sub3A_986 = vector.broadcast %sub3A : i32 to vector<16xi32>
      %sub3A_987 = arith.subi %iota3A, %sub3A_986 : vector<16xi32>
      %max3A = arith.constant 0 : i32
      %max3A_988 = vector.broadcast %max3A : i32 to vector<16xi32>
      %max3A_989 = arith.maxsi %sub3A_987, %max3A_988 : vector<16xi32>
      %gather3A_990 = tpu.vector_load_idx %arg16[%max3A_989] : memref<16xi32, #tpu.memory_space<vmem>>[vector<16xi32>], vector<16xi32>,
      %eq3A_991 = arith.constant 0 : i32
      %eq3A_992 = vector.broadcast %eq3A_991 : i32 to vector<16xi32>
      %eq3A_993 = arith.cmpi eq, %iota3A, %eq3A_992 : vector<16xi32>
      %broadcast_in_dim3A_994 = vector.broadcast %scan3A_963 : i32 to vector<16xi32>
      %select_n3A_995 = arith.select %eq3A_993, %broadcast_in_dim3A_994, %gather3A_990 : vector<16xi1>, vector<16xi32>
      %max3A_996 = vector.broadcast %scan3A_963 : i32 to vector<16xi32>
      %max3A_997 = arith.maxsi %select_n3A_995, %max3A_996 : vector<16xi32>
      %sub3A_998 = arith.subi %add3A_968, %max3A_997 : vector<16xi32>
      %convert_element_type3A = arith.sitofp %sub3A_998 : vector<16xi32> to vector<16xf32>
      tpu.vector_store_idx %arg15[%get3A_966], %convert_element_type3A masked %and3A {add = true} : memref<512xf32, #tpu.memory_space<vmem>>[vector<16xi32>], vector<16xf32>, vector<16xi1>
      %reduce_max3A = arith.constant true
      %reduce_max3A_999 = vector.broadcast %reduce_max3A : i1 to vector<16xi1>
      %reduce_max3A_1000 = arith.constant -2147483648 : i32
      %reduce_max3A_1001 = vector.broadcast %reduce_max3A_1000 : i32 to vector<16xi32>
      %reduce_max3A_1002 = arith.xori %select_n3A, %reduce_max3A_1001 : vector<16xi32>
      %reduce_max3A_1003 = tpu.scan <max>, %reduce_max3A_1002 masked %reduce_max3A_999 : vector<16xi32>, vector<16xi1> -> vector<16xi32>
      %reduce_max3A_1004 = arith.xori %reduce_max3A_1003, %reduce_max3A_1001 : vector<16xi32>
      %reduce_max3A_1005 = vector.extract %reduce_max3A_1004[15] : i32 from vector<16xi32>
      %max3A_1006 = arith.maxsi %scan3A_963, %reduce_max3A_1005 : i32
      scf.yield %max3A_1006 : i32
    }
    %scan3A_913 = arith.constant 8 : i32
    %dma_wait3A_914 = arith.constant 22 : i32
    %dma_wait3A_915 = arith.constant 0 : i32
    %dma_wait3A_916 = tpu.memref_slice %arg8[%dma_wait3A_914, %dma_wait3A_915] : memref<25x125xi32, #tpu.memory_space<vmem>> -> memref<1x125xi32, #tpu.memory_space<vmem>>
    %dma_wait3A_917 = tpu.memref_squeeze %dma_wait3A_916 : memref<1x125xi32, #tpu.memory_space<vmem>> -> memref<125xi32, #tpu.memory_space<vmem>>
    %dma_wait3A_918 = arith.constant 0 : i32
    %dma_wait3A_919 = arith.constant 0 : i32
    %dma_wait3A_920 = tpu.memref_slice %arg17[%dma_wait3A_918, %dma_wait3A_919] : memref<512x128xf32, #tpu.memory_space<vmem_shared>> -> memref<512x128xf32, #tpu.memory_space<vmem_shared>>
    tpu.wait_indirect_dma semaphore(%arg24 : memref<!tpu.dma_semaphore, #tpu.memory_space<semaphore_mem>>) src(%arg12 : memref<125x128xf32, #tpu.memory_space<vmem>>) dst(%dma_wait3A_920 : memref<512x128xf32, #tpu.memory_space<vmem_shared>>)
    %dma_wait3A_921 = arith.constant 24 : i32
    %dma_wait3A_922 = arith.constant 0 : i32
    %dma_wait3A_923 = arith.constant 0 : i32
    %dma_wait3A_924 = tpu.memref_slice %arg2[%add3A, %dma_wait3A_921, %dma_wait3A_922, %dma_wait3A_923] : memref<32x25x125x128xf32, #tpu.memory_space<hbm>> -> memref<1x1x125x128xf32, #tpu.memory_space<hbm>>
    %dma_wait3A_925 = tpu.memref_squeeze %dma_wait3A_924 : memref<1x1x125x128xf32, #tpu.memory_space<hbm>> -> memref<125x128xf32, #tpu.memory_space<hbm>>
    %dma_wait3A_926 = arith.constant 0 : i32
    %dma_wait3A_927 = arith.constant 0 : i32
    %dma_wait3A_928 = tpu.memref_slice %arg2[%add3A, %dma_wait3A_921, %dma_wait3A_926, %dma_wait3A_927] : memref<32x25x125x128xf32, #tpu.memory_space<hbm>> -> memref<1x1x125x128xf32, #tpu.memory_space<hbm>>
    %dma_wait3A_929 = tpu.memref_squeeze %dma_wait3A_928 : memref<1x1x125x128xf32, #tpu.memory_space<hbm>> -> memref<125x128xf32, #tpu.memory_space<hbm>>
    tpu.wait_dma2 semaphore(%arg18 : memref<!tpu.dma_semaphore, #tpu.memory_space<semaphore_mem>>) src(%dma_wait3A_929 : memref<125x128xf32, #tpu.memory_space<hbm>>) dst(%arg10 : memref<125x128xf32, #tpu.memory_space<vmem>>)
    %dma_start3A_930 = arith.constant 24 : i32
    %dma_start3A_931 = arith.constant 0 : i32
    %dma_start3A_932 = tpu.memref_slice %arg8[%dma_start3A_930, %dma_start3A_931] : memref<25x125xi32, #tpu.memory_space<vmem>> -> memref<1x125xi32, #tpu.memory_space<vmem>>
    %dma_start3A_933 = tpu.memref_squeeze %dma_start3A_932 : memref<1x125xi32, #tpu.memory_space<vmem>> -> memref<125xi32, #tpu.memory_space<vmem>>
    %dma_start3A_934 = arith.constant 0 : i32
    %dma_start3A_935 = arith.constant 0 : i32
    %dma_start3A_936 = tpu.memref_slice %arg17[%dma_start3A_934, %dma_start3A_935] : memref<512x128xf32, #tpu.memory_space<vmem_shared>> -> memref<512x128xf32, #tpu.memory_space<vmem_shared>>
    tpu.enqueue_indirect_dma source(%arg10 : memref<125x128xf32, #tpu.memory_space<vmem>>) target(%dma_start3A_936 : memref<512x128xf32, #tpu.memory_space<vmem_shared>>) offsets(%dma_start3A_933 : memref<125xi32, #tpu.memory_space<vmem>>) semaphore(%arg22 : memref<!tpu.dma_semaphore, #tpu.memory_space<semaphore_mem>>) {add = true}
    %scan3A_937 = arith.constant 192 : i32
    %scan3A_938 = arith.constant 4 : i32
    %scan3A_939 = arith.addi %scan3A_937, %scan3A_938 : i32
    %scan3A_940 = arith.constant 1 : i32
    %scan3A_941 = scf.for %scan3A_962 = %scan3A_937 to %scan3A_939 step %scan3A_940 iter_args(%scan3A_963 = %scan3A_912) -> (i32)  : i32 {
      %mul3A_964 = arith.constant 16 : i32
      %mul3A_965 = arith.muli %scan3A_962, %mul3A_964 : i32
      %multiple_of3A = tpu.assume_multiple %mul3A_965, 16 : i32
      %get3A = arith.index_cast %multiple_of3A : i32 to index
      %get3A_966 = tpu.vector_load %arg9[%get3A] {strides = array<i32>} : memref<3136xi32, #tpu.memory_space<vmem>>, vector<16xi32>,
      %add3A_967 = vector.broadcast %multiple_of3A : i32 to vector<16xi32>
      %add3A_968 = arith.addi %add3A_967, %iota3A : vector<16xi32>
      %add3A_969 = arith.constant 1 : i32
      %add3A_970 = vector.broadcast %add3A_969 : i32 to vector<16xi32>
      %add3A_971 = arith.addi %add3A_968, %add3A_970 : vector<16xi32>
      %min3A = arith.constant 3124 : i32
      %min3A_972 = vector.broadcast %min3A : i32 to vector<16xi32>
      %min3A_973 = arith.minsi %add3A_971, %min3A_972 : vector<16xi32>
      %gather3A = tpu.vector_load_idx %arg9[%min3A_973] : memref<3136xi32, #tpu.memory_space<vmem>>[vector<16xi32>], vector<16xi32>,
      %lt3A = arith.constant 3125 : i32
      %lt3A_974 = vector.broadcast %lt3A : i32 to vector<16xi32>
      %lt3A_975 = arith.cmpi slt, %add3A_968, %lt3A_974 : vector<16xi32>
      %ne3A = arith.cmpi ne, %get3A_966, %gather3A : vector<16xi32>
      %eq3A = arith.constant 3124 : i32
      %eq3A_976 = vector.broadcast %eq3A : i32 to vector<16xi32>
      %eq3A_977 = arith.cmpi eq, %add3A_968, %eq3A_976 : vector<16xi32>
      %or3A = arith.ori %ne3A, %eq3A_977 : vector<16xi1>
      %and3A = arith.andi %or3A, %lt3A_975 : vector<16xi1>
      %jit3A = arith.constant -1 : i32
      %broadcast_in_dim3A_978 = vector.broadcast %jit3A : i32 to vector<16xi32>
      %select_n3A = arith.select %and3A, %add3A_968, %broadcast_in_dim3A_978 : vector<16xi1>, vector<16xi32>
      %broadcast_in_dim3A_979 = arith.constant true
      %broadcast_in_dim3A_980 = vector.broadcast %broadcast_in_dim3A_979 : i1 to vector<16xi1>
      %masked_cummax3A = arith.constant -2147483648 : i32
      %masked_cummax3A_981 = vector.broadcast %masked_cummax3A : i32 to vector<16xi32>
      %masked_cummax3A_982 = arith.xori %select_n3A, %masked_cummax3A_981 : vector<16xi32>
      %masked_cummax3A_983 = tpu.scan <max>, %masked_cummax3A_982 masked %broadcast_in_dim3A_980 : vector<16xi32>, vector<16xi1> -> vector<16xi32>
      %masked_cummax3A_984 = arith.xori %masked_cummax3A_983, %masked_cummax3A_981 : vector<16xi32>
      %swap3A = arith.constant 0 : index
      %swap3A_985 = tpu.vector_load %arg16[%swap3A] {strides = array<i32>} : memref<16xi32, #tpu.memory_space<vmem>>, vector<16xi32>,
      tpu.vector_store %arg16[%swap3A], %masked_cummax3A_984 {strides = array<i32>} : memref<16xi32, #tpu.memory_space<vmem>>, vector<16xi32>,
      %sub3A = arith.constant 1 : i32
      %sub3A_986 = vector.broadcast %sub3A : i32 to vector<16xi32>
      %sub3A_987 = arith.subi %iota3A, %sub3A_986 : vector<16xi32>
      %max3A = arith.constant 0 : i32
      %max3A_988 = vector.broadcast %max3A : i32 to vector<16xi32>
      %max3A_989 = arith.maxsi %sub3A_987, %max3A_988 : vector<16xi32>
      %gather3A_990 = tpu.vector_load_idx %arg16[%max3A_989] : memref<16xi32, #tpu.memory_space<vmem>>[vector<16xi32>], vector<16xi32>,
      %eq3A_991 = arith.constant 0 : i32
      %eq3A_992 = vector.broadcast %eq3A_991 : i32 to vector<16xi32>
      %eq3A_993 = arith.cmpi eq, %iota3A, %eq3A_992 : vector<16xi32>
      %broadcast_in_dim3A_994 = vector.broadcast %scan3A_963 : i32 to vector<16xi32>
      %select_n3A_995 = arith.select %eq3A_993, %broadcast_in_dim3A_994, %gather3A_990 : vector<16xi1>, vector<16xi32>
      %max3A_996 = vector.broadcast %scan3A_963 : i32 to vector<16xi32>
      %max3A_997 = arith.maxsi %select_n3A_995, %max3A_996 : vector<16xi32>
      %sub3A_998 = arith.subi %add3A_968, %max3A_997 : vector<16xi32>
      %convert_element_type3A = arith.sitofp %sub3A_998 : vector<16xi32> to vector<16xf32>
      tpu.vector_store_idx %arg15[%get3A_966], %convert_element_type3A masked %and3A {add = true} : memref<512xf32, #tpu.memory_space<vmem>>[vector<16xi32>], vector<16xf32>, vector<16xi1>
      %reduce_max3A = arith.constant true
      %reduce_max3A_999 = vector.broadcast %reduce_max3A : i1 to vector<16xi1>
      %reduce_max3A_1000 = arith.constant -2147483648 : i32
      %reduce_max3A_1001 = vector.broadcast %reduce_max3A_1000 : i32 to vector<16xi32>
      %reduce_max3A_1002 = arith.xori %select_n3A, %reduce_max3A_1001 : vector<16xi32>
      %reduce_max3A_1003 = tpu.scan <max>, %reduce_max3A_1002 masked %reduce_max3A_999 : vector<16xi32>, vector<16xi1> -> vector<16xi32>
      %reduce_max3A_1004 = arith.xori %reduce_max3A_1003, %reduce_max3A_1001 : vector<16xi32>
      %reduce_max3A_1005 = vector.extract %reduce_max3A_1004[15] : i32 from vector<16xi32>
      %max3A_1006 = arith.maxsi %scan3A_963, %reduce_max3A_1005 : i32
      scf.yield %max3A_1006 : i32
    }
    %scan3A_942 = arith.constant 4 : i32
    %dma_wait3A_943 = arith.constant 23 : i32
    %dma_wait3A_944 = arith.constant 0 : i32
    %dma_wait3A_945 = tpu.memref_slice %arg8[%dma_wait3A_943, %dma_wait3A_944] : memref<25x125xi32, #tpu.memory_space<vmem>> -> memref<1x125xi32, #tpu.memory_space<vmem>>
    %dma_wait3A_946 = tpu.memref_squeeze %dma_wait3A_945 : memref<1x125xi32, #tpu.memory_space<vmem>> -> memref<125xi32, #tpu.memory_space<vmem>>
    %dma_wait3A_947 = arith.constant 0 : i32
    %dma_wait3A_948 = arith.constant 0 : i32
    %dma_wait3A_949 = tpu.memref_slice %arg17[%dma_wait3A_947, %dma_wait3A_948] : memref<512x128xf32, #tpu.memory_space<vmem_shared>> -> memref<512x128xf32, #tpu.memory_space<vmem_shared>>
    tpu.wait_indirect_dma semaphore(%arg25 : memref<!tpu.dma_semaphore, #tpu.memory_space<semaphore_mem>>) src(%arg13 : memref<125x128xf32, #tpu.memory_space<vmem>>) dst(%dma_wait3A_949 : memref<512x128xf32, #tpu.memory_space<vmem_shared>>)
    %dma_wait3A_950 = arith.constant 24 : i32
    %dma_wait3A_951 = arith.constant 0 : i32
    %dma_wait3A_952 = tpu.memref_slice %arg8[%dma_wait3A_950, %dma_wait3A_951] : memref<25x125xi32, #tpu.memory_space<vmem>> -> memref<1x125xi32, #tpu.memory_space<vmem>>
    %dma_wait3A_953 = tpu.memref_squeeze %dma_wait3A_952 : memref<1x125xi32, #tpu.memory_space<vmem>> -> memref<125xi32, #tpu.memory_space<vmem>>
    %dma_wait3A_954 = arith.constant 0 : i32
    %dma_wait3A_955 = arith.constant 0 : i32
    %dma_wait3A_956 = tpu.memref_slice %arg17[%dma_wait3A_954, %dma_wait3A_955] : memref<512x128xf32, #tpu.memory_space<vmem_shared>> -> memref<512x128xf32, #tpu.memory_space<vmem_shared>>
    tpu.wait_indirect_dma semaphore(%arg22 : memref<!tpu.dma_semaphore, #tpu.memory_space<semaphore_mem>>) src(%arg10 : memref<125x128xf32, #tpu.memory_space<vmem>>) dst(%dma_wait3A_956 : memref<512x128xf32, #tpu.memory_space<vmem_shared>>)
    "tpu.region"() ({
      %run_scoped3A = tpu.sem_alloc : memref<!tpu.dma_semaphore, #tpu.memory_space<semaphore_mem>>
      %dma_start3A_962 = arith.constant 0 : i32
      %dma_start3A_963 = tpu.memref_slice %arg7[%add3A, %dma_start3A_962] : memref<32x512xf32, #tpu.memory_space<hbm>> -> memref<1x512xf32, #tpu.memory_space<hbm>>
      %dma_start3A_964 = tpu.memref_squeeze %dma_start3A_963 : memref<1x512xf32, #tpu.memory_space<hbm>> -> memref<512xf32, #tpu.memory_space<hbm>>
      %dma_start3A_965 = arith.constant 0 : i32
      %dma_start3A_966 = tpu.memref_slice %arg7[%add3A, %dma_start3A_965] : memref<32x512xf32, #tpu.memory_space<hbm>> -> memref<1x512xf32, #tpu.memory_space<hbm>>
      %dma_start3A_967 = tpu.memref_squeeze %dma_start3A_966 : memref<1x512xf32, #tpu.memory_space<hbm>> -> memref<512xf32, #tpu.memory_space<hbm>>
      tpu.enqueue_dma source(%arg15 : memref<512xf32, #tpu.memory_space<vmem>>) target(%dma_start3A_967 : memref<512xf32, #tpu.memory_space<hbm>>) target_semaphore(%run_scoped3A : memref<!tpu.dma_semaphore, #tpu.memory_space<semaphore_mem>>)
      %dma_wait3A_968 = arith.constant 0 : i32
      %dma_wait3A_969 = tpu.memref_slice %arg7[%add3A, %dma_wait3A_968] : memref<32x512xf32, #tpu.memory_space<hbm>> -> memref<1x512xf32, #tpu.memory_space<hbm>>
      %dma_wait3A_970 = tpu.memref_squeeze %dma_wait3A_969 : memref<1x512xf32, #tpu.memory_space<hbm>> -> memref<512xf32, #tpu.memory_space<hbm>>
      %dma_wait3A_971 = arith.constant 0 : i32
      %dma_wait3A_972 = tpu.memref_slice %arg7[%add3A, %dma_wait3A_971] : memref<32x512xf32, #tpu.memory_space<hbm>> -> memref<1x512xf32, #tpu.memory_space<hbm>>
      %dma_wait3A_973 = tpu.memref_squeeze %dma_wait3A_972 : memref<1x512xf32, #tpu.memory_space<hbm>> -> memref<512xf32, #tpu.memory_space<hbm>>
      tpu.wait_dma2 semaphore(%run_scoped3A : memref<!tpu.dma_semaphore, #tpu.memory_space<semaphore_mem>>) src(%arg15 : memref<512xf32, #tpu.memory_space<vmem>>) dst(%dma_wait3A_973 : memref<512xf32, #tpu.memory_space<hbm>>)
      tpu.yield
    }) : () -> ()
    %barrier3A_957 = arith.constant 0 : index
    tpu.barrier barrier_id(%barrier3A_957)
    %mul3A_958 = arith.constant 32 : i32
    %mul3A_959 = arith.muli %arg1, %mul3A_958 : i32
    "tpu.region"() ({
      %run_scoped3A = tpu.sem_alloc : memref<!tpu.dma_semaphore, #tpu.memory_space<semaphore_mem>>
      %dma_start3A_962 = arith.constant 0 : i32
      %dma_start3A_963 = tpu.memref_slice %arg17[%mul3A_959, %dma_start3A_962] : memref<512x128xf32, #tpu.memory_space<vmem_shared>> -> memref<32x128xf32, #tpu.memory_space<vmem_shared>>
      %dma_start3A_964 = arith.constant 0 : i32
      %dma_start3A_965 = tpu.memref_slice %arg17[%mul3A_959, %dma_start3A_964] : memref<512x128xf32, #tpu.memory_space<vmem_shared>> -> memref<32x128xf32, #tpu.memory_space<vmem_shared>>
      tpu.enqueue_dma source(%dma_start3A_965 : memref<32x128xf32, #tpu.memory_space<vmem_shared>>) target(%arg14 : memref<32x128xf32, #tpu.memory_space<vmem>>) target_semaphore(%run_scoped3A : memref<!tpu.dma_semaphore, #tpu.memory_space<semaphore_mem>>)
      %dma_wait3A_966 = arith.constant 0 : i32
      %dma_wait3A_967 = tpu.memref_slice %arg17[%mul3A_959, %dma_wait3A_966] : memref<512x128xf32, #tpu.memory_space<vmem_shared>> -> memref<32x128xf32, #tpu.memory_space<vmem_shared>>
      %dma_wait3A_968 = arith.constant 0 : i32
      %dma_wait3A_969 = tpu.memref_slice %arg17[%mul3A_959, %dma_wait3A_968] : memref<512x128xf32, #tpu.memory_space<vmem_shared>> -> memref<32x128xf32, #tpu.memory_space<vmem_shared>>
      tpu.wait_dma2 semaphore(%run_scoped3A : memref<!tpu.dma_semaphore, #tpu.memory_space<semaphore_mem>>) src(%dma_wait3A_969 : memref<32x128xf32, #tpu.memory_space<vmem_shared>>) dst(%arg14 : memref<32x128xf32, #tpu.memory_space<vmem>>)
      tpu.yield
    }) : () -> ()
    %mul3A_960 = arith.constant 32 : i32
    %mul3A_961 = arith.muli %arg1, %mul3A_960 : i32
    "tpu.region"() ({
      %run_scoped3A = tpu.sem_alloc : memref<!tpu.dma_semaphore, #tpu.memory_space<semaphore_mem>>
      %dma_start3A_962 = arith.constant 0 : i32
      %dma_start3A_963 = tpu.memref_slice %arg6[%arg0, %mul3A_961, %dma_start3A_962] : memref<2x512x128xf32, #tpu.memory_space<hbm>> -> memref<1x32x128xf32, #tpu.memory_space<hbm>>
      %dma_start3A_964 = tpu.memref_squeeze %dma_start3A_963 : memref<1x32x128xf32, #tpu.memory_space<hbm>> -> memref<32x128xf32, #tpu.memory_space<hbm>>
      %dma_start3A_965 = arith.constant 0 : i32
      %dma_start3A_966 = tpu.memref_slice %arg6[%arg0, %mul3A_961, %dma_start3A_965] : memref<2x512x128xf32, #tpu.memory_space<hbm>> -> memref<1x32x128xf32, #tpu.memory_space<hbm>>
      %dma_start3A_967 = tpu.memref_squeeze %dma_start3A_966 : memref<1x32x128xf32, #tpu.memory_space<hbm>> -> memref<32x128xf32, #tpu.memory_space<hbm>>
      tpu.enqueue_dma source(%arg14 : memref<32x128xf32, #tpu.memory_space<vmem>>) target(%dma_start3A_967 : memref<32x128xf32, #tpu.memory_space<hbm>>) target_semaphore(%run_scoped3A : memref<!tpu.dma_semaphore, #tpu.memory_space<semaphore_mem>>)
      %dma_wait3A_968 = arith.constant 0 : i32
      %dma_wait3A_969 = tpu.memref_slice %arg6[%arg0, %mul3A_961, %dma_wait3A_968] : memref<2x512x128xf32, #tpu.memory_space<hbm>> -> memref<1x32x128xf32, #tpu.memory_space<hbm>>
      %dma_wait3A_970 = tpu.memref_squeeze %dma_wait3A_969 : memref<1x32x128xf32, #tpu.memory_space<hbm>> -> memref<32x128xf32, #tpu.memory_space<hbm>>
      %dma_wait3A_971 = arith.constant 0 : i32
      %dma_wait3A_972 = tpu.memref_slice %arg6[%arg0, %mul3A_961, %dma_wait3A_971] : memref<2x512x128xf32, #tpu.memory_space<hbm>> -> memref<1x32x128xf32, #tpu.memory_space<hbm>>
      %dma_wait3A_973 = tpu.memref_squeeze %dma_wait3A_972 : memref<1x32x128xf32, #tpu.memory_space<hbm>> -> memref<32x128xf32, #tpu.memory_space<hbm>>
      tpu.wait_dma2 semaphore(%run_scoped3A : memref<!tpu.dma_semaphore, #tpu.memory_space<semaphore_mem>>) src(%arg14 : memref<32x128xf32, #tpu.memory_space<vmem>>) dst(%dma_wait3A_973 : memref<32x128xf32, #tpu.memory_space<hbm>>)
      tpu.yield
    }) : () -> ()
    return
  }
}

module attributes {stable_mosaic.version = 14 : i64} {
  func.func @body(%arg0: memref<2x512x128xf32, #tpu.memory_space<vmem>>, %arg1: memref<32x512xf32, #tpu.memory_space<vmem>>, %arg2: memref<32x1xf32, #tpu.memory_space<vmem>>, %arg3: memref<128x128xf32, #tpu.memory_space<vmem>>, %arg4: memref<1x128xf32, #tpu.memory_space<vmem>>, %arg5: memref<128x128xf32, #tpu.memory_space<vmem>>, %arg6: memref<1x128xf32, #tpu.memory_space<vmem>>, %arg7: memref<1x128xf32, #tpu.memory_space<vmem>>, %arg8: memref<1x1xf32, #tpu.memory_space<vmem>>, %arg9: memref<512x1xf32, #tpu.memory_space<vmem>>) attributes {dimension_semantics = [], scalar_prefetch = 0 : i64, scratch_operands = 0 : i64, tpu.core_type = #tpu.core_type<tc>} {
    %get3A = arith.constant 0 : index
    %get3A_0 = arith.constant 0 : index
    %get3A_1 = arith.constant 0 : index
    %get3A_2 = vector.load %arg0[%get3A, %get3A_0, %get3A_1] : memref<2x512x128xf32, #tpu.memory_space<vmem>>, vector<1x512x128xf32>
    %get3A_3 = vector.shape_cast %get3A_2 : vector<1x512x128xf32> to vector<512x128xf32>
    %get3A_4 = arith.constant 1 : index
    %get3A_5 = arith.constant 0 : index
    %get3A_6 = arith.constant 0 : index
    %get3A_7 = vector.load %arg0[%get3A_4, %get3A_5, %get3A_6] : memref<2x512x128xf32, #tpu.memory_space<vmem>>, vector<1x512x128xf32>
    %get3A_8 = vector.shape_cast %get3A_7 : vector<1x512x128xf32> to vector<512x128xf32>
    %add3A = arith.addf %get3A_3, %get3A_8 : vector<512x128xf32>
    %get3A_9 = arith.constant 0 : index
    %get3A_10 = arith.constant 0 : index
    %get3A_11 = vector.load %arg1[%get3A_9, %get3A_10] : memref<32x512xf32, #tpu.memory_space<vmem>>, vector<32x512xf32>
    %get3A_12 = arith.constant 0 : index
    %get3A_13 = arith.constant 0 : index
    %get3A_14 = vector.load %arg2[%get3A_12, %get3A_13] : memref<32x1xf32, #tpu.memory_space<vmem>>, vector<32x1xf32>
    %dot_general3A = arith.constant dense<0.000000e+00> : vector<512x1xf32>
    %dot_general3A_15 = tpu.matmul %get3A_11, %get3A_14, %dot_general3A {dimension_numbers = #tpu.dot_dimension_numbers<[0], [0], [1], [1], [0, 1, 1, 1], [], []>, precision = #tpu.contract_precision<fp32>, transpose_lhs_hint = false} : vector<32x512xf32>, vector<32x1xf32>, vector<512x1xf32> -> vector<512x1xf32>
    %max3A = arith.constant 1.000000e+00 : f32
    %max3A_16 = vector.broadcast %max3A : f32 to vector<512x1xf32>
    %max3A_17 = arith.maximumf %dot_general3A_15, %max3A_16 : vector<512x1xf32>
    %div3A = vector.broadcast %max3A_17 : vector<512x1xf32> to vector<512x128xf32>
    %div3A_18 = arith.divf %add3A, %div3A : vector<512x128xf32>
    %get3A_19 = arith.constant 0 : index
    %get3A_20 = arith.constant 0 : index
    %get3A_21 = vector.load %arg3[%get3A_19, %get3A_20] : memref<128x128xf32, #tpu.memory_space<vmem>>, vector<128x128xf32>
    %dot_general3A_22 = arith.constant dense<0.000000e+00> : vector<512x128xf32>
    %dot_general3A_23 = tpu.matmul %div3A_18, %get3A_21, %dot_general3A_22 {dimension_numbers = #tpu.dot_dimension_numbers<[1], [1], [0], [0], [0, 0, 1, 0], [], []>, transpose_lhs_hint = false} : vector<512x128xf32>, vector<128x128xf32>, vector<512x128xf32> -> vector<512x128xf32>
    %get3A_24 = arith.constant 0 : index
    %get3A_25 = arith.constant 0 : index
    %get3A_26 = vector.load %arg4[%get3A_24, %get3A_25] : memref<1x128xf32, #tpu.memory_space<vmem>>, vector<1x128xf32>
    %add3A_27 = vector.broadcast %get3A_26 : vector<1x128xf32> to vector<512x128xf32>
    %add3A_28 = arith.addf %dot_general3A_23, %add3A_27 : vector<512x128xf32>
    %custom_jvp_call3A = arith.constant 0.000000e+00 : f32
    %max3A_29 = vector.broadcast %custom_jvp_call3A : f32 to vector<512x128xf32>
    %max3A_30 = arith.maximumf %add3A_28, %max3A_29 : vector<512x128xf32>
    %sub3A = vector.broadcast %custom_jvp_call3A : f32 to vector<512x128xf32>
    %sub3A_31 = arith.subf %add3A_28, %sub3A : vector<512x128xf32>
    %ne3A = arith.cmpf one, %sub3A_31, %sub3A_31 : vector<512x128xf32>
    %add3A_32 = vector.broadcast %custom_jvp_call3A : f32 to vector<512x128xf32>
    %add3A_33 = arith.addf %add3A_28, %add3A_32 : vector<512x128xf32>
    %abs3A = math.absf %sub3A_31 : vector<512x128xf32>
    %neg3A = arith.constant 0.000000e+00 : f32
    %neg3A_34 = vector.broadcast %neg3A : f32 to vector<512x128xf32>
    %neg3A_35 = arith.subf %neg3A_34, %abs3A : vector<512x128xf32>
    %exp3A = math.exp %neg3A_35 : vector<512x128xf32>
    %log1p3A = math.log1p %exp3A : vector<512x128xf32>
    %add3A_36 = arith.addf %max3A_30, %log1p3A : vector<512x128xf32>
    %select_n3A = arith.select %ne3A, %add3A_33, %add3A_36 : vector<512x128xi1>, vector<512x128xf32>
    %get3A_37 = arith.constant 0 : index
    %get3A_38 = arith.constant 0 : index
    %get3A_39 = vector.load %arg5[%get3A_37, %get3A_38] : memref<128x128xf32, #tpu.memory_space<vmem>>, vector<128x128xf32>
    %dot_general3A_40 = arith.constant dense<0.000000e+00> : vector<512x128xf32>
    %dot_general3A_41 = tpu.matmul %select_n3A, %get3A_39, %dot_general3A_40 {dimension_numbers = #tpu.dot_dimension_numbers<[1], [1], [0], [0], [0, 0, 1, 0], [], []>, transpose_lhs_hint = false} : vector<512x128xf32>, vector<128x128xf32>, vector<512x128xf32> -> vector<512x128xf32>
    %get3A_42 = arith.constant 0 : index
    %get3A_43 = arith.constant 0 : index
    %get3A_44 = vector.load %arg6[%get3A_42, %get3A_43] : memref<1x128xf32, #tpu.memory_space<vmem>>, vector<1x128xf32>
    %add3A_45 = vector.broadcast %get3A_44 : vector<1x128xf32> to vector<512x128xf32>
    %add3A_46 = arith.addf %dot_general3A_41, %add3A_45 : vector<512x128xf32>
    %custom_jvp_call3A_47 = arith.constant 0.000000e+00 : f32
    %max3A_48 = vector.broadcast %custom_jvp_call3A_47 : f32 to vector<512x128xf32>
    %max3A_49 = arith.maximumf %add3A_46, %max3A_48 : vector<512x128xf32>
    %sub3A_50 = vector.broadcast %custom_jvp_call3A_47 : f32 to vector<512x128xf32>
    %sub3A_51 = arith.subf %add3A_46, %sub3A_50 : vector<512x128xf32>
    %ne3A_52 = arith.cmpf one, %sub3A_51, %sub3A_51 : vector<512x128xf32>
    %add3A_53 = vector.broadcast %custom_jvp_call3A_47 : f32 to vector<512x128xf32>
    %add3A_54 = arith.addf %add3A_46, %add3A_53 : vector<512x128xf32>
    %abs3A_55 = math.absf %sub3A_51 : vector<512x128xf32>
    %neg3A_56 = arith.constant 0.000000e+00 : f32
    %neg3A_57 = vector.broadcast %neg3A_56 : f32 to vector<512x128xf32>
    %neg3A_58 = arith.subf %neg3A_57, %abs3A_55 : vector<512x128xf32>
    %exp3A_59 = math.exp %neg3A_58 : vector<512x128xf32>
    %log1p3A_60 = math.log1p %exp3A_59 : vector<512x128xf32>
    %add3A_61 = arith.addf %max3A_49, %log1p3A_60 : vector<512x128xf32>
    %select_n3A_62 = arith.select %ne3A_52, %add3A_54, %add3A_61 : vector<512x128xi1>, vector<512x128xf32>
    %convert_element_type3A = arith.truncf %select_n3A_62 : vector<512x128xf32> to vector<512x128xbf16>
    %convert_element_type3A_63 = arith.extf %convert_element_type3A : vector<512x128xbf16> to vector<512x128xf32>
    %get3A_64 = arith.constant 0 : index
    %get3A_65 = arith.constant 0 : index
    %get3A_66 = vector.load %arg7[%get3A_64, %get3A_65] : memref<1x128xf32, #tpu.memory_space<vmem>>, vector<1x128xf32>
    %convert_element_type3A_67 = arith.truncf %get3A_66 : vector<1x128xf32> to vector<1x128xbf16>
    %convert_element_type3A_68 = arith.extf %convert_element_type3A_67 : vector<1x128xbf16> to vector<1x128xf32>
    %mul3A = vector.broadcast %convert_element_type3A_68 : vector<1x128xf32> to vector<512x128xf32>
    %mul3A_69 = arith.mulf %convert_element_type3A_63, %mul3A : vector<512x128xf32>
    %reduce_sum3A = arith.constant dense<0.000000e+00> : vector<512xf32>
    %reduce_sum3A_70 = vector.multi_reduction <add>, %mul3A_69, %reduce_sum3A [1] : vector<512x128xf32> to vector<512xf32>
    %broadcast_in_dim3A = vector.shape_cast %reduce_sum3A_70 : vector<512xf32> to vector<512x1xf32>
    %get3A_71 = arith.constant 0 : index
    %get3A_72 = arith.constant 0 : index
    %get3A_73 = vector.load %arg8[%get3A_71, %get3A_72] : memref<1x1xf32, #tpu.memory_space<vmem>>, vector<1x1xf32>
    %get3A_74 = vector.extract %get3A_73[0, 0] : f32 from vector<1x1xf32>
    %add3A_75 = vector.broadcast %get3A_74 : f32 to vector<512x1xf32>
    %add3A_76 = arith.addf %broadcast_in_dim3A, %add3A_75 : vector<512x1xf32>
    %swap3A = arith.constant 0 : index
    %swap3A_77 = arith.constant 0 : index
    %swap3A_78 = vector.load %arg9[%swap3A, %swap3A_77] : memref<512x1xf32, #tpu.memory_space<vmem>>, vector<512x1xf32>
    tpu.vector_store %arg9[%swap3A, %swap3A_77], %add3A_76 {strides = array<i32>} : memref<512x1xf32, #tpu.memory_space<vmem>>, vector<512x1xf32>,
    return
  }
}

</mosaic_0001>

<sc_bundles>
// kernel: kernel.4.cloned.1.call-start
scs
__scs_entry_jumppad:
0x0: {  	(pc) =	sbr.rel $0x88, $3  }
0x1: {  	(tag) =	ssettag $0x0;
	lr =	simm.s32 $0x1  }
0x2: {  	[smem:$0x3F99] =	sst lr;
	_ =	strace $0xD0000000  }
0x3: {  	_ = 	snop  }
0x4: {  	_ = 	snop  }
0x5: {  	_ = 	snop  }
0x6: {  	_ = 	snop  }
0x7: {  	_ = 	snop  }
__scs_overlays_trampoline_lowered:
0x8: {  	[smem:$0x3FA8] =	sst s0  }
0x9: {  	[smem:$0x3FA9] =	sst s1  }
0xa: {  	[smem:$0x3FAA] =	sst s2  }
0xb: {  	[smem:$0x3FAB] =	sst s3  }
0xc: {  	[smem:$0x3FAC] =	sst s4  }
0xd: {  	[smem:$0x3FAD] =	sst s5  }
0xe: {  	[smem:$0x3FAE] =	sst s6  }
0xf: {  	[smem:$0x3FAF] =	sst s7  }
0x10: {  	[smem:$0x3FB0] =	sst s8  }
0x11: {  	[smem:$0x3FB1] =	sst s9;
	s0 =	simm.s32 @!p0 $0x0  }
0x12: {  	s1 =	sld [smem:$0x3F97];
	s0 =	simm.s32 @p0 $0x1  }
0x13: {  	[smem:$0x3FB2] =	sst s0;
	s0 =	simm.s32 @!p1 $0x0  }
0x14: {  	s2 =	sld [smem:$0x3F96];
	s0 =	simm.s32 @p1 $0x1  }
0x15: {  	[smem:$0x3FB3] =	sst s0;
	s0 =	simm.s32 @!p2 $0x0  }
0x16: {  	s3 =	sld [smem:$0x3FDB];
	s0 =	simm.s32 @p2 $0x1  }
0x17: {  	s4 =	simm.s32 $0x1BF5;
	[smem:$0x3FB5] =	sst s0  }
0x18: {  	s0 =	sld [smem:$0x3F98];
	_ =	swait.ge [sflag:s4], $0x0  }
0x19: {  	s7 =	sld [smem:$0x3F99]  }
0x1a: {  	s8 =	sadd.s32 $0xFFFFE003, lr  }
0x1b: {  	s9 =	sadd.s32 $0xFFFFFEF7, lr;
	s5 =	simm.s32 $0xFFFFFFFF;
	p2 =	slt.u32 s8, $0xFFFFF086  }
0x1c: {  	p1 =	slt.u32 s9, $0xF7A;
	s5 =	simm.s32 @!p2 $0x0  }
0x1d: {  	s5 =	simm.s32 @p1 $0x1;
	p0 =	seq.s32 s7, s2  }
0x1e: {  	s7 =	smul.u32 @!p0 $0xF7A, s2;
	p2 =	seq.s32 @!p0 s5, $0x0  }
0x1f: {  	s9 =	smul.u32 $0xF7A, s1;
	s8 =	simm.s32 @!p0 $0x1BF5;
	p2 =	por !p2, p0  }
0x20: {  	[sflag:s8] =	ssyncset.s32 @!p0 $0xFFFFF086;
	s6 =	sadd.s32 @!p0 s3, s7;
	s7 =	simm.s32 @!p0 $0x108  }
0x21: {  	s3 =	sadd.s32 s3, s9;
	s6 =	sadd.s32 @!p0 $0x88, s6;
	s7 =	simm.s32 @p2 $0x1082  }
0x22: {  	[simem:s7], [sflag:s8] =	dma.local @!p0 [hbm:s6], $0xF7A  }
0x23: {  	s9 =	sor.u32 $0xD0000000, s2;
	s6 =	simm.s32 $0x108;
	_ =	swait.ge @!p0 [sflag:s8], $0x0  }
0x24: {  	s3 =	sadd.s32 $0x88, s3;
	s6 =	simm.s32 @!p1 $0x1082;
	[sflag:s4] =	ssyncset.s32 $0xFFFFF086  }
0x25: {  	[simem:s6], [sflag:s4] =	dma.local [hbm:s3], $0xF7A  }
0x26: {  	[smem:$0x3F99] =	sst s1;
	(tag) =	ssettag s2;
	_ =	strace s9  }
0x27: {  	s1 =	sld [smem:$0x3FA9]  }
0x28: {  	s2 =	sld [smem:$0x3FAA]  }
0x29: {  	s4 =	sld [smem:$0x3FAC]  }
0x2a: {  	p0 =	seq.s32 s5, $0x0;
	s5 =	sld [smem:$0x3FAD]  }
0x2b: {  	s6 =	sld [smem:$0x3FAE]  }
0x2c: {  	s7 =	sld [smem:$0x3FAF]  }
0x2d: {  	s3 =	simm.s32 $0x108;
	s8 =	sld [smem:$0x3FB0]  }
0x2e: {  	s3 =	simm.s32 @!p0 $0x1082;
	s9 =	sld [smem:$0x3FB1]  }
0x2f: {  	lr =	sadd.s32 s0, s3;
	s0 =	sld [smem:$0x3FA8]  }
0x30: {  	s3 =	sld [smem:$0x3FAB]  }
0x31: {  	[smem:$0x3FB4] =	sst s10  }
0x32: {  	s10 =	sld [smem:$0x3FB2];
	_ =	sdelay $0x3  }
0x33: {  	p0 =	seq.s32 s10, $0x1;
	s10 =	sld [smem:$0x3FB4];
	_ =	sdelay $0x3  }
0x34: {  	[smem:$0x3FB4] =	sst s10  }
0x35: {  	s10 =	sld [smem:$0x3FB3];
	_ =	sdelay $0x3  }
0x36: {  	p1 =	seq.s32 s10, $0x1;
	s10 =	sld [smem:$0x3FB4];
	_ =	sdelay $0x3  }
0x37: {  	[smem:$0x3FB4] =	sst s10  }
0x38: {  	s10 =	sld [smem:$0x3FB5]  }
0x39: {  	_ = 	snop;
	(pc) =	sbr.ind lr, $3  }
0x3a: {  	_ = 	snop  }
0x3b: {  	_ = 	snop  }
0x3c: {  	p2 =	seq.s32 s10, $0x1;
	s10 =	sld [smem:$0x3FB4]  }
0x3d: {  	_ =	shalt  }
0x3e: {  	_ =	shalt  }
0x3f: {  	_ =	shalt  }
0x40: {  	_ =	shalt  }
0x41: {  	_ =	shalt  }
0x42: {  	_ =	shalt  }
0x43: {  	_ =	shalt  }
0x44: {  	_ =	shalt  }
0x45: {  	_ =	shalt  }
0x46: {  	_ =	shalt  }
0x47: {  	_ =	shalt  }
0x48: {  	_ =	shalt  }
0x49: {  	_ =	shalt  }
0x4a: {  	_ =	shalt  }
0x4b: {  	_ =	shalt  }
0x4c: {  	_ =	shalt  }
0x4d: {  	_ =	shalt  }
0x4e: {  	_ =	shalt  }
0x4f: {  	_ =	shalt  }
0x50: {  	_ =	shalt  }
0x51: {  	_ =	shalt  }
0x52: {  	_ =	shalt  }
0x53: {  	_ =	shalt  }
0x54: {  	_ =	shalt  }
0x55: {  	_ =	shalt  }
0x56: {  	_ =	shalt  }
0x57: {  	_ =	shalt  }
0x58: {  	_ =	shalt  }
0x59: {  	_ =	shalt  }
0x5a: {  	_ =	shalt  }
0x5b: {  	_ =	shalt  }
0x5c: {  	_ =	shalt  }
0x5d: {  	_ =	shalt  }
0x5e: {  	_ =	shalt  }
0x5f: {  	_ =	shalt  }
0x60: {  	_ =	shalt  }
0x61: {  	_ =	shalt  }
0x62: {  	_ =	shalt  }
0x63: {  	_ =	shalt  }
0x64: {  	_ =	shalt  }
0x65: {  	_ =	shalt  }
0x66: {  	_ =	shalt  }
0x67: {  	_ =	shalt  }
0x68: {  	_ =	shalt  }
0x69: {  	_ =	shalt  }
0x6a: {  	_ =	shalt  }
0x6b: {  	_ =	shalt  }
0x6c: {  	_ =	shalt  }
0x6d: {  	_ =	shalt  }
0x6e: {  	_ =	shalt  }
0x6f: {  	_ =	shalt  }
0x70: {  	_ =	shalt  }
0x71: {  	_ =	shalt  }
0x72: {  	_ =	shalt  }
0x73: {  	_ =	shalt  }
0x74: {  	_ =	shalt  }
0x75: {  	_ =	shalt  }
0x76: {  	_ =	shalt  }
0x77: {  	_ =	shalt  }
0x78: {  	_ =	shalt  }
0x79: {  	_ =	shalt  }
0x7a: {  	_ =	shalt  }
0x7b: {  	_ =	shalt  }
0x7c: {  	_ =	shalt  }
0x7d: {  	_ =	shalt  }
0x7e: {  	_ =	shalt  }
0x7f: {  	_ =	shalt  }
0x80: {  	_ =	shalt  }
0x81: {  	_ =	shalt  }
0x82: {  	_ =	shalt  }
0x83: {  	_ =	shalt  }
0x84: {  	_ =	shalt  }
0x85: {  	_ =	shalt  }
0x86: {  	_ =	shalt  }
0x87: {  	_ =	shalt  }
.Lfunc_end0:
.L_simem_size_0:
called_computation_lowered:
.L_overlay_start_0:
0x88: {  	s2 =	sld [smem:$0x3FD9]  }
0x89: {  	s3 =	sld [smem:$0x3FFE];
	_ =	sdelay $0x1  }
0x8a: {  	s1 =	srdreg.scid  }
0x8b: {  	s0 =	sand.u32 $0x1, s1  }
0x8c: {  	s16 =	sshll.u32 s0, $0xA;
	s2 =	sadd.s32 s3, s2  }
0x8d: {  	s2 =	sadd.s32 s2, s16  }
0x8e: {  	[smem:$0x3FC0] =	sst s2  }
0x8f: {  	_ = 	snop  }
0x90: {  	(tm) =	ssettm $0x1  }
0x91: {  	s17 =	sld [smem:$0x3FFB];
	_ =	sdelay $0x3  }
0x92: {  	_ =	strace s17  }
0x93: {  	s2 =	sld [smem:$0x3FFC];
	_ =	sdelay $0x3  }
0x94: {  	_ =	strace s2  }
0x95: {  	s2 =	sld [smem:$0x3FFD];
	_ =	sdelay $0x3  }
0x96: {  	_ =	strace s2  }
0x97: {  	_ =	strace $0x8FFFFFFF  }
0x98: {  	s18 =	sld [smem:$0x3FDB];
	_ =	sdelay $0x1  }
0x99: {  	s19 =	simm.s32 $_scs_section_size  }
0x9a: {  	s4 =	simm.s32 $_size__tile_overlayer_lowered;
	s5 =	simm.s32 $_tile_overlayer_lowered  }
0x9b: {  	s22 =	simm.s32 $0x1BFF;
	s21 =	sshll.u32 s5, $0x1;
	s2 =	sadd.s32 s19, s18  }
0x9c: {  	s6 =	simm.s32 $0x0;
	s20 =	sshll.u32 s4, $0x1;
	s4 =	sadd.s32 s21, s2  }
0x9d: {  	[timem:s6], [sflag:s22] =	dma.local [hbm:s4], s20  }
0x9e: {  	_ =	swait.ge [sflag:s22], s20  }
0x9f: {  	s3 =	ssub.s32 $0x0, s20;
	[sflag:s22] =	ssyncset.done $0x0  }
0xa0: {  	[sflag:s22] =	ssyncadd.s32 s3;
	_ =	sdelay $0x1  }
0xa1: {  	s23 =	simm.s32 $0x1B8B  }
0xa2: {  	_ =	swait.ge [sflag:s23], $0x1  }
0xa3: {  	[sflag:s23] =	ssyncset.done $0x0  }
0xa4: {  	s25 =	simm.s32 $0x1B8E;
	s24 =	sld [smem:$0x3FFE];
	[sflag:s23] =	ssyncadd.s32 $0xFFFFFFFF  }
0xa5: {  	s26 =	simm.s32 $execute0_lowered;
	[smem:$0x3FD2] =	sst s25  }
0xa6: {  	s4 =	sshll.u32 s26, $0x1;
	_ =	strace $0x80000046;
	[dreg:$0x1] =	wrdreg $0xFFFFFFFF  }
0xa7: {  	s28 =	simm.s32 $_size_execute0_lowered;
	s2 =	sadd.s32 s2, s4;
	[dreg:$0x0] =	wrdreg $0x0  }
0xa8: {  	s4 =	sshll.u32 s28, $0x1;
	[dreg:$0x2] =	wrdreg s2  }
0xa9: {  	[dreg:$0x3] =	wrdreg s4  }
0xaa: {  	[dreg:$0x4] =	wrdreg $0xC0  }
0xab: {  	_ =	task [dreg:s6], $0x5FFFF  }
0xac: {  	[dreg:$0x1] =	wrdreg $0xFFFFFFFF  }
0xad: {  	[dreg:$0x0] =	wrdreg $0x60  }
0xae: {  	[dreg:$0x2] =	wrdreg s24  }
0xaf: {  	[dreg:$0x3] =	wrdreg $0x12F000  }
0xb0: {  	[dreg:$0x4] =	wrdreg $0x9  }
0xb1: {  	_ =	task.clear_ibuf [dreg:s6], $0x5FFFF;
	_ =	strace $0x90000046  }
0xb2: {  	s29 =	simm.s32 $0x9;
	_ =	strace $0x80000048  }
0xb3: {  	_ =	swait.ge [sflag:s29], $0x1  }
0xb4: {  	[sflag:s29] =	ssyncadd.s32 $0xFFFFFFFF  }
0xb5: {  	_ =	strace $0x90000048  }
0xb6: {  	_ =	sfence  }
0xb7: {  	s30 =	sld [smem:$0x0];
	_ =	sdelay $0x2  }
0xb8: {  	s31 =	sshll.u32 s1, $0xD;
	s1 =	sshrl.u32 s1, $0x2  }
0xb9: {  	s3 =	sand.u32 $0x4000, s31;
	s1 =	sadd.s32 s1, s30  }
0xba: {  	s0 =	sor.u32 s3, s0;
	s1 =	sshll.u32 s1, $0x11  }
0xbb: {  	s0 =	sor.u32 s1, s0  }
0xbc: {  	s0 =	sadd.s32 $0x8F2B, s0  }
0xbd: {  	[sflag:s0] =	ssyncadd.remote.s32 $0x1  }
0xbe: {  	_ =	sfence.sel $0xFFFF  }
0xbf: {  	[dreg:$0x0] =	wrdreg $0xFFFFFFFF;
	(pc) =	sbr.abs _section_cstart, $3  }
0xc0: {  	[dreg:$0x1] =	wrdreg $0xFFFFFFFF  }
0xc1: {  	_ =	task.clear_ibuf [dreg:s6], $0x2FFFF;
	_ =	strace $0x9FFFFFFF  }
0xc2: {  	(tm) =	ssettm $0x7FFFFFFF  }
0xc3: {  	_ =	shalt  }
tec
execute0_lowered:
.L_overlay_start_1:
0x0: {  	(tag) =	ssettag $0x1  }
0x1: {  	s0 =	srdreg.scid  }
0x2: {  	s0 =	sand.u32 $0x1, s0  }
0x3: {  	s1 =	rddreg [dreg:$0x0];
	s11 =	stileid.u32;
	s3 =	sshll.u32 s0, $0x4  }
0x4: {  	s2 =	rddreg [dreg:$0x1];
	s4 =	sor.u32 s11, s3  }
0x5: {  	s9 =	sadd.s32 $0x198400, s1;
	s3 =	simm.s32 $0x0;
	s5 =	smul.u32 $0x64000, s4  }
0x6: {  	s6 =	sshrl.u32 s4, $0x3;
	[smem:$0x7FF] =	sst s3;
	s4 =	sshll.u32 s4, $0x9  }
0x7: {  	_ =	strace $0x80000047;
	s4 =	sadd.s32 s4, s1;
	s5 =	sshrl.u32 s5, $0x3  }
0x8: {  	[dreg:$0x3] =	wrdreg s9;
	s4 =	sadd.s32 $0x1200, s4;
	s5 =	sadd.s32 s5, s1  }
0x9: {  	s28 =	simm.s32 $0x400;
	[dreg:$0x7] =	wrdreg s4;
	s23 =	sadd.s32 $0x5200, s5  }
0xa: {  	s7 =	sshll.u32 s11, $0x7;
	s24 =	sadd.s32 $0x5A00, s5;
	[dreg:$0x4] =	wrdreg s23  }
0xb: {  	s7 =	sand.u32 $0x380, s7;
	s25 =	sadd.s32 $0x6200, s5;
	[dreg:$0x5] =	wrdreg s24  }
0xc: {  	s8 =	smul.u32 $0x6400, s6;
	s29 =	sadd.s32 $0x6A00, s5;
	[dreg:$0x6] =	wrdreg s25  }
0xd: {  	s6 =	sshll.u32 s6, $0xC;
	s30 =	sadd.s32 $0x7200, s5;
	[dreg:$0x9] =	wrdreg s29  }
0xe: {  	s6 =	sor.u32 s7, s6;
	s31 =	sadd.s32 $0x7A00, s5;
	[dreg:$0xa] =	wrdreg s30  }
0xf: {  	s8 =	sor.u32 s7, s8;
	s7 =	sadd.s32 $0x8200, s5;
	[dreg:$0xb] =	wrdreg s31  }
0x10: {  	s21 =	sshll.u32 s11, $0x9;
	s12 =	sadd.s32 $0x9A00, s5;
	[dreg:$0xc] =	wrdreg s7  }
0x11: {  	s22 =	ssub.s32 $0x2, s0;
	s13 =	sadd.s32 $0xA200, s5;
	[dreg:$0xf] =	wrdreg s12  }
0x12: {  	s17 =	sshll.u32 s0, $0xD;
	s14 =	sadd.s32 $0xAA00, s5;
	[dreg:$0x10] =	wrdreg s13  }
0x13: {  	s10 =	sshrl.u32 s22, $0x1;
	s15 =	sadd.s32 $0xB200, s5;
	[dreg:$0x11] =	wrdreg s14  }
0x14: {  	s9 =	sadd.s32 s21, s1;
	s16 =	sadd.s32 $0xBA00, s5;
	[dreg:$0x12] =	wrdreg s15  }
0x15: {  	s6 =	sshrl.u32 s6, $0x3;
	s18 =	sadd.s32 $0xC200, s5;
	[dreg:$0x13] =	wrdreg s16  }
0x16: {  	s8 =	sshrl.u32 s8, $0x3;
	s19 =	sadd.s32 $0xCA00, s5;
	[dreg:$0x15] =	wrdreg s18  }
0x17: {  	s20 =	sadd.s32 $0xD200, s5;
	s21 =	sadd.s32 $0xDA00, s5;
	[dreg:$0x16] =	wrdreg s19  }
0x18: {  	s8 =	sadd.s32 s8, s1;
	s1 =	sadd.s32 s6, s1;
	[dreg:$0x17] =	wrdreg s20  }
0x19: {  	v0 =	vimm.s32 $0xC3B;
	vm0 =	vcmask $0x300;
	s6 =	ssub.s32 s22, s10;
	s10 =	sadd.s32 $0x9200, s5;
	[dreg:$0x18] =	wrdreg s21  }
0x1a: {  	vm14 =	vcmask $0x704;
	v0 =	vsel vm0, $0xC34, v0;
	s22 =	sadd.s32 $0xE200, s5;
	s23 =	sadd.s32 $0xEA00, s5;
	s24 =	sadd.s32 $0xF200, s5  }
0x1b: {  	vm15 =	vcmask $0xB08;
	v0 =	vsel vm14, $0xC35, v0;
	s25 =	sadd.s32 $0xFA00, s5;
	s29 =	sadd.s32 $0x10A00, s5;
	s30 =	sadd.s32 s17, s9  }
0x1c: {  	vm4 =	vcmask $0xF0C;
	v0 =	vsel vm15, $0xC36, v0;
	s31 =	sshll.u32 s11, $0xC;
	s7 =	simm.s32 $0x1C80;
	s9 =	simm.s32 $0x9C80  }
0x1d: {  	vm5 =	vcmask $0x1310;
	v1 =	vsel vm4, $0xC37, v0;
	s11 =	simm.s32 $0x9;
	s14 =	simm.s32 $0x1;
	s15 =	simm.s32 $0x7D  }
0x1e: {  	vm6 =	vcmask $0x1714;
	vm7 =	vcmask $0x1B18;
	v2 =	vsel vm5, $0xC30, v1;
	s12 =	simm.s32 $0x1000;
	s16 =	simm.s32 $0x12E80;
	[dreg:$0xe] =	wrdreg s10  }
0x1f: {  	v3 =	vimm.s32 $0x65432100;
	vm8 =	vcmask $0x1F1C;
	v2 =	vsel vm6, $0xC31, v2;
	s17 =	simm.s32 $0x12C80;
	s18 =	simm.s32 $0xDC80;
	[dreg:$0x19] =	wrdreg s22  }
0x20: {  	v4 =	vimm.s32 $0xEDCBA987;
	vm9 =	vcmask $0x2320;
	v2 =	vsel vm7, $0xC32, v2;
	s13 =	simm.s32 $0x2;
	s19 =	simm.s32 $0x5;
	[dreg:$0x1a] =	wrdreg s23  }
0x21: {  	vm10 =	vcmask $0x2724;
	vm11 =	vcmask $0x2B28;
	v5 =	vsel vm8, $0xC33, v2;
	s20 =	simm.s32 $0x3;
	s21 =	simm.s32 $0x6;
	[dreg:$0x1b] =	wrdreg s24  }
0x22: {  	vm12 =	vcmask $0x2F2C;
	v4 =	vunpack.c.l.s4.s8 v4;
	v5 =	vsel vm9, $0xC3C, v5;
	s26 =	sadd.s32 $0x195200, s8;
	s8 =	sadd.s32 $0x8A00, s5;
	[dreg:$0x1c] =	wrdreg s25  }
0x23: {  	vm13 =	vcmask $0x3330;
	v3 =	vunpack.c.l.s4.s8 v3;
	s1 =	sadd.s32 $0x19C600, s1;
	[dreg:$0x1e] =	wrdreg s29;
	s4 =	sadd.s32 s31, s2;
	v5 =	vsel vm10, $0xC3D, v5  }
0x24: {  	vm14 =	vcmask $0x3734;
	v4 =	vunpack.c.0.s8.s32 v4;
	s6 =	smax.u32 s6, $0x1;
	s10 =	simm.s32 $0x11C80;
	[dreg:$0x8] =	wrdreg s26;
	v5 =	vsel vm11, $0xC3E, v5  }
0x25: {  	v3 =	vunpack.c.0.s8.s32 v3;
	vm15 =	vcmask $0x3B38;
	s22 =	simm.s32 $0x4;
	s23 =	simm.s32 $0x7;
	[dreg:$0xd] =	wrdreg s8;
	v5 =	vsel vm12, $0xC3F, v5  }
0x26: {  	v0 =	vimm.f32 $0.0e+00;
	v4 =	vand.u32 $0xF, v4;
	s24 =	simm.s32 $0x8;
	s25 =	simm.s32 $0x0;
	[dreg:$0x14] =	wrdreg s1;
	v5 =	vsel vm13, $0xC38, v5  }
0x27: {  	v1 =	vlaneseq.u32;
	v3 =	vcombine.low v3, v4;
	s26 =	sadd.s32 $0x10200, s5;
	s1 =	sadd.s32 $0x11200, s5;
	s5 =	sadd.s32 $0x198600, s30;
	v5 =	vsel vm14, $0xC39, v5  }
0x28: {  	v4 =	vor.u32 $0x80000000, v1;
	v2 =	vadd.s32 $0x1, v1;
	s8 =	simm.s32 $0x5C80;
	[dreg:$0x1d] =	wrdreg s26;
	s26 =	simm.s32 $0x80;
	v5 =	vsel vm15, $0xC3A, v5  }
.LBB2_1:
0x29: {  	s0 =	rddreg [dreg:$0x4]  }
0x2a: {  	[tilespmem:s7], [sflag:$0x1] =	stream.linear.gather [hbm4b:s0+s3], $0x3E80, $0x38;
	[tilespmem:$0x13F00] =	vst v63  }
0x2b: {  	s0 =	rddreg [dreg:$0x5]  }
0x2c: {  	[tilespmem:s8], [sflag:$0x2] =	stream.linear.gather [hbm4b:s0+s3], $0x3E80, $0x38;
	[tilespmem:$0x13F00] =	vst v63  }
0x2d: {  	s0 =	rddreg [dreg:$0x6]  }
0x2e: {  	[tilespmem:s9], [sflag:$0x3] =	stream.linear.gather [hbm4b:s0+s3], $0x3E80, $0x38;
	[tilespmem:$0x13F00] =	vst v63  }
0x2f: {  	s0 =	rddreg [dreg:$0x3]  }
0x30: {  	[tilespmem:s10], [sflag:$0x9] =	stream.linear.gather [hbm4b:s0+s3], $0x1000, $0x38;
	[tilespmem:$0x13F00] =	vst v63  }
0x31: {  	_ =	swait.ge [sflag:s11], $0x1000  }
0x32: {  	[sflag:s11] =	ssyncset.done $0x0  }
0x33: {  	[sflag:s11] =	ssyncadd.s32 $0xFFFFF000  }
0x34: {  	[spmem:s4] =	stream.linear.scatter [tilespmem:s10], [sflag:$0x9], $0x1000, $0x38;
	[tilespmem:$0x13F00] =	vst v63  }
0x35: {  	_ =	swait.ge [sflag:s11], $0x1000  }
0x36: {  	[sflag:s11] =	ssyncset.done $0x0  }
0x37: {  	[sflag:s11] =	ssyncadd.s32 $0xFFFFF000  }
0x38: {  	[tilespmem:$0x12C80] =	vst v0  }
0x39: {  	[tilespmem:$0x12C90] =	vst v0  }
0x3a: {  	[tilespmem:$0x12CA0] =	vst v0  }
0x3b: {  	[tilespmem:$0x12CB0] =	vst v0  }
0x3c: {  	[tilespmem:$0x12CC0] =	vst v0  }
0x3d: {  	[tilespmem:$0x12CD0] =	vst v0  }
0x3e: {  	[tilespmem:$0x12CE0] =	vst v0  }
0x3f: {  	[tilespmem:$0x12CF0] =	vst v0  }
0x40: {  	[tilespmem:$0x12D00] =	vst v0  }
0x41: {  	[tilespmem:$0x12D10] =	vst v0  }
0x42: {  	[tilespmem:$0x12D20] =	vst v0  }
0x43: {  	[tilespmem:$0x12D30] =	vst v0  }
0x44: {  	[tilespmem:$0x12D40] =	vst v0  }
0x45: {  	[tilespmem:$0x12D50] =	vst v0  }
0x46: {  	[tilespmem:$0x12D60] =	vst v0  }
0x47: {  	[tilespmem:$0x12D70] =	vst v0  }
0x48: {  	[tilespmem:$0x12D80] =	vst v0  }
0x49: {  	[tilespmem:$0x12D90] =	vst v0  }
0x4a: {  	[tilespmem:$0x12DA0] =	vst v0  }
0x4b: {  	[tilespmem:$0x12DB0] =	vst v0  }
0x4c: {  	[tilespmem:$0x12DC0] =	vst v0  }
0x4d: {  	[tilespmem:$0x12DD0] =	vst v0  }
0x4e: {  	[tilespmem:$0x12DE0] =	vst v0  }
0x4f: {  	[tilespmem:$0x12DF0] =	vst v0  }
0x50: {  	[tilespmem:$0x12E00] =	vst v0  }
0x51: {  	[tilespmem:$0x12E10] =	vst v0  }
0x52: {  	[tilespmem:$0x12E20] =	vst v0  }
0x53: {  	[tilespmem:$0x12E30] =	vst v0  }
0x54: {  	[tilespmem:$0x12E40] =	vst v0  }
0x55: {  	[tilespmem:$0x12E50] =	vst v0  }
0x56: {  	[tilespmem:$0x12E60] =	vst v0  }
0x57: {  	s0 =	rddreg [dreg:$0x7];
	[tilespmem:$0x12E70] =	vst v0  }
0x58: {  	[tilespmem:s3], [sflag:$0x9] =	stream.linear.gather [hbm4b:s0+s3], $0xC80, $0x38;
	[tilespmem:$0x13F00] =	vst v63  }
0x59: {  	_ =	swait.ge [sflag:s11], $0xC80  }
0x5a: {  	[sflag:s11] =	ssyncset.done $0x0  }
0x5b: {  	s0 =	rddreg [dreg:$0x8];
	[sflag:s11] =	ssyncadd.s32 $0xFFFFF380  }
0x5c: {  	[tilespmem:s12], [sflag:$0x9] =	stream.strided.gather [hbm4b:s0+s26], $0xC80, s28, s26, $0x38;
	[tilespmem:$0x13F00] =	vst v63  }
0x5d: {  	_ =	swait.ge [sflag:s11], $0xC80  }
0x5e: {  	[sflag:s11] =	ssyncset.done $0x0  }
0x5f: {  	[sflag:s11] =	ssyncadd.s32 $0xFFFFF380  }
0x60: {  	v6 =	vadd.s32 s3, v2;
	[bflag:$0x0] =	sbarrier.arrive $0xFFFF  }
0x61: {  	_ =	swait.ge [sflag:s14], $0x3E80  }
0x62: {  	[sflag:s14] =	ssyncset.done $0x0  }
0x63: {  	[sflag:s14] =	ssyncadd.s32 $0xFFFFC180  }
0x64: {  	[spmem:s2] =	stream.indirect.scatter.add.f32 [tilespmem:s7], [sflag:$0x5], $0x80, s3, s15, $0xb8;
	[tilespmem:$0x13F00] =	vst v63  }
0x65: {  	v6 =	vld.idx.msk [tilespmem:v6+s12+$0x0], $0xffff  }
0x66: {  	v7 =	vld [tilespmem:s12+$0x0];
	_ =	sdelay $0x3  }
0x67: {  	v8 =	vor.u32 s3, v1  }
0x68: {  	vm0 =	vlt.u32 v8, $0xC35;
	vm1 =	vne.s32 v7, v6  }
0x69: {  	v6 =	vor.u32 s3, v4;
	vm1 =	vmand vm0, vm1  }
0x6a: {  	v6 =	vnsel vm1, $0x7FFFFFFF, v6  }
0x6b: {  	(xrf0) =	vmax.scan.msk.u32 $0xffff, v6;
	_ =	sdelay $0x5  }
0x6c: {  	v6, _, _ =	vpop (xrf0)  }
0x6d: {  	v6 =	vxor.u32 $0x80000000, v6  }
0x6e: {  	(v2sf) =	vpush v6, $0xF;
	_ =	sdelay $0x1  }
0x6f: {  	[tilespmem:$0x12E80] =	vst v6  }
0x70: {  	v6 =	vld.idx.msk [tilespmem:v3+s16+$0x0], $0xffff;
	_ =	sdelay $0x3  }
0x71: {  	s26 =	simm.s32 $0xFFFFFFFF;
	vm0 =	veq.s32 v1, $0x0  }
0x72: {  	v6 =	vsel vm0, s26, v6  }
0x73: {  	s28 =	simm.s32 $0x10;
	vm2 =	vgt.s32 v6, s26  }
0x74: {  	v9 =	vadd.s32 s28, v2;
	v6 =	vnsel vm2, s26, v6  }
0x75: {  	v6 =	vsub.s32 v8, v6  }
0x76: {  	v6 =	vcvt.s32.f32 v6;
	_ =	sdelay $0x1  }
0x77: {  	[tilespmem:v7+s17+$0x0] =	vst.idx.add.f32.msk vm1, v6  }
0x78: {  	s29 =	simm.s32 $0x1010;
	v7 =	vld.idx.msk [tilespmem:v9+s12+$0x0], $0xffff;
	s31 =	spop (v2sf)  }
0x79: {  	s30 =	simm.s32 $0x20;
	v6 =	vld [tilespmem:s29+$0x0];
	p1 =	slt.s32 s31, $0xFFFFFFFF  }
.LBB2_2:
0x7a: {  	s0 =	smov.u32 s26;
	p0 =	sne.s32 s30, $0x70;
	s26 =	smov.u32 s31  }
0x7b: {  	s26 =	smov.u32 @p1 s0;
	s0 =	smov.u32 s30;
	s30 =	sadd.s32 $0x10, s30  }
0x7c: {  	_ = 	snop  }
0x7d: {  	v8 =	vor.u32 s28, v1  }
0x7e: {  	vm1 =	vlt.u32 v8, $0xC35;
	vm2 =	vne.s32 v6, v7  }
0x7f: {  	v7 =	vor.u32 s28, v4;
	s28 =	smov.u32 s0;
	vm1 =	vmand vm1, vm2  }
0x80: {  	v7 =	vnsel vm1, $0x7FFFFFFF, v7  }
0x81: {  	(xrf0) =	vmax.scan.msk.u32 $0xffff, v7;
	_ =	sdelay $0x5  }
0x82: {  	v7, _, _ =	vpop (xrf0)  }
0x83: {  	v7 =	vxor.u32 $0x80000000, v7  }
0x84: {  	[tilespmem:$0x12E80] =	vst v7;
	(v2sf) =	vpush v7, $0xF  }
0x85: {  	v7 =	vld.idx.msk [tilespmem:v3+s16+$0x0], $0xffff;
	_ =	sdelay $0x5  }
0x86: {  	v7 =	vsel vm0, s26, v7  }
0x87: {  	vm2 =	vgt.s32 v7, s26  }
0x88: {  	v9 =	vadd.s32 s28, v2;
	v7 =	vnsel vm2, s26, v7  }
0x89: {  	v7 =	vsub.s32 v8, v7  }
0x8a: {  	v7 =	vcvt.s32.f32 v7  }
.Ltmp0:
0x8b: {  	(pc) =	sbr.rel @p0 .LBB2_2-.Ltmp0, $4  }
0x8c: {  	[tilespmem:v6+s17+$0x0] =	vst.idx.add.f32.msk vm1, v7  }
0x8d: {  	s29 =	sadd.s32 $0x10, s29;
	v7 =	vld.idx.msk [tilespmem:v9+s12+$0x0], $0xffff  }
0x8e: {  	v6 =	vld [tilespmem:s29+$0x0];
	s31 =	spop (v2sf)  }
0x8f: {  	p1 =	sgt.s32 s26, s31  }
0x90: {  	_ =	sdelay $0x1  }
0x91: {  	v8 =	vor.u32 s28, v1  }
0x92: {  	vm0 =	vlt.u32 v8, $0xC35;
	vm1 =	vne.s32 v6, v7  }
0x93: {  	v7 =	vor.u32 s28, v4;
	vm1 =	vmand vm0, vm1  }
0x94: {  	v7 =	vnsel vm1, $0x7FFFFFFF, v7  }
0x95: {  	(xrf0) =	vmax.scan.msk.u32 $0xffff, v7;
	_ =	sdelay $0x5  }
0x96: {  	v7, _, _ =	vpop (xrf0)  }
0x97: {  	v7 =	vxor.u32 $0x80000000, v7  }
0x98: {  	(v2sf) =	vpush v7, $0xF  }
0x99: {  	[tilespmem:$0x12E80] =	vst v7  }
0x9a: {  	v7 =	vld.idx.msk [tilespmem:v3+s16+$0x0], $0xffff;
	_ =	sdelay $0x3  }
0x9b: {  	s31 =	smov.u32 @p1 s26;
	vm0 =	veq.s32 v1, $0x0  }
0x9c: {  	v7 =	vsel vm0, s31, v7  }
0x9d: {  	vm2 =	vgt.s32 v7, s31  }
0x9e: {  	v7 =	vnsel vm2, s31, v7  }
0x9f: {  	v7 =	vsub.s32 v8, v7  }
0xa0: {  	v7 =	vcvt.s32.f32 v7;
	_ =	sdelay $0x1  }
0xa1: {  	s0 =	simm.s32 $0x80;
	s28 =	rddreg [dreg:$0x9];
	[tilespmem:v6+s17+$0x0] =	vst.idx.add.f32.msk vm1, v7  }
0xa2: {  	[tilespmem:s18], [sflag:$0x4] =	stream.linear.gather [hbm4b:s28+s3], $0x3E80, $0x38;
	[tilespmem:$0x13F00] =	vst v63  }
0xa3: {  	v6 =	vadd.s32 s0, v2;
	s26 =	spop (v2sf)  }
0xa4: {  	_ =	swait.ge [sflag:s13], $0x3E80  }
0xa5: {  	[sflag:s13] =	ssyncset.done $0x0  }
0xa6: {  	[sflag:s13] =	ssyncadd.s32 $0xFFFFC180  }
0xa7: {  	[spmem:s2] =	stream.indirect.scatter.add.f32 [tilespmem:s8], [sflag:$0x6], $0x80, s0, s15, $0xb8;
	[tilespmem:$0x13F00] =	vst v63  }
0xa8: {  	s28 =	simm.s32 $0x1080;
	v6 =	vld.idx.msk [tilespmem:v6+s12+$0x0], $0xffff  }
0xa9: {  	v7 =	vld [tilespmem:s28+$0x0];
	_ =	sdelay $0x3  }
0xaa: {  	v8 =	vor.u32 s0, v1  }
0xab: {  	vm1 =	vlt.u32 v8, $0xC35;
	vm2 =	vne.s32 v7, v6  }
0xac: {  	v6 =	vor.u32 s0, v4;
	vm1 =	vmand vm1, vm2  }
0xad: {  	v6 =	vnsel vm1, $0x7FFFFFFF, v6  }
0xae: {  	(xrf0) =	vmax.scan.msk.u32 $0xffff, v6;
	_ =	sdelay $0x5  }
0xaf: {  	v6, _, _ =	vpop (xrf0)  }
0xb0: {  	v6 =	vxor.u32 $0x80000000, v6  }
0xb1: {  	(v2sf) =	vpush v6, $0xF;
	_ =	sdelay $0x1  }
0xb2: {  	[tilespmem:$0x12E80] =	vst v6  }
0xb3: {  	v6 =	vld.idx.msk [tilespmem:v3+s16+$0x0], $0xffff;
	_ =	sdelay $0x2  }
0xb4: {  	p0 =	sgt.s32 s31, s26  }
0xb5: {  	s26 =	smov.u32 @p0 s31  }
0xb6: {  	v6 =	vsel vm0, s26, v6  }
0xb7: {  	s28 =	simm.s32 $0x90;
	vm2 =	vgt.s32 v6, s26  }
0xb8: {  	v9 =	vadd.s32 s28, v2;
	v6 =	vnsel vm2, s26, v6  }
0xb9: {  	v6 =	vsub.s32 v8, v6  }
0xba: {  	v6 =	vcvt.s32.f32 v6;
	_ =	sdelay $0x1  }
0xbb: {  	[tilespmem:v7+s17+$0x0] =	vst.idx.add.f32.msk vm1, v6  }
0xbc: {  	s29 =	simm.s32 $0x1090;
	v7 =	vld.idx.msk [tilespmem:v9+s12+$0x0], $0xffff;
	s31 =	spop (v2sf)  }
0xbd: {  	s30 =	simm.s32 $0xA0;
	v6 =	vld [tilespmem:s29+$0x0];
	p1 =	sgt.s32 s26, s31  }
.LBB2_4:
0xbe: {  	s0 =	smov.u32 s26;
	p0 =	sne.s32 s30, $0xF0;
	s26 =	smov.u32 s31  }
0xbf: {  	s26 =	smov.u32 @p1 s0;
	s0 =	smov.u32 s30;
	s30 =	sadd.s32 $0x10, s30  }
0xc0: {  	_ = 	snop  }
0xc1: {  	v8 =	vor.u32 s28, v1  }
0xc2: {  	vm1 =	vlt.u32 v8, $0xC35;
	vm2 =	vne.s32 v6, v7  }
0xc3: {  	v7 =	vor.u32 s28, v4;
	s28 =	smov.u32 s0;
	vm1 =	vmand vm1, vm2  }
0xc4: {  	v7 =	vnsel vm1, $0x7FFFFFFF, v7  }
0xc5: {  	(xrf0) =	vmax.scan.msk.u32 $0xffff, v7;
	_ =	sdelay $0x5  }
0xc6: {  	v7, _, _ =	vpop (xrf0)  }
0xc7: {  	v7 =	vxor.u32 $0x80000000, v7  }
0xc8: {  	[tilespmem:$0x12E80] =	vst v7;
	(v2sf) =	vpush v7, $0xF  }
0xc9: {  	v7 =	vld.idx.msk [tilespmem:v3+s16+$0x0], $0xffff;
	_ =	sdelay $0x5  }
0xca: {  	v7 =	vsel vm0, s26, v7  }
0xcb: {  	vm2 =	vgt.s32 v7, s26  }
0xcc: {  	v9 =	vadd.s32 s28, v2;
	v7 =	vnsel vm2, s26, v7  }
0xcd: {  	v7 =	vsub.s32 v8, v7  }
0xce: {  	v7 =	vcvt.s32.f32 v7  }
.Ltmp1:
0xcf: {  	(pc) =	sbr.rel @p0 .LBB2_4-.Ltmp1, $4  }
0xd0: {  	[tilespmem:v6+s17+$0x0] =	vst.idx.add.f32.msk vm1, v7  }
0xd1: {  	s29 =	sadd.s32 $0x10, s29;
	v7 =	vld.idx.msk [tilespmem:v9+s12+$0x0], $0xffff  }
0xd2: {  	v6 =	vld [tilespmem:s29+$0x0];
	s31 =	spop (v2sf)  }
0xd3: {  	p1 =	sgt.s32 s26, s31  }
0xd4: {  	_ =	sdelay $0x1  }
0xd5: {  	v8 =	vor.u32 s28, v1  }
0xd6: {  	vm0 =	vlt.u32 v8, $0xC35;
	vm1 =	vne.s32 v6, v7  }
0xd7: {  	v7 =	vor.u32 s28, v4;
	vm1 =	vmand vm0, vm1  }
0xd8: {  	v7 =	vnsel vm1, $0x7FFFFFFF, v7  }
0xd9: {  	(xrf0) =	vmax.scan.msk.u32 $0xffff, v7;
	_ =	sdelay $0x5  }
0xda: {  	v7, _, _ =	vpop (xrf0)  }
0xdb: {  	v7 =	vxor.u32 $0x80000000, v7  }
0xdc: {  	(v2sf) =	vpush v7, $0xF;
	_ =	sdelay $0x2  }
0xdd: {  	[tilespmem:$0x12E80] =	vst v7  }
0xde: {  	v7 =	vld.idx.msk [tilespmem:v3+s16+$0x0], $0xffff;
	_ =	sdelay $0x3  }
0xdf: {  	s31 =	smov.u32 @p1 s26;
	vm0 =	veq.s32 v1, $0x0  }
0xe0: {  	v7 =	vsel vm0, s31, v7  }
0xe1: {  	vm2 =	vgt.s32 v7, s31  }
0xe2: {  	v7 =	vnsel vm2, s31, v7  }
0xe3: {  	v7 =	vsub.s32 v8, v7  }
0xe4: {  	v7 =	vcvt.s32.f32 v7;
	_ =	sdelay $0x1  }
0xe5: {  	[tilespmem:v6+s17+$0x0] =	vst.idx.add.f32.msk vm1, v7;
	s26 =	spop (v2sf)  }
0xe6: {  	_ =	swait.ge [sflag:s19], $0x3E80  }
0xe7: {  	[sflag:s19] =	ssyncset.done $0x0  }
0xe8: {  	s0 =	simm.s32 $0x100;
	s28 =	rddreg [dreg:$0xa];
	[sflag:s19] =	ssyncadd.s32 $0xFFFFC180  }
0xe9: {  	v6 =	vadd.s32 s0, v2;
	[tilespmem:s7], [sflag:$0x1] =	stream.linear.gather [hbm4b:s28+s3], $0x3E80, $0x38;
	[tilespmem:$0x13F00] =	vst v63  }
0xea: {  	_ =	swait.ge [sflag:s20], $0x3E80  }
0xeb: {  	[sflag:s20] =	ssyncset.done $0x0  }
0xec: {  	[sflag:s20] =	ssyncadd.s32 $0xFFFFC180  }
0xed: {  	[spmem:s2] =	stream.indirect.scatter.add.f32 [tilespmem:s9], [sflag:$0x7], $0x80, s0, s15, $0xb8;
	[tilespmem:$0x13F00] =	vst v63  }
0xee: {  	s28 =	simm.s32 $0x1100;
	v6 =	vld.idx.msk [tilespmem:v6+s12+$0x0], $0xffff  }
0xef: {  	v7 =	vld [tilespmem:s28+$0x0];
	_ =	sdelay $0x3  }
0xf0: {  	v8 =	vor.u32 s0, v1  }
0xf1: {  	vm1 =	vlt.u32 v8, $0xC35;
	vm2 =	vne.s32 v7, v6  }
0xf2: {  	v6 =	vor.u32 s0, v4;
	vm1 =	vmand vm1, vm2  }
0xf3: {  	v6 =	vnsel vm1, $0x7FFFFFFF, v6  }
0xf4: {  	(xrf0) =	vmax.scan.msk.u32 $0xffff, v6;
	_ =	sdelay $0x5  }
0xf5: {  	v6, _, _ =	vpop (xrf0)  }
0xf6: {  	v6 =	vxor.u32 $0x80000000, v6  }
0xf7: {  	(v2sf) =	vpush v6, $0xF;
	_ =	sdelay $0x1  }
0xf8: {  	[tilespmem:$0x12E80] =	vst v6  }
0xf9: {  	v6 =	vld.idx.msk [tilespmem:v3+s16+$0x0], $0xffff;
	_ =	sdelay $0x2  }
0xfa: {  	p0 =	sgt.s32 s31, s26  }
0xfb: {  	s26 =	smov.u32 @p0 s31  }
0xfc: {  	v6 =	vsel vm0, s26, v6  }
0xfd: {  	s28 =	simm.s32 $0x110;
	vm2 =	vgt.s32 v6, s26  }
0xfe: {  	v9 =	vadd.s32 s28, v2;
	v6 =	vnsel vm2, s26, v6  }
0xff: {  	v6 =	vsub.s32 v8, v6  }
0x100: {  	v6 =	vcvt.s32.f32 v6;
	_ =	sdelay $0x1  }
0x101: {  	[tilespmem:v7+s17+$0x0] =	vst.idx.add.f32.msk vm1, v6  }
0x102: {  	s29 =	simm.s32 $0x1110;
	v7 =	vld.idx.msk [tilespmem:v9+s12+$0x0], $0xffff;
	s31 =	spop (v2sf)  }
0x103: {  	s30 =	simm.s32 $0x120;
	v6 =	vld [tilespmem:s29+$0x0];
	p1 =	sgt.s32 s26, s31  }
.LBB2_6:
0x104: {  	s0 =	smov.u32 s26;
	p0 =	sne.s32 s30, $0x170;
	s26 =	smov.u32 s31  }
0x105: {  	s26 =	smov.u32 @p1 s0;
	s0 =	smov.u32 s30;
	s30 =	sadd.s32 $0x10, s30  }
0x106: {  	_ = 	snop  }
0x107: {  	v8 =	vor.u32 s28, v1  }
0x108: {  	vm1 =	vlt.u32 v8, $0xC35;
	vm2 =	vne.s32 v6, v7  }
0x109: {  	v7 =	vor.u32 s28, v4;
	s28 =	smov.u32 s0;
	vm1 =	vmand vm1, vm2  }
0x10a: {  	v7 =	vnsel vm1, $0x7FFFFFFF, v7  }
0x10b: {  	(xrf0) =	vmax.scan.msk.u32 $0xffff, v7;
	_ =	sdelay $0x5  }
0x10c: {  	v7, _, _ =	vpop (xrf0)  }
0x10d: {  	v7 =	vxor.u32 $0x80000000, v7  }
0x10e: {  	[tilespmem:$0x12E80] =	vst v7;
	(v2sf) =	vpush v7, $0xF  }
0x10f: {  	v7 =	vld.idx.msk [tilespmem:v3+s16+$0x0], $0xffff;
	_ =	sdelay $0x5  }
0x110: {  	v7 =	vsel vm0, s26, v7  }
0x111: {  	vm2 =	vgt.s32 v7, s26  }
0x112: {  	v9 =	vadd.s32 s28, v2;
	v7 =	vnsel vm2, s26, v7  }
0x113: {  	v7 =	vsub.s32 v8, v7  }
0x114: {  	v7 =	vcvt.s32.f32 v7  }
.Ltmp2:
0x115: {  	(pc) =	sbr.rel @p0 .LBB2_6-.Ltmp2, $4  }
0x116: {  	[tilespmem:v6+s17+$0x0] =	vst.idx.add.f32.msk vm1, v7  }
0x117: {  	s29 =	sadd.s32 $0x10, s29;
	v7 =	vld.idx.msk [tilespmem:v9+s12+$0x0], $0xffff  }
0x118: {  	v6 =	vld [tilespmem:s29+$0x0];
	s31 =	spop (v2sf)  }
0x119: {  	p1 =	sgt.s32 s26, s31  }
0x11a: {  	_ =	sdelay $0x1  }
0x11b: {  	v8 =	vor.u32 s28, v1  }
0x11c: {  	vm0 =	vlt.u32 v8, $0xC35;
	vm1 =	vne.s32 v6, v7  }
0x11d: {  	v7 =	vor.u32 s28, v4;
	vm1 =	vmand vm0, vm1  }
0x11e: {  	v7 =	vnsel vm1, $0x7FFFFFFF, v7  }
0x11f: {  	(xrf0) =	vmax.scan.msk.u32 $0xffff, v7;
	_ =	sdelay $0x5  }
0x120: {  	v7, _, _ =	vpop (xrf0)  }
0x121: {  	v7 =	vxor.u32 $0x80000000, v7  }
0x122: {  	(v2sf) =	vpush v7, $0xF;
	_ =	sdelay $0x2  }
0x123: {  	[tilespmem:$0x12E80] =	vst v7  }
0x124: {  	v7 =	vld.idx.msk [tilespmem:v3+s16+$0x0], $0xffff;
	_ =	sdelay $0x3  }
0x125: {  	s31 =	smov.u32 @p1 s26;
	vm0 =	veq.s32 v1, $0x0  }
0x126: {  	v7 =	vsel vm0, s31, v7  }
0x127: {  	vm2 =	vgt.s32 v7, s31  }
0x128: {  	v7 =	vnsel vm2, s31, v7  }
0x129: {  	v7 =	vsub.s32 v8, v7  }
0x12a: {  	v7 =	vcvt.s32.f32 v7;
	_ =	sdelay $0x1  }
0x12b: {  	[tilespmem:v6+s17+$0x0] =	vst.idx.add.f32.msk vm1, v7;
	s26 =	spop (v2sf)  }
0x12c: {  	_ =	swait.ge [sflag:s21], $0x3E80  }
0x12d: {  	[sflag:s21] =	ssyncset.done $0x0  }
0x12e: {  	s0 =	simm.s32 $0x180;
	s28 =	rddreg [dreg:$0xb];
	[sflag:s21] =	ssyncadd.s32 $0xFFFFC180  }
0x12f: {  	v6 =	vadd.s32 s0, v2;
	[tilespmem:s8], [sflag:$0x2] =	stream.linear.gather [hbm4b:s28+s3], $0x3E80, $0x38;
	[tilespmem:$0x13F00] =	vst v63  }
0x130: {  	_ =	swait.ge [sflag:s22], $0x3E80  }
0x131: {  	[sflag:s22] =	ssyncset.done $0x0  }
0x132: {  	[sflag:s22] =	ssyncadd.s32 $0xFFFFC180  }
0x133: {  	[spmem:s2] =	stream.indirect.scatter.add.f32 [tilespmem:s18], [sflag:$0x8], $0x80, s0, s15, $0xb8;
	[tilespmem:$0x13F00] =	vst v63  }
0x134: {  	s28 =	simm.s32 $0x1180;
	v6 =	vld.idx.msk [tilespmem:v6+s12+$0x0], $0xffff  }
0x135: {  	v7 =	vld [tilespmem:s28+$0x0];
	_ =	sdelay $0x3  }
0x136: {  	v8 =	vor.u32 s0, v1  }
0x137: {  	vm1 =	vlt.u32 v8, $0xC35;
	vm2 =	vne.s32 v7, v6  }
0x138: {  	v6 =	vor.u32 s0, v4;
	vm1 =	vmand vm1, vm2  }
0x139: {  	v6 =	vnsel vm1, $0x7FFFFFFF, v6  }
0x13a: {  	(xrf0) =	vmax.scan.msk.u32 $0xffff, v6;
	_ =	sdelay $0x5  }
0x13b: {  	v6, _, _ =	vpop (xrf0)  }
0x13c: {  	v6 =	vxor.u32 $0x80000000, v6  }
0x13d: {  	(v2sf) =	vpush v6, $0xF;
	_ =	sdelay $0x1  }
0x13e: {  	[tilespmem:$0x12E80] =	vst v6  }
0x13f: {  	v6 =	vld.idx.msk [tilespmem:v3+s16+$0x0], $0xffff;
	_ =	sdelay $0x2  }
0x140: {  	p0 =	sgt.s32 s31, s26  }
0x141: {  	s26 =	smov.u32 @p0 s31  }
0x142: {  	v6 =	vsel vm0, s26, v6  }
0x143: {  	s28 =	simm.s32 $0x190;
	vm2 =	vgt.s32 v6, s26  }
0x144: {  	v9 =	vadd.s32 s28, v2;
	v6 =	vnsel vm2, s26, v6  }
0x145: {  	v6 =	vsub.s32 v8, v6  }
0x146: {  	v6 =	vcvt.s32.f32 v6;
	_ =	sdelay $0x1  }
0x147: {  	[tilespmem:v7+s17+$0x0] =	vst.idx.add.f32.msk vm1, v6  }
0x148: {  	s29 =	simm.s32 $0x1190;
	v7 =	vld.idx.msk [tilespmem:v9+s12+$0x0], $0xffff;
	s31 =	spop (v2sf)  }
0x149: {  	s30 =	simm.s32 $0x1A0;
	v6 =	vld [tilespmem:s29+$0x0];
	p1 =	sgt.s32 s26, s31  }
.LBB2_8:
0x14a: {  	s0 =	smov.u32 s26;
	p0 =	sne.s32 s30, $0x1F0;
	s26 =	smov.u32 s31  }
0x14b: {  	s26 =	smov.u32 @p1 s0;
	s0 =	smov.u32 s30;
	s30 =	sadd.s32 $0x10, s30  }
0x14c: {  	_ = 	snop  }
0x14d: {  	v8 =	vor.u32 s28, v1  }
0x14e: {  	vm1 =	vlt.u32 v8, $0xC35;
	vm2 =	vne.s32 v6, v7  }
0x14f: {  	v7 =	vor.u32 s28, v4;
	s28 =	smov.u32 s0;
	vm1 =	vmand vm1, vm2  }
0x150: {  	v7 =	vnsel vm1, $0x7FFFFFFF, v7  }
0x151: {  	(xrf0) =	vmax.scan.msk.u32 $0xffff, v7;
	_ =	sdelay $0x5  }
0x152: {  	v7, _, _ =	vpop (xrf0)  }
0x153: {  	v7 =	vxor.u32 $0x80000000, v7  }
0x154: {  	[tilespmem:$0x12E80] =	vst v7;
	(v2sf) =	vpush v7, $0xF  }
0x155: {  	v7 =	vld.idx.msk [tilespmem:v3+s16+$0x0], $0xffff;
	_ =	sdelay $0x5  }
0x156: {  	v7 =	vsel vm0, s26, v7  }
0x157: {  	vm2 =	vgt.s32 v7, s26  }
0x158: {  	v9 =	vadd.s32 s28, v2;
	v7 =	vnsel vm2, s26, v7  }
0x159: {  	v7 =	vsub.s32 v8, v7  }
0x15a: {  	v7 =	vcvt.s32.f32 v7  }
.Ltmp3:
0x15b: {  	(pc) =	sbr.rel @p0 .LBB2_8-.Ltmp3, $4  }
0x15c: {  	[tilespmem:v6+s17+$0x0] =	vst.idx.add.f32.msk vm1, v7  }
0x15d: {  	s29 =	sadd.s32 $0x10, s29;
	v7 =	vld.idx.msk [tilespmem:v9+s12+$0x0], $0xffff  }
0x15e: {  	v6 =	vld [tilespmem:s29+$0x0];
	s31 =	spop (v2sf)  }
0x15f: {  	p1 =	sgt.s32 s26, s31  }
0x160: {  	_ =	sdelay $0x1  }
0x161: {  	v8 =	vor.u32 s28, v1  }
0x162: {  	vm0 =	vlt.u32 v8, $0xC35;
	vm1 =	vne.s32 v6, v7  }
0x163: {  	v7 =	vor.u32 s28, v4;
	vm1 =	vmand vm0, vm1  }
0x164: {  	v7 =	vnsel vm1, $0x7FFFFFFF, v7  }
0x165: {  	(xrf0) =	vmax.scan.msk.u32 $0xffff, v7;
	_ =	sdelay $0x5  }
0x166: {  	v7, _, _ =	vpop (xrf0)  }
0x167: {  	v7 =	vxor.u32 $0x80000000, v7  }
0x168: {  	(v2sf) =	vpush v7, $0xF;
	_ =	sdelay $0x2  }
0x169: {  	[tilespmem:$0x12E80] =	vst v7  }
0x16a: {  	v7 =	vld.idx.msk [tilespmem:v3+s16+$0x0], $0xffff;
	_ =	sdelay $0x3  }
0x16b: {  	s31 =	smov.u32 @p1 s26;
	vm0 =	veq.s32 v1, $0x0  }
0x16c: {  	v7 =	vsel vm0, s31, v7  }
0x16d: {  	vm2 =	vgt.s32 v7, s31  }
0x16e: {  	v7 =	vnsel vm2, s31, v7  }
0x16f: {  	v7 =	vsub.s32 v8, v7  }
0x170: {  	v7 =	vcvt.s32.f32 v7;
	_ =	sdelay $0x1  }
0x171: {  	[tilespmem:v6+s17+$0x0] =	vst.idx.add.f32.msk vm1, v7;
	s26 =	spop (v2sf)  }
0x172: {  	_ =	swait.ge [sflag:s23], $0x3E80  }
0x173: {  	[sflag:s23] =	ssyncset.done $0x0  }
0x174: {  	s0 =	simm.s32 $0x200;
	s28 =	rddreg [dreg:$0xc];
	[sflag:s23] =	ssyncadd.s32 $0xFFFFC180  }
0x175: {  	v6 =	vadd.s32 s0, v2;
	[tilespmem:s9], [sflag:$0x3] =	stream.linear.gather [hbm4b:s28+s3], $0x3E80, $0x38;
	[tilespmem:$0x13F00] =	vst v63  }
0x176: {  	_ =	swait.ge [sflag:s14], $0x3E80  }
0x177: {  	[sflag:s14] =	ssyncset.done $0x0  }
0x178: {  	[sflag:s14] =	ssyncadd.s32 $0xFFFFC180  }
0x179: {  	[spmem:s2] =	stream.indirect.scatter.add.f32 [tilespmem:s7], [sflag:$0x5], $0x80, s0, s15, $0xb8;
	[tilespmem:$0x13F00] =	vst v63  }
0x17a: {  	s28 =	simm.s32 $0x1200;
	v6 =	vld.idx.msk [tilespmem:v6+s12+$0x0], $0xffff  }
0x17b: {  	v7 =	vld [tilespmem:s28+$0x0];
	_ =	sdelay $0x3  }
0x17c: {  	v8 =	vor.u32 s0, v1  }
0x17d: {  	vm1 =	vlt.u32 v8, $0xC35;
	vm2 =	vne.s32 v7, v6  }
0x17e: {  	v6 =	vor.u32 s0, v4;
	vm1 =	vmand vm1, vm2  }
0x17f: {  	v6 =	vnsel vm1, $0x7FFFFFFF, v6  }
0x180: {  	(xrf0) =	vmax.scan.msk.u32 $0xffff, v6;
	_ =	sdelay $0x5  }
0x181: {  	v6, _, _ =	vpop (xrf0)  }
0x182: {  	v6 =	vxor.u32 $0x80000000, v6  }
0x183: {  	(v2sf) =	vpush v6, $0xF;
	_ =	sdelay $0x1  }
0x184: {  	[tilespmem:$0x12E80] =	vst v6  }
0x185: {  	v6 =	vld.idx.msk [tilespmem:v3+s16+$0x0], $0xffff;
	_ =	sdelay $0x2  }
0x186: {  	p0 =	sgt.s32 s31, s26  }
0x187: {  	s26 =	smov.u32 @p0 s31  }
0x188: {  	v6 =	vsel vm0, s26, v6  }
0x189: {  	s28 =	simm.s32 $0x210;
	vm2 =	vgt.s32 v6, s26  }
0x18a: {  	v9 =	vadd.s32 s28, v2;
	v6 =	vnsel vm2, s26, v6  }
0x18b: {  	v6 =	vsub.s32 v8, v6  }
0x18c: {  	v6 =	vcvt.s32.f32 v6;
	_ =	sdelay $0x1  }
0x18d: {  	[tilespmem:v7+s17+$0x0] =	vst.idx.add.f32.msk vm1, v6  }
0x18e: {  	s29 =	simm.s32 $0x1210;
	v7 =	vld.idx.msk [tilespmem:v9+s12+$0x0], $0xffff;
	s31 =	spop (v2sf)  }
0x18f: {  	s30 =	simm.s32 $0x220;
	v6 =	vld [tilespmem:s29+$0x0];
	p1 =	sgt.s32 s26, s31  }
.LBB2_10:
0x190: {  	s0 =	smov.u32 s26;
	p0 =	sne.s32 s30, $0x270;
	s26 =	smov.u32 s31  }
0x191: {  	s26 =	smov.u32 @p1 s0;
	s0 =	smov.u32 s30;
	s30 =	sadd.s32 $0x10, s30  }
0x192: {  	_ = 	snop  }
0x193: {  	v8 =	vor.u32 s28, v1  }
0x194: {  	vm1 =	vlt.u32 v8, $0xC35;
	vm2 =	vne.s32 v6, v7  }
0x195: {  	v7 =	vor.u32 s28, v4;
	s28 =	smov.u32 s0;
	vm1 =	vmand vm1, vm2  }
0x196: {  	v7 =	vnsel vm1, $0x7FFFFFFF, v7  }
0x197: {  	(xrf0) =	vmax.scan.msk.u32 $0xffff, v7;
	_ =	sdelay $0x5  }
0x198: {  	v7, _, _ =	vpop (xrf0)  }
0x199: {  	v7 =	vxor.u32 $0x80000000, v7  }
0x19a: {  	[tilespmem:$0x12E80] =	vst v7;
	(v2sf) =	vpush v7, $0xF  }
0x19b: {  	v7 =	vld.idx.msk [tilespmem:v3+s16+$0x0], $0xffff;
	_ =	sdelay $0x5  }
0x19c: {  	v7 =	vsel vm0, s26, v7  }
0x19d: {  	vm2 =	vgt.s32 v7, s26  }
0x19e: {  	v9 =	vadd.s32 s28, v2;
	v7 =	vnsel vm2, s26, v7  }
0x19f: {  	v7 =	vsub.s32 v8, v7  }
0x1a0: {  	v7 =	vcvt.s32.f32 v7  }
.Ltmp4:
0x1a1: {  	(pc) =	sbr.rel @p0 .LBB2_10-.Ltmp4, $4  }
0x1a2: {  	[tilespmem:v6+s17+$0x0] =	vst.idx.add.f32.msk vm1, v7  }
0x1a3: {  	s29 =	sadd.s32 $0x10, s29;
	v7 =	vld.idx.msk [tilespmem:v9+s12+$0x0], $0xffff  }
0x1a4: {  	v6 =	vld [tilespmem:s29+$0x0];
	s31 =	spop (v2sf)  }
0x1a5: {  	p1 =	sgt.s32 s26, s31  }
0x1a6: {  	_ =	sdelay $0x1  }
0x1a7: {  	v8 =	vor.u32 s28, v1  }
0x1a8: {  	vm0 =	vlt.u32 v8, $0xC35;
	vm1 =	vne.s32 v6, v7  }
0x1a9: {  	v7 =	vor.u32 s28, v4;
	vm1 =	vmand vm0, vm1  }
0x1aa: {  	v7 =	vnsel vm1, $0x7FFFFFFF, v7  }
0x1ab: {  	(xrf0) =	vmax.scan.msk.u32 $0xffff, v7;
	_ =	sdelay $0x5  }
0x1ac: {  	v7, _, _ =	vpop (xrf0)  }
0x1ad: {  	v7 =	vxor.u32 $0x80000000, v7  }
0x1ae: {  	(v2sf) =	vpush v7, $0xF;
	_ =	sdelay $0x2  }
0x1af: {  	[tilespmem:$0x12E80] =	vst v7  }
0x1b0: {  	v7 =	vld.idx.msk [tilespmem:v3+s16+$0x0], $0xffff;
	_ =	sdelay $0x3  }
0x1b1: {  	s31 =	smov.u32 @p1 s26;
	vm0 =	veq.s32 v1, $0x0  }
0x1b2: {  	v7 =	vsel vm0, s31, v7  }
0x1b3: {  	vm2 =	vgt.s32 v7, s31  }
0x1b4: {  	v7 =	vnsel vm2, s31, v7  }
0x1b5: {  	v7 =	vsub.s32 v8, v7  }
0x1b6: {  	v7 =	vcvt.s32.f32 v7;
	_ =	sdelay $0x1  }
0x1b7: {  	[tilespmem:v6+s17+$0x0] =	vst.idx.add.f32.msk vm1, v7;
	s26 =	spop (v2sf)  }
0x1b8: {  	_ =	swait.ge [sflag:s24], $0x3E80  }
0x1b9: {  	[sflag:s24] =	ssyncset.done $0x0  }
0x1ba: {  	s0 =	simm.s32 $0x280;
	s28 =	rddreg [dreg:$0xd];
	[sflag:s24] =	ssyncadd.s32 $0xFFFFC180  }
0x1bb: {  	v6 =	vadd.s32 s0, v2;
	[tilespmem:s18], [sflag:$0x4] =	stream.linear.gather [hbm4b:s28+s3], $0x3E80, $0x38;
	[tilespmem:$0x13F00] =	vst v63  }
0x1bc: {  	_ =	swait.ge [sflag:s13], $0x3E80  }
0x1bd: {  	[sflag:s13] =	ssyncset.done $0x0  }
0x1be: {  	[sflag:s13] =	ssyncadd.s32 $0xFFFFC180  }
0x1bf: {  	[spmem:s2] =	stream.indirect.scatter.add.f32 [tilespmem:s8], [sflag:$0x6], $0x80, s0, s15, $0xb8;
	[tilespmem:$0x13F00] =	vst v63  }
0x1c0: {  	s28 =	simm.s32 $0x1280;
	v6 =	vld.idx.msk [tilespmem:v6+s12+$0x0], $0xffff  }
0x1c1: {  	v7 =	vld [tilespmem:s28+$0x0];
	_ =	sdelay $0x3  }
0x1c2: {  	v8 =	vor.u32 s0, v1  }
0x1c3: {  	vm1 =	vlt.u32 v8, $0xC35;
	vm2 =	vne.s32 v7, v6  }
0x1c4: {  	v6 =	vor.u32 s0, v4;
	vm1 =	vmand vm1, vm2  }
0x1c5: {  	v6 =	vnsel vm1, $0x7FFFFFFF, v6  }
0x1c6: {  	(xrf0) =	vmax.scan.msk.u32 $0xffff, v6;
	_ =	sdelay $0x5  }
0x1c7: {  	v6, _, _ =	vpop (xrf0)  }
0x1c8: {  	v6 =	vxor.u32 $0x80000000, v6  }
0x1c9: {  	(v2sf) =	vpush v6, $0xF;
	_ =	sdelay $0x1  }
0x1ca: {  	[tilespmem:$0x12E80] =	vst v6  }
0x1cb: {  	v6 =	vld.idx.msk [tilespmem:v3+s16+$0x0], $0xffff;
	_ =	sdelay $0x2  }
0x1cc: {  	p0 =	sgt.s32 s31, s26  }
0x1cd: {  	s26 =	smov.u32 @p0 s31  }
0x1ce: {  	v6 =	vsel vm0, s26, v6  }
0x1cf: {  	s28 =	simm.s32 $0x290;
	vm2 =	vgt.s32 v6, s26  }
0x1d0: {  	v9 =	vadd.s32 s28, v2;
	v6 =	vnsel vm2, s26, v6  }
0x1d1: {  	v6 =	vsub.s32 v8, v6  }
0x1d2: {  	v6 =	vcvt.s32.f32 v6;
	_ =	sdelay $0x1  }
0x1d3: {  	[tilespmem:v7+s17+$0x0] =	vst.idx.add.f32.msk vm1, v6  }
0x1d4: {  	s29 =	simm.s32 $0x1290;
	v7 =	vld.idx.msk [tilespmem:v9+s12+$0x0], $0xffff;
	s31 =	spop (v2sf)  }
0x1d5: {  	s30 =	simm.s32 $0x2A0;
	v6 =	vld [tilespmem:s29+$0x0];
	p1 =	sgt.s32 s26, s31  }
.LBB2_12:
0x1d6: {  	s0 =	smov.u32 s26;
	p0 =	sne.s32 s30, $0x2F0;
	s26 =	smov.u32 s31  }
0x1d7: {  	s26 =	smov.u32 @p1 s0;
	s0 =	smov.u32 s30;
	s30 =	sadd.s32 $0x10, s30  }
0x1d8: {  	_ = 	snop  }
0x1d9: {  	v8 =	vor.u32 s28, v1  }
0x1da: {  	vm1 =	vlt.u32 v8, $0xC35;
	vm2 =	vne.s32 v6, v7  }
0x1db: {  	v7 =	vor.u32 s28, v4;
	s28 =	smov.u32 s0;
	vm1 =	vmand vm1, vm2  }
0x1dc: {  	v7 =	vnsel vm1, $0x7FFFFFFF, v7  }
0x1dd: {  	(xrf0) =	vmax.scan.msk.u32 $0xffff, v7;
	_ =	sdelay $0x5  }
0x1de: {  	v7, _, _ =	vpop (xrf0)  }
0x1df: {  	v7 =	vxor.u32 $0x80000000, v7  }
0x1e0: {  	[tilespmem:$0x12E80] =	vst v7;
	(v2sf) =	vpush v7, $0xF  }
0x1e1: {  	v7 =	vld.idx.msk [tilespmem:v3+s16+$0x0], $0xffff;
	_ =	sdelay $0x5  }
0x1e2: {  	v7 =	vsel vm0, s26, v7  }
0x1e3: {  	vm2 =	vgt.s32 v7, s26  }
0x1e4: {  	v9 =	vadd.s32 s28, v2;
	v7 =	vnsel vm2, s26, v7  }
0x1e5: {  	v7 =	vsub.s32 v8, v7  }
0x1e6: {  	v7 =	vcvt.s32.f32 v7  }
.Ltmp5:
0x1e7: {  	(pc) =	sbr.rel @p0 .LBB2_12-.Ltmp5, $4  }
0x1e8: {  	[tilespmem:v6+s17+$0x0] =	vst.idx.add.f32.msk vm1, v7  }
0x1e9: {  	s29 =	sadd.s32 $0x10, s29;
	v7 =	vld.idx.msk [tilespmem:v9+s12+$0x0], $0xffff  }
0x1ea: {  	v6 =	vld [tilespmem:s29+$0x0];
	s31 =	spop (v2sf)  }
0x1eb: {  	p1 =	sgt.s32 s26, s31  }
0x1ec: {  	_ =	sdelay $0x1  }
0x1ed: {  	v8 =	vor.u32 s28, v1  }
0x1ee: {  	vm0 =	vlt.u32 v8, $0xC35;
	vm1 =	vne.s32 v6, v7  }
0x1ef: {  	v7 =	vor.u32 s28, v4;
	vm1 =	vmand vm0, vm1  }
0x1f0: {  	v7 =	vnsel vm1, $0x7FFFFFFF, v7  }
0x1f1: {  	(xrf0) =	vmax.scan.msk.u32 $0xffff, v7;
	_ =	sdelay $0x5  }
0x1f2: {  	v7, _, _ =	vpop (xrf0)  }
0x1f3: {  	v7 =	vxor.u32 $0x80000000, v7  }
0x1f4: {  	(v2sf) =	vpush v7, $0xF;
	_ =	sdelay $0x2  }
0x1f5: {  	[tilespmem:$0x12E80] =	vst v7  }
0x1f6: {  	v7 =	vld.idx.msk [tilespmem:v3+s16+$0x0], $0xffff;
	_ =	sdelay $0x3  }
0x1f7: {  	s31 =	smov.u32 @p1 s26;
	vm0 =	veq.s32 v1, $0x0  }
0x1f8: {  	v7 =	vsel vm0, s31, v7  }
0x1f9: {  	vm2 =	vgt.s32 v7, s31  }
0x1fa: {  	v7 =	vnsel vm2, s31, v7  }
0x1fb: {  	v7 =	vsub.s32 v8, v7  }
0x1fc: {  	v7 =	vcvt.s32.f32 v7;
	_ =	sdelay $0x1  }
0x1fd: {  	[tilespmem:v6+s17+$0x0] =	vst.idx.add.f32.msk vm1, v7;
	s26 =	spop (v2sf)  }
0x1fe: {  	_ =	swait.ge [sflag:s19], $0x3E80  }
0x1ff: {  	[sflag:s19] =	ssyncset.done $0x0  }
0x200: {  	s0 =	simm.s32 $0x300;
	s28 =	rddreg [dreg:$0xe];
	[sflag:s19] =	ssyncadd.s32 $0xFFFFC180  }
0x201: {  	v6 =	vadd.s32 s0, v2;
	[tilespmem:s7], [sflag:$0x1] =	stream.linear.gather [hbm4b:s28+s3], $0x3E80, $0x38;
	[tilespmem:$0x13F00] =	vst v63  }
0x202: {  	_ =	swait.ge [sflag:s20], $0x3E80  }
0x203: {  	[sflag:s20] =	ssyncset.done $0x0  }
0x204: {  	[sflag:s20] =	ssyncadd.s32 $0xFFFFC180  }
0x205: {  	[spmem:s2] =	stream.indirect.scatter.add.f32 [tilespmem:s9], [sflag:$0x7], $0x80, s0, s15, $0xb8;
	[tilespmem:$0x13F00] =	vst v63  }
0x206: {  	s28 =	simm.s32 $0x1300;
	v6 =	vld.idx.msk [tilespmem:v6+s12+$0x0], $0xffff  }
0x207: {  	v7 =	vld [tilespmem:s28+$0x0];
	_ =	sdelay $0x3  }
0x208: {  	v8 =	vor.u32 s0, v1  }
0x209: {  	vm1 =	vlt.u32 v8, $0xC35;
	vm2 =	vne.s32 v7, v6  }
0x20a: {  	v6 =	vor.u32 s0, v4;
	vm1 =	vmand vm1, vm2  }
0x20b: {  	v6 =	vnsel vm1, $0x7FFFFFFF, v6  }
0x20c: {  	(xrf0) =	vmax.scan.msk.u32 $0xffff, v6;
	_ =	sdelay $0x5  }
0x20d: {  	v6, _, _ =	vpop (xrf0)  }
0x20e: {  	v6 =	vxor.u32 $0x80000000, v6  }
0x20f: {  	(v2sf) =	vpush v6, $0xF;
	_ =	sdelay $0x1  }
0x210: {  	[tilespmem:$0x12E80] =	vst v6  }
0x211: {  	v6 =	vld.idx.msk [tilespmem:v3+s16+$0x0], $0xffff;
	_ =	sdelay $0x2  }
0x212: {  	p0 =	sgt.s32 s31, s26  }
0x213: {  	s26 =	smov.u32 @p0 s31  }
0x214: {  	v6 =	vsel vm0, s26, v6  }
0x215: {  	s28 =	simm.s32 $0x310;
	vm2 =	vgt.s32 v6, s26  }
0x216: {  	v9 =	vadd.s32 s28, v2;
	v6 =	vnsel vm2, s26, v6  }
0x217: {  	v6 =	vsub.s32 v8, v6  }
0x218: {  	v6 =	vcvt.s32.f32 v6;
	_ =	sdelay $0x1  }
0x219: {  	[tilespmem:v7+s17+$0x0] =	vst.idx.add.f32.msk vm1, v6  }
0x21a: {  	s29 =	simm.s32 $0x1310;
	v7 =	vld.idx.msk [tilespmem:v9+s12+$0x0], $0xffff;
	s31 =	spop (v2sf)  }
0x21b: {  	s30 =	simm.s32 $0x320;
	v6 =	vld [tilespmem:s29+$0x0];
	p1 =	sgt.s32 s26, s31  }
.LBB2_14:
0x21c: {  	s0 =	smov.u32 s26;
	p0 =	sne.s32 s30, $0x370;
	s26 =	smov.u32 s31  }
0x21d: {  	s26 =	smov.u32 @p1 s0;
	s0 =	smov.u32 s30;
	s30 =	sadd.s32 $0x10, s30  }
0x21e: {  	_ = 	snop  }
0x21f: {  	v8 =	vor.u32 s28, v1  }
0x220: {  	vm1 =	vlt.u32 v8, $0xC35;
	vm2 =	vne.s32 v6, v7  }
0x221: {  	v7 =	vor.u32 s28, v4;
	s28 =	smov.u32 s0;
	vm1 =	vmand vm1, vm2  }
0x222: {  	v7 =	vnsel vm1, $0x7FFFFFFF, v7  }
0x223: {  	(xrf0) =	vmax.scan.msk.u32 $0xffff, v7;
	_ =	sdelay $0x5  }
0x224: {  	v7, _, _ =	vpop (xrf0)  }
0x225: {  	v7 =	vxor.u32 $0x80000000, v7  }
0x226: {  	[tilespmem:$0x12E80] =	vst v7;
	(v2sf) =	vpush v7, $0xF  }
0x227: {  	v7 =	vld.idx.msk [tilespmem:v3+s16+$0x0], $0xffff;
	_ =	sdelay $0x5  }
0x228: {  	v7 =	vsel vm0, s26, v7  }
0x229: {  	vm2 =	vgt.s32 v7, s26  }
0x22a: {  	v9 =	vadd.s32 s28, v2;
	v7 =	vnsel vm2, s26, v7  }
0x22b: {  	v7 =	vsub.s32 v8, v7  }
0x22c: {  	v7 =	vcvt.s32.f32 v7  }
.Ltmp6:
0x22d: {  	(pc) =	sbr.rel @p0 .LBB2_14-.Ltmp6, $4  }
0x22e: {  	[tilespmem:v6+s17+$0x0] =	vst.idx.add.f32.msk vm1, v7  }
0x22f: {  	s29 =	sadd.s32 $0x10, s29;
	v7 =	vld.idx.msk [tilespmem:v9+s12+$0x0], $0xffff  }
0x230: {  	v6 =	vld [tilespmem:s29+$0x0];
	s31 =	spop (v2sf)  }
0x231: {  	p1 =	sgt.s32 s26, s31  }
0x232: {  	_ =	sdelay $0x1  }
0x233: {  	v8 =	vor.u32 s28, v1  }
0x234: {  	vm0 =	vlt.u32 v8, $0xC35;
	vm1 =	vne.s32 v6, v7  }
0x235: {  	v7 =	vor.u32 s28, v4;
	vm1 =	vmand vm0, vm1  }
0x236: {  	v7 =	vnsel vm1, $0x7FFFFFFF, v7  }
0x237: {  	(xrf0) =	vmax.scan.msk.u32 $0xffff, v7;
	_ =	sdelay $0x5  }
0x238: {  	v7, _, _ =	vpop (xrf0)  }
0x239: {  	v7 =	vxor.u32 $0x80000000, v7  }
0x23a: {  	(v2sf) =	vpush v7, $0xF;
	_ =	sdelay $0x2  }
0x23b: {  	[tilespmem:$0x12E80] =	vst v7  }
0x23c: {  	v7 =	vld.idx.msk [tilespmem:v3+s16+$0x0], $0xffff;
	_ =	sdelay $0x3  }
0x23d: {  	s31 =	smov.u32 @p1 s26;
	vm0 =	veq.s32 v1, $0x0  }
0x23e: {  	v7 =	vsel vm0, s31, v7  }
0x23f: {  	vm2 =	vgt.s32 v7, s31  }
0x240: {  	v7 =	vnsel vm2, s31, v7  }
0x241: {  	v7 =	vsub.s32 v8, v7  }
0x242: {  	v7 =	vcvt.s32.f32 v7;
	_ =	sdelay $0x1  }
0x243: {  	[tilespmem:v6+s17+$0x0] =	vst.idx.add.f32.msk vm1, v7;
	s26 =	spop (v2sf)  }
0x244: {  	_ =	swait.ge [sflag:s21], $0x3E80  }
0x245: {  	[sflag:s21] =	ssyncset.done $0x0  }
0x246: {  	s0 =	simm.s32 $0x380;
	s28 =	rddreg [dreg:$0xf];
	[sflag:s21] =	ssyncadd.s32 $0xFFFFC180  }
0x247: {  	v6 =	vadd.s32 s0, v2;
	[tilespmem:s8], [sflag:$0x2] =	stream.linear.gather [hbm4b:s28+s3], $0x3E80, $0x38;
	[tilespmem:$0x13F00] =	vst v63  }
0x248: {  	_ =	swait.ge [sflag:s22], $0x3E80  }
0x249: {  	[sflag:s22] =	ssyncset.done $0x0  }
0x24a: {  	[sflag:s22] =	ssyncadd.s32 $0xFFFFC180  }
0x24b: {  	[spmem:s2] =	stream.indirect.scatter.add.f32 [tilespmem:s18], [sflag:$0x8], $0x80, s0, s15, $0xb8;
	[tilespmem:$0x13F00] =	vst v63  }
0x24c: {  	s28 =	simm.s32 $0x1380;
	v6 =	vld.idx.msk [tilespmem:v6+s12+$0x0], $0xffff  }
0x24d: {  	v7 =	vld [tilespmem:s28+$0x0];
	_ =	sdelay $0x3  }
0x24e: {  	v8 =	vor.u32 s0, v1  }
0x24f: {  	vm1 =	vlt.u32 v8, $0xC35;
	vm2 =	vne.s32 v7, v6  }
0x250: {  	v6 =	vor.u32 s0, v4;
	vm1 =	vmand vm1, vm2  }
0x251: {  	v6 =	vnsel vm1, $0x7FFFFFFF, v6  }
0x252: {  	(xrf0) =	vmax.scan.msk.u32 $0xffff, v6;
	_ =	sdelay $0x5  }
0x253: {  	v6, _, _ =	vpop (xrf0)  }
0x254: {  	v6 =	vxor.u32 $0x80000000, v6  }
0x255: {  	(v2sf) =	vpush v6, $0xF;
	_ =	sdelay $0x1  }
0x256: {  	[tilespmem:$0x12E80] =	vst v6  }
0x257: {  	v6 =	vld.idx.msk [tilespmem:v3+s16+$0x0], $0xffff;
	_ =	sdelay $0x2  }
0x258: {  	p0 =	sgt.s32 s31, s26  }
0x259: {  	s26 =	smov.u32 @p0 s31  }
0x25a: {  	v6 =	vsel vm0, s26, v6  }
0x25b: {  	s28 =	simm.s32 $0x390;
	vm2 =	vgt.s32 v6, s26  }
0x25c: {  	v9 =	vadd.s32 s28, v2;
	v6 =	vnsel vm2, s26, v6  }
0x25d: {  	v6 =	vsub.s32 v8, v6  }
0x25e: {  	v6 =	vcvt.s32.f32 v6;
	_ =	sdelay $0x1  }
0x25f: {  	[tilespmem:v7+s17+$0x0] =	vst.idx.add.f32.msk vm1, v6  }
0x260: {  	s29 =	simm.s32 $0x1390;
	v7 =	vld.idx.msk [tilespmem:v9+s12+$0x0], $0xffff;
	s31 =	spop (v2sf)  }
0x261: {  	s30 =	simm.s32 $0x3A0;
	v6 =	vld [tilespmem:s29+$0x0];
	p1 =	sgt.s32 s26, s31  }
.LBB2_16:
0x262: {  	s0 =	smov.u32 s26;
	p0 =	sne.s32 s30, $0x3F0;
	s26 =	smov.u32 s31  }
0x263: {  	s26 =	smov.u32 @p1 s0;
	s0 =	smov.u32 s30;
	s30 =	sadd.s32 $0x10, s30  }
0x264: {  	_ = 	snop  }
0x265: {  	v8 =	vor.u32 s28, v1  }
0x266: {  	vm1 =	vlt.u32 v8, $0xC35;
	vm2 =	vne.s32 v6, v7  }
0x267: {  	v7 =	vor.u32 s28, v4;
	s28 =	smov.u32 s0;
	vm1 =	vmand vm1, vm2  }
0x268: {  	v7 =	vnsel vm1, $0x7FFFFFFF, v7  }
0x269: {  	(xrf0) =	vmax.scan.msk.u32 $0xffff, v7;
	_ =	sdelay $0x5  }
0x26a: {  	v7, _, _ =	vpop (xrf0)  }
0x26b: {  	v7 =	vxor.u32 $0x80000000, v7  }
0x26c: {  	[tilespmem:$0x12E80] =	vst v7;
	(v2sf) =	vpush v7, $0xF  }
0x26d: {  	v7 =	vld.idx.msk [tilespmem:v3+s16+$0x0], $0xffff;
	_ =	sdelay $0x5  }
0x26e: {  	v7 =	vsel vm0, s26, v7  }
0x26f: {  	vm2 =	vgt.s32 v7, s26  }
0x270: {  	v9 =	vadd.s32 s28, v2;
	v7 =	vnsel vm2, s26, v7  }
0x271: {  	v7 =	vsub.s32 v8, v7  }
0x272: {  	v7 =	vcvt.s32.f32 v7  }
.Ltmp7:
0x273: {  	(pc) =	sbr.rel @p0 .LBB2_16-.Ltmp7, $4  }
0x274: {  	[tilespmem:v6+s17+$0x0] =	vst.idx.add.f32.msk vm1, v7  }
0x275: {  	s29 =	sadd.s32 $0x10, s29;
	v7 =	vld.idx.msk [tilespmem:v9+s12+$0x0], $0xffff  }
0x276: {  	v6 =	vld [tilespmem:s29+$0x0];
	s31 =	spop (v2sf)  }
0x277: {  	p1 =	sgt.s32 s26, s31  }
0x278: {  	_ =	sdelay $0x1  }
0x279: {  	v8 =	vor.u32 s28, v1  }
0x27a: {  	vm0 =	vlt.u32 v8, $0xC35;
	vm1 =	vne.s32 v6, v7  }
0x27b: {  	v7 =	vor.u32 s28, v4;
	vm1 =	vmand vm0, vm1  }
0x27c: {  	v7 =	vnsel vm1, $0x7FFFFFFF, v7  }
0x27d: {  	(xrf0) =	vmax.scan.msk.u32 $0xffff, v7;
	_ =	sdelay $0x5  }
0x27e: {  	v7, _, _ =	vpop (xrf0)  }
0x27f: {  	v7 =	vxor.u32 $0x80000000, v7  }
0x280: {  	(v2sf) =	vpush v7, $0xF;
	_ =	sdelay $0x2  }
0x281: {  	[tilespmem:$0x12E80] =	vst v7  }
0x282: {  	v7 =	vld.idx.msk [tilespmem:v3+s16+$0x0], $0xffff;
	_ =	sdelay $0x3  }
0x283: {  	s31 =	smov.u32 @p1 s26;
	vm0 =	veq.s32 v1, $0x0  }
0x284: {  	v7 =	vsel vm0, s31, v7  }
0x285: {  	vm2 =	vgt.s32 v7, s31  }
0x286: {  	v7 =	vnsel vm2, s31, v7  }
0x287: {  	v7 =	vsub.s32 v8, v7  }
0x288: {  	v7 =	vcvt.s32.f32 v7;
	_ =	sdelay $0x1  }
0x289: {  	[tilespmem:v6+s17+$0x0] =	vst.idx.add.f32.msk vm1, v7;
	s26 =	spop (v2sf)  }
0x28a: {  	s0 =	simm.s32 $0x400;
	_ =	swait.ge [sflag:s23], $0x3E80  }
0x28b: {  	v6 =	vadd.s32 s0, v2;
	[sflag:s23] =	ssyncset.done $0x0  }
0x28c: {  	vm1 =	vlt.s32 v6, $0xC34;
	s28 =	rddreg [dreg:$0x10];
	[sflag:s23] =	ssyncadd.s32 $0xFFFFC180  }
0x28d: {  	v6 =	vnsel vm1, $0xC34, v6;
	[tilespmem:s9], [sflag:$0x3] =	stream.linear.gather [hbm4b:s28+s3], $0x3E80, $0x38;
	[tilespmem:$0x13F00] =	vst v63  }
0x28e: {  	_ =	swait.ge [sflag:s14], $0x3E80  }
0x28f: {  	[sflag:s14] =	ssyncset.done $0x0  }
0x290: {  	[sflag:s14] =	ssyncadd.s32 $0xFFFFC180  }
0x291: {  	[spmem:s2] =	stream.indirect.scatter.add.f32 [tilespmem:s7], [sflag:$0x5], $0x80, s0, s15, $0xb8;
	[tilespmem:$0x13F00] =	vst v63  }
0x292: {  	s28 =	simm.s32 $0x1400;
	v6 =	vld.idx.msk [tilespmem:v6+s12+$0x0], $0xffff  }
0x293: {  	v7 =	vld [tilespmem:s28+$0x0];
	_ =	sdelay $0x3  }
0x294: {  	v8 =	vor.u32 s0, v1  }
0x295: {  	vm1 =	vlt.u32 v8, $0xC35;
	vm2 =	vne.s32 v7, v6  }
0x296: {  	v6 =	vor.u32 s0, v4;
	vm1 =	vmand vm1, vm2  }
0x297: {  	v6 =	vnsel vm1, $0x7FFFFFFF, v6  }
0x298: {  	(xrf0) =	vmax.scan.msk.u32 $0xffff, v6;
	_ =	sdelay $0x5  }
0x299: {  	v6, _, _ =	vpop (xrf0)  }
0x29a: {  	v6 =	vxor.u32 $0x80000000, v6  }
0x29b: {  	(v2sf) =	vpush v6, $0xF;
	_ =	sdelay $0x1  }
0x29c: {  	[tilespmem:$0x12E80] =	vst v6  }
0x29d: {  	v6 =	vld.idx.msk [tilespmem:v3+s16+$0x0], $0xffff;
	_ =	sdelay $0x2  }
0x29e: {  	p0 =	sgt.s32 s31, s26  }
0x29f: {  	s26 =	smov.u32 @p0 s31;
	s28 =	simm.s32 $0x410  }
0x2a0: {  	v9 =	vadd.s32 s28, v2;
	v6 =	vsel vm0, s26, v6  }
0x2a1: {  	vm2 =	vlt.s32 v9, $0xC34;
	vm3 =	vgt.s32 v6, s26  }
0x2a2: {  	v9 =	vnsel vm2, $0xC34, v9;
	v6 =	vnsel vm3, s26, v6  }
0x2a3: {  	v6 =	vsub.s32 v8, v6  }
0x2a4: {  	v6 =	vcvt.s32.f32 v6;
	_ =	sdelay $0x1  }
0x2a5: {  	[tilespmem:v7+s17+$0x0] =	vst.idx.add.f32.msk vm1, v6  }
0x2a6: {  	s29 =	simm.s32 $0x1410;
	v7 =	vld.idx.msk [tilespmem:v9+s12+$0x0], $0xffff;
	s31 =	spop (v2sf)  }
0x2a7: {  	s30 =	simm.s32 $0x420;
	v6 =	vld [tilespmem:s29+$0x0];
	p1 =	sgt.s32 s26, s31  }
.LBB2_18:
0x2a8: {  	s0 =	smov.u32 s26;
	p0 =	sne.s32 s30, $0x470;
	s26 =	smov.u32 s31  }
0x2a9: {  	s26 =	smov.u32 @p1 s0;
	s0 =	smov.u32 s30;
	s30 =	sadd.s32 $0x10, s30  }
0x2aa: {  	_ = 	snop  }
0x2ab: {  	v8 =	vor.u32 s28, v1  }
0x2ac: {  	vm1 =	vlt.u32 v8, $0xC35;
	vm2 =	vne.s32 v6, v7  }
0x2ad: {  	v7 =	vor.u32 s28, v4;
	s28 =	smov.u32 s0;
	vm1 =	vmand vm1, vm2  }
0x2ae: {  	v7 =	vnsel vm1, $0x7FFFFFFF, v7  }
0x2af: {  	(xrf0) =	vmax.scan.msk.u32 $0xffff, v7;
	_ =	sdelay $0x5  }
0x2b0: {  	v7, _, _ =	vpop (xrf0)  }
0x2b1: {  	v7 =	vxor.u32 $0x80000000, v7  }
0x2b2: {  	[tilespmem:$0x12E80] =	vst v7;
	(v2sf) =	vpush v7, $0xF  }
0x2b3: {  	v7 =	vld.idx.msk [tilespmem:v3+s16+$0x0], $0xffff;
	_ =	sdelay $0x5  }
0x2b4: {  	v9 =	vadd.s32 s28, v2;
	v7 =	vsel vm0, s26, v7  }
0x2b5: {  	vm2 =	vlt.s32 v9, $0xC34;
	vm3 =	vgt.s32 v7, s26  }
0x2b6: {  	v9 =	vnsel vm2, $0xC34, v9;
	v7 =	vnsel vm3, s26, v7  }
0x2b7: {  	v7 =	vsub.s32 v8, v7  }
0x2b8: {  	v7 =	vcvt.s32.f32 v7  }
.Ltmp8:
0x2b9: {  	(pc) =	sbr.rel @p0 .LBB2_18-.Ltmp8, $4  }
0x2ba: {  	[tilespmem:v6+s17+$0x0] =	vst.idx.add.f32.msk vm1, v7  }
0x2bb: {  	s29 =	sadd.s32 $0x10, s29;
	v7 =	vld.idx.msk [tilespmem:v9+s12+$0x0], $0xffff  }
0x2bc: {  	v6 =	vld [tilespmem:s29+$0x0];
	s31 =	spop (v2sf)  }
0x2bd: {  	p1 =	sgt.s32 s26, s31  }
0x2be: {  	_ =	sdelay $0x1  }
0x2bf: {  	v8 =	vor.u32 s28, v1  }
0x2c0: {  	vm0 =	vlt.u32 v8, $0xC35;
	vm1 =	vne.s32 v6, v7  }
0x2c1: {  	v7 =	vor.u32 s28, v4;
	vm1 =	vmand vm0, vm1  }
0x2c2: {  	v7 =	vnsel vm1, $0x7FFFFFFF, v7  }
0x2c3: {  	(xrf0) =	vmax.scan.msk.u32 $0xffff, v7;
	_ =	sdelay $0x5  }
0x2c4: {  	v7, _, _ =	vpop (xrf0)  }
0x2c5: {  	v7 =	vxor.u32 $0x80000000, v7  }
0x2c6: {  	(v2sf) =	vpush v7, $0xF;
	_ =	sdelay $0x2  }
0x2c7: {  	[tilespmem:$0x12E80] =	vst v7  }
0x2c8: {  	v7 =	vld.idx.msk [tilespmem:v3+s16+$0x0], $0xffff;
	_ =	sdelay $0x3  }
0x2c9: {  	s31 =	smov.u32 @p1 s26;
	vm0 =	veq.s32 v1, $0x0  }
0x2ca: {  	v7 =	vsel vm0, s31, v7  }
0x2cb: {  	vm2 =	vgt.s32 v7, s31  }
0x2cc: {  	v7 =	vnsel vm2, s31, v7  }
0x2cd: {  	v7 =	vsub.s32 v8, v7  }
0x2ce: {  	v7 =	vcvt.s32.f32 v7;
	_ =	sdelay $0x1  }
0x2cf: {  	[tilespmem:v6+s17+$0x0] =	vst.idx.add.f32.msk vm1, v7;
	s26 =	spop (v2sf)  }
0x2d0: {  	s0 =	simm.s32 $0x480;
	_ =	swait.ge [sflag:s24], $0x3E80  }
0x2d1: {  	v6 =	vadd.s32 s0, v2;
	[sflag:s24] =	ssyncset.done $0x0  }
0x2d2: {  	vm1 =	vlt.s32 v6, $0xC34;
	s28 =	rddreg [dreg:$0x11];
	[sflag:s24] =	ssyncadd.s32 $0xFFFFC180  }
0x2d3: {  	v6 =	vnsel vm1, $0xC34, v6;
	[tilespmem:s18], [sflag:$0x4] =	stream.linear.gather [hbm4b:s28+s3], $0x3E80, $0x38;
	[tilespmem:$0x13F00] =	vst v63  }
0x2d4: {  	_ =	swait.ge [sflag:s13], $0x3E80  }
0x2d5: {  	[sflag:s13] =	ssyncset.done $0x0  }
0x2d6: {  	[sflag:s13] =	ssyncadd.s32 $0xFFFFC180  }
0x2d7: {  	[spmem:s2] =	stream.indirect.scatter.add.f32 [tilespmem:s8], [sflag:$0x6], $0x80, s0, s15, $0xb8;
	[tilespmem:$0x13F00] =	vst v63  }
0x2d8: {  	s28 =	simm.s32 $0x1480;
	v6 =	vld.idx.msk [tilespmem:v6+s12+$0x0], $0xffff  }
0x2d9: {  	v7 =	vld [tilespmem:s28+$0x0];
	_ =	sdelay $0x3  }
0x2da: {  	v8 =	vor.u32 s0, v1  }
0x2db: {  	vm1 =	vlt.u32 v8, $0xC35;
	vm2 =	vne.s32 v7, v6  }
0x2dc: {  	v6 =	vor.u32 s0, v4;
	vm1 =	vmand vm1, vm2  }
0x2dd: {  	v6 =	vnsel vm1, $0x7FFFFFFF, v6  }
0x2de: {  	(xrf0) =	vmax.scan.msk.u32 $0xffff, v6;
	_ =	sdelay $0x5  }
0x2df: {  	v6, _, _ =	vpop (xrf0)  }
0x2e0: {  	v6 =	vxor.u32 $0x80000000, v6  }
0x2e1: {  	(v2sf) =	vpush v6, $0xF;
	_ =	sdelay $0x1  }
0x2e2: {  	[tilespmem:$0x12E80] =	vst v6  }
0x2e3: {  	v6 =	vld.idx.msk [tilespmem:v3+s16+$0x0], $0xffff;
	_ =	sdelay $0x2  }
0x2e4: {  	p0 =	sgt.s32 s31, s26  }
0x2e5: {  	s26 =	smov.u32 @p0 s31;
	s28 =	simm.s32 $0x490  }
0x2e6: {  	v9 =	vadd.s32 s28, v2;
	v6 =	vsel vm0, s26, v6  }
0x2e7: {  	vm2 =	vlt.s32 v9, $0xC34;
	vm3 =	vgt.s32 v6, s26  }
0x2e8: {  	v9 =	vnsel vm2, $0xC34, v9;
	v6 =	vnsel vm3, s26, v6  }
0x2e9: {  	v6 =	vsub.s32 v8, v6  }
0x2ea: {  	v6 =	vcvt.s32.f32 v6;
	_ =	sdelay $0x1  }
0x2eb: {  	[tilespmem:v7+s17+$0x0] =	vst.idx.add.f32.msk vm1, v6  }
0x2ec: {  	s29 =	simm.s32 $0x1490;
	v7 =	vld.idx.msk [tilespmem:v9+s12+$0x0], $0xffff;
	s31 =	spop (v2sf)  }
0x2ed: {  	s30 =	simm.s32 $0x4A0;
	v6 =	vld [tilespmem:s29+$0x0];
	p1 =	sgt.s32 s26, s31  }
.LBB2_20:
0x2ee: {  	s0 =	smov.u32 s26;
	p0 =	sne.s32 s30, $0x4F0;
	s26 =	smov.u32 s31  }
0x2ef: {  	s26 =	smov.u32 @p1 s0;
	s0 =	smov.u32 s30;
	s30 =	sadd.s32 $0x10, s30  }
0x2f0: {  	_ = 	snop  }
0x2f1: {  	v8 =	vor.u32 s28, v1  }
0x2f2: {  	vm1 =	vlt.u32 v8, $0xC35;
	vm2 =	vne.s32 v6, v7  }
0x2f3: {  	v7 =	vor.u32 s28, v4;
	s28 =	smov.u32 s0;
	vm1 =	vmand vm1, vm2  }
0x2f4: {  	v7 =	vnsel vm1, $0x7FFFFFFF, v7  }
0x2f5: {  	(xrf0) =	vmax.scan.msk.u32 $0xffff, v7;
	_ =	sdelay $0x5  }
0x2f6: {  	v7, _, _ =	vpop (xrf0)  }
0x2f7: {  	v7 =	vxor.u32 $0x80000000, v7  }
0x2f8: {  	[tilespmem:$0x12E80] =	vst v7;
	(v2sf) =	vpush v7, $0xF  }
0x2f9: {  	v7 =	vld.idx.msk [tilespmem:v3+s16+$0x0], $0xffff;
	_ =	sdelay $0x5  }
0x2fa: {  	v9 =	vadd.s32 s28, v2;
	v7 =	vsel vm0, s26, v7  }
0x2fb: {  	vm2 =	vlt.s32 v9, $0xC34;
	vm3 =	vgt.s32 v7, s26  }
0x2fc: {  	v9 =	vnsel vm2, $0xC34, v9;
	v7 =	vnsel vm3, s26, v7  }
0x2fd: {  	v7 =	vsub.s32 v8, v7  }
0x2fe: {  	v7 =	vcvt.s32.f32 v7  }
.Ltmp9:
0x2ff: {  	(pc) =	sbr.rel @p0 .LBB2_20-.Ltmp9, $4  }
0x300: {  	[tilespmem:v6+s17+$0x0] =	vst.idx.add.f32.msk vm1, v7  }
0x301: {  	s29 =	sadd.s32 $0x10, s29;
	v7 =	vld.idx.msk [tilespmem:v9+s12+$0x0], $0xffff  }
0x302: {  	v6 =	vld [tilespmem:s29+$0x0];
	s31 =	spop (v2sf)  }
0x303: {  	p1 =	sgt.s32 s26, s31  }
0x304: {  	_ =	sdelay $0x1  }
0x305: {  	v8 =	vor.u32 s28, v1  }
0x306: {  	vm0 =	vlt.u32 v8, $0xC35;
	vm1 =	vne.s32 v6, v7  }
0x307: {  	v7 =	vor.u32 s28, v4;
	vm1 =	vmand vm0, vm1  }
0x308: {  	v7 =	vnsel vm1, $0x7FFFFFFF, v7  }
0x309: {  	(xrf0) =	vmax.scan.msk.u32 $0xffff, v7;
	_ =	sdelay $0x5  }
0x30a: {  	v7, _, _ =	vpop (xrf0)  }
0x30b: {  	v7 =	vxor.u32 $0x80000000, v7  }
0x30c: {  	(v2sf) =	vpush v7, $0xF;
	_ =	sdelay $0x2  }
0x30d: {  	[tilespmem:$0x12E80] =	vst v7  }
0x30e: {  	v7 =	vld.idx.msk [tilespmem:v3+s16+$0x0], $0xffff;
	_ =	sdelay $0x3  }
0x30f: {  	s31 =	smov.u32 @p1 s26;
	vm0 =	veq.s32 v1, $0x0  }
0x310: {  	v7 =	vsel vm0, s31, v7  }
0x311: {  	vm2 =	vgt.s32 v7, s31  }
0x312: {  	v7 =	vnsel vm2, s31, v7  }
0x313: {  	v7 =	vsub.s32 v8, v7  }
0x314: {  	v7 =	vcvt.s32.f32 v7;
	_ =	sdelay $0x1  }
0x315: {  	[tilespmem:v6+s17+$0x0] =	vst.idx.add.f32.msk vm1, v7;
	s26 =	spop (v2sf)  }
0x316: {  	s0 =	simm.s32 $0x500;
	_ =	swait.ge [sflag:s19], $0x3E80  }
0x317: {  	v6 =	vadd.s32 s0, v2;
	[sflag:s19] =	ssyncset.done $0x0  }
0x318: {  	vm1 =	vlt.s32 v6, $0xC34;
	s28 =	rddreg [dreg:$0x12];
	[sflag:s19] =	ssyncadd.s32 $0xFFFFC180  }
0x319: {  	v6 =	vnsel vm1, $0xC34, v6;
	[tilespmem:s7], [sflag:$0x1] =	stream.linear.gather [hbm4b:s28+s3], $0x3E80, $0x38;
	[tilespmem:$0x13F00] =	vst v63  }
0x31a: {  	_ =	swait.ge [sflag:s20], $0x3E80  }
0x31b: {  	[sflag:s20] =	ssyncset.done $0x0  }
0x31c: {  	[sflag:s20] =	ssyncadd.s32 $0xFFFFC180  }
0x31d: {  	[spmem:s2] =	stream.indirect.scatter.add.f32 [tilespmem:s9], [sflag:$0x7], $0x80, s0, s15, $0xb8;
	[tilespmem:$0x13F00] =	vst v63  }
0x31e: {  	s28 =	simm.s32 $0x1500;
	v6 =	vld.idx.msk [tilespmem:v6+s12+$0x0], $0xffff  }
0x31f: {  	v7 =	vld [tilespmem:s28+$0x0];
	_ =	sdelay $0x3  }
0x320: {  	v8 =	vor.u32 s0, v1  }
0x321: {  	vm1 =	vlt.u32 v8, $0xC35;
	vm2 =	vne.s32 v7, v6  }
0x322: {  	v6 =	vor.u32 s0, v4;
	vm1 =	vmand vm1, vm2  }
0x323: {  	v6 =	vnsel vm1, $0x7FFFFFFF, v6  }
0x324: {  	(xrf0) =	vmax.scan.msk.u32 $0xffff, v6;
	_ =	sdelay $0x5  }
0x325: {  	v6, _, _ =	vpop (xrf0)  }
0x326: {  	v6 =	vxor.u32 $0x80000000, v6  }
0x327: {  	(v2sf) =	vpush v6, $0xF;
	_ =	sdelay $0x1  }
0x328: {  	[tilespmem:$0x12E80] =	vst v6  }
0x329: {  	v6 =	vld.idx.msk [tilespmem:v3+s16+$0x0], $0xffff;
	_ =	sdelay $0x2  }
0x32a: {  	p0 =	sgt.s32 s31, s26  }
0x32b: {  	s26 =	smov.u32 @p0 s31;
	s28 =	simm.s32 $0x510  }
0x32c: {  	v9 =	vadd.s32 s28, v2;
	v6 =	vsel vm0, s26, v6  }
0x32d: {  	vm2 =	vlt.s32 v9, $0xC34;
	vm3 =	vgt.s32 v6, s26  }
0x32e: {  	v9 =	vnsel vm2, $0xC34, v9;
	v6 =	vnsel vm3, s26, v6  }
0x32f: {  	v6 =	vsub.s32 v8, v6  }
0x330: {  	v6 =	vcvt.s32.f32 v6;
	_ =	sdelay $0x1  }
0x331: {  	[tilespmem:v7+s17+$0x0] =	vst.idx.add.f32.msk vm1, v6  }
0x332: {  	s29 =	simm.s32 $0x1510;
	v7 =	vld.idx.msk [tilespmem:v9+s12+$0x0], $0xffff;
	s31 =	spop (v2sf)  }
0x333: {  	s30 =	simm.s32 $0x520;
	v6 =	vld [tilespmem:s29+$0x0];
	p1 =	sgt.s32 s26, s31  }
.LBB2_22:
0x334: {  	s0 =	smov.u32 s26;
	p0 =	sne.s32 s30, $0x570;
	s26 =	smov.u32 s31  }
0x335: {  	s26 =	smov.u32 @p1 s0;
	s0 =	smov.u32 s30;
	s30 =	sadd.s32 $0x10, s30  }
0x336: {  	_ = 	snop  }
0x337: {  	v8 =	vor.u32 s28, v1  }
0x338: {  	vm1 =	vlt.u32 v8, $0xC35;
	vm2 =	vne.s32 v6, v7  }
0x339: {  	v7 =	vor.u32 s28, v4;
	s28 =	smov.u32 s0;
	vm1 =	vmand vm1, vm2  }
0x33a: {  	v7 =	vnsel vm1, $0x7FFFFFFF, v7  }
0x33b: {  	(xrf0) =	vmax.scan.msk.u32 $0xffff, v7;
	_ =	sdelay $0x5  }
0x33c: {  	v7, _, _ =	vpop (xrf0)  }
0x33d: {  	v7 =	vxor.u32 $0x80000000, v7  }
0x33e: {  	[tilespmem:$0x12E80] =	vst v7;
	(v2sf) =	vpush v7, $0xF  }
0x33f: {  	v7 =	vld.idx.msk [tilespmem:v3+s16+$0x0], $0xffff;
	_ =	sdelay $0x5  }
0x340: {  	v9 =	vadd.s32 s28, v2;
	v7 =	vsel vm0, s26, v7  }
0x341: {  	vm2 =	vlt.s32 v9, $0xC34;
	vm3 =	vgt.s32 v7, s26  }
0x342: {  	v9 =	vnsel vm2, $0xC34, v9;
	v7 =	vnsel vm3, s26, v7  }
0x343: {  	v7 =	vsub.s32 v8, v7  }
0x344: {  	v7 =	vcvt.s32.f32 v7  }
.Ltmp10:
0x345: {  	(pc) =	sbr.rel @p0 .LBB2_22-.Ltmp10, $4  }
0x346: {  	[tilespmem:v6+s17+$0x0] =	vst.idx.add.f32.msk vm1, v7  }
0x347: {  	s29 =	sadd.s32 $0x10, s29;
	v7 =	vld.idx.msk [tilespmem:v9+s12+$0x0], $0xffff  }
0x348: {  	v6 =	vld [tilespmem:s29+$0x0];
	s31 =	spop (v2sf)  }
0x349: {  	p1 =	sgt.s32 s26, s31  }
0x34a: {  	_ =	sdelay $0x1  }
0x34b: {  	v8 =	vor.u32 s28, v1  }
0x34c: {  	vm0 =	vlt.u32 v8, $0xC35;
	vm1 =	vne.s32 v6, v7  }
0x34d: {  	v7 =	vor.u32 s28, v4;
	vm1 =	vmand vm0, vm1  }
0x34e: {  	v7 =	vnsel vm1, $0x7FFFFFFF, v7  }
0x34f: {  	(xrf0) =	vmax.scan.msk.u32 $0xffff, v7;
	_ =	sdelay $0x5  }
0x350: {  	v7, _, _ =	vpop (xrf0)  }
0x351: {  	v7 =	vxor.u32 $0x80000000, v7  }
0x352: {  	(v2sf) =	vpush v7, $0xF;
	_ =	sdelay $0x2  }
0x353: {  	[tilespmem:$0x12E80] =	vst v7  }
0x354: {  	v7 =	vld.idx.msk [tilespmem:v3+s16+$0x0], $0xffff;
	_ =	sdelay $0x3  }
0x355: {  	s31 =	smov.u32 @p1 s26;
	vm0 =	veq.s32 v1, $0x0  }
0x356: {  	v7 =	vsel vm0, s31, v7  }
0x357: {  	vm2 =	vgt.s32 v7, s31  }
0x358: {  	v7 =	vnsel vm2, s31, v7  }
0x359: {  	v7 =	vsub.s32 v8, v7  }
0x35a: {  	v7 =	vcvt.s32.f32 v7;
	_ =	sdelay $0x1  }
0x35b: {  	[tilespmem:v6+s17+$0x0] =	vst.idx.add.f32.msk vm1, v7;
	s26 =	spop (v2sf)  }
0x35c: {  	s0 =	simm.s32 $0x580;
	_ =	swait.ge [sflag:s21], $0x3E80  }
0x35d: {  	v6 =	vadd.s32 s0, v2;
	[sflag:s21] =	ssyncset.done $0x0  }
0x35e: {  	vm1 =	vlt.s32 v6, $0xC34;
	s28 =	rddreg [dreg:$0x13];
	[sflag:s21] =	ssyncadd.s32 $0xFFFFC180  }
0x35f: {  	v6 =	vnsel vm1, $0xC34, v6;
	[tilespmem:s8], [sflag:$0x2] =	stream.linear.gather [hbm4b:s28+s3], $0x3E80, $0x38;
	[tilespmem:$0x13F00] =	vst v63  }
0x360: {  	_ =	swait.ge [sflag:s22], $0x3E80  }
0x361: {  	[sflag:s22] =	ssyncset.done $0x0  }
0x362: {  	[sflag:s22] =	ssyncadd.s32 $0xFFFFC180  }
0x363: {  	[spmem:s2] =	stream.indirect.scatter.add.f32 [tilespmem:s18], [sflag:$0x8], $0x80, s0, s15, $0xb8;
	[tilespmem:$0x13F00] =	vst v63  }
0x364: {  	s28 =	simm.s32 $0x1580;
	v6 =	vld.idx.msk [tilespmem:v6+s12+$0x0], $0xffff  }
0x365: {  	v7 =	vld [tilespmem:s28+$0x0];
	_ =	sdelay $0x3  }
0x366: {  	v8 =	vor.u32 s0, v1  }
0x367: {  	vm1 =	vlt.u32 v8, $0xC35;
	vm2 =	vne.s32 v7, v6  }
0x368: {  	v6 =	vor.u32 s0, v4;
	vm1 =	vmand vm1, vm2  }
0x369: {  	v6 =	vnsel vm1, $0x7FFFFFFF, v6  }
0x36a: {  	(xrf0) =	vmax.scan.msk.u32 $0xffff, v6;
	_ =	sdelay $0x5  }
0x36b: {  	v6, _, _ =	vpop (xrf0)  }
0x36c: {  	v6 =	vxor.u32 $0x80000000, v6  }
0x36d: {  	(v2sf) =	vpush v6, $0xF;
	_ =	sdelay $0x1  }
0x36e: {  	[tilespmem:$0x12E80] =	vst v6  }
0x36f: {  	v6 =	vld.idx.msk [tilespmem:v3+s16+$0x0], $0xffff;
	_ =	sdelay $0x2  }
0x370: {  	p0 =	sgt.s32 s31, s26  }
0x371: {  	s26 =	smov.u32 @p0 s31;
	s28 =	simm.s32 $0x590  }
0x372: {  	v9 =	vadd.s32 s28, v2;
	v6 =	vsel vm0, s26, v6  }
0x373: {  	vm2 =	vlt.s32 v9, $0xC34;
	vm3 =	vgt.s32 v6, s26  }
0x374: {  	v9 =	vnsel vm2, $0xC34, v9;
	v6 =	vnsel vm3, s26, v6  }
0x375: {  	v6 =	vsub.s32 v8, v6  }
0x376: {  	v6 =	vcvt.s32.f32 v6;
	_ =	sdelay $0x1  }
0x377: {  	[tilespmem:v7+s17+$0x0] =	vst.idx.add.f32.msk vm1, v6  }
0x378: {  	s29 =	simm.s32 $0x1590;
	v7 =	vld.idx.msk [tilespmem:v9+s12+$0x0], $0xffff;
	s31 =	spop (v2sf)  }
0x379: {  	s30 =	simm.s32 $0x5A0;
	v6 =	vld [tilespmem:s29+$0x0];
	p1 =	sgt.s32 s26, s31  }
.LBB2_24:
0x37a: {  	s0 =	smov.u32 s26;
	p0 =	sne.s32 s30, $0x5F0;
	s26 =	smov.u32 s31  }
0x37b: {  	s26 =	smov.u32 @p1 s0;
	s0 =	smov.u32 s30;
	s30 =	sadd.s32 $0x10, s30  }
0x37c: {  	_ = 	snop  }
0x37d: {  	v8 =	vor.u32 s28, v1  }
0x37e: {  	vm1 =	vlt.u32 v8, $0xC35;
	vm2 =	vne.s32 v6, v7  }
0x37f: {  	v7 =	vor.u32 s28, v4;
	s28 =	smov.u32 s0;
	vm1 =	vmand vm1, vm2  }
0x380: {  	v7 =	vnsel vm1, $0x7FFFFFFF, v7  }
0x381: {  	(xrf0) =	vmax.scan.msk.u32 $0xffff, v7;
	_ =	sdelay $0x5  }
0x382: {  	v7, _, _ =	vpop (xrf0)  }
0x383: {  	v7 =	vxor.u32 $0x80000000, v7  }
0x384: {  	[tilespmem:$0x12E80] =	vst v7;
	(v2sf) =	vpush v7, $0xF  }
0x385: {  	v7 =	vld.idx.msk [tilespmem:v3+s16+$0x0], $0xffff;
	_ =	sdelay $0x5  }
0x386: {  	v9 =	vadd.s32 s28, v2;
	v7 =	vsel vm0, s26, v7  }
0x387: {  	vm2 =	vlt.s32 v9, $0xC34;
	vm3 =	vgt.s32 v7, s26  }
0x388: {  	v9 =	vnsel vm2, $0xC34, v9;
	v7 =	vnsel vm3, s26, v7  }
0x389: {  	v7 =	vsub.s32 v8, v7  }
0x38a: {  	v7 =	vcvt.s32.f32 v7  }
.Ltmp11:
0x38b: {  	(pc) =	sbr.rel @p0 .LBB2_24-.Ltmp11, $4  }
0x38c: {  	[tilespmem:v6+s17+$0x0] =	vst.idx.add.f32.msk vm1, v7  }
0x38d: {  	s29 =	sadd.s32 $0x10, s29;
	v7 =	vld.idx.msk [tilespmem:v9+s12+$0x0], $0xffff  }
0x38e: {  	v6 =	vld [tilespmem:s29+$0x0];
	s31 =	spop (v2sf)  }
0x38f: {  	p1 =	sgt.s32 s26, s31  }
0x390: {  	_ =	sdelay $0x1  }
0x391: {  	v8 =	vor.u32 s28, v1  }
0x392: {  	vm0 =	vlt.u32 v8, $0xC35;
	vm1 =	vne.s32 v6, v7  }
0x393: {  	v7 =	vor.u32 s28, v4;
	vm1 =	vmand vm0, vm1  }
0x394: {  	v7 =	vnsel vm1, $0x7FFFFFFF, v7  }
0x395: {  	(xrf0) =	vmax.scan.msk.u32 $0xffff, v7;
	_ =	sdelay $0x5  }
0x396: {  	v7, _, _ =	vpop (xrf0)  }
0x397: {  	v7 =	vxor.u32 $0x80000000, v7  }
0x398: {  	(v2sf) =	vpush v7, $0xF;
	_ =	sdelay $0x2  }
0x399: {  	[tilespmem:$0x12E80] =	vst v7  }
0x39a: {  	v7 =	vld.idx.msk [tilespmem:v3+s16+$0x0], $0xffff;
	_ =	sdelay $0x3  }
0x39b: {  	s31 =	smov.u32 @p1 s26;
	vm0 =	veq.s32 v1, $0x0  }
0x39c: {  	v7 =	vsel vm0, s31, v7  }
0x39d: {  	vm2 =	vgt.s32 v7, s31  }
0x39e: {  	v7 =	vnsel vm2, s31, v7  }
0x39f: {  	v7 =	vsub.s32 v8, v7  }
0x3a0: {  	v7 =	vcvt.s32.f32 v7;
	_ =	sdelay $0x1  }
0x3a1: {  	[tilespmem:v6+s17+$0x0] =	vst.idx.add.f32.msk vm1, v7;
	s26 =	spop (v2sf)  }
0x3a2: {  	s0 =	simm.s32 $0x600;
	_ =	swait.ge [sflag:s23], $0x3E80  }
0x3a3: {  	v6 =	vadd.s32 s0, v2;
	[sflag:s23] =	ssyncset.done $0x0  }
0x3a4: {  	vm1 =	vlt.s32 v6, $0xC34;
	s28 =	rddreg [dreg:$0x15];
	[sflag:s23] =	ssyncadd.s32 $0xFFFFC180  }
0x3a5: {  	v6 =	vnsel vm1, $0xC34, v6;
	[tilespmem:s9], [sflag:$0x3] =	stream.linear.gather [hbm4b:s28+s3], $0x3E80, $0x38;
	[tilespmem:$0x13F00] =	vst v63  }
0x3a6: {  	_ =	swait.ge [sflag:s14], $0x3E80  }
0x3a7: {  	[sflag:s14] =	ssyncset.done $0x0  }
0x3a8: {  	[sflag:s14] =	ssyncadd.s32 $0xFFFFC180  }
0x3a9: {  	[spmem:s2] =	stream.indirect.scatter.add.f32 [tilespmem:s7], [sflag:$0x5], $0x80, s0, s15, $0xb8;
	[tilespmem:$0x13F00] =	vst v63  }
0x3aa: {  	s28 =	simm.s32 $0x1600;
	v6 =	vld.idx.msk [tilespmem:v6+s12+$0x0], $0xffff  }
0x3ab: {  	v7 =	vld [tilespmem:s28+$0x0];
	_ =	sdelay $0x3  }
0x3ac: {  	v8 =	vor.u32 s0, v1  }
0x3ad: {  	vm1 =	vlt.u32 v8, $0xC35;
	vm2 =	vne.s32 v7, v6  }
0x3ae: {  	v6 =	vor.u32 s0, v4;
	vm1 =	vmand vm1, vm2  }
0x3af: {  	v6 =	vnsel vm1, $0x7FFFFFFF, v6  }
0x3b0: {  	(xrf0) =	vmax.scan.msk.u32 $0xffff, v6;
	_ =	sdelay $0x5  }
0x3b1: {  	v6, _, _ =	vpop (xrf0)  }
0x3b2: {  	v6 =	vxor.u32 $0x80000000, v6  }
0x3b3: {  	(v2sf) =	vpush v6, $0xF;
	_ =	sdelay $0x1  }
0x3b4: {  	[tilespmem:$0x12E80] =	vst v6  }
0x3b5: {  	v6 =	vld.idx.msk [tilespmem:v3+s16+$0x0], $0xffff;
	_ =	sdelay $0x2  }
0x3b6: {  	p0 =	sgt.s32 s31, s26  }
0x3b7: {  	s26 =	smov.u32 @p0 s31;
	s28 =	simm.s32 $0x610  }
0x3b8: {  	v9 =	vadd.s32 s28, v2;
	v6 =	vsel vm0, s26, v6  }
0x3b9: {  	vm2 =	vlt.s32 v9, $0xC34;
	vm3 =	vgt.s32 v6, s26  }
0x3ba: {  	v9 =	vnsel vm2, $0xC34, v9;
	v6 =	vnsel vm3, s26, v6  }
0x3bb: {  	v6 =	vsub.s32 v8, v6  }
0x3bc: {  	v6 =	vcvt.s32.f32 v6;
	_ =	sdelay $0x1  }
0x3bd: {  	[tilespmem:v7+s17+$0x0] =	vst.idx.add.f32.msk vm1, v6  }
0x3be: {  	s29 =	simm.s32 $0x1610;
	v7 =	vld.idx.msk [tilespmem:v9+s12+$0x0], $0xffff;
	s31 =	spop (v2sf)  }
0x3bf: {  	s30 =	simm.s32 $0x620;
	v6 =	vld [tilespmem:s29+$0x0];
	p1 =	sgt.s32 s26, s31  }
.LBB2_26:
0x3c0: {  	s0 =	smov.u32 s26;
	p0 =	sne.s32 s30, $0x670;
	s26 =	smov.u32 s31  }
0x3c1: {  	s26 =	smov.u32 @p1 s0;
	s0 =	smov.u32 s30;
	s30 =	sadd.s32 $0x10, s30  }
0x3c2: {  	_ = 	snop  }
0x3c3: {  	v8 =	vor.u32 s28, v1  }
0x3c4: {  	vm1 =	vlt.u32 v8, $0xC35;
	vm2 =	vne.s32 v6, v7  }
0x3c5: {  	v7 =	vor.u32 s28, v4;
	s28 =	smov.u32 s0;
	vm1 =	vmand vm1, vm2  }
0x3c6: {  	v7 =	vnsel vm1, $0x7FFFFFFF, v7  }
0x3c7: {  	(xrf0) =	vmax.scan.msk.u32 $0xffff, v7;
	_ =	sdelay $0x5  }
0x3c8: {  	v7, _, _ =	vpop (xrf0)  }
0x3c9: {  	v7 =	vxor.u32 $0x80000000, v7  }
0x3ca: {  	[tilespmem:$0x12E80] =	vst v7;
	(v2sf) =	vpush v7, $0xF  }
0x3cb: {  	v7 =	vld.idx.msk [tilespmem:v3+s16+$0x0], $0xffff;
	_ =	sdelay $0x5  }
0x3cc: {  	v9 =	vadd.s32 s28, v2;
	v7 =	vsel vm0, s26, v7  }
0x3cd: {  	vm2 =	vlt.s32 v9, $0xC34;
	vm3 =	vgt.s32 v7, s26  }
0x3ce: {  	v9 =	vnsel vm2, $0xC34, v9;
	v7 =	vnsel vm3, s26, v7  }
0x3cf: {  	v7 =	vsub.s32 v8, v7  }
0x3d0: {  	v7 =	vcvt.s32.f32 v7  }
.Ltmp12:
0x3d1: {  	(pc) =	sbr.rel @p0 .LBB2_26-.Ltmp12, $4  }
0x3d2: {  	[tilespmem:v6+s17+$0x0] =	vst.idx.add.f32.msk vm1, v7  }
0x3d3: {  	s29 =	sadd.s32 $0x10, s29;
	v7 =	vld.idx.msk [tilespmem:v9+s12+$0x0], $0xffff  }
0x3d4: {  	v6 =	vld [tilespmem:s29+$0x0];
	s31 =	spop (v2sf)  }
0x3d5: {  	p1 =	sgt.s32 s26, s31  }
0x3d6: {  	_ =	sdelay $0x1  }
0x3d7: {  	v8 =	vor.u32 s28, v1  }
0x3d8: {  	vm0 =	vlt.u32 v8, $0xC35;
	vm1 =	vne.s32 v6, v7  }
0x3d9: {  	v7 =	vor.u32 s28, v4;
	vm1 =	vmand vm0, vm1  }
0x3da: {  	v7 =	vnsel vm1, $0x7FFFFFFF, v7  }
0x3db: {  	(xrf0) =	vmax.scan.msk.u32 $0xffff, v7;
	_ =	sdelay $0x5  }
0x3dc: {  	v7, _, _ =	vpop (xrf0)  }
0x3dd: {  	v7 =	vxor.u32 $0x80000000, v7  }
0x3de: {  	(v2sf) =	vpush v7, $0xF;
	_ =	sdelay $0x2  }
0x3df: {  	[tilespmem:$0x12E80] =	vst v7  }
0x3e0: {  	v7 =	vld.idx.msk [tilespmem:v3+s16+$0x0], $0xffff;
	_ =	sdelay $0x3  }
0x3e1: {  	s31 =	smov.u32 @p1 s26;
	vm0 =	veq.s32 v1, $0x0  }
0x3e2: {  	v7 =	vsel vm0, s31, v7  }
0x3e3: {  	vm2 =	vgt.s32 v7, s31  }
0x3e4: {  	v7 =	vnsel vm2, s31, v7  }
0x3e5: {  	v7 =	vsub.s32 v8, v7  }
0x3e6: {  	v7 =	vcvt.s32.f32 v7;
	_ =	sdelay $0x1  }
0x3e7: {  	[tilespmem:v6+s17+$0x0] =	vst.idx.add.f32.msk vm1, v7;
	s26 =	spop (v2sf)  }
0x3e8: {  	s0 =	simm.s32 $0x680;
	_ =	swait.ge [sflag:s24], $0x3E80  }
0x3e9: {  	v6 =	vadd.s32 s0, v2;
	[sflag:s24] =	ssyncset.done $0x0  }
0x3ea: {  	vm1 =	vlt.s32 v6, $0xC34;
	s28 =	rddreg [dreg:$0x16];
	[sflag:s24] =	ssyncadd.s32 $0xFFFFC180  }
0x3eb: {  	v6 =	vnsel vm1, $0xC34, v6;
	[tilespmem:s18], [sflag:$0x4] =	stream.linear.gather [hbm4b:s28+s3], $0x3E80, $0x38;
	[tilespmem:$0x13F00] =	vst v63  }
0x3ec: {  	_ =	swait.ge [sflag:s13], $0x3E80  }
0x3ed: {  	[sflag:s13] =	ssyncset.done $0x0  }
0x3ee: {  	[sflag:s13] =	ssyncadd.s32 $0xFFFFC180  }
0x3ef: {  	[spmem:s2] =	stream.indirect.scatter.add.f32 [tilespmem:s8], [sflag:$0x6], $0x80, s0, s15, $0xb8;
	[tilespmem:$0x13F00] =	vst v63  }
0x3f0: {  	s28 =	simm.s32 $0x1680;
	v6 =	vld.idx.msk [tilespmem:v6+s12+$0x0], $0xffff  }
0x3f1: {  	v7 =	vld [tilespmem:s28+$0x0];
	_ =	sdelay $0x3  }
0x3f2: {  	v8 =	vor.u32 s0, v1  }
0x3f3: {  	vm1 =	vlt.u32 v8, $0xC35;
	vm2 =	vne.s32 v7, v6  }
0x3f4: {  	v6 =	vor.u32 s0, v4;
	vm1 =	vmand vm1, vm2  }
0x3f5: {  	v6 =	vnsel vm1, $0x7FFFFFFF, v6  }
0x3f6: {  	(xrf0) =	vmax.scan.msk.u32 $0xffff, v6;
	_ =	sdelay $0x5  }
0x3f7: {  	v6, _, _ =	vpop (xrf0)  }
0x3f8: {  	v6 =	vxor.u32 $0x80000000, v6  }
0x3f9: {  	(v2sf) =	vpush v6, $0xF;
	_ =	sdelay $0x1  }
0x3fa: {  	[tilespmem:$0x12E80] =	vst v6  }
0x3fb: {  	v6 =	vld.idx.msk [tilespmem:v3+s16+$0x0], $0xffff;
	_ =	sdelay $0x2  }
0x3fc: {  	p0 =	sgt.s32 s31, s26  }
0x3fd: {  	s26 =	smov.u32 @p0 s31;
	s28 =	simm.s32 $0x690  }
0x3fe: {  	v9 =	vadd.s32 s28, v2;
	v6 =	vsel vm0, s26, v6  }
0x3ff: {  	vm2 =	vlt.s32 v9, $0xC34;
	vm3 =	vgt.s32 v6, s26  }
0x400: {  	v9 =	vnsel vm2, $0xC34, v9;
	v6 =	vnsel vm3, s26, v6  }
0x401: {  	v6 =	vsub.s32 v8, v6  }
0x402: {  	v6 =	vcvt.s32.f32 v6;
	_ =	sdelay $0x1  }
0x403: {  	[tilespmem:v7+s17+$0x0] =	vst.idx.add.f32.msk vm1, v6  }
0x404: {  	s29 =	simm.s32 $0x1690;
	v7 =	vld.idx.msk [tilespmem:v9+s12+$0x0], $0xffff;
	s31 =	spop (v2sf)  }
0x405: {  	s30 =	simm.s32 $0x6A0;
	v6 =	vld [tilespmem:s29+$0x0];
	p1 =	sgt.s32 s26, s31  }
.LBB2_28:
0x406: {  	s0 =	smov.u32 s26;
	p0 =	sne.s32 s30, $0x6F0;
	s26 =	smov.u32 s31  }
0x407: {  	s26 =	smov.u32 @p1 s0;
	s0 =	smov.u32 s30;
	s30 =	sadd.s32 $0x10, s30  }
0x408: {  	_ = 	snop  }
0x409: {  	v8 =	vor.u32 s28, v1  }
0x40a: {  	vm1 =	vlt.u32 v8, $0xC35;
	vm2 =	vne.s32 v6, v7  }
0x40b: {  	v7 =	vor.u32 s28, v4;
	s28 =	smov.u32 s0;
	vm1 =	vmand vm1, vm2  }
0x40c: {  	v7 =	vnsel vm1, $0x7FFFFFFF, v7  }
0x40d: {  	(xrf0) =	vmax.scan.msk.u32 $0xffff, v7;
	_ =	sdelay $0x5  }
0x40e: {  	v7, _, _ =	vpop (xrf0)  }
0x40f: {  	v7 =	vxor.u32 $0x80000000, v7  }
0x410: {  	[tilespmem:$0x12E80] =	vst v7;
	(v2sf) =	vpush v7, $0xF  }
0x411: {  	v7 =	vld.idx.msk [tilespmem:v3+s16+$0x0], $0xffff;
	_ =	sdelay $0x5  }
0x412: {  	v9 =	vadd.s32 s28, v2;
	v7 =	vsel vm0, s26, v7  }
0x413: {  	vm2 =	vlt.s32 v9, $0xC34;
	vm3 =	vgt.s32 v7, s26  }
0x414: {  	v9 =	vnsel vm2, $0xC34, v9;
	v7 =	vnsel vm3, s26, v7  }
0x415: {  	v7 =	vsub.s32 v8, v7  }
0x416: {  	v7 =	vcvt.s32.f32 v7  }
.Ltmp13:
0x417: {  	(pc) =	sbr.rel @p0 .LBB2_28-.Ltmp13, $4  }
0x418: {  	[tilespmem:v6+s17+$0x0] =	vst.idx.add.f32.msk vm1, v7  }
0x419: {  	s29 =	sadd.s32 $0x10, s29;
	v7 =	vld.idx.msk [tilespmem:v9+s12+$0x0], $0xffff  }
0x41a: {  	v6 =	vld [tilespmem:s29+$0x0];
	s31 =	spop (v2sf)  }
0x41b: {  	p1 =	sgt.s32 s26, s31  }
0x41c: {  	_ =	sdelay $0x1  }
0x41d: {  	v8 =	vor.u32 s28, v1  }
0x41e: {  	vm0 =	vlt.u32 v8, $0xC35;
	vm1 =	vne.s32 v6, v7  }
0x41f: {  	v7 =	vor.u32 s28, v4;
	vm1 =	vmand vm0, vm1  }
0x420: {  	v7 =	vnsel vm1, $0x7FFFFFFF, v7  }
0x421: {  	(xrf0) =	vmax.scan.msk.u32 $0xffff, v7;
	_ =	sdelay $0x5  }
0x422: {  	v7, _, _ =	vpop (xrf0)  }
0x423: {  	v7 =	vxor.u32 $0x80000000, v7  }
0x424: {  	(v2sf) =	vpush v7, $0xF;
	_ =	sdelay $0x2  }
0x425: {  	[tilespmem:$0x12E80] =	vst v7  }
0x426: {  	v7 =	vld.idx.msk [tilespmem:v3+s16+$0x0], $0xffff;
	_ =	sdelay $0x3  }
0x427: {  	s31 =	smov.u32 @p1 s26;
	vm0 =	veq.s32 v1, $0x0  }
0x428: {  	v7 =	vsel vm0, s31, v7  }
0x429: {  	vm2 =	vgt.s32 v7, s31  }
0x42a: {  	v7 =	vnsel vm2, s31, v7  }
0x42b: {  	v7 =	vsub.s32 v8, v7  }
0x42c: {  	v7 =	vcvt.s32.f32 v7;
	_ =	sdelay $0x1  }
0x42d: {  	[tilespmem:v6+s17+$0x0] =	vst.idx.add.f32.msk vm1, v7;
	s26 =	spop (v2sf)  }
0x42e: {  	s0 =	simm.s32 $0x700;
	_ =	swait.ge [sflag:s19], $0x3E80  }
0x42f: {  	v6 =	vadd.s32 s0, v2;
	[sflag:s19] =	ssyncset.done $0x0  }
0x430: {  	vm1 =	vlt.s32 v6, $0xC34;
	s28 =	rddreg [dreg:$0x17];
	[sflag:s19] =	ssyncadd.s32 $0xFFFFC180  }
0x431: {  	v6 =	vnsel vm1, $0xC34, v6;
	[tilespmem:s7], [sflag:$0x1] =	stream.linear.gather [hbm4b:s28+s3], $0x3E80, $0x38;
	[tilespmem:$0x13F00] =	vst v63  }
0x432: {  	_ =	swait.ge [sflag:s20], $0x3E80  }
0x433: {  	[sflag:s20] =	ssyncset.done $0x0  }
0x434: {  	[sflag:s20] =	ssyncadd.s32 $0xFFFFC180  }
0x435: {  	[spmem:s2] =	stream.indirect.scatter.add.f32 [tilespmem:s9], [sflag:$0x7], $0x80, s0, s15, $0xb8;
	[tilespmem:$0x13F00] =	vst v63  }
0x436: {  	s28 =	simm.s32 $0x1700;
	v6 =	vld.idx.msk [tilespmem:v6+s12+$0x0], $0xffff  }
0x437: {  	v7 =	vld [tilespmem:s28+$0x0];
	_ =	sdelay $0x3  }
0x438: {  	v8 =	vor.u32 s0, v1  }
0x439: {  	vm1 =	vlt.u32 v8, $0xC35;
	vm2 =	vne.s32 v7, v6  }
0x43a: {  	v6 =	vor.u32 s0, v4;
	vm1 =	vmand vm1, vm2  }
0x43b: {  	v6 =	vnsel vm1, $0x7FFFFFFF, v6  }
0x43c: {  	(xrf0) =	vmax.scan.msk.u32 $0xffff, v6;
	_ =	sdelay $0x5  }
0x43d: {  	v6, _, _ =	vpop (xrf0)  }
0x43e: {  	v6 =	vxor.u32 $0x80000000, v6  }
0x43f: {  	(v2sf) =	vpush v6, $0xF;
	_ =	sdelay $0x1  }
0x440: {  	[tilespmem:$0x12E80] =	vst v6  }
0x441: {  	v6 =	vld.idx.msk [tilespmem:v3+s16+$0x0], $0xffff;
	_ =	sdelay $0x2  }
0x442: {  	p0 =	sgt.s32 s31, s26  }
0x443: {  	s26 =	smov.u32 @p0 s31;
	s28 =	simm.s32 $0x710  }
0x444: {  	v9 =	vadd.s32 s28, v2;
	v6 =	vsel vm0, s26, v6  }
0x445: {  	vm2 =	vlt.s32 v9, $0xC34;
	vm3 =	vgt.s32 v6, s26  }
0x446: {  	v9 =	vnsel vm2, $0xC34, v9;
	v6 =	vnsel vm3, s26, v6  }
0x447: {  	v6 =	vsub.s32 v8, v6  }
0x448: {  	v6 =	vcvt.s32.f32 v6;
	_ =	sdelay $0x1  }
0x449: {  	[tilespmem:v7+s17+$0x0] =	vst.idx.add.f32.msk vm1, v6  }
0x44a: {  	s29 =	simm.s32 $0x1710;
	v7 =	vld.idx.msk [tilespmem:v9+s12+$0x0], $0xffff;
	s31 =	spop (v2sf)  }
0x44b: {  	s30 =	simm.s32 $0x720;
	v6 =	vld [tilespmem:s29+$0x0];
	p1 =	sgt.s32 s26, s31  }
.LBB2_30:
0x44c: {  	s0 =	smov.u32 s26;
	p0 =	sne.s32 s30, $0x770;
	s26 =	smov.u32 s31  }
0x44d: {  	s26 =	smov.u32 @p1 s0;
	s0 =	smov.u32 s30;
	s30 =	sadd.s32 $0x10, s30  }
0x44e: {  	_ = 	snop  }
0x44f: {  	v8 =	vor.u32 s28, v1  }
0x450: {  	vm1 =	vlt.u32 v8, $0xC35;
	vm2 =	vne.s32 v6, v7  }
0x451: {  	v7 =	vor.u32 s28, v4;
	s28 =	smov.u32 s0;
	vm1 =	vmand vm1, vm2  }
0x452: {  	v7 =	vnsel vm1, $0x7FFFFFFF, v7  }
0x453: {  	(xrf0) =	vmax.scan.msk.u32 $0xffff, v7;
	_ =	sdelay $0x5  }
0x454: {  	v7, _, _ =	vpop (xrf0)  }
0x455: {  	v7 =	vxor.u32 $0x80000000, v7  }
0x456: {  	[tilespmem:$0x12E80] =	vst v7;
	(v2sf) =	vpush v7, $0xF  }
0x457: {  	v7 =	vld.idx.msk [tilespmem:v3+s16+$0x0], $0xffff;
	_ =	sdelay $0x5  }
0x458: {  	v9 =	vadd.s32 s28, v2;
	v7 =	vsel vm0, s26, v7  }
0x459: {  	vm2 =	vlt.s32 v9, $0xC34;
	vm3 =	vgt.s32 v7, s26  }
0x45a: {  	v9 =	vnsel vm2, $0xC34, v9;
	v7 =	vnsel vm3, s26, v7  }
0x45b: {  	v7 =	vsub.s32 v8, v7  }
0x45c: {  	v7 =	vcvt.s32.f32 v7  }
.Ltmp14:
0x45d: {  	(pc) =	sbr.rel @p0 .LBB2_30-.Ltmp14, $4  }
0x45e: {  	[tilespmem:v6+s17+$0x0] =	vst.idx.add.f32.msk vm1, v7  }
0x45f: {  	s29 =	sadd.s32 $0x10, s29;
	v7 =	vld.idx.msk [tilespmem:v9+s12+$0x0], $0xffff  }
0x460: {  	v6 =	vld [tilespmem:s29+$0x0];
	s31 =	spop (v2sf)  }
0x461: {  	p1 =	sgt.s32 s26, s31  }
0x462: {  	_ =	sdelay $0x1  }
0x463: {  	v8 =	vor.u32 s28, v1  }
0x464: {  	vm0 =	vlt.u32 v8, $0xC35;
	vm1 =	vne.s32 v6, v7  }
0x465: {  	v7 =	vor.u32 s28, v4;
	vm1 =	vmand vm0, vm1  }
0x466: {  	v7 =	vnsel vm1, $0x7FFFFFFF, v7  }
0x467: {  	(xrf0) =	vmax.scan.msk.u32 $0xffff, v7;
	_ =	sdelay $0x5  }
0x468: {  	v7, _, _ =	vpop (xrf0)  }
0x469: {  	v7 =	vxor.u32 $0x80000000, v7  }
0x46a: {  	(v2sf) =	vpush v7, $0xF;
	_ =	sdelay $0x2  }
0x46b: {  	[tilespmem:$0x12E80] =	vst v7  }
0x46c: {  	v7 =	vld.idx.msk [tilespmem:v3+s16+$0x0], $0xffff;
	_ =	sdelay $0x3  }
0x46d: {  	s31 =	smov.u32 @p1 s26;
	vm0 =	veq.s32 v1, $0x0  }
0x46e: {  	v7 =	vsel vm0, s31, v7  }
0x46f: {  	vm2 =	vgt.s32 v7, s31  }
0x470: {  	v7 =	vnsel vm2, s31, v7  }
0x471: {  	v7 =	vsub.s32 v8, v7  }
0x472: {  	v7 =	vcvt.s32.f32 v7;
	_ =	sdelay $0x1  }
0x473: {  	[tilespmem:v6+s17+$0x0] =	vst.idx.add.f32.msk vm1, v7;
	s26 =	spop (v2sf)  }
0x474: {  	s0 =	simm.s32 $0x780;
	_ =	swait.ge [sflag:s21], $0x3E80  }
0x475: {  	v6 =	vadd.s32 s0, v2;
	[sflag:s21] =	ssyncset.done $0x0  }
0x476: {  	vm1 =	vlt.s32 v6, $0xC34;
	s28 =	rddreg [dreg:$0x18];
	[sflag:s21] =	ssyncadd.s32 $0xFFFFC180  }
0x477: {  	v6 =	vnsel vm1, $0xC34, v6;
	[tilespmem:s8], [sflag:$0x2] =	stream.linear.gather [hbm4b:s28+s3], $0x3E80, $0x38;
	[tilespmem:$0x13F00] =	vst v63  }
0x478: {  	_ =	swait.ge [sflag:s22], $0x3E80  }
0x479: {  	[sflag:s22] =	ssyncset.done $0x0  }
0x47a: {  	[sflag:s22] =	ssyncadd.s32 $0xFFFFC180  }
0x47b: {  	[spmem:s2] =	stream.indirect.scatter.add.f32 [tilespmem:s18], [sflag:$0x8], $0x80, s0, s15, $0xb8;
	[tilespmem:$0x13F00] =	vst v63  }
0x47c: {  	s28 =	simm.s32 $0x1780;
	v6 =	vld.idx.msk [tilespmem:v6+s12+$0x0], $0xffff  }
0x47d: {  	v7 =	vld [tilespmem:s28+$0x0];
	_ =	sdelay $0x3  }
0x47e: {  	v8 =	vor.u32 s0, v1  }
0x47f: {  	vm1 =	vlt.u32 v8, $0xC35;
	vm2 =	vne.s32 v7, v6  }
0x480: {  	v6 =	vor.u32 s0, v4;
	vm1 =	vmand vm1, vm2  }
0x481: {  	v6 =	vnsel vm1, $0x7FFFFFFF, v6  }
0x482: {  	(xrf0) =	vmax.scan.msk.u32 $0xffff, v6;
	_ =	sdelay $0x5  }
0x483: {  	v6, _, _ =	vpop (xrf0)  }
0x484: {  	v6 =	vxor.u32 $0x80000000, v6  }
0x485: {  	(v2sf) =	vpush v6, $0xF;
	_ =	sdelay $0x1  }
0x486: {  	[tilespmem:$0x12E80] =	vst v6  }
0x487: {  	v6 =	vld.idx.msk [tilespmem:v3+s16+$0x0], $0xffff;
	_ =	sdelay $0x2  }
0x488: {  	p0 =	sgt.s32 s31, s26  }
0x489: {  	s26 =	smov.u32 @p0 s31;
	s28 =	simm.s32 $0x790  }
0x48a: {  	v9 =	vadd.s32 s28, v2;
	v6 =	vsel vm0, s26, v6  }
0x48b: {  	vm2 =	vlt.s32 v9, $0xC34;
	vm3 =	vgt.s32 v6, s26  }
0x48c: {  	v9 =	vnsel vm2, $0xC34, v9;
	v6 =	vnsel vm3, s26, v6  }
0x48d: {  	v6 =	vsub.s32 v8, v6  }
0x48e: {  	v6 =	vcvt.s32.f32 v6;
	_ =	sdelay $0x1  }
0x48f: {  	[tilespmem:v7+s17+$0x0] =	vst.idx.add.f32.msk vm1, v6  }
0x490: {  	s29 =	simm.s32 $0x1790;
	v7 =	vld.idx.msk [tilespmem:v9+s12+$0x0], $0xffff;
	s31 =	spop (v2sf)  }
0x491: {  	s30 =	simm.s32 $0x7A0;
	v6 =	vld [tilespmem:s29+$0x0];
	p1 =	sgt.s32 s26, s31  }
.LBB2_32:
0x492: {  	s0 =	smov.u32 s26;
	p0 =	sne.s32 s30, $0x7F0;
	s26 =	smov.u32 s31  }
0x493: {  	s26 =	smov.u32 @p1 s0;
	s0 =	smov.u32 s30;
	s30 =	sadd.s32 $0x10, s30  }
0x494: {  	_ = 	snop  }
0x495: {  	v8 =	vor.u32 s28, v1  }
0x496: {  	vm1 =	vlt.u32 v8, $0xC35;
	vm2 =	vne.s32 v6, v7  }
0x497: {  	v7 =	vor.u32 s28, v4;
	s28 =	smov.u32 s0;
	vm1 =	vmand vm1, vm2  }
0x498: {  	v7 =	vnsel vm1, $0x7FFFFFFF, v7  }
0x499: {  	(xrf0) =	vmax.scan.msk.u32 $0xffff, v7;
	_ =	sdelay $0x5  }
0x49a: {  	v7, _, _ =	vpop (xrf0)  }
0x49b: {  	v7 =	vxor.u32 $0x80000000, v7  }
0x49c: {  	[tilespmem:$0x12E80] =	vst v7;
	(v2sf) =	vpush v7, $0xF  }
0x49d: {  	v7 =	vld.idx.msk [tilespmem:v3+s16+$0x0], $0xffff;
	_ =	sdelay $0x5  }
0x49e: {  	v9 =	vadd.s32 s28, v2;
	v7 =	vsel vm0, s26, v7  }
0x49f: {  	vm2 =	vlt.s32 v9, $0xC34;
	vm3 =	vgt.s32 v7, s26  }
0x4a0: {  	v9 =	vnsel vm2, $0xC34, v9;
	v7 =	vnsel vm3, s26, v7  }
0x4a1: {  	v7 =	vsub.s32 v8, v7  }
0x4a2: {  	v7 =	vcvt.s32.f32 v7  }
.Ltmp15:
0x4a3: {  	(pc) =	sbr.rel @p0 .LBB2_32-.Ltmp15, $4  }
0x4a4: {  	[tilespmem:v6+s17+$0x0] =	vst.idx.add.f32.msk vm1, v7  }
0x4a5: {  	s29 =	sadd.s32 $0x10, s29;
	v7 =	vld.idx.msk [tilespmem:v9+s12+$0x0], $0xffff  }
0x4a6: {  	v6 =	vld [tilespmem:s29+$0x0];
	s31 =	spop (v2sf)  }
0x4a7: {  	p1 =	sgt.s32 s26, s31  }
0x4a8: {  	_ =	sdelay $0x1  }
0x4a9: {  	v8 =	vor.u32 s28, v1  }
0x4aa: {  	vm0 =	vlt.u32 v8, $0xC35;
	vm1 =	vne.s32 v6, v7  }
0x4ab: {  	v7 =	vor.u32 s28, v4;
	vm1 =	vmand vm0, vm1  }
0x4ac: {  	v7 =	vnsel vm1, $0x7FFFFFFF, v7  }
0x4ad: {  	(xrf0) =	vmax.scan.msk.u32 $0xffff, v7;
	_ =	sdelay $0x5  }
0x4ae: {  	v7, _, _ =	vpop (xrf0)  }
0x4af: {  	v7 =	vxor.u32 $0x80000000, v7  }
0x4b0: {  	(v2sf) =	vpush v7, $0xF;
	_ =	sdelay $0x2  }
0x4b1: {  	[tilespmem:$0x12E80] =	vst v7  }
0x4b2: {  	v7 =	vld.idx.msk [tilespmem:v3+s16+$0x0], $0xffff;
	_ =	sdelay $0x3  }
0x4b3: {  	s31 =	smov.u32 @p1 s26;
	vm0 =	veq.s32 v1, $0x0  }
0x4b4: {  	v7 =	vsel vm0, s31, v7  }
0x4b5: {  	vm2 =	vgt.s32 v7, s31  }
0x4b6: {  	v7 =	vnsel vm2, s31, v7  }
0x4b7: {  	v7 =	vsub.s32 v8, v7  }
0x4b8: {  	v7 =	vcvt.s32.f32 v7;
	_ =	sdelay $0x1  }
0x4b9: {  	[tilespmem:v6+s17+$0x0] =	vst.idx.add.f32.msk vm1, v7;
	s26 =	spop (v2sf)  }
0x4ba: {  	s0 =	simm.s32 $0x800;
	_ =	swait.ge [sflag:s23], $0x3E80  }
0x4bb: {  	v6 =	vadd.s32 s0, v2;
	[sflag:s23] =	ssyncset.done $0x0  }
0x4bc: {  	vm1 =	vlt.s32 v6, $0xC34;
	s28 =	rddreg [dreg:$0x19];
	[sflag:s23] =	ssyncadd.s32 $0xFFFFC180  }
0x4bd: {  	v6 =	vnsel vm1, $0xC34, v6;
	[tilespmem:s9], [sflag:$0x3] =	stream.linear.gather [hbm4b:s28+s3], $0x3E80, $0x38;
	[tilespmem:$0x13F00] =	vst v63  }
0x4be: {  	_ =	swait.ge [sflag:s14], $0x3E80  }
0x4bf: {  	[sflag:s14] =	ssyncset.done $0x0  }
0x4c0: {  	[sflag:s14] =	ssyncadd.s32 $0xFFFFC180  }
0x4c1: {  	[spmem:s2] =	stream.indirect.scatter.add.f32 [tilespmem:s7], [sflag:$0x5], $0x80, s0, s15, $0xb8;
	[tilespmem:$0x13F00] =	vst v63  }
0x4c2: {  	s28 =	simm.s32 $0x1800;
	v6 =	vld.idx.msk [tilespmem:v6+s12+$0x0], $0xffff  }
0x4c3: {  	v7 =	vld [tilespmem:s28+$0x0];
	_ =	sdelay $0x3  }
0x4c4: {  	v8 =	vmov s0  }
0x4c5: {  	v9 =	vor.u32 s0, v1;
	vm2 =	veq.s32 v8, v5;
	vm1 =	vne.s32 v7, v6  }
0x4c6: {  	vm3 =	vlt.u32 v9, $0xC35;
	vm1 =	vmor vm2, vm1  }
0x4c7: {  	v6 =	vor.u32 s0, v4;
	vm1 =	vmand vm3, vm1  }
0x4c8: {  	v6 =	vnsel vm1, $0x7FFFFFFF, v6  }
0x4c9: {  	(xrf0) =	vmax.scan.msk.u32 $0xffff, v6;
	_ =	sdelay $0x5  }
0x4ca: {  	v6, _, _ =	vpop (xrf0)  }
0x4cb: {  	v6 =	vxor.u32 $0x80000000, v6  }
0x4cc: {  	(v2sf) =	vpush v6, $0xF;
	_ =	sdelay $0x1  }
0x4cd: {  	[tilespmem:$0x12E80] =	vst v6  }
0x4ce: {  	v6 =	vld.idx.msk [tilespmem:v3+s16+$0x0], $0xffff;
	_ =	sdelay $0x2  }
0x4cf: {  	p0 =	sgt.s32 s31, s26  }
0x4d0: {  	s26 =	smov.u32 @p0 s31;
	s28 =	simm.s32 $0x810  }
0x4d1: {  	v8 =	vadd.s32 s28, v2;
	v6 =	vsel vm0, s26, v6  }
0x4d2: {  	vm2 =	vlt.s32 v8, $0xC34;
	vm3 =	vgt.s32 v6, s26  }
0x4d3: {  	v8 =	vnsel vm2, $0xC34, v8;
	v6 =	vnsel vm3, s26, v6  }
0x4d4: {  	v6 =	vsub.s32 v9, v6  }
0x4d5: {  	v6 =	vcvt.s32.f32 v6;
	_ =	sdelay $0x1  }
0x4d6: {  	[tilespmem:v7+s17+$0x0] =	vst.idx.add.f32.msk vm1, v6  }
0x4d7: {  	s29 =	simm.s32 $0x1810;
	v7 =	vld.idx.msk [tilespmem:v8+s12+$0x0], $0xffff;
	s31 =	spop (v2sf)  }
0x4d8: {  	s30 =	simm.s32 $0x820;
	v6 =	vld [tilespmem:s29+$0x0];
	p1 =	sgt.s32 s26, s31  }
.LBB2_34:
0x4d9: {  	s0 =	smov.u32 s26;
	p0 =	sne.s32 s30, $0x870;
	s26 =	smov.u32 s31  }
0x4da: {  	s26 =	smov.u32 @p1 s0;
	s0 =	smov.u32 s30;
	s30 =	sadd.s32 $0x10, s30  }
0x4db: {  	_ = 	snop  }
0x4dc: {  	v8 =	vmov s28  }
0x4dd: {  	v9 =	vor.u32 s28, v1;
	vm2 =	veq.s32 v8, v5;
	vm1 =	vne.s32 v6, v7  }
0x4de: {  	vm3 =	vlt.u32 v9, $0xC35;
	vm1 =	vmor vm2, vm1  }
0x4df: {  	v7 =	vor.u32 s28, v4;
	s28 =	smov.u32 s0;
	vm1 =	vmand vm3, vm1  }
0x4e0: {  	v7 =	vnsel vm1, $0x7FFFFFFF, v7  }
0x4e1: {  	(xrf0) =	vmax.scan.msk.u32 $0xffff, v7;
	_ =	sdelay $0x5  }
0x4e2: {  	v7, _, _ =	vpop (xrf0)  }
0x4e3: {  	v7 =	vxor.u32 $0x80000000, v7  }
0x4e4: {  	[tilespmem:$0x12E80] =	vst v7;
	(v2sf) =	vpush v7, $0xF  }
0x4e5: {  	v7 =	vld.idx.msk [tilespmem:v3+s16+$0x0], $0xffff;
	_ =	sdelay $0x5  }
0x4e6: {  	v8 =	vadd.s32 s28, v2;
	v7 =	vsel vm0, s26, v7  }
0x4e7: {  	vm2 =	vlt.s32 v8, $0xC34;
	vm3 =	vgt.s32 v7, s26  }
0x4e8: {  	v8 =	vnsel vm2, $0xC34, v8;
	v7 =	vnsel vm3, s26, v7  }
0x4e9: {  	v7 =	vsub.s32 v9, v7  }
0x4ea: {  	v7 =	vcvt.s32.f32 v7  }
.Ltmp16:
0x4eb: {  	(pc) =	sbr.rel @p0 .LBB2_34-.Ltmp16, $4  }
0x4ec: {  	[tilespmem:v6+s17+$0x0] =	vst.idx.add.f32.msk vm1, v7  }
0x4ed: {  	s29 =	sadd.s32 $0x10, s29;
	v7 =	vld.idx.msk [tilespmem:v8+s12+$0x0], $0xffff  }
0x4ee: {  	v6 =	vld [tilespmem:s29+$0x0];
	s31 =	spop (v2sf)  }
0x4ef: {  	p1 =	sgt.s32 s26, s31  }
0x4f0: {  	_ =	sdelay $0x1  }
0x4f1: {  	v8 =	vmov s28  }
0x4f2: {  	v9 =	vor.u32 s28, v1;
	vm1 =	veq.s32 v8, v5;
	vm0 =	vne.s32 v6, v7  }
0x4f3: {  	vm2 =	vlt.u32 v9, $0xC35;
	vm0 =	vmor vm1, vm0  }
0x4f4: {  	v7 =	vor.u32 s28, v4;
	vm1 =	vmand vm2, vm0  }
0x4f5: {  	v7 =	vnsel vm1, $0x7FFFFFFF, v7  }
0x4f6: {  	(xrf0) =	vmax.scan.msk.u32 $0xffff, v7;
	_ =	sdelay $0x5  }
0x4f7: {  	v7, _, _ =	vpop (xrf0)  }
0x4f8: {  	v7 =	vxor.u32 $0x80000000, v7  }
0x4f9: {  	(v2sf) =	vpush v7, $0xF;
	_ =	sdelay $0x2  }
0x4fa: {  	[tilespmem:$0x12E80] =	vst v7  }
0x4fb: {  	v7 =	vld.idx.msk [tilespmem:v3+s16+$0x0], $0xffff;
	_ =	sdelay $0x3  }
0x4fc: {  	s31 =	smov.u32 @p1 s26;
	vm0 =	veq.s32 v1, $0x0  }
0x4fd: {  	v7 =	vsel vm0, s31, v7  }
0x4fe: {  	vm2 =	vgt.s32 v7, s31  }
0x4ff: {  	v7 =	vnsel vm2, s31, v7  }
0x500: {  	v7 =	vsub.s32 v9, v7  }
0x501: {  	v7 =	vcvt.s32.f32 v7;
	_ =	sdelay $0x1  }
0x502: {  	[tilespmem:v6+s17+$0x0] =	vst.idx.add.f32.msk vm1, v7;
	s26 =	spop (v2sf)  }
0x503: {  	s0 =	simm.s32 $0x880;
	_ =	swait.ge [sflag:s24], $0x3E80  }
0x504: {  	v6 =	vadd.s32 s0, v2;
	[sflag:s24] =	ssyncset.done $0x0  }
0x505: {  	vm1 =	vlt.s32 v6, $0xC34;
	s28 =	rddreg [dreg:$0x1a];
	[sflag:s24] =	ssyncadd.s32 $0xFFFFC180  }
0x506: {  	v6 =	vnsel vm1, $0xC34, v6;
	[tilespmem:s18], [sflag:$0x4] =	stream.linear.gather [hbm4b:s28+s3], $0x3E80, $0x38;
	[tilespmem:$0x13F00] =	vst v63  }
0x507: {  	_ =	swait.ge [sflag:s13], $0x3E80  }
0x508: {  	[sflag:s13] =	ssyncset.done $0x0  }
0x509: {  	[sflag:s13] =	ssyncadd.s32 $0xFFFFC180  }
0x50a: {  	[spmem:s2] =	stream.indirect.scatter.add.f32 [tilespmem:s8], [sflag:$0x6], $0x80, s0, s15, $0xb8;
	[tilespmem:$0x13F00] =	vst v63  }
0x50b: {  	s28 =	simm.s32 $0x1880;
	v6 =	vld.idx.msk [tilespmem:v6+s12+$0x0], $0xffff  }
0x50c: {  	v7 =	vld [tilespmem:s28+$0x0];
	_ =	sdelay $0x3  }
0x50d: {  	v8 =	vmov s0  }
0x50e: {  	v63 =	vor.u32 s0, v1;
	vm2 =	veq.s32 v8, v5;
	vm1 =	vne.s32 v7, v6  }
0x50f: {  	vm3 =	vlt.u32 v63, $0xC35;
	vm1 =	vmor vm2, vm1  }
0x510: {  	v6 =	vor.u32 s0, v4;
	vm1 =	vmand vm3, vm1  }
0x511: {  	v6 =	vnsel vm1, $0x7FFFFFFF, v6  }
0x512: {  	(xrf0) =	vmax.scan.msk.u32 $0xffff, v6;
	_ =	sdelay $0x5  }
0x513: {  	v6, _, _ =	vpop (xrf0)  }
0x514: {  	v6 =	vxor.u32 $0x80000000, v6  }
0x515: {  	(v2sf) =	vpush v6, $0xF;
	_ =	sdelay $0x1  }
0x516: {  	[tilespmem:$0x12E80] =	vst v6  }
0x517: {  	v6 =	vld.idx.msk [tilespmem:v3+s16+$0x0], $0xffff;
	_ =	sdelay $0x2  }
0x518: {  	p0 =	sgt.s32 s31, s26  }
0x519: {  	s26 =	smov.u32 @p0 s31;
	s28 =	simm.s32 $0x890  }
0x51a: {  	v8 =	vadd.s32 s28, v2;
	v6 =	vsel vm0, s26, v6  }
0x51b: {  	vm2 =	vlt.s32 v8, $0xC34;
	vm3 =	vgt.s32 v6, s26  }
0x51c: {  	v8 =	vnsel vm2, $0xC34, v8;
	v6 =	vnsel vm3, s26, v6  }
0x51d: {  	v6 =	vsub.s32 v63, v6  }
0x51e: {  	v6 =	vcvt.s32.f32 v6;
	_ =	sdelay $0x1  }
0x51f: {  	[tilespmem:v7+s17+$0x0] =	vst.idx.add.f32.msk vm1, v6  }
0x520: {  	s29 =	simm.s32 $0x1890;
	v7 =	vld.idx.msk [tilespmem:v8+s12+$0x0], $0xffff;
	s31 =	spop (v2sf)  }
0x521: {  	s30 =	simm.s32 $0x8A0;
	v6 =	vld [tilespmem:s29+$0x0];
	p1 =	sgt.s32 s26, s31  }
.LBB2_36:
0x522: {  	s0 =	smov.u32 s26;
	p0 =	sne.s32 s30, $0x8F0;
	s26 =	smov.u32 s31  }
0x523: {  	s26 =	smov.u32 @p1 s0;
	s0 =	smov.u32 s30;
	s30 =	sadd.s32 $0x10, s30  }
0x524: {  	_ = 	snop  }
0x525: {  	v8 =	vmov s28  }
0x526: {  	v9 =	vor.u32 s28, v1;
	vm2 =	veq.s32 v8, v5;
	vm1 =	vne.s32 v6, v7  }
0x527: {  	vm3 =	vlt.u32 v9, $0xC35;
	vm1 =	vmor vm2, vm1  }
0x528: {  	v7 =	vor.u32 s28, v4;
	s28 =	smov.u32 s0;
	vm1 =	vmand vm3, vm1  }
0x529: {  	v7 =	vnsel vm1, $0x7FFFFFFF, v7  }
0x52a: {  	(xrf0) =	vmax.scan.msk.u32 $0xffff, v7;
	_ =	sdelay $0x5  }
0x52b: {  	v7, _, _ =	vpop (xrf0)  }
0x52c: {  	v7 =	vxor.u32 $0x80000000, v7  }
0x52d: {  	[tilespmem:$0x12E80] =	vst v7;
	(v2sf) =	vpush v7, $0xF  }
0x52e: {  	v7 =	vld.idx.msk [tilespmem:v3+s16+$0x0], $0xffff;
	_ =	sdelay $0x5  }
0x52f: {  	v8 =	vadd.s32 s28, v2;
	v7 =	vsel vm0, s26, v7  }
0x530: {  	vm2 =	vlt.s32 v8, $0xC34;
	vm3 =	vgt.s32 v7, s26  }
0x531: {  	v8 =	vnsel vm2, $0xC34, v8;
	v7 =	vnsel vm3, s26, v7  }
0x532: {  	v7 =	vsub.s32 v9, v7  }
0x533: {  	v7 =	vcvt.s32.f32 v7  }
.Ltmp17:
0x534: {  	(pc) =	sbr.rel @p0 .LBB2_36-.Ltmp17, $4  }
0x535: {  	[tilespmem:v6+s17+$0x0] =	vst.idx.add.f32.msk vm1, v7  }
0x536: {  	s29 =	sadd.s32 $0x10, s29;
	v7 =	vld.idx.msk [tilespmem:v8+s12+$0x0], $0xffff  }
0x537: {  	v6 =	vld [tilespmem:s29+$0x0];
	s31 =	spop (v2sf)  }
0x538: {  	p1 =	sgt.s32 s26, s31  }
0x539: {  	_ =	sdelay $0x1  }
0x53a: {  	v8 =	vmov s28  }
0x53b: {  	v9 =	vor.u32 s28, v1;
	vm1 =	veq.s32 v8, v5;
	vm0 =	vne.s32 v6, v7  }
0x53c: {  	vm2 =	vlt.u32 v9, $0xC35;
	vm0 =	vmor vm1, vm0  }
0x53d: {  	v7 =	vor.u32 s28, v4;
	vm1 =	vmand vm2, vm0  }
0x53e: {  	v7 =	vnsel vm1, $0x7FFFFFFF, v7  }
0x53f: {  	(xrf0) =	vmax.scan.msk.u32 $0xffff, v7;
	_ =	sdelay $0x5  }
0x540: {  	v7, _, _ =	vpop (xrf0)  }
0x541: {  	v7 =	vxor.u32 $0x80000000, v7  }
0x542: {  	(v2sf) =	vpush v7, $0xF;
	_ =	sdelay $0x2  }
0x543: {  	[tilespmem:$0x12E80] =	vst v7  }
0x544: {  	v7 =	vld.idx.msk [tilespmem:v3+s16+$0x0], $0xffff;
	_ =	sdelay $0x3  }
0x545: {  	s31 =	smov.u32 @p1 s26;
	vm0 =	veq.s32 v1, $0x0  }
0x546: {  	v7 =	vsel vm0, s31, v7  }
0x547: {  	vm2 =	vgt.s32 v7, s31  }
0x548: {  	v7 =	vnsel vm2, s31, v7  }
0x549: {  	v7 =	vsub.s32 v9, v7  }
0x54a: {  	v7 =	vcvt.s32.f32 v7;
	_ =	sdelay $0x1  }
0x54b: {  	[tilespmem:v6+s17+$0x0] =	vst.idx.add.f32.msk vm1, v7;
	s26 =	spop (v2sf)  }
0x54c: {  	s0 =	simm.s32 $0x900;
	_ =	swait.ge [sflag:s19], $0x3E80  }
0x54d: {  	v6 =	vadd.s32 s0, v2;
	[sflag:s19] =	ssyncset.done $0x0  }
0x54e: {  	vm1 =	vlt.s32 v6, $0xC34;
	s28 =	rddreg [dreg:$0x1b];
	[sflag:s19] =	ssyncadd.s32 $0xFFFFC180  }
0x54f: {  	v6 =	vnsel vm1, $0xC34, v6;
	[tilespmem:s7], [sflag:$0x1] =	stream.linear.gather [hbm4b:s28+s3], $0x3E80, $0x38;
	[tilespmem:$0x13F00] =	vst v63  }
0x550: {  	_ =	swait.ge [sflag:s20], $0x3E80  }
0x551: {  	[sflag:s20] =	ssyncset.done $0x0  }
0x552: {  	[sflag:s20] =	ssyncadd.s32 $0xFFFFC180  }
0x553: {  	[spmem:s2] =	stream.indirect.scatter.add.f32 [tilespmem:s9], [sflag:$0x7], $0x80, s0, s15, $0xb8;
	[tilespmem:$0x13F00] =	vst v63  }
0x554: {  	s28 =	simm.s32 $0x1900;
	v6 =	vld.idx.msk [tilespmem:v6+s12+$0x0], $0xffff  }
0x555: {  	v7 =	vld [tilespmem:s28+$0x0];
	_ =	sdelay $0x3  }
0x556: {  	v8 =	vmov s0  }
0x557: {  	v63 =	vor.u32 s0, v1;
	vm2 =	veq.s32 v8, v5;
	vm1 =	vne.s32 v7, v6  }
0x558: {  	vm3 =	vlt.u32 v63, $0xC35;
	vm1 =	vmor vm2, vm1  }
0x559: {  	v6 =	vor.u32 s0, v4;
	vm1 =	vmand vm3, vm1  }
0x55a: {  	v6 =	vnsel vm1, $0x7FFFFFFF, v6  }
0x55b: {  	(xrf0) =	vmax.scan.msk.u32 $0xffff, v6;
	_ =	sdelay $0x5  }
0x55c: {  	v6, _, _ =	vpop (xrf0)  }
0x55d: {  	v6 =	vxor.u32 $0x80000000, v6  }
0x55e: {  	(v2sf) =	vpush v6, $0xF;
	_ =	sdelay $0x1  }
0x55f: {  	[tilespmem:$0x12E80] =	vst v6  }
0x560: {  	v6 =	vld.idx.msk [tilespmem:v3+s16+$0x0], $0xffff;
	_ =	sdelay $0x2  }
0x561: {  	p0 =	sgt.s32 s31, s26  }
0x562: {  	s26 =	smov.u32 @p0 s31;
	s28 =	simm.s32 $0x910  }
0x563: {  	v8 =	vadd.s32 s28, v2;
	v6 =	vsel vm0, s26, v6  }
0x564: {  	vm2 =	vlt.s32 v8, $0xC34;
	vm3 =	vgt.s32 v6, s26  }
0x565: {  	v8 =	vnsel vm2, $0xC34, v8;
	v6 =	vnsel vm3, s26, v6  }
0x566: {  	v6 =	vsub.s32 v63, v6  }
0x567: {  	v6 =	vcvt.s32.f32 v6;
	_ =	sdelay $0x1  }
0x568: {  	[tilespmem:v7+s17+$0x0] =	vst.idx.add.f32.msk vm1, v6  }
0x569: {  	s29 =	simm.s32 $0x1910;
	v7 =	vld.idx.msk [tilespmem:v8+s12+$0x0], $0xffff;
	s31 =	spop (v2sf)  }
0x56a: {  	s30 =	simm.s32 $0x920;
	v6 =	vld [tilespmem:s29+$0x0];
	p1 =	sgt.s32 s26, s31  }
.LBB2_38:
0x56b: {  	s0 =	smov.u32 s26;
	p0 =	sne.s32 s30, $0x970;
	s26 =	smov.u32 s31  }
0x56c: {  	s26 =	smov.u32 @p1 s0;
	s0 =	smov.u32 s30;
	s30 =	sadd.s32 $0x10, s30  }
0x56d: {  	_ = 	snop  }
0x56e: {  	v8 =	vmov s28  }
0x56f: {  	v9 =	vor.u32 s28, v1;
	vm2 =	veq.s32 v8, v5;
	vm1 =	vne.s32 v6, v7  }
0x570: {  	vm3 =	vlt.u32 v9, $0xC35;
	vm1 =	vmor vm2, vm1  }
0x571: {  	v7 =	vor.u32 s28, v4;
	s28 =	smov.u32 s0;
	vm1 =	vmand vm3, vm1  }
0x572: {  	v7 =	vnsel vm1, $0x7FFFFFFF, v7  }
0x573: {  	(xrf0) =	vmax.scan.msk.u32 $0xffff, v7;
	_ =	sdelay $0x5  }
0x574: {  	v7, _, _ =	vpop (xrf0)  }
0x575: {  	v7 =	vxor.u32 $0x80000000, v7  }
0x576: {  	[tilespmem:$0x12E80] =	vst v7;
	(v2sf) =	vpush v7, $0xF  }
0x577: {  	v7 =	vld.idx.msk [tilespmem:v3+s16+$0x0], $0xffff;
	_ =	sdelay $0x5  }
0x578: {  	v8 =	vadd.s32 s28, v2;
	v7 =	vsel vm0, s26, v7  }
0x579: {  	vm2 =	vlt.s32 v8, $0xC34;
	vm3 =	vgt.s32 v7, s26  }
0x57a: {  	v8 =	vnsel vm2, $0xC34, v8;
	v7 =	vnsel vm3, s26, v7  }
0x57b: {  	v7 =	vsub.s32 v9, v7  }
0x57c: {  	v7 =	vcvt.s32.f32 v7  }
.Ltmp18:
0x57d: {  	(pc) =	sbr.rel @p0 .LBB2_38-.Ltmp18, $4  }
0x57e: {  	[tilespmem:v6+s17+$0x0] =	vst.idx.add.f32.msk vm1, v7  }
0x57f: {  	s29 =	sadd.s32 $0x10, s29;
	v7 =	vld.idx.msk [tilespmem:v8+s12+$0x0], $0xffff  }
0x580: {  	v6 =	vld [tilespmem:s29+$0x0];
	s31 =	spop (v2sf)  }
0x581: {  	p1 =	sgt.s32 s26, s31  }
0x582: {  	_ =	sdelay $0x1  }
0x583: {  	v8 =	vmov s28  }
0x584: {  	v9 =	vor.u32 s28, v1;
	vm1 =	veq.s32 v8, v5;
	vm0 =	vne.s32 v6, v7  }
0x585: {  	vm2 =	vlt.u32 v9, $0xC35;
	vm0 =	vmor vm1, vm0  }
0x586: {  	v7 =	vor.u32 s28, v4;
	vm1 =	vmand vm2, vm0  }
0x587: {  	v7 =	vnsel vm1, $0x7FFFFFFF, v7  }
0x588: {  	(xrf0) =	vmax.scan.msk.u32 $0xffff, v7;
	_ =	sdelay $0x5  }
0x589: {  	v7, _, _ =	vpop (xrf0)  }
0x58a: {  	v7 =	vxor.u32 $0x80000000, v7  }
0x58b: {  	(v2sf) =	vpush v7, $0xF;
	_ =	sdelay $0x2  }
0x58c: {  	[tilespmem:$0x12E80] =	vst v7  }
0x58d: {  	v7 =	vld.idx.msk [tilespmem:v3+s16+$0x0], $0xffff;
	_ =	sdelay $0x3  }
0x58e: {  	s31 =	smov.u32 @p1 s26;
	vm0 =	veq.s32 v1, $0x0  }
0x58f: {  	v7 =	vsel vm0, s31, v7  }
0x590: {  	vm2 =	vgt.s32 v7, s31  }
0x591: {  	v7 =	vnsel vm2, s31, v7  }
0x592: {  	v7 =	vsub.s32 v9, v7  }
0x593: {  	v7 =	vcvt.s32.f32 v7;
	_ =	sdelay $0x1  }
0x594: {  	[tilespmem:v6+s17+$0x0] =	vst.idx.add.f32.msk vm1, v7;
	s26 =	spop (v2sf)  }
0x595: {  	s0 =	simm.s32 $0x980;
	_ =	swait.ge [sflag:s21], $0x3E80  }
0x596: {  	v6 =	vadd.s32 s0, v2;
	[sflag:s21] =	ssyncset.done $0x0  }
0x597: {  	vm1 =	vlt.s32 v6, $0xC34;
	s28 =	rddreg [dreg:$0x1c];
	[sflag:s21] =	ssyncadd.s32 $0xFFFFC180  }
0x598: {  	v6 =	vnsel vm1, $0xC34, v6;
	[tilespmem:s8], [sflag:$0x2] =	stream.linear.gather [hbm4b:s28+s3], $0x3E80, $0x38;
	[tilespmem:$0x13F00] =	vst v63  }
0x599: {  	_ =	swait.ge [sflag:s22], $0x3E80  }
0x59a: {  	[sflag:s22] =	ssyncset.done $0x0  }
0x59b: {  	[sflag:s22] =	ssyncadd.s32 $0xFFFFC180  }
0x59c: {  	[spmem:s2] =	stream.indirect.scatter.add.f32 [tilespmem:s18], [sflag:$0x8], $0x80, s0, s15, $0xb8;
	[tilespmem:$0x13F00] =	vst v63  }
0x59d: {  	s28 =	simm.s32 $0x1980;
	v6 =	vld.idx.msk [tilespmem:v6+s12+$0x0], $0xffff  }
0x59e: {  	v7 =	vld [tilespmem:s28+$0x0];
	_ =	sdelay $0x3  }
0x59f: {  	v8 =	vmov s0  }
0x5a0: {  	v63 =	vor.u32 s0, v1;
	vm2 =	veq.s32 v8, v5;
	vm1 =	vne.s32 v7, v6  }
0x5a1: {  	vm3 =	vlt.u32 v63, $0xC35;
	vm1 =	vmor vm2, vm1  }
0x5a2: {  	v6 =	vor.u32 s0, v4;
	vm1 =	vmand vm3, vm1  }
0x5a3: {  	v6 =	vnsel vm1, $0x7FFFFFFF, v6  }
0x5a4: {  	(xrf0) =	vmax.scan.msk.u32 $0xffff, v6;
	_ =	sdelay $0x5  }
0x5a5: {  	v6, _, _ =	vpop (xrf0)  }
0x5a6: {  	v6 =	vxor.u32 $0x80000000, v6  }
0x5a7: {  	(v2sf) =	vpush v6, $0xF;
	_ =	sdelay $0x1  }
0x5a8: {  	[tilespmem:$0x12E80] =	vst v6  }
0x5a9: {  	v6 =	vld.idx.msk [tilespmem:v3+s16+$0x0], $0xffff;
	_ =	sdelay $0x2  }
0x5aa: {  	p0 =	sgt.s32 s31, s26  }
0x5ab: {  	s26 =	smov.u32 @p0 s31;
	s28 =	simm.s32 $0x990  }
0x5ac: {  	v8 =	vadd.s32 s28, v2;
	v6 =	vsel vm0, s26, v6  }
0x5ad: {  	vm2 =	vlt.s32 v8, $0xC34;
	vm3 =	vgt.s32 v6, s26  }
0x5ae: {  	v8 =	vnsel vm2, $0xC34, v8;
	v6 =	vnsel vm3, s26, v6  }
0x5af: {  	v6 =	vsub.s32 v63, v6  }
0x5b0: {  	v6 =	vcvt.s32.f32 v6;
	_ =	sdelay $0x1  }
0x5b1: {  	[tilespmem:v7+s17+$0x0] =	vst.idx.add.f32.msk vm1, v6  }
0x5b2: {  	s29 =	simm.s32 $0x1990;
	v7 =	vld.idx.msk [tilespmem:v8+s12+$0x0], $0xffff;
	s31 =	spop (v2sf)  }
0x5b3: {  	s30 =	simm.s32 $0x9A0;
	v6 =	vld [tilespmem:s29+$0x0];
	p1 =	sgt.s32 s26, s31  }
.LBB2_40:
0x5b4: {  	s0 =	smov.u32 s26;
	p0 =	sne.s32 s30, $0x9F0;
	s26 =	smov.u32 s31  }
0x5b5: {  	s26 =	smov.u32 @p1 s0;
	s0 =	smov.u32 s30;
	s30 =	sadd.s32 $0x10, s30  }
0x5b6: {  	_ = 	snop  }
0x5b7: {  	v8 =	vmov s28  }
0x5b8: {  	v9 =	vor.u32 s28, v1;
	vm2 =	veq.s32 v8, v5;
	vm1 =	vne.s32 v6, v7  }
0x5b9: {  	vm3 =	vlt.u32 v9, $0xC35;
	vm1 =	vmor vm2, vm1  }
0x5ba: {  	v7 =	vor.u32 s28, v4;
	s28 =	smov.u32 s0;
	vm1 =	vmand vm3, vm1  }
0x5bb: {  	v7 =	vnsel vm1, $0x7FFFFFFF, v7  }
0x5bc: {  	(xrf0) =	vmax.scan.msk.u32 $0xffff, v7;
	_ =	sdelay $0x5  }
0x5bd: {  	v7, _, _ =	vpop (xrf0)  }
0x5be: {  	v7 =	vxor.u32 $0x80000000, v7  }
0x5bf: {  	[tilespmem:$0x12E80] =	vst v7;
	(v2sf) =	vpush v7, $0xF  }
0x5c0: {  	v7 =	vld.idx.msk [tilespmem:v3+s16+$0x0], $0xffff;
	_ =	sdelay $0x5  }
0x5c1: {  	v8 =	vadd.s32 s28, v2;
	v7 =	vsel vm0, s26, v7  }
0x5c2: {  	vm2 =	vlt.s32 v8, $0xC34;
	vm3 =	vgt.s32 v7, s26  }
0x5c3: {  	v8 =	vnsel vm2, $0xC34, v8;
	v7 =	vnsel vm3, s26, v7  }
0x5c4: {  	v7 =	vsub.s32 v9, v7  }
0x5c5: {  	v7 =	vcvt.s32.f32 v7  }
.Ltmp19:
0x5c6: {  	(pc) =	sbr.rel @p0 .LBB2_40-.Ltmp19, $4  }
0x5c7: {  	[tilespmem:v6+s17+$0x0] =	vst.idx.add.f32.msk vm1, v7  }
0x5c8: {  	s29 =	sadd.s32 $0x10, s29;
	v7 =	vld.idx.msk [tilespmem:v8+s12+$0x0], $0xffff  }
0x5c9: {  	v6 =	vld [tilespmem:s29+$0x0];
	s31 =	spop (v2sf)  }
0x5ca: {  	p1 =	sgt.s32 s26, s31  }
0x5cb: {  	_ =	sdelay $0x1  }
0x5cc: {  	v8 =	vmov s28  }
0x5cd: {  	v9 =	vor.u32 s28, v1;
	vm1 =	veq.s32 v8, v5;
	vm0 =	vne.s32 v6, v7  }
0x5ce: {  	vm2 =	vlt.u32 v9, $0xC35;
	vm0 =	vmor vm1, vm0  }
0x5cf: {  	v7 =	vor.u32 s28, v4;
	vm1 =	vmand vm2, vm0  }
0x5d0: {  	v7 =	vnsel vm1, $0x7FFFFFFF, v7  }
0x5d1: {  	(xrf0) =	vmax.scan.msk.u32 $0xffff, v7;
	_ =	sdelay $0x5  }
0x5d2: {  	v7, _, _ =	vpop (xrf0)  }
0x5d3: {  	v7 =	vxor.u32 $0x80000000, v7  }
0x5d4: {  	(v2sf) =	vpush v7, $0xF;
	_ =	sdelay $0x2  }
0x5d5: {  	[tilespmem:$0x12E80] =	vst v7  }
0x5d6: {  	v7 =	vld.idx.msk [tilespmem:v3+s16+$0x0], $0xffff;
	_ =	sdelay $0x3  }
0x5d7: {  	s31 =	smov.u32 @p1 s26;
	vm0 =	veq.s32 v1, $0x0  }
0x5d8: {  	v7 =	vsel vm0, s31, v7  }
0x5d9: {  	vm2 =	vgt.s32 v7, s31  }
0x5da: {  	v7 =	vnsel vm2, s31, v7  }
0x5db: {  	v7 =	vsub.s32 v9, v7  }
0x5dc: {  	v7 =	vcvt.s32.f32 v7;
	_ =	sdelay $0x1  }
0x5dd: {  	[tilespmem:v6+s17+$0x0] =	vst.idx.add.f32.msk vm1, v7;
	s26 =	spop (v2sf)  }
0x5de: {  	s0 =	simm.s32 $0xA00;
	_ =	swait.ge [sflag:s23], $0x3E80  }
0x5df: {  	v6 =	vadd.s32 s0, v2;
	[sflag:s23] =	ssyncset.done $0x0  }
0x5e0: {  	vm1 =	vlt.s32 v6, $0xC34;
	s28 =	rddreg [dreg:$0x1d];
	[sflag:s23] =	ssyncadd.s32 $0xFFFFC180  }
0x5e1: {  	v6 =	vnsel vm1, $0xC34, v6;
	[tilespmem:s9], [sflag:$0x3] =	stream.linear.gather [hbm4b:s28+s3], $0x3E80, $0x38;
	[tilespmem:$0x13F00] =	vst v63  }
0x5e2: {  	_ =	swait.ge [sflag:s14], $0x3E80  }
0x5e3: {  	[sflag:s14] =	ssyncset.done $0x0  }
0x5e4: {  	[sflag:s14] =	ssyncadd.s32 $0xFFFFC180  }
0x5e5: {  	[spmem:s2] =	stream.indirect.scatter.add.f32 [tilespmem:s7], [sflag:$0x5], $0x80, s0, s15, $0xb8;
	[tilespmem:$0x13F00] =	vst v63  }
0x5e6: {  	s28 =	simm.s32 $0x1A00;
	v6 =	vld.idx.msk [tilespmem:v6+s12+$0x0], $0xffff  }
0x5e7: {  	v7 =	vld [tilespmem:s28+$0x0];
	_ =	sdelay $0x3  }
0x5e8: {  	v8 =	vmov s0  }
0x5e9: {  	v63 =	vor.u32 s0, v1;
	vm2 =	veq.s32 v8, v5;
	vm1 =	vne.s32 v7, v6  }
0x5ea: {  	vm3 =	vlt.u32 v63, $0xC35;
	vm1 =	vmor vm2, vm1  }
0x5eb: {  	v6 =	vor.u32 s0, v4;
	vm1 =	vmand vm3, vm1  }
0x5ec: {  	v6 =	vnsel vm1, $0x7FFFFFFF, v6  }
0x5ed: {  	(xrf0) =	vmax.scan.msk.u32 $0xffff, v6;
	_ =	sdelay $0x5  }
0x5ee: {  	v6, _, _ =	vpop (xrf0)  }
0x5ef: {  	v6 =	vxor.u32 $0x80000000, v6  }
0x5f0: {  	(v2sf) =	vpush v6, $0xF;
	_ =	sdelay $0x1  }
0x5f1: {  	[tilespmem:$0x12E80] =	vst v6  }
0x5f2: {  	v6 =	vld.idx.msk [tilespmem:v3+s16+$0x0], $0xffff;
	_ =	sdelay $0x2  }
0x5f3: {  	p0 =	sgt.s32 s31, s26  }
0x5f4: {  	s26 =	smov.u32 @p0 s31;
	s28 =	simm.s32 $0xA10  }
0x5f5: {  	v8 =	vadd.s32 s28, v2;
	v6 =	vsel vm0, s26, v6  }
0x5f6: {  	vm2 =	vlt.s32 v8, $0xC34;
	vm3 =	vgt.s32 v6, s26  }
0x5f7: {  	v8 =	vnsel vm2, $0xC34, v8;
	v6 =	vnsel vm3, s26, v6  }
0x5f8: {  	v6 =	vsub.s32 v63, v6  }
0x5f9: {  	v6 =	vcvt.s32.f32 v6;
	_ =	sdelay $0x1  }
0x5fa: {  	[tilespmem:v7+s17+$0x0] =	vst.idx.add.f32.msk vm1, v6  }
0x5fb: {  	s29 =	simm.s32 $0x1A10;
	v7 =	vld.idx.msk [tilespmem:v8+s12+$0x0], $0xffff;
	s31 =	spop (v2sf)  }
0x5fc: {  	s30 =	simm.s32 $0xA20;
	v6 =	vld [tilespmem:s29+$0x0];
	p1 =	sgt.s32 s26, s31  }
.LBB2_42:
0x5fd: {  	s0 =	smov.u32 s26;
	p0 =	sne.s32 s30, $0xA70;
	s26 =	smov.u32 s31  }
0x5fe: {  	s26 =	smov.u32 @p1 s0;
	s0 =	smov.u32 s30;
	s30 =	sadd.s32 $0x10, s30  }
0x5ff: {  	_ = 	snop  }
0x600: {  	v8 =	vmov s28  }
0x601: {  	v9 =	vor.u32 s28, v1;
	vm2 =	veq.s32 v8, v5;
	vm1 =	vne.s32 v6, v7  }
0x602: {  	vm3 =	vlt.u32 v9, $0xC35;
	vm1 =	vmor vm2, vm1  }
0x603: {  	v7 =	vor.u32 s28, v4;
	s28 =	smov.u32 s0;
	vm1 =	vmand vm3, vm1  }
0x604: {  	v7 =	vnsel vm1, $0x7FFFFFFF, v7  }
0x605: {  	(xrf0) =	vmax.scan.msk.u32 $0xffff, v7;
	_ =	sdelay $0x5  }
0x606: {  	v7, _, _ =	vpop (xrf0)  }
0x607: {  	v7 =	vxor.u32 $0x80000000, v7  }
0x608: {  	[tilespmem:$0x12E80] =	vst v7;
	(v2sf) =	vpush v7, $0xF  }
0x609: {  	v7 =	vld.idx.msk [tilespmem:v3+s16+$0x0], $0xffff;
	_ =	sdelay $0x5  }
0x60a: {  	v8 =	vadd.s32 s28, v2;
	v7 =	vsel vm0, s26, v7  }
0x60b: {  	vm2 =	vlt.s32 v8, $0xC34;
	vm3 =	vgt.s32 v7, s26  }
0x60c: {  	v8 =	vnsel vm2, $0xC34, v8;
	v7 =	vnsel vm3, s26, v7  }
0x60d: {  	v7 =	vsub.s32 v9, v7  }
0x60e: {  	v7 =	vcvt.s32.f32 v7  }
.Ltmp20:
0x60f: {  	(pc) =	sbr.rel @p0 .LBB2_42-.Ltmp20, $4  }
0x610: {  	[tilespmem:v6+s17+$0x0] =	vst.idx.add.f32.msk vm1, v7  }
0x611: {  	s29 =	sadd.s32 $0x10, s29;
	v7 =	vld.idx.msk [tilespmem:v8+s12+$0x0], $0xffff  }
0x612: {  	v6 =	vld [tilespmem:s29+$0x0];
	s31 =	spop (v2sf)  }
0x613: {  	p1 =	sgt.s32 s26, s31  }
0x614: {  	_ =	sdelay $0x1  }
0x615: {  	v8 =	vmov s28  }
0x616: {  	v9 =	vor.u32 s28, v1;
	vm1 =	veq.s32 v8, v5;
	vm0 =	vne.s32 v6, v7  }
0x617: {  	vm2 =	vlt.u32 v9, $0xC35;
	vm0 =	vmor vm1, vm0  }
0x618: {  	v7 =	vor.u32 s28, v4;
	vm1 =	vmand vm2, vm0  }
0x619: {  	v7 =	vnsel vm1, $0x7FFFFFFF, v7  }
0x61a: {  	(xrf0) =	vmax.scan.msk.u32 $0xffff, v7;
	_ =	sdelay $0x5  }
0x61b: {  	v7, _, _ =	vpop (xrf0)  }
0x61c: {  	v7 =	vxor.u32 $0x80000000, v7  }
0x61d: {  	(v2sf) =	vpush v7, $0xF;
	_ =	sdelay $0x2  }
0x61e: {  	[tilespmem:$0x12E80] =	vst v7  }
0x61f: {  	v7 =	vld.idx.msk [tilespmem:v3+s16+$0x0], $0xffff;
	_ =	sdelay $0x3  }
0x620: {  	s31 =	smov.u32 @p1 s26;
	vm0 =	veq.s32 v1, $0x0  }
0x621: {  	v7 =	vsel vm0, s31, v7  }
0x622: {  	vm2 =	vgt.s32 v7, s31  }
0x623: {  	v7 =	vnsel vm2, s31, v7  }
0x624: {  	v7 =	vsub.s32 v9, v7  }
0x625: {  	v7 =	vcvt.s32.f32 v7;
	_ =	sdelay $0x1  }
0x626: {  	[tilespmem:v6+s17+$0x0] =	vst.idx.add.f32.msk vm1, v7;
	s26 =	spop (v2sf)  }
0x627: {  	s0 =	simm.s32 $0xA80;
	_ =	swait.ge [sflag:s24], $0x3E80  }
0x628: {  	v6 =	vadd.s32 s0, v2;
	[sflag:s24] =	ssyncset.done $0x0  }
0x629: {  	vm1 =	vlt.s32 v6, $0xC34;
	s28 =	rddreg [dreg:$0x1e];
	[sflag:s24] =	ssyncadd.s32 $0xFFFFC180  }
0x62a: {  	v6 =	vnsel vm1, $0xC34, v6;
	[tilespmem:s18], [sflag:$0x4] =	stream.linear.gather [hbm4b:s28+s3], $0x3E80, $0x38;
	[tilespmem:$0x13F00] =	vst v63  }
0x62b: {  	_ =	swait.ge [sflag:s13], $0x3E80  }
0x62c: {  	[sflag:s13] =	ssyncset.done $0x0  }
0x62d: {  	[sflag:s13] =	ssyncadd.s32 $0xFFFFC180  }
0x62e: {  	[spmem:s2] =	stream.indirect.scatter.add.f32 [tilespmem:s8], [sflag:$0x6], $0x80, s0, s15, $0xb8;
	[tilespmem:$0x13F00] =	vst v63  }
0x62f: {  	s28 =	simm.s32 $0x1A80;
	v6 =	vld.idx.msk [tilespmem:v6+s12+$0x0], $0xffff  }
0x630: {  	v7 =	vld [tilespmem:s28+$0x0];
	_ =	sdelay $0x3  }
0x631: {  	v8 =	vmov s0  }
0x632: {  	v63 =	vor.u32 s0, v1;
	vm2 =	veq.s32 v8, v5;
	vm1 =	vne.s32 v7, v6  }
0x633: {  	vm3 =	vlt.u32 v63, $0xC35;
	vm1 =	vmor vm2, vm1  }
0x634: {  	v6 =	vor.u32 s0, v4;
	vm1 =	vmand vm3, vm1  }
0x635: {  	v6 =	vnsel vm1, $0x7FFFFFFF, v6  }
0x636: {  	(xrf0) =	vmax.scan.msk.u32 $0xffff, v6;
	_ =	sdelay $0x5  }
0x637: {  	v6, _, _ =	vpop (xrf0)  }
0x638: {  	v6 =	vxor.u32 $0x80000000, v6  }
0x639: {  	(v2sf) =	vpush v6, $0xF;
	_ =	sdelay $0x1  }
0x63a: {  	[tilespmem:$0x12E80] =	vst v6  }
0x63b: {  	v6 =	vld.idx.msk [tilespmem:v3+s16+$0x0], $0xffff;
	_ =	sdelay $0x2  }
0x63c: {  	p0 =	sgt.s32 s31, s26  }
0x63d: {  	s26 =	smov.u32 @p0 s31;
	s28 =	simm.s32 $0xA90  }
0x63e: {  	v8 =	vadd.s32 s28, v2;
	v6 =	vsel vm0, s26, v6  }
0x63f: {  	vm2 =	vlt.s32 v8, $0xC34;
	vm3 =	vgt.s32 v6, s26  }
0x640: {  	v8 =	vnsel vm2, $0xC34, v8;
	v6 =	vnsel vm3, s26, v6  }
0x641: {  	v6 =	vsub.s32 v63, v6  }
0x642: {  	v6 =	vcvt.s32.f32 v6;
	_ =	sdelay $0x1  }
0x643: {  	[tilespmem:v7+s17+$0x0] =	vst.idx.add.f32.msk vm1, v6  }
0x644: {  	s29 =	simm.s32 $0x1A90;
	v7 =	vld.idx.msk [tilespmem:v8+s12+$0x0], $0xffff;
	s31 =	spop (v2sf)  }
0x645: {  	s30 =	simm.s32 $0xAA0;
	v6 =	vld [tilespmem:s29+$0x0];
	p1 =	sgt.s32 s26, s31  }
.LBB2_44:
0x646: {  	s0 =	smov.u32 s26;
	p0 =	sne.s32 s30, $0xAF0;
	s26 =	smov.u32 s31  }
0x647: {  	s26 =	smov.u32 @p1 s0;
	s0 =	smov.u32 s30;
	s30 =	sadd.s32 $0x10, s30  }
0x648: {  	_ = 	snop  }
0x649: {  	v8 =	vmov s28  }
0x64a: {  	v9 =	vor.u32 s28, v1;
	vm2 =	veq.s32 v8, v5;
	vm1 =	vne.s32 v6, v7  }
0x64b: {  	vm3 =	vlt.u32 v9, $0xC35;
	vm1 =	vmor vm2, vm1  }
0x64c: {  	v7 =	vor.u32 s28, v4;
	s28 =	smov.u32 s0;
	vm1 =	vmand vm3, vm1  }
0x64d: {  	v7 =	vnsel vm1, $0x7FFFFFFF, v7  }
0x64e: {  	(xrf0) =	vmax.scan.msk.u32 $0xffff, v7;
	_ =	sdelay $0x5  }
0x64f: {  	v7, _, _ =	vpop (xrf0)  }
0x650: {  	v7 =	vxor.u32 $0x80000000, v7  }
0x651: {  	[tilespmem:$0x12E80] =	vst v7;
	(v2sf) =	vpush v7, $0xF  }
0x652: {  	v7 =	vld.idx.msk [tilespmem:v3+s16+$0x0], $0xffff;
	_ =	sdelay $0x5  }
0x653: {  	v8 =	vadd.s32 s28, v2;
	v7 =	vsel vm0, s26, v7  }
0x654: {  	vm2 =	vlt.s32 v8, $0xC34;
	vm3 =	vgt.s32 v7, s26  }
0x655: {  	v8 =	vnsel vm2, $0xC34, v8;
	v7 =	vnsel vm3, s26, v7  }
0x656: {  	v7 =	vsub.s32 v9, v7  }
0x657: {  	v7 =	vcvt.s32.f32 v7  }
.Ltmp21:
0x658: {  	(pc) =	sbr.rel @p0 .LBB2_44-.Ltmp21, $4  }
0x659: {  	[tilespmem:v6+s17+$0x0] =	vst.idx.add.f32.msk vm1, v7  }
0x65a: {  	s29 =	sadd.s32 $0x10, s29;
	v7 =	vld.idx.msk [tilespmem:v8+s12+$0x0], $0xffff  }
0x65b: {  	v6 =	vld [tilespmem:s29+$0x0];
	s31 =	spop (v2sf)  }
0x65c: {  	p1 =	sgt.s32 s26, s31  }
0x65d: {  	_ =	sdelay $0x1  }
0x65e: {  	v8 =	vmov s28  }
0x65f: {  	v9 =	vor.u32 s28, v1;
	vm1 =	veq.s32 v8, v5;
	vm0 =	vne.s32 v6, v7  }
0x660: {  	vm2 =	vlt.u32 v9, $0xC35;
	vm0 =	vmor vm1, vm0  }
0x661: {  	v7 =	vor.u32 s28, v4;
	vm1 =	vmand vm2, vm0  }
0x662: {  	v7 =	vnsel vm1, $0x7FFFFFFF, v7  }
0x663: {  	(xrf0) =	vmax.scan.msk.u32 $0xffff, v7;
	_ =	sdelay $0x5  }
0x664: {  	v7, _, _ =	vpop (xrf0)  }
0x665: {  	v7 =	vxor.u32 $0x80000000, v7  }
0x666: {  	(v2sf) =	vpush v7, $0xF;
	_ =	sdelay $0x2  }
0x667: {  	[tilespmem:$0x12E80] =	vst v7  }
0x668: {  	v7 =	vld.idx.msk [tilespmem:v3+s16+$0x0], $0xffff;
	_ =	sdelay $0x3  }
0x669: {  	s31 =	smov.u32 @p1 s26;
	vm0 =	veq.s32 v1, $0x0  }
0x66a: {  	v7 =	vsel vm0, s31, v7  }
0x66b: {  	vm2 =	vgt.s32 v7, s31  }
0x66c: {  	v7 =	vnsel vm2, s31, v7  }
0x66d: {  	v7 =	vsub.s32 v9, v7  }
0x66e: {  	v7 =	vcvt.s32.f32 v7;
	_ =	sdelay $0x1  }
0x66f: {  	[tilespmem:v6+s17+$0x0] =	vst.idx.add.f32.msk vm1, v7;
	s26 =	spop (v2sf)  }
0x670: {  	s0 =	simm.s32 $0xB00;
	_ =	swait.ge [sflag:s19], $0x3E80  }
0x671: {  	v6 =	vadd.s32 s0, v2;
	[sflag:s19] =	ssyncset.done $0x0  }
0x672: {  	vm1 =	vlt.s32 v6, $0xC34;
	[sflag:s19] =	ssyncadd.s32 $0xFFFFC180  }
0x673: {  	v6 =	vnsel vm1, $0xC34, v6;
	[tilespmem:s7], [sflag:$0x1] =	stream.linear.gather [hbm4b:s1+s3], $0x3E80, $0x38;
	[tilespmem:$0x13F00] =	vst v63  }
0x674: {  	_ =	swait.ge [sflag:s20], $0x3E80  }
0x675: {  	[sflag:s20] =	ssyncset.done $0x0  }
0x676: {  	[sflag:s20] =	ssyncadd.s32 $0xFFFFC180  }
0x677: {  	[spmem:s2] =	stream.indirect.scatter.add.f32 [tilespmem:s9], [sflag:$0x7], $0x80, s0, s15, $0xb8;
	[tilespmem:$0x13F00] =	vst v63  }
0x678: {  	s28 =	simm.s32 $0x1B00;
	v6 =	vld.idx.msk [tilespmem:v6+s12+$0x0], $0xffff  }
0x679: {  	v7 =	vld [tilespmem:s28+$0x0];
	_ =	sdelay $0x3  }
0x67a: {  	v8 =	vmov s0  }
0x67b: {  	v63 =	vor.u32 s0, v1;
	vm2 =	veq.s32 v8, v5;
	vm1 =	vne.s32 v7, v6  }
0x67c: {  	vm3 =	vlt.u32 v63, $0xC35;
	vm1 =	vmor vm2, vm1  }
0x67d: {  	v6 =	vor.u32 s0, v4;
	vm1 =	vmand vm3, vm1  }
0x67e: {  	v6 =	vnsel vm1, $0x7FFFFFFF, v6  }
0x67f: {  	(xrf0) =	vmax.scan.msk.u32 $0xffff, v6;
	_ =	sdelay $0x5  }
0x680: {  	v6, _, _ =	vpop (xrf0)  }
0x681: {  	v6 =	vxor.u32 $0x80000000, v6  }
0x682: {  	(v2sf) =	vpush v6, $0xF;
	_ =	sdelay $0x1  }
0x683: {  	[tilespmem:$0x12E80] =	vst v6  }
0x684: {  	v6 =	vld.idx.msk [tilespmem:v3+s16+$0x0], $0xffff;
	_ =	sdelay $0x2  }
0x685: {  	p0 =	sgt.s32 s31, s26  }
0x686: {  	s26 =	smov.u32 @p0 s31;
	s28 =	simm.s32 $0xB10  }
0x687: {  	v8 =	vadd.s32 s28, v2;
	v6 =	vsel vm0, s26, v6  }
0x688: {  	vm2 =	vlt.s32 v8, $0xC34;
	vm3 =	vgt.s32 v6, s26  }
0x689: {  	v8 =	vnsel vm2, $0xC34, v8;
	v6 =	vnsel vm3, s26, v6  }
0x68a: {  	v6 =	vsub.s32 v63, v6  }
0x68b: {  	v6 =	vcvt.s32.f32 v6;
	_ =	sdelay $0x1  }
0x68c: {  	[tilespmem:v7+s17+$0x0] =	vst.idx.add.f32.msk vm1, v6  }
0x68d: {  	s29 =	simm.s32 $0x1B10;
	v7 =	vld.idx.msk [tilespmem:v8+s12+$0x0], $0xffff;
	s31 =	spop (v2sf)  }
0x68e: {  	s30 =	simm.s32 $0xB20;
	v6 =	vld [tilespmem:s29+$0x0];
	p1 =	sgt.s32 s26, s31  }
.LBB2_46:
0x68f: {  	s0 =	smov.u32 s26;
	p0 =	sne.s32 s30, $0xB70;
	s26 =	smov.u32 s31  }
0x690: {  	s26 =	smov.u32 @p1 s0;
	s0 =	smov.u32 s30;
	s30 =	sadd.s32 $0x10, s30  }
0x691: {  	_ = 	snop  }
0x692: {  	v8 =	vmov s28  }
0x693: {  	v9 =	vor.u32 s28, v1;
	vm2 =	veq.s32 v8, v5;
	vm1 =	vne.s32 v6, v7  }
0x694: {  	vm3 =	vlt.u32 v9, $0xC35;
	vm1 =	vmor vm2, vm1  }
0x695: {  	v7 =	vor.u32 s28, v4;
	s28 =	smov.u32 s0;
	vm1 =	vmand vm3, vm1  }
0x696: {  	v7 =	vnsel vm1, $0x7FFFFFFF, v7  }
0x697: {  	(xrf0) =	vmax.scan.msk.u32 $0xffff, v7;
	_ =	sdelay $0x5  }
0x698: {  	v7, _, _ =	vpop (xrf0)  }
0x699: {  	v7 =	vxor.u32 $0x80000000, v7  }
0x69a: {  	[tilespmem:$0x12E80] =	vst v7;
	(v2sf) =	vpush v7, $0xF  }
0x69b: {  	v7 =	vld.idx.msk [tilespmem:v3+s16+$0x0], $0xffff;
	_ =	sdelay $0x5  }
0x69c: {  	v8 =	vadd.s32 s28, v2;
	v7 =	vsel vm0, s26, v7  }
0x69d: {  	vm2 =	vlt.s32 v8, $0xC34;
	vm3 =	vgt.s32 v7, s26  }
0x69e: {  	v8 =	vnsel vm2, $0xC34, v8;
	v7 =	vnsel vm3, s26, v7  }
0x69f: {  	v7 =	vsub.s32 v9, v7  }
0x6a0: {  	v7 =	vcvt.s32.f32 v7  }
.Ltmp22:
0x6a1: {  	(pc) =	sbr.rel @p0 .LBB2_46-.Ltmp22, $4  }
0x6a2: {  	[tilespmem:v6+s17+$0x0] =	vst.idx.add.f32.msk vm1, v7  }
0x6a3: {  	s29 =	sadd.s32 $0x10, s29;
	v7 =	vld.idx.msk [tilespmem:v8+s12+$0x0], $0xffff  }
0x6a4: {  	v6 =	vld [tilespmem:s29+$0x0];
	s31 =	spop (v2sf)  }
0x6a5: {  	p1 =	sgt.s32 s26, s31  }
0x6a6: {  	_ =	sdelay $0x1  }
0x6a7: {  	v8 =	vmov s28  }
0x6a8: {  	v9 =	vor.u32 s28, v1;
	vm1 =	veq.s32 v8, v5;
	vm0 =	vne.s32 v6, v7  }
0x6a9: {  	vm2 =	vlt.u32 v9, $0xC35;
	vm0 =	vmor vm1, vm0  }
0x6aa: {  	v7 =	vor.u32 s28, v4;
	vm1 =	vmand vm2, vm0  }
0x6ab: {  	v7 =	vnsel vm1, $0x7FFFFFFF, v7  }
0x6ac: {  	(xrf0) =	vmax.scan.msk.u32 $0xffff, v7;
	_ =	sdelay $0x5  }
0x6ad: {  	v7, _, _ =	vpop (xrf0)  }
0x6ae: {  	v7 =	vxor.u32 $0x80000000, v7  }
0x6af: {  	(v2sf) =	vpush v7, $0xF;
	_ =	sdelay $0x2  }
0x6b0: {  	[tilespmem:$0x12E80] =	vst v7  }
0x6b1: {  	v7 =	vld.idx.msk [tilespmem:v3+s16+$0x0], $0xffff;
	_ =	sdelay $0x3  }
0x6b2: {  	s31 =	smov.u32 @p1 s26;
	vm0 =	veq.s32 v1, $0x0  }
0x6b3: {  	v7 =	vsel vm0, s31, v7  }
0x6b4: {  	vm2 =	vgt.s32 v7, s31  }
0x6b5: {  	v7 =	vnsel vm2, s31, v7  }
0x6b6: {  	v7 =	vsub.s32 v9, v7  }
0x6b7: {  	v7 =	vcvt.s32.f32 v7;
	_ =	sdelay $0x1  }
0x6b8: {  	s0 =	simm.s32 $0xB80;
	[tilespmem:v6+s17+$0x0] =	vst.idx.add.f32.msk vm1, v7;
	s26 =	spop (v2sf)  }
0x6b9: {  	v6 =	vadd.s32 s0, v2;
	_ =	swait.ge [sflag:s21], $0x3E80  }
0x6ba: {  	vm1 =	vlt.s32 v6, $0xC34;
	[sflag:s21] =	ssyncset.done $0x0  }
0x6bb: {  	v6 =	vnsel vm1, $0xC34, v6;
	[sflag:s21] =	ssyncadd.s32 $0xFFFFC180  }
0x6bc: {  	_ =	swait.ge [sflag:s22], $0x3E80  }
0x6bd: {  	[sflag:s22] =	ssyncset.done $0x0  }
0x6be: {  	[sflag:s22] =	ssyncadd.s32 $0xFFFFC180  }
0x6bf: {  	[spmem:s2] =	stream.indirect.scatter.add.f32 [tilespmem:s18], [sflag:$0x8], $0x80, s0, s15, $0xb8;
	[tilespmem:$0x13F00] =	vst v63  }
0x6c0: {  	s28 =	simm.s32 $0x1B80;
	v6 =	vld.idx.msk [tilespmem:v6+s12+$0x0], $0xffff  }
0x6c1: {  	v7 =	vld [tilespmem:s28+$0x0];
	_ =	sdelay $0x3  }
0x6c2: {  	v8 =	vmov s0  }
0x6c3: {  	v63 =	vor.u32 s0, v1;
	vm2 =	veq.s32 v8, v5;
	vm1 =	vne.s32 v7, v6  }
0x6c4: {  	vm3 =	vlt.u32 v63, $0xC35;
	vm1 =	vmor vm2, vm1  }
0x6c5: {  	v6 =	vor.u32 s0, v4;
	vm1 =	vmand vm3, vm1  }
0x6c6: {  	v6 =	vnsel vm1, $0x7FFFFFFF, v6  }
0x6c7: {  	(xrf0) =	vmax.scan.msk.u32 $0xffff, v6;
	_ =	sdelay $0x5  }
0x6c8: {  	v6, _, _ =	vpop (xrf0)  }
0x6c9: {  	v6 =	vxor.u32 $0x80000000, v6  }
0x6ca: {  	(v2sf) =	vpush v6, $0xF;
	_ =	sdelay $0x1  }
0x6cb: {  	[tilespmem:$0x12E80] =	vst v6  }
0x6cc: {  	v6 =	vld.idx.msk [tilespmem:v3+s16+$0x0], $0xffff;
	_ =	sdelay $0x2  }
0x6cd: {  	p0 =	sgt.s32 s31, s26  }
0x6ce: {  	s26 =	smov.u32 @p0 s31;
	s28 =	simm.s32 $0xB90  }
0x6cf: {  	v8 =	vadd.s32 s28, v2;
	v6 =	vsel vm0, s26, v6  }
0x6d0: {  	vm2 =	vlt.s32 v8, $0xC34;
	vm3 =	vgt.s32 v6, s26  }
0x6d1: {  	v8 =	vnsel vm2, $0xC34, v8;
	v6 =	vnsel vm3, s26, v6  }
0x6d2: {  	v6 =	vsub.s32 v63, v6  }
0x6d3: {  	v6 =	vcvt.s32.f32 v6;
	_ =	sdelay $0x1  }
0x6d4: {  	[tilespmem:v7+s17+$0x0] =	vst.idx.add.f32.msk vm1, v6  }
0x6d5: {  	s29 =	simm.s32 $0x1B90;
	v7 =	vld.idx.msk [tilespmem:v8+s12+$0x0], $0xffff;
	s31 =	spop (v2sf)  }
0x6d6: {  	s30 =	simm.s32 $0xBA0;
	v6 =	vld [tilespmem:s29+$0x0];
	p1 =	sgt.s32 s26, s31  }
.LBB2_48:
0x6d7: {  	s0 =	smov.u32 s26;
	p0 =	sne.s32 s30, $0xBF0;
	s26 =	smov.u32 s31  }
0x6d8: {  	s26 =	smov.u32 @p1 s0;
	s0 =	smov.u32 s30;
	s30 =	sadd.s32 $0x10, s30  }
0x6d9: {  	_ = 	snop  }
0x6da: {  	v8 =	vmov s28  }
0x6db: {  	v9 =	vor.u32 s28, v1;
	vm2 =	veq.s32 v8, v5;
	vm1 =	vne.s32 v6, v7  }
0x6dc: {  	vm3 =	vlt.u32 v9, $0xC35;
	vm1 =	vmor vm2, vm1  }
0x6dd: {  	v7 =	vor.u32 s28, v4;
	s28 =	smov.u32 s0;
	vm1 =	vmand vm3, vm1  }
0x6de: {  	v7 =	vnsel vm1, $0x7FFFFFFF, v7  }
0x6df: {  	(xrf0) =	vmax.scan.msk.u32 $0xffff, v7;
	_ =	sdelay $0x5  }
0x6e0: {  	v7, _, _ =	vpop (xrf0)  }
0x6e1: {  	v7 =	vxor.u32 $0x80000000, v7  }
0x6e2: {  	[tilespmem:$0x12E80] =	vst v7;
	(v2sf) =	vpush v7, $0xF  }
0x6e3: {  	v7 =	vld.idx.msk [tilespmem:v3+s16+$0x0], $0xffff;
	_ =	sdelay $0x5  }
0x6e4: {  	v8 =	vadd.s32 s28, v2;
	v7 =	vsel vm0, s26, v7  }
0x6e5: {  	vm2 =	vlt.s32 v8, $0xC34;
	vm3 =	vgt.s32 v7, s26  }
0x6e6: {  	v8 =	vnsel vm2, $0xC34, v8;
	v7 =	vnsel vm3, s26, v7  }
0x6e7: {  	v7 =	vsub.s32 v9, v7  }
0x6e8: {  	v7 =	vcvt.s32.f32 v7  }
.Ltmp23:
0x6e9: {  	(pc) =	sbr.rel @p0 .LBB2_48-.Ltmp23, $4  }
0x6ea: {  	[tilespmem:v6+s17+$0x0] =	vst.idx.add.f32.msk vm1, v7  }
0x6eb: {  	s29 =	sadd.s32 $0x10, s29;
	v7 =	vld.idx.msk [tilespmem:v8+s12+$0x0], $0xffff  }
0x6ec: {  	v6 =	vld [tilespmem:s29+$0x0];
	s31 =	spop (v2sf)  }
0x6ed: {  	p1 =	sgt.s32 s26, s31  }
0x6ee: {  	_ =	sdelay $0x1  }
0x6ef: {  	v8 =	vmov s28  }
0x6f0: {  	v9 =	vor.u32 s28, v1;
	vm1 =	veq.s32 v8, v5;
	vm0 =	vne.s32 v6, v7  }
0x6f1: {  	vm2 =	vlt.u32 v9, $0xC35;
	vm0 =	vmor vm1, vm0  }
0x6f2: {  	v7 =	vor.u32 s28, v4;
	vm1 =	vmand vm2, vm0  }
0x6f3: {  	v7 =	vnsel vm1, $0x7FFFFFFF, v7  }
0x6f4: {  	(xrf0) =	vmax.scan.msk.u32 $0xffff, v7;
	_ =	sdelay $0x5  }
0x6f5: {  	v7, _, _ =	vpop (xrf0)  }
0x6f6: {  	v7 =	vxor.u32 $0x80000000, v7  }
0x6f7: {  	(v2sf) =	vpush v7, $0xF;
	_ =	sdelay $0x2  }
0x6f8: {  	[tilespmem:$0x12E80] =	vst v7  }
0x6f9: {  	v7 =	vld.idx.msk [tilespmem:v3+s16+$0x0], $0xffff;
	_ =	sdelay $0x3  }
0x6fa: {  	s31 =	smov.u32 @p1 s26;
	vm0 =	veq.s32 v1, $0x0  }
0x6fb: {  	v7 =	vsel vm0, s31, v7  }
0x6fc: {  	vm2 =	vgt.s32 v7, s31  }
0x6fd: {  	v7 =	vnsel vm2, s31, v7  }
0x6fe: {  	v7 =	vsub.s32 v9, v7  }
0x6ff: {  	v7 =	vcvt.s32.f32 v7;
	_ =	sdelay $0x1  }
0x700: {  	s0 =	simm.s32 $0xC00;
	[tilespmem:v6+s17+$0x0] =	vst.idx.add.f32.msk vm1, v7;
	s26 =	spop (v2sf)  }
0x701: {  	v6 =	vadd.s32 s0, v2;
	_ =	swait.ge [sflag:s23], $0x3E80  }
0x702: {  	vm1 =	vlt.s32 v6, $0xC34;
	[sflag:s23] =	ssyncset.done $0x0  }
0x703: {  	v6 =	vnsel vm1, $0xC34, v6;
	[sflag:s23] =	ssyncadd.s32 $0xFFFFC180  }
0x704: {  	_ =	swait.ge [sflag:s14], $0x3E80  }
0x705: {  	[sflag:s14] =	ssyncset.done $0x0  }
0x706: {  	[sflag:s14] =	ssyncadd.s32 $0xFFFFC180  }
0x707: {  	[spmem:s2] =	stream.indirect.scatter.add.f32 [tilespmem:s7], [sflag:$0x5], $0x80, s0, s15, $0xb8;
	[tilespmem:$0x13F00] =	vst v63  }
0x708: {  	s28 =	simm.s32 $0x1C00;
	v6 =	vld.idx.msk [tilespmem:v6+s12+$0x0], $0xffff  }
0x709: {  	v7 =	vld [tilespmem:s28+$0x0];
	_ =	sdelay $0x3  }
0x70a: {  	v8 =	vmov s0  }
0x70b: {  	v63 =	vor.u32 s0, v1;
	vm2 =	veq.s32 v8, v5;
	vm1 =	vne.s32 v7, v6  }
0x70c: {  	vm3 =	vlt.u32 v63, $0xC35;
	vm1 =	vmor vm2, vm1  }
0x70d: {  	v6 =	vor.u32 s0, v4;
	vm1 =	vmand vm3, vm1  }
0x70e: {  	v6 =	vnsel vm1, $0x7FFFFFFF, v6  }
0x70f: {  	(xrf0) =	vmax.scan.msk.u32 $0xffff, v6;
	_ =	sdelay $0x5  }
0x710: {  	v6, _, _ =	vpop (xrf0)  }
0x711: {  	v6 =	vxor.u32 $0x80000000, v6  }
0x712: {  	(v2sf) =	vpush v6, $0xF;
	_ =	sdelay $0x1  }
0x713: {  	[tilespmem:$0x12E80] =	vst v6  }
0x714: {  	v6 =	vld.idx.msk [tilespmem:v3+s16+$0x0], $0xffff;
	_ =	sdelay $0x2  }
0x715: {  	p0 =	sgt.s32 s31, s26  }
0x716: {  	s26 =	smov.u32 @p0 s31;
	s28 =	simm.s32 $0xC10  }
0x717: {  	v8 =	vadd.s32 s28, v2;
	v6 =	vsel vm0, s26, v6  }
0x718: {  	vm2 =	vlt.s32 v8, $0xC34;
	vm3 =	vgt.s32 v6, s26  }
0x719: {  	v8 =	vnsel vm2, $0xC34, v8;
	v6 =	vnsel vm3, s26, v6  }
0x71a: {  	v6 =	vsub.s32 v63, v6  }
0x71b: {  	v6 =	vcvt.s32.f32 v6;
	_ =	sdelay $0x1  }
0x71c: {  	[tilespmem:v7+s17+$0x0] =	vst.idx.add.f32.msk vm1, v6  }
0x71d: {  	s29 =	simm.s32 $0x1C10;
	v7 =	vld.idx.msk [tilespmem:v8+s12+$0x0], $0xffff;
	s31 =	spop (v2sf)  }
0x71e: {  	s30 =	simm.s32 $0xC20;
	v6 =	vld [tilespmem:s29+$0x0];
	p1 =	sgt.s32 s26, s31  }
.LBB2_50:
0x71f: {  	s0 =	smov.u32 s26;
	p0 =	sne.s32 s30, $0xC30;
	s26 =	smov.u32 s31  }
0x720: {  	s26 =	smov.u32 @p1 s0;
	s0 =	smov.u32 s30;
	s30 =	sadd.s32 $0x10, s30  }
0x721: {  	_ = 	snop  }
0x722: {  	v8 =	vmov s28  }
0x723: {  	v9 =	vor.u32 s28, v1;
	vm2 =	veq.s32 v8, v5;
	vm1 =	vne.s32 v6, v7  }
0x724: {  	vm3 =	vlt.u32 v9, $0xC35;
	vm1 =	vmor vm2, vm1  }
0x725: {  	v7 =	vor.u32 s28, v4;
	s28 =	smov.u32 s0;
	vm1 =	vmand vm3, vm1  }
0x726: {  	v7 =	vnsel vm1, $0x7FFFFFFF, v7  }
0x727: {  	(xrf0) =	vmax.scan.msk.u32 $0xffff, v7;
	_ =	sdelay $0x5  }
0x728: {  	v7, _, _ =	vpop (xrf0)  }
0x729: {  	v7 =	vxor.u32 $0x80000000, v7  }
0x72a: {  	[tilespmem:$0x12E80] =	vst v7;
	(v2sf) =	vpush v7, $0xF  }
0x72b: {  	v7 =	vld.idx.msk [tilespmem:v3+s16+$0x0], $0xffff;
	_ =	sdelay $0x5  }
0x72c: {  	v8 =	vadd.s32 s28, v2;
	v7 =	vsel vm0, s26, v7  }
0x72d: {  	vm2 =	vlt.s32 v8, $0xC34;
	vm3 =	vgt.s32 v7, s26  }
0x72e: {  	v8 =	vnsel vm2, $0xC34, v8;
	v7 =	vnsel vm3, s26, v7  }
0x72f: {  	v7 =	vsub.s32 v9, v7  }
0x730: {  	v7 =	vcvt.s32.f32 v7  }
.Ltmp24:
0x731: {  	(pc) =	sbr.rel @p0 .LBB2_50-.Ltmp24, $4  }
0x732: {  	[tilespmem:v6+s17+$0x0] =	vst.idx.add.f32.msk vm1, v7  }
0x733: {  	s29 =	sadd.s32 $0x10, s29;
	v7 =	vld.idx.msk [tilespmem:v8+s12+$0x0], $0xffff  }
0x734: {  	v6 =	vld [tilespmem:s29+$0x0];
	s31 =	spop (v2sf)  }
0x735: {  	p1 =	sgt.s32 s26, s31  }
0x736: {  	_ =	sdelay $0x1  }
0x737: {  	v8 =	vmov s28  }
0x738: {  	v9 =	vor.u32 s28, v1;
	vm1 =	veq.s32 v8, v5;
	vm0 =	vne.s32 v6, v7  }
0x739: {  	vm2 =	vlt.u32 v9, $0xC35;
	vm0 =	vmor vm1, vm0  }
0x73a: {  	v7 =	vor.u32 s28, v4;
	vm0 =	vmand vm2, vm0  }
0x73b: {  	v7 =	vnsel vm0, $0x7FFFFFFF, v7  }
0x73c: {  	(xrf0) =	vmax.scan.msk.u32 $0xffff, v7;
	_ =	sdelay $0x5  }
0x73d: {  	v7, _, _ =	vpop (xrf0)  }
0x73e: {  	v7 =	vxor.u32 $0x80000000, v7  }
0x73f: {  	(v2sf) =	vpush v7, $0xF;
	_ =	sdelay $0x2  }
0x740: {  	[tilespmem:$0x12E80] =	vst v7  }
0x741: {  	v7 =	vld.idx.msk [tilespmem:v3+s16+$0x0], $0xffff;
	_ =	sdelay $0x3  }
0x742: {  	s31 =	smov.u32 @p1 s26;
	vm15 =	veq.s32 v1, $0x0  }
0x743: {  	v7 =	vsel vm15, s31, v7  }
0x744: {  	vm1 =	vgt.s32 v7, s31  }
0x745: {  	v7 =	vnsel vm1, s31, v7  }
0x746: {  	v7 =	vsub.s32 v9, v7  }
0x747: {  	v7 =	vcvt.s32.f32 v7;
	_ =	sdelay $0x1  }
0x748: {  	[tilespmem:v6+s17+$0x0] =	vst.idx.add.f32.msk vm0, v7;
	s0 =	spop (v2sf)  }
0x749: {  	_ =	swait.ge [sflag:s24], $0x3E80  }
0x74a: {  	[sflag:s24] =	ssyncset.done $0x0  }
0x74b: {  	[sflag:s24] =	ssyncadd.s32 $0xFFFFC180  }
0x74c: {  	_ =	swait.ge [sflag:s19], $0x3E80  }
0x74d: {  	s26 =	simm.s32 $0x80;
	[sflag:s19] =	ssyncset.done $0x0  }
0x74e: {  	s28 =	simm.s32 $0x400;
	s0 =	rddreg [dreg:$0x14];
	[sflag:s19] =	ssyncadd.s32 $0xFFFFC180  }
0x74f: {  	[hbm4b:s0+s26] =	stream.strided.scatter [tilespmem:s17], [sflag:$0x9], $0x200, s28, s26, $0x38;
	[tilespmem:$0x13F00] =	vst v63  }
0x750: {  	_ =	swait.ge [sflag:s11], $0x200  }
0x751: {  	[sflag:s11] =	ssyncset.done $0x0  }
0x752: {  	[sflag:s11] =	ssyncadd.s32 $0xFFFFFE00  }
0x753: {  	[bflag:$0x0] =	sbarrier.arrive $0xFFFF  }
0x754: {  	[tilespmem:s10], [sflag:$0x9] =	stream.linear.gather [spmem:s4], $0x1000, $0x38;
	[tilespmem:$0x13F00] =	vst v63  }
0x755: {  	s25 =	sadd.s32 $0x1, s25;
	_ =	swait.ge [sflag:s11], $0x1000  }
0x756: {  	p0 =	sne.s32 s25, s6;
	[sflag:s11] =	ssyncset.done $0x0  }
.Ltmp25:
0x757: {  	[sflag:s11] =	ssyncadd.s32 $0xFFFFF000;
	(pc) =	sbr.rel @p0 .LBB2_1-.Ltmp25, $4  }
0x758: {  	[hbm4b:s5+s3] =	stream.linear.scatter [tilespmem:s10], [sflag:$0x9], $0x1000, $0x38;
	[tilespmem:$0x13F00] =	vst v63  }
0x759: {  	_ =	swait.ge [sflag:s11], $0x1000  }
0x75a: {  	[sflag:s11] =	ssyncset.done $0x0  }
0x75b: {  	[sflag:s11] =	ssyncadd.s32 $0xFFFFF000  }
0x75c: {  	_ =	sfence.sel $0x180000  }
0x75d: {  	[bflag:$0x0] =	sbarrier.arrive $0xFFFF  }
0x75e: {  	_ =	strace $0x90000047  }
0x75f: {  	s0 =	stileid.u32;
	[bflag:$0x2] =	sbarrier.arrive $0xFFFF  }
0x760: {  	p0 =	sne.s32 s0, $0x0;
	s0 =	rddreg [dreg:$0x2]  }
0x761: {  	s0 =	sadd.s32 @!p0 $0x100000, s0  }
0x762: {  	[sflag:s0] =	ssyncadd.tile.s32 @!p0 $0x1;
	_ =	shalt  }
.Lfunc_end2:
_tile_overlayer_lowered:
.L_overlay_start_2:
0x763: {  	(tag) =	ssettag $0x2  }
0x764: {  	s0 =	rddreg [dreg:$0x0];
	s2 =	stileid.u32  }
0x765: {  	s1 =	rddreg [dreg:$0x1];
	p0 =	sne.s32 s2, $0x0  }
0x766: {  	s3 =	rddreg [dreg:$0x2];
	[bflag:$0x3] =	sbarrier.arrive $0xFFFF;
	s2 =	simm.s32 @!p0 $0x1C09  }
0x767: {  	[timem:s3], [sflag:s2] =	dma.local @!p0 [hbm:s0], s1  }
0x768: {  	s0 =	simm.s32 @!p0 $0x9  }
0x769: {  	_ =	swait.ge @!p0 [sflag:s0], s1  }
0x76a: {  	s1 =	ssub.s32 @!p0 $0x0, s1;
	[sflag:s0] =	ssyncset.done @!p0 $0x0  }
0x76b: {  	[sflag:s0] =	ssyncadd.s32 @!p0 s1  }
0x76c: {  	[bflag:$0x3] =	sbarrier.arrive $0xFFFF  }
0x76d: {  	_ =	shalt  }

</sc_bundles>
